<compile_context>
chip_gen: v7x
topology: tpu7x:2x2x1
jax: 0.10.2.dev20260603
libtpu: 0.0.44.dev20260713+nightly
codegen_flags: <defaults>
</compile_context>

<pallas_src>
import functools

import jax
import jax.numpy as jnp
from jax import lax
from jax.experimental import pallas as pl
from jax.experimental.pallas import tpu as pltpu
from jax.experimental.pallas import tpu_sc as plsc

N = 10000
E = 320000
D = 128
NP = 10240
CH = 128
NWORK = 32
NCH = 80
EPW = NCH * CH
EP = EPW * NWORK
RPT = NP // 16
GC = 8

_mesh = plsc.VectorSubcoreMesh(core_axis_name="c", subcore_axis_name="s")


def _deg_body(col_hbm, zero_hbm, out_hbm, ones_v, idx_v, deg_sh, sem):
    cid = lax.axis_index("c")
    sid = lax.axis_index("s")
    w = sid * 2 + cid
    for i in range(CH // 16):
        ones_v[pl.ds(i * 16, 16)] = jnp.full((16,), 1.0, jnp.float32)
    pltpu.sync_copy(col_hbm.at[w], idx_v)
    pltpu.sync_copy(zero_hbm.at[pl.ds(sid * RPT, RPT)],
                    deg_sh.at[pl.ds(sid * RPT, RPT)])
    plsc.subcore_barrier()

    def body(j, carry):
        pltpu.async_copy(ones_v, deg_sh.at[idx_v.at[j]], sem, add=True)
        return carry

    lax.fori_loop(0, NCH, body, 0)
    pltpu.make_async_copy(col_hbm.at[w], idx_v, sem).wait()
    plsc.subcore_barrier()
    pltpu.sync_copy(deg_sh.at[pl.ds(sid * RPT, RPT)],
                    out_hbm.at[cid, pl.ds(sid * RPT, RPT)])


_deg_kernel = functools.partial(
    pl.kernel,
    out_type=jax.ShapeDtypeStruct((2, NP), jnp.float32),
    mesh=_mesh,
    scratch_types=[
        pltpu.VMEM((CH,), jnp.float32),
        pltpu.VMEM((NCH, CH), jnp.int32),
        pltpu.VMEM_SHARED((NP,), jnp.float32),
        pltpu.SemaphoreType.DMA,
    ],
)(_deg_body)


NCH_C0 = 144
NCH_C1 = 16


def _agg_body(row_hbm, col_hbm, g_hbm, zero_hbm, out_hbm,
              ridx0, ridx1, cidx0, cidx1, rows_v, acc_sh,
              gsem, rsem0, rsem1, csem0, csem1):
    cid = lax.axis_index("c")
    sid = lax.axis_index("s")
    nch_w = jnp.where(cid == 0, NCH_C0, NCH_C1)
    cb0 = jnp.where(cid == 0, sid * NCH_C0, 16 * NCH_C0 + sid * NCH_C1)
    pltpu.sync_copy(zero_hbm.at[pl.ds(sid * RPT, RPT)],
                    acc_sh.at[pl.ds(sid * RPT, RPT)])
    pltpu.async_copy(row_hbm.at[pl.ds(cb0 * CH, GC * CH)], ridx0, rsem0)
    pltpu.async_copy(row_hbm.at[pl.ds((cb0 + GC) * CH, GC * CH)],
                     ridx1, rsem1)
    pltpu.async_copy(col_hbm.at[pl.ds(cb0, GC)], cidx0, csem0)
    pltpu.async_copy(col_hbm.at[pl.ds(cb0 + GC, GC)], cidx1, csem1)
    plsc.subcore_barrier()

    def group(cbase, ridx, cidx, rsem, csem, ok_reload):
        pltpu.make_async_copy(row_hbm.at[pl.ds(0, GC * CH)],
                              ridx, rsem).wait()
        pltpu.make_async_copy(col_hbm.at[pl.ds(0, GC)],
                              cidx, csem).wait()
        for k in range(GC):
            pltpu.async_copy(g_hbm.at[ridx.at[pl.ds(k * CH, CH)]],
                             rows_v, gsem)
            pltpu.make_async_copy(g_hbm.at[ridx.at[pl.ds(k * CH, CH)]],
                                  rows_v, gsem).wait()
            pltpu.sync_copy(rows_v, acc_sh.at[cidx.at[k]], add=True)

        @pl.when(ok_reload)
        def _():
            pltpu.async_copy(
                row_hbm.at[pl.ds((cbase + 2 * GC) * CH, GC * CH)],
                ridx, rsem)
            pltpu.async_copy(col_hbm.at[pl.ds(cbase + 2 * GC, GC)],
                             cidx, csem)

    def body(q, carry):
        c = cb0 + 2 * GC * q
        group(c, ridx0, cidx0, rsem0, csem0, c + 2 * GC < cb0 + nch_w)
        group(c + GC, ridx1, cidx1, rsem1, csem1, c + 3 * GC < cb0 + nch_w)
        return carry

    lax.fori_loop(0, nch_w // (2 * GC), body, 0)
    plsc.subcore_barrier()
    pltpu.sync_copy(acc_sh.at[pl.ds(sid * RPT, RPT)],
                    out_hbm.at[cid, pl.ds(sid * RPT, RPT)])


_agg_kernel = functools.partial(
    pl.kernel,
    out_type=jax.ShapeDtypeStruct((2, NP, D), jnp.float32),
    mesh=_mesh,
    scratch_types=[
        pltpu.VMEM((GC * CH,), jnp.int32),
        pltpu.VMEM((GC * CH,), jnp.int32),
        pltpu.VMEM((GC, CH), jnp.int32),
        pltpu.VMEM((GC, CH), jnp.int32),
        pltpu.VMEM((CH, D), jnp.float32),
        pltpu.VMEM_SHARED((NP, D), jnp.float32),
        pltpu.SemaphoreType.DMA,
        pltpu.SemaphoreType.DMA,
        pltpu.SemaphoreType.DMA,
        pltpu.SemaphoreType.DMA,
        pltpu.SemaphoreType.DMA,
    ],
)(_agg_body)


BM = 1024


def _dis(degT_ref):
    deg = degT_ref[:, 0:1] + degT_ref[:, 1:2]
    return jnp.where(deg > 0, lax.rsqrt(deg), 0.0)


def _tc1_body(x_ref, w_ref, degT_ref, o_ref):
    dis = _dis(degT_ref)
    h = jnp.dot(x_ref[:, :], w_ref[:, :], preferred_element_type=jnp.float32)
    o_ref[:, :] = h * dis


def _tc2_body(acc_ref, degT_ref, b_ref, w_ref, o_ref):
    dis = _dis(degT_ref)
    a = (acc_ref[0] + acc_ref[1]) * dis + b_ref[:, :]
    h = jnp.maximum(a, 0.0)
    o_ref[:, :] = jnp.dot(h, w_ref[:, :],
                          preferred_element_type=jnp.float32) * dis


def _tc3_body(acc_ref, degT_ref, b_ref, o_ref):
    dis = _dis(degT_ref)
    o_ref[:, :] = (acc_ref[0] + acc_ref[1]) * dis + b_ref[:, :]


def _tc1(x_p, W1, degT):
    return pl.pallas_call(
        _tc1_body,
        out_shape=jax.ShapeDtypeStruct((NP, D), jnp.float32),
        grid=(NP // BM,),
        in_specs=[
            pl.BlockSpec((BM, D), lambda i: (i, 0)),
            pl.BlockSpec((D, D), lambda i: (0, 0)),
            pl.BlockSpec((BM, 2), lambda i: (i, 0)),
        ],
        out_specs=pl.BlockSpec((BM, D), lambda i: (i, 0)),
    )(x_p, W1, degT)


def _tc2(acc, degT, b1r, W2):
    return pl.pallas_call(
        _tc2_body,
        out_shape=jax.ShapeDtypeStruct((NP, D), jnp.float32),
        grid=(NP // BM,),
        in_specs=[
            pl.BlockSpec((2, BM, D), lambda i: (0, i, 0)),
            pl.BlockSpec((BM, 2), lambda i: (i, 0)),
            pl.BlockSpec((1, D), lambda i: (0, 0)),
            pl.BlockSpec((D, D), lambda i: (0, 0)),
        ],
        out_specs=pl.BlockSpec((BM, D), lambda i: (i, 0)),
    )(acc, degT, b1r, W2)


def _tc3(acc, degT, b2r):
    return pl.pallas_call(
        _tc3_body,
        out_shape=jax.ShapeDtypeStruct((NP, D), jnp.float32),
        grid=(NP // BM,),
        in_specs=[
            pl.BlockSpec((2, BM, D), lambda i: (0, i, 0)),
            pl.BlockSpec((BM, 2), lambda i: (i, 0)),
            pl.BlockSpec((1, D), lambda i: (0, 0)),
        ],
        out_specs=pl.BlockSpec((BM, D), lambda i: (i, 0)),
    )(acc, degT, b2r)


def kernel(x, edge_index, W1, b1, W2, b2):
    ei = edge_index.astype(jnp.int32)
    row_flat = jnp.concatenate([ei[0], jnp.zeros((EP - E,), jnp.int32)])
    col_flat = jnp.concatenate([ei[1], jnp.full((EP - E,), N, jnp.int32)])
    row = row_flat
    col_a = col_flat.reshape(EP // CH, CH)
    col_d = col_flat.reshape(NWORK, NCH, CH)
    x_p = jnp.pad(x, ((0, NP - N), (0, 0)))
    z_deg = jnp.zeros((NP,), jnp.float32)
    z_nodes = jnp.zeros((NP, D), jnp.float32)
    b1r = b1.reshape(1, D)
    b2r = b2.reshape(1, D)

    deg2 = _deg_kernel(col_d, z_deg)
    degT = deg2.T
    g1 = _tc1(x_p, W1, degT)
    acc1 = _agg_kernel(row, col_a, g1, z_nodes)
    g2 = _tc2(acc1, degT, b1r, W2)
    acc2 = _agg_kernel(row, col_a, g2, z_nodes)
    out = _tc3(acc2, degT, b2r)
    return out[:N]

# --- scband reference (transcript-rebuilt; emitter-appended) ---
"""Pipeline reference for scband-gcn-53626961658271 (READ-ONLY COPY).

The authoritative reference and input builder live on the scoring server;
editing this copy changes nothing except your own understanding.
"""

import jax, jax.numpy as jnp
import numpy as np

N_NODES = 10000
N_EDGES = 320000
D_FEAT = 128
HIDDEN = 128
OUT = 128


def setup_inputs(seed: int = 0) -> dict:
    key = jax.random.key(seed)
    k1, k2, k3, k4, k5, k6 = jax.random.split(key, 6)
    x = jax.random.normal(k1, (N_NODES, D_FEAT), dtype=jnp.float32)
    edge_index = jax.random.randint(k2, (2, N_EDGES), 0, N_NODES, dtype=jnp.int64)
    # GCNConv weights (glorot-ish scale) and biases
    W1 = jax.random.normal(k3, (D_FEAT, HIDDEN), dtype=jnp.float32) * (1.0 / np.sqrt(D_FEAT))
    b1 = jnp.zeros((HIDDEN,), dtype=jnp.float32)
    W2 = jax.random.normal(k4, (HIDDEN, OUT), dtype=jnp.float32) * (1.0 / np.sqrt(HIDDEN))
    b2 = jnp.zeros((OUT,), dtype=jnp.float32)
    return {"x": x, "edge_index": edge_index, "W1": W1, "b1": b1, "W2": W2, "b2": b2}


def _gcn_conv(x, edge_index, W, b):
    # GCNConv with add_self_loops=False, edge_weight = ones
    row = edge_index[0]
    col = edge_index[1]
    N = x.shape[0]
    ones = jnp.ones((edge_index.shape[1],), dtype=x.dtype)
    deg = jnp.zeros((N,), dtype=x.dtype).at[col].add(ones)
    deg_inv_sqrt = jnp.where(deg > 0, deg ** -0.5, 0.0)
    norm = deg_inv_sqrt[row] * deg_inv_sqrt[col]
    h = x @ W
    msg = h[row] * norm[:, None]
    out = jnp.zeros((N, W.shape[1]), dtype=x.dtype).at[col].add(msg)
    return out + b


def reference(x, edge_index, W1, b1, W2, b2):
    h = _gcn_conv(x, edge_index, W1, b1)
    h = jax.nn.relu(h)
    out = _gcn_conv(h, edge_index, W2, b2)
    return out

if __name__ == "__main__":
    import jax
    _d = setup_inputs()
    print(jax.jit(kernel)(*tuple(_d.values())))

</pallas_src>

<mosaic_0001>
#map = affine_map<(d0, d1) -> (0, 0, 0)>
#map1 = affine_map<(d0, d1) -> (0)>
#map2 = affine_map<(d0, d1) -> (0, 0)>
module attributes {stable_mosaic.version = 14 : i64} {
  func.func @_deg_body(%arg0: i32, %arg1: i32, %arg2: memref<32x80x128xi32, #tpu.memory_space<hbm>>, %arg3: memref<10240xf32, #tpu.memory_space<hbm>>, %arg4: memref<2x10240xf32, #tpu.memory_space<hbm>>, %arg5: memref<128xf32, #tpu.memory_space<vmem>>, %arg6: memref<80x128xi32, #tpu.memory_space<vmem>>, %arg7: memref<10240xf32, #tpu.memory_space<vmem_shared>>, %arg8: memref<!tpu.dma_semaphore, #tpu.memory_space<semaphore_mem>>) attributes {dimension_semantics = [#tpu.dimension_semantics<core_parallel>, #tpu.dimension_semantics<subcore_parallel>], iteration_bounds = array<i64: 2, 16>, scalar_prefetch = 0 : i64, scratch_operands = 4 : i64, tpu.core_type = #tpu.core_type<sc_vector_subcore>, window_params = [{transform_indices = #map}, {transform_indices = #map1}, {transform_indices = #map2}]} {
    %mul3A = arith.constant 2 : i32
    %mul3A_0 = arith.muli %arg1, %mul3A : i32
    %add3A = arith.addi %mul3A_0, %arg0 : i32
    %broadcast_in_dim3A = arith.constant 1.000000e+00 : f32
    %broadcast_in_dim3A_1 = vector.broadcast %broadcast_in_dim3A : f32 to vector<16xf32>
    %swap3A = arith.constant 0 : index
    %swap3A_2 = tpu.vector_load %arg5[%swap3A] {strides = array<i32>} : memref<128xf32, #tpu.memory_space<vmem>>, vector<16xf32>,
    %swap3A_3 = vector.shape_cast %swap3A_2 : vector<16xf32> to vector<16xf32>
    %swap3A_4 = vector.shape_cast %broadcast_in_dim3A_1 : vector<16xf32> to vector<16xf32>
    tpu.vector_store %arg5[%swap3A], %swap3A_4 {strides = array<i32>} : memref<128xf32, #tpu.memory_space<vmem>>, vector<16xf32>,
    %broadcast_in_dim3A_5 = arith.constant 1.000000e+00 : f32
    %broadcast_in_dim3A_6 = vector.broadcast %broadcast_in_dim3A_5 : f32 to vector<16xf32>
    %swap3A_7 = arith.constant 16 : index
    %swap3A_8 = tpu.vector_load %arg5[%swap3A_7] {strides = array<i32>} : memref<128xf32, #tpu.memory_space<vmem>>, vector<16xf32>,
    %swap3A_9 = vector.shape_cast %swap3A_8 : vector<16xf32> to vector<16xf32>
    %swap3A_10 = vector.shape_cast %broadcast_in_dim3A_6 : vector<16xf32> to vector<16xf32>
    tpu.vector_store %arg5[%swap3A_7], %swap3A_10 {strides = array<i32>} : memref<128xf32, #tpu.memory_space<vmem>>, vector<16xf32>,
    %broadcast_in_dim3A_11 = arith.constant 1.000000e+00 : f32
    %broadcast_in_dim3A_12 = vector.broadcast %broadcast_in_dim3A_11 : f32 to vector<16xf32>
    %swap3A_13 = arith.constant 32 : index
    %swap3A_14 = tpu.vector_load %arg5[%swap3A_13] {strides = array<i32>} : memref<128xf32, #tpu.memory_space<vmem>>, vector<16xf32>,
    %swap3A_15 = vector.shape_cast %swap3A_14 : vector<16xf32> to vector<16xf32>
    %swap3A_16 = vector.shape_cast %broadcast_in_dim3A_12 : vector<16xf32> to vector<16xf32>
    tpu.vector_store %arg5[%swap3A_13], %swap3A_16 {strides = array<i32>} : memref<128xf32, #tpu.memory_space<vmem>>, vector<16xf32>,
    %broadcast_in_dim3A_17 = arith.constant 1.000000e+00 : f32
    %broadcast_in_dim3A_18 = vector.broadcast %broadcast_in_dim3A_17 : f32 to vector<16xf32>
    %swap3A_19 = arith.constant 48 : index
    %swap3A_20 = tpu.vector_load %arg5[%swap3A_19] {strides = array<i32>} : memref<128xf32, #tpu.memory_space<vmem>>, vector<16xf32>,
    %swap3A_21 = vector.shape_cast %swap3A_20 : vector<16xf32> to vector<16xf32>
    %swap3A_22 = vector.shape_cast %broadcast_in_dim3A_18 : vector<16xf32> to vector<16xf32>
    tpu.vector_store %arg5[%swap3A_19], %swap3A_22 {strides = array<i32>} : memref<128xf32, #tpu.memory_space<vmem>>, vector<16xf32>,
    %broadcast_in_dim3A_23 = arith.constant 1.000000e+00 : f32
    %broadcast_in_dim3A_24 = vector.broadcast %broadcast_in_dim3A_23 : f32 to vector<16xf32>
    %swap3A_25 = arith.constant 64 : index
    %swap3A_26 = tpu.vector_load %arg5[%swap3A_25] {strides = array<i32>} : memref<128xf32, #tpu.memory_space<vmem>>, vector<16xf32>,
    %swap3A_27 = vector.shape_cast %swap3A_26 : vector<16xf32> to vector<16xf32>
    %swap3A_28 = vector.shape_cast %broadcast_in_dim3A_24 : vector<16xf32> to vector<16xf32>
    tpu.vector_store %arg5[%swap3A_25], %swap3A_28 {strides = array<i32>} : memref<128xf32, #tpu.memory_space<vmem>>, vector<16xf32>,
    %broadcast_in_dim3A_29 = arith.constant 1.000000e+00 : f32
    %broadcast_in_dim3A_30 = vector.broadcast %broadcast_in_dim3A_29 : f32 to vector<16xf32>
    %swap3A_31 = arith.constant 80 : index
    %swap3A_32 = tpu.vector_load %arg5[%swap3A_31] {strides = array<i32>} : memref<128xf32, #tpu.memory_space<vmem>>, vector<16xf32>,
    %swap3A_33 = vector.shape_cast %swap3A_32 : vector<16xf32> to vector<16xf32>
    %swap3A_34 = vector.shape_cast %broadcast_in_dim3A_30 : vector<16xf32> to vector<16xf32>
    tpu.vector_store %arg5[%swap3A_31], %swap3A_34 {strides = array<i32>} : memref<128xf32, #tpu.memory_space<vmem>>, vector<16xf32>,
    %broadcast_in_dim3A_35 = arith.constant 1.000000e+00 : f32
    %broadcast_in_dim3A_36 = vector.broadcast %broadcast_in_dim3A_35 : f32 to vector<16xf32>
    %swap3A_37 = arith.constant 96 : index
    %swap3A_38 = tpu.vector_load %arg5[%swap3A_37] {strides = array<i32>} : memref<128xf32, #tpu.memory_space<vmem>>, vector<16xf32>,
    %swap3A_39 = vector.shape_cast %swap3A_38 : vector<16xf32> to vector<16xf32>
    %swap3A_40 = vector.shape_cast %broadcast_in_dim3A_36 : vector<16xf32> to vector<16xf32>
    tpu.vector_store %arg5[%swap3A_37], %swap3A_40 {strides = array<i32>} : memref<128xf32, #tpu.memory_space<vmem>>, vector<16xf32>,
    %broadcast_in_dim3A_41 = arith.constant 1.000000e+00 : f32
    %broadcast_in_dim3A_42 = vector.broadcast %broadcast_in_dim3A_41 : f32 to vector<16xf32>
    %swap3A_43 = arith.constant 112 : index
    %swap3A_44 = tpu.vector_load %arg5[%swap3A_43] {strides = array<i32>} : memref<128xf32, #tpu.memory_space<vmem>>, vector<16xf32>,
    %swap3A_45 = vector.shape_cast %swap3A_44 : vector<16xf32> to vector<16xf32>
    %swap3A_46 = vector.shape_cast %broadcast_in_dim3A_42 : vector<16xf32> to vector<16xf32>
    tpu.vector_store %arg5[%swap3A_43], %swap3A_46 {strides = array<i32>} : memref<128xf32, #tpu.memory_space<vmem>>, vector<16xf32>,
    "tpu.region"() ({
      %run_scoped3A = tpu.sem_alloc : memref<!tpu.dma_semaphore, #tpu.memory_space<semaphore_mem>>
      %dma_start3A = arith.constant 0 : i32
      %dma_start3A_68 = arith.constant 0 : i32
      %dma_start3A_69 = tpu.memref_slice %arg2[%add3A, %dma_start3A, %dma_start3A_68] : memref<32x80x128xi32, #tpu.memory_space<hbm>> -> memref<1x80x128xi32, #tpu.memory_space<hbm>>
      %dma_start3A_70 = tpu.memref_squeeze %dma_start3A_69 : memref<1x80x128xi32, #tpu.memory_space<hbm>> -> memref<80x128xi32, #tpu.memory_space<hbm>>
      %dma_start3A_71 = arith.constant 0 : i32
      %dma_start3A_72 = arith.constant 0 : i32
      %dma_start3A_73 = tpu.memref_slice %arg2[%add3A, %dma_start3A_71, %dma_start3A_72] : memref<32x80x128xi32, #tpu.memory_space<hbm>> -> memref<1x80x128xi32, #tpu.memory_space<hbm>>
      %dma_start3A_74 = tpu.memref_squeeze %dma_start3A_73 : memref<1x80x128xi32, #tpu.memory_space<hbm>> -> memref<80x128xi32, #tpu.memory_space<hbm>>
      tpu.enqueue_dma source(%dma_start3A_74 : memref<80x128xi32, #tpu.memory_space<hbm>>) target(%arg6 : memref<80x128xi32, #tpu.memory_space<vmem>>) target_semaphore(%run_scoped3A : memref<!tpu.dma_semaphore, #tpu.memory_space<semaphore_mem>>)
      %dma_wait3A_75 = arith.constant 0 : i32
      %dma_wait3A_76 = arith.constant 0 : i32
      %dma_wait3A_77 = tpu.memref_slice %arg2[%add3A, %dma_wait3A_75, %dma_wait3A_76] : memref<32x80x128xi32, #tpu.memory_space<hbm>> -> memref<1x80x128xi32, #tpu.memory_space<hbm>>
      %dma_wait3A_78 = tpu.memref_squeeze %dma_wait3A_77 : memref<1x80x128xi32, #tpu.memory_space<hbm>> -> memref<80x128xi32, #tpu.memory_space<hbm>>
      %dma_wait3A_79 = arith.constant 0 : i32
      %dma_wait3A_80 = arith.constant 0 : i32
      %dma_wait3A_81 = tpu.memref_slice %arg2[%add3A, %dma_wait3A_79, %dma_wait3A_80] : memref<32x80x128xi32, #tpu.memory_space<hbm>> -> memref<1x80x128xi32, #tpu.memory_space<hbm>>
      %dma_wait3A_82 = tpu.memref_squeeze %dma_wait3A_81 : memref<1x80x128xi32, #tpu.memory_space<hbm>> -> memref<80x128xi32, #tpu.memory_space<hbm>>
      tpu.wait_dma2 semaphore(%run_scoped3A : memref<!tpu.dma_semaphore, #tpu.memory_space<semaphore_mem>>) src(%dma_wait3A_82 : memref<80x128xi32, #tpu.memory_space<hbm>>) dst(%arg6 : memref<80x128xi32, #tpu.memory_space<vmem>>)
      tpu.yield
    }) : () -> ()
    %mul3A_47 = arith.constant 640 : i32
    %mul3A_48 = arith.muli %arg1, %mul3A_47 : i32
    %mul3A_49 = arith.constant 640 : i32
    %mul3A_50 = arith.muli %arg1, %mul3A_49 : i32
    "tpu.region"() ({
      %run_scoped3A = tpu.sem_alloc : memref<!tpu.dma_semaphore, #tpu.memory_space<semaphore_mem>>
      %dma_start3A = tpu.memref_slice %arg7[%mul3A_50] : memref<10240xf32, #tpu.memory_space<vmem_shared>> -> memref<640xf32, #tpu.memory_space<vmem_shared>>
      %dma_start3A_68 = tpu.memref_slice %arg3[%mul3A_48] : memref<10240xf32, #tpu.memory_space<hbm>> -> memref<640xf32, #tpu.memory_space<hbm>>
      tpu.enqueue_dma source(%dma_start3A_68 : memref<640xf32, #tpu.memory_space<hbm>>) target(%dma_start3A : memref<640xf32, #tpu.memory_space<vmem_shared>>) target_semaphore(%run_scoped3A : memref<!tpu.dma_semaphore, #tpu.memory_space<semaphore_mem>>)
      %dma_wait3A_69 = tpu.memref_slice %arg7[%mul3A_50] : memref<10240xf32, #tpu.memory_space<vmem_shared>> -> memref<640xf32, #tpu.memory_space<vmem_shared>>
      %dma_wait3A_70 = tpu.memref_slice %arg3[%mul3A_48] : memref<10240xf32, #tpu.memory_space<hbm>> -> memref<640xf32, #tpu.memory_space<hbm>>
      tpu.wait_dma2 semaphore(%run_scoped3A : memref<!tpu.dma_semaphore, #tpu.memory_space<semaphore_mem>>) src(%dma_wait3A_70 : memref<640xf32, #tpu.memory_space<hbm>>) dst(%dma_wait3A_69 : memref<640xf32, #tpu.memory_space<vmem_shared>>)
      tpu.yield
    }) : () -> ()
    %barrier3A = arith.constant 0 : index
    tpu.barrier barrier_id(%barrier3A)
    %scan3A = arith.constant 0 : i32
    %scan3A_51 = arith.constant 0 : i32
    %scan3A_52 = arith.constant 80 : i32
    %scan3A_53 = arith.addi %scan3A_51, %scan3A_52 : i32
    %scan3A_54 = arith.constant 1 : i32
    scf.for %scan3A_68 = %scan3A_51 to %scan3A_53 step %scan3A_54  : i32 {
      %dma_start3A = arith.constant 0 : i32
      %dma_start3A_69 = tpu.memref_slice %arg6[%scan3A_68, %dma_start3A] : memref<80x128xi32, #tpu.memory_space<vmem>> -> memref<1x128xi32, #tpu.memory_space<vmem>>
      %dma_start3A_70 = tpu.memref_squeeze %dma_start3A_69 : memref<1x128xi32, #tpu.memory_space<vmem>> -> memref<128xi32, #tpu.memory_space<vmem>>
      %dma_start3A_71 = arith.constant 0 : i32
      %dma_start3A_72 = tpu.memref_slice %arg7[%dma_start3A_71] : memref<10240xf32, #tpu.memory_space<vmem_shared>> -> memref<10240xf32, #tpu.memory_space<vmem_shared>>
      tpu.enqueue_indirect_dma source(%arg5 : memref<128xf32, #tpu.memory_space<vmem>>) target(%dma_start3A_72 : memref<10240xf32, #tpu.memory_space<vmem_shared>>) offsets(%dma_start3A_70 : memref<128xi32, #tpu.memory_space<vmem>>) semaphore(%arg8 : memref<!tpu.dma_semaphore, #tpu.memory_space<semaphore_mem>>) {add = true}
    }
    %scan3A_55 = arith.constant 80 : i32
    %dma_wait3A = arith.constant 0 : i32
    %dma_wait3A_56 = arith.constant 0 : i32
    %dma_wait3A_57 = tpu.memref_slice %arg2[%add3A, %dma_wait3A, %dma_wait3A_56] : memref<32x80x128xi32, #tpu.memory_space<hbm>> -> memref<1x80x128xi32, #tpu.memory_space<hbm>>
    %dma_wait3A_58 = tpu.memref_squeeze %dma_wait3A_57 : memref<1x80x128xi32, #tpu.memory_space<hbm>> -> memref<80x128xi32, #tpu.memory_space<hbm>>
    %dma_wait3A_59 = arith.constant 0 : i32
    %dma_wait3A_60 = arith.constant 0 : i32
    %dma_wait3A_61 = tpu.memref_slice %arg2[%add3A, %dma_wait3A_59, %dma_wait3A_60] : memref<32x80x128xi32, #tpu.memory_space<hbm>> -> memref<1x80x128xi32, #tpu.memory_space<hbm>>
    %dma_wait3A_62 = tpu.memref_squeeze %dma_wait3A_61 : memref<1x80x128xi32, #tpu.memory_space<hbm>> -> memref<80x128xi32, #tpu.memory_space<hbm>>
    tpu.wait_dma2 semaphore(%arg8 : memref<!tpu.dma_semaphore, #tpu.memory_space<semaphore_mem>>) src(%dma_wait3A_62 : memref<80x128xi32, #tpu.memory_space<hbm>>) dst(%arg6 : memref<80x128xi32, #tpu.memory_space<vmem>>)
    %barrier3A_63 = arith.constant 0 : index
    tpu.barrier barrier_id(%barrier3A_63)
    %mul3A_64 = arith.constant 640 : i32
    %mul3A_65 = arith.muli %arg1, %mul3A_64 : i32
    %mul3A_66 = arith.constant 640 : i32
    %mul3A_67 = arith.muli %arg1, %mul3A_66 : i32
    "tpu.region"() ({
      %run_scoped3A = tpu.sem_alloc : memref<!tpu.dma_semaphore, #tpu.memory_space<semaphore_mem>>
      %dma_start3A = tpu.memref_slice %arg4[%arg0, %mul3A_67] : memref<2x10240xf32, #tpu.memory_space<hbm>> -> memref<1x640xf32, #tpu.memory_space<hbm>>
      %dma_start3A_68 = tpu.memref_squeeze %dma_start3A : memref<1x640xf32, #tpu.memory_space<hbm>> -> memref<640xf32, #tpu.memory_space<hbm>>
      %dma_start3A_69 = tpu.memref_slice %arg7[%mul3A_65] : memref<10240xf32, #tpu.memory_space<vmem_shared>> -> memref<640xf32, #tpu.memory_space<vmem_shared>>
      tpu.enqueue_dma source(%dma_start3A_69 : memref<640xf32, #tpu.memory_space<vmem_shared>>) target(%dma_start3A_68 : memref<640xf32, #tpu.memory_space<hbm>>) target_semaphore(%run_scoped3A : memref<!tpu.dma_semaphore, #tpu.memory_space<semaphore_mem>>)
      %dma_wait3A_70 = tpu.memref_slice %arg4[%arg0, %mul3A_67] : memref<2x10240xf32, #tpu.memory_space<hbm>> -> memref<1x640xf32, #tpu.memory_space<hbm>>
      %dma_wait3A_71 = tpu.memref_squeeze %dma_wait3A_70 : memref<1x640xf32, #tpu.memory_space<hbm>> -> memref<640xf32, #tpu.memory_space<hbm>>
      %dma_wait3A_72 = tpu.memref_slice %arg7[%mul3A_65] : memref<10240xf32, #tpu.memory_space<vmem_shared>> -> memref<640xf32, #tpu.memory_space<vmem_shared>>
      tpu.wait_dma2 semaphore(%run_scoped3A : memref<!tpu.dma_semaphore, #tpu.memory_space<semaphore_mem>>) src(%dma_wait3A_72 : memref<640xf32, #tpu.memory_space<vmem_shared>>) dst(%dma_wait3A_71 : memref<640xf32, #tpu.memory_space<hbm>>)
      tpu.yield
    }) : () -> ()
    return
  }
}

#map = affine_map<(d0, d1) -> (0)>
#map1 = affine_map<(d0, d1) -> (0, 0)>
#map2 = affine_map<(d0, d1) -> (0, 0, 0)>
module attributes {stable_mosaic.version = 14 : i64} {
  func.func @_agg_body(%arg0: i32, %arg1: i32, %arg2: memref<327680xi32, #tpu.memory_space<hbm>>, %arg3: memref<2560x128xi32, #tpu.memory_space<hbm>>, %arg4: memref<10240x128xf32, #tpu.memory_space<hbm>>, %arg5: memref<10240x128xf32, #tpu.memory_space<hbm>>, %arg6: memref<2x10240x128xf32, #tpu.memory_space<hbm>>, %arg7: memref<1024xi32, #tpu.memory_space<vmem>>, %arg8: memref<1024xi32, #tpu.memory_space<vmem>>, %arg9: memref<8x128xi32, #tpu.memory_space<vmem>>, %arg10: memref<8x128xi32, #tpu.memory_space<vmem>>, %arg11: memref<128x128xf32, #tpu.memory_space<vmem>>, %arg12: memref<10240x128xf32, #tpu.memory_space<vmem_shared>>, %arg13: memref<!tpu.dma_semaphore, #tpu.memory_space<semaphore_mem>>, %arg14: memref<!tpu.dma_semaphore, #tpu.memory_space<semaphore_mem>>, %arg15: memref<!tpu.dma_semaphore, #tpu.memory_space<semaphore_mem>>, %arg16: memref<!tpu.dma_semaphore, #tpu.memory_space<semaphore_mem>>, %arg17: memref<!tpu.dma_semaphore, #tpu.memory_space<semaphore_mem>>) attributes {dimension_semantics = [#tpu.dimension_semantics<core_parallel>, #tpu.dimension_semantics<subcore_parallel>], iteration_bounds = array<i64: 2, 16>, scalar_prefetch = 0 : i64, scratch_operands = 11 : i64, tpu.core_type = #tpu.core_type<sc_vector_subcore>, window_params = [{transform_indices = #map}, {transform_indices = #map1}, {transform_indices = #map1}, {transform_indices = #map1}, {transform_indices = #map2}]} {
    %eq3A = arith.constant 0 : i32
    %eq3A_0 = arith.cmpi eq, %arg0, %eq3A : i32
    %jit3A = arith.constant 144 : i32
    %jit3A_1 = arith.constant 16 : i32
    %select_n3A = arith.select %eq3A_0, %jit3A, %jit3A_1 : i32
    %eq3A_2 = arith.constant 0 : i32
    %eq3A_3 = arith.cmpi eq, %arg0, %eq3A_2 : i32
    %mul3A = arith.constant 144 : i32
    %mul3A_4 = arith.muli %arg1, %mul3A : i32
    %mul3A_5 = arith.constant 16 : i32
    %mul3A_6 = arith.muli %arg1, %mul3A_5 : i32
    %add3A = arith.constant 2304 : i32
    %add3A_7 = arith.addi %add3A, %mul3A_6 : i32
    %select_n3A_8 = arith.select %eq3A_3, %mul3A_4, %add3A_7 : i32
    %mul3A_9 = arith.constant 640 : i32
    %mul3A_10 = arith.muli %arg1, %mul3A_9 : i32
    %mul3A_11 = arith.constant 640 : i32
    %mul3A_12 = arith.muli %arg1, %mul3A_11 : i32
    "tpu.region"() ({
      %run_scoped3A = tpu.sem_alloc : memref<!tpu.dma_semaphore, #tpu.memory_space<semaphore_mem>>
      %dma_start3A_64 = arith.constant 0 : i32
      %dma_start3A_65 = tpu.memref_slice %arg12[%mul3A_12, %dma_start3A_64] : memref<10240x128xf32, #tpu.memory_space<vmem_shared>> -> memref<640x128xf32, #tpu.memory_space<vmem_shared>>
      %dma_start3A_66 = arith.constant 0 : i32
      %dma_start3A_67 = tpu.memref_slice %arg5[%mul3A_10, %dma_start3A_66] : memref<10240x128xf32, #tpu.memory_space<hbm>> -> memref<640x128xf32, #tpu.memory_space<hbm>>
      tpu.enqueue_dma source(%dma_start3A_67 : memref<640x128xf32, #tpu.memory_space<hbm>>) target(%dma_start3A_65 : memref<640x128xf32, #tpu.memory_space<vmem_shared>>) target_semaphore(%run_scoped3A : memref<!tpu.dma_semaphore, #tpu.memory_space<semaphore_mem>>)
      %dma_wait3A = arith.constant 0 : i32
      %dma_wait3A_68 = tpu.memref_slice %arg12[%mul3A_12, %dma_wait3A] : memref<10240x128xf32, #tpu.memory_space<vmem_shared>> -> memref<640x128xf32, #tpu.memory_space<vmem_shared>>
      %dma_wait3A_69 = arith.constant 0 : i32
      %dma_wait3A_70 = tpu.memref_slice %arg5[%mul3A_10, %dma_wait3A_69] : memref<10240x128xf32, #tpu.memory_space<hbm>> -> memref<640x128xf32, #tpu.memory_space<hbm>>
      tpu.wait_dma2 semaphore(%run_scoped3A : memref<!tpu.dma_semaphore, #tpu.memory_space<semaphore_mem>>) src(%dma_wait3A_70 : memref<640x128xf32, #tpu.memory_space<hbm>>) dst(%dma_wait3A_68 : memref<640x128xf32, #tpu.memory_space<vmem_shared>>)
      tpu.yield
    }) : () -> ()
    %mul3A_13 = arith.constant 128 : i32
    %mul3A_14 = arith.muli %select_n3A_8, %mul3A_13 : i32
    %dma_start3A = tpu.memref_slice %arg2[%mul3A_14] : memref<327680xi32, #tpu.memory_space<hbm>> -> memref<1024xi32, #tpu.memory_space<hbm>>
    %dma_start3A_15 = tpu.memref_slice %arg2[%mul3A_14] : memref<327680xi32, #tpu.memory_space<hbm>> -> memref<1024xi32, #tpu.memory_space<hbm>>
    tpu.enqueue_dma source(%dma_start3A_15 : memref<1024xi32, #tpu.memory_space<hbm>>) target(%arg7 : memref<1024xi32, #tpu.memory_space<vmem>>) target_semaphore(%arg14 : memref<!tpu.dma_semaphore, #tpu.memory_space<semaphore_mem>>)
    %add3A_16 = arith.constant 8 : i32
    %add3A_17 = arith.addi %select_n3A_8, %add3A_16 : i32
    %mul3A_18 = arith.constant 128 : i32
    %mul3A_19 = arith.muli %add3A_17, %mul3A_18 : i32
    %dma_start3A_20 = tpu.memref_slice %arg2[%mul3A_19] : memref<327680xi32, #tpu.memory_space<hbm>> -> memref<1024xi32, #tpu.memory_space<hbm>>
    %dma_start3A_21 = tpu.memref_slice %arg2[%mul3A_19] : memref<327680xi32, #tpu.memory_space<hbm>> -> memref<1024xi32, #tpu.memory_space<hbm>>
    tpu.enqueue_dma source(%dma_start3A_21 : memref<1024xi32, #tpu.memory_space<hbm>>) target(%arg8 : memref<1024xi32, #tpu.memory_space<vmem>>) target_semaphore(%arg15 : memref<!tpu.dma_semaphore, #tpu.memory_space<semaphore_mem>>)
    %dma_start3A_22 = arith.constant 0 : i32
    %dma_start3A_23 = tpu.memref_slice %arg3[%select_n3A_8, %dma_start3A_22] : memref<2560x128xi32, #tpu.memory_space<hbm>> -> memref<8x128xi32, #tpu.memory_space<hbm>>
    %dma_start3A_24 = arith.constant 0 : i32
    %dma_start3A_25 = tpu.memref_slice %arg3[%select_n3A_8, %dma_start3A_24] : memref<2560x128xi32, #tpu.memory_space<hbm>> -> memref<8x128xi32, #tpu.memory_space<hbm>>
    tpu.enqueue_dma source(%dma_start3A_25 : memref<8x128xi32, #tpu.memory_space<hbm>>) target(%arg9 : memref<8x128xi32, #tpu.memory_space<vmem>>) target_semaphore(%arg16 : memref<!tpu.dma_semaphore, #tpu.memory_space<semaphore_mem>>)
    %add3A_26 = arith.constant 8 : i32
    %add3A_27 = arith.addi %select_n3A_8, %add3A_26 : i32
    %dma_start3A_28 = arith.constant 0 : i32
    %dma_start3A_29 = tpu.memref_slice %arg3[%add3A_27, %dma_start3A_28] : memref<2560x128xi32, #tpu.memory_space<hbm>> -> memref<8x128xi32, #tpu.memory_space<hbm>>
    %dma_start3A_30 = arith.constant 0 : i32
    %dma_start3A_31 = tpu.memref_slice %arg3[%add3A_27, %dma_start3A_30] : memref<2560x128xi32, #tpu.memory_space<hbm>> -> memref<8x128xi32, #tpu.memory_space<hbm>>
    tpu.enqueue_dma source(%dma_start3A_31 : memref<8x128xi32, #tpu.memory_space<hbm>>) target(%arg10 : memref<8x128xi32, #tpu.memory_space<vmem>>) target_semaphore(%arg17 : memref<!tpu.dma_semaphore, #tpu.memory_space<semaphore_mem>>)
    %barrier3A = arith.constant 0 : index
    tpu.barrier barrier_id(%barrier3A)
    %jit3A_32 = arith.constant 16 : i32
    %div3A = arith.divsi %select_n3A, %jit3A_32 : i32
    %sign3A = arith.constant 0 : i32
    %sign3A_33 = arith.cmpi sgt, %select_n3A, %sign3A : i32
    %sign3A_34 = arith.extui %sign3A_33 : i1 to i32
    %sign3A_35 = arith.constant 0 : i32
    %sign3A_36 = arith.cmpi slt, %select_n3A, %sign3A_35 : i32
    %sign3A_37 = arith.extui %sign3A_36 : i1 to i32
    %sign3A_38 = arith.subi %sign3A_34, %sign3A_37 : i32
    %sign3A_39 = arith.constant 0 : i32
    %sign3A_40 = arith.cmpi sgt, %jit3A_32, %sign3A_39 : i32
    %sign3A_41 = arith.extui %sign3A_40 : i1 to i32
    %sign3A_42 = arith.constant 0 : i32
    %sign3A_43 = arith.cmpi slt, %jit3A_32, %sign3A_42 : i32
    %sign3A_44 = arith.extui %sign3A_43 : i1 to i32
    %sign3A_45 = arith.subi %sign3A_41, %sign3A_44 : i32
    %ne3A = arith.cmpi ne, %sign3A_38, %sign3A_45 : i32
    %rem3A = arith.remsi %select_n3A, %jit3A_32 : i32
    %ne3A_46 = arith.constant 0 : i32
    %ne3A_47 = arith.cmpi ne, %rem3A, %ne3A_46 : i32
    %and3A = arith.andi %ne3A, %ne3A_47 : i1
    %sub3A = arith.constant 1 : i32
    %sub3A_48 = arith.subi %div3A, %sub3A : i32
    %select_n3A_49 = arith.select %and3A, %sub3A_48, %div3A : i32
    %while3A = arith.constant 0 : i32
    %while3A_50 = arith.constant 0 : i32
    %while3A_51 = arith.subi %select_n3A_49, %while3A_50 : i32
    %while3A_52 = arith.addi %while3A_50, %while3A_51 : i32
    %while3A_53 = arith.constant 1 : i32
    %while3A_54 = arith.divsi %while3A_51, %while3A_53 : i32
    %while3A_55 = arith.muli %while3A_54, %while3A_53 : i32
    %while3A_56 = arith.addi %while3A_50, %while3A_55 : i32
    %while3A_57 = arith.constant 1 : i32
    scf.for %while3A_64 = %while3A_50 to %while3A_56 step %while3A_57  : i32 {
      %mul3A_65 = arith.constant 16 : i32
      %mul3A_66 = arith.muli %mul3A_65, %while3A_64 : i32
      %add3A_67 = arith.addi %select_n3A_8, %mul3A_66 : i32
      %add3A_68 = arith.constant 16 : i32
      %add3A_69 = arith.addi %add3A_67, %add3A_68 : i32
      %add3A_70 = arith.addi %select_n3A_8, %select_n3A : i32
      %lt3A = arith.cmpi slt, %add3A_69, %add3A_70 : i32
      %dma_wait3A = arith.constant 0 : i32
      %dma_wait3A_71 = tpu.memref_slice %arg2[%dma_wait3A] : memref<327680xi32, #tpu.memory_space<hbm>> -> memref<1024xi32, #tpu.memory_space<hbm>>
      %dma_wait3A_72 = arith.constant 0 : i32
      %dma_wait3A_73 = tpu.memref_slice %arg2[%dma_wait3A_72] : memref<327680xi32, #tpu.memory_space<hbm>> -> memref<1024xi32, #tpu.memory_space<hbm>>
      tpu.wait_dma2 semaphore(%arg14 : memref<!tpu.dma_semaphore, #tpu.memory_space<semaphore_mem>>) src(%dma_wait3A_73 : memref<1024xi32, #tpu.memory_space<hbm>>) dst(%arg7 : memref<1024xi32, #tpu.memory_space<vmem>>)
      %dma_wait3A_74 = arith.constant 0 : i32
      %dma_wait3A_75 = arith.constant 0 : i32
      %dma_wait3A_76 = tpu.memref_slice %arg3[%dma_wait3A_74, %dma_wait3A_75] : memref<2560x128xi32, #tpu.memory_space<hbm>> -> memref<8x128xi32, #tpu.memory_space<hbm>>
      %dma_wait3A_77 = arith.constant 0 : i32
      %dma_wait3A_78 = arith.constant 0 : i32
      %dma_wait3A_79 = tpu.memref_slice %arg3[%dma_wait3A_77, %dma_wait3A_78] : memref<2560x128xi32, #tpu.memory_space<hbm>> -> memref<8x128xi32, #tpu.memory_space<hbm>>
      tpu.wait_dma2 semaphore(%arg16 : memref<!tpu.dma_semaphore, #tpu.memory_space<semaphore_mem>>) src(%dma_wait3A_79 : memref<8x128xi32, #tpu.memory_space<hbm>>) dst(%arg9 : memref<8x128xi32, #tpu.memory_space<vmem>>)
      %dma_start3A_80 = arith.constant 0 : i32
      %dma_start3A_81 = tpu.memref_slice %arg7[%dma_start3A_80] : memref<1024xi32, #tpu.memory_space<vmem>> -> memref<128xi32, #tpu.memory_space<vmem>>
      %dma_start3A_82 = arith.constant 0 : i32
      %dma_start3A_83 = arith.constant 0 : i32
      %dma_start3A_84 = tpu.memref_slice %arg4[%dma_start3A_82, %dma_start3A_83] : memref<10240x128xf32, #tpu.memory_space<hbm>> -> memref<10240x128xf32, #tpu.memory_space<hbm>>
      tpu.enqueue_indirect_dma source(%dma_start3A_84 : memref<10240x128xf32, #tpu.memory_space<hbm>>) target(%arg11 : memref<128x128xf32, #tpu.memory_space<vmem>>) offsets(%dma_start3A_81 : memref<128xi32, #tpu.memory_space<vmem>>) semaphore(%arg13 : memref<!tpu.dma_semaphore, #tpu.memory_space<semaphore_mem>>)
      %dma_wait3A_85 = arith.constant 0 : i32
      %dma_wait3A_86 = tpu.memref_slice %arg7[%dma_wait3A_85] : memref<1024xi32, #tpu.memory_space<vmem>> -> memref<128xi32, #tpu.memory_space<vmem>>
      %dma_wait3A_87 = arith.constant 0 : i32
      %dma_wait3A_88 = arith.constant 0 : i32
      %dma_wait3A_89 = tpu.memref_slice %arg4[%dma_wait3A_87, %dma_wait3A_88] : memref<10240x128xf32, #tpu.memory_space<hbm>> -> memref<10240x128xf32, #tpu.memory_space<hbm>>
      tpu.wait_indirect_dma semaphore(%arg13 : memref<!tpu.dma_semaphore, #tpu.memory_space<semaphore_mem>>) src(%dma_wait3A_89 : memref<10240x128xf32, #tpu.memory_space<hbm>>) dst(%arg11 : memref<128x128xf32, #tpu.memory_space<vmem>>)
      %run_scoped3A = arith.constant 0 : i32
      "tpu.region"() ({
        %run_scoped3A_275 = tpu.sem_alloc : memref<!tpu.dma_semaphore, #tpu.memory_space<semaphore_mem>>
        %dma_start3A_276 = arith.constant 0 : i32
        %dma_start3A_277 = tpu.memref_slice %arg9[%run_scoped3A, %dma_start3A_276] : memref<8x128xi32, #tpu.memory_space<vmem>> -> memref<1x128xi32, #tpu.memory_space<vmem>>
        %dma_start3A_278 = tpu.memref_squeeze %dma_start3A_277 : memref<1x128xi32, #tpu.memory_space<vmem>> -> memref<128xi32, #tpu.memory_space<vmem>>
        %dma_start3A_279 = arith.constant 0 : i32
        %dma_start3A_280 = arith.constant 0 : i32
        %dma_start3A_281 = tpu.memref_slice %arg12[%dma_start3A_279, %dma_start3A_280] : memref<10240x128xf32, #tpu.memory_space<vmem_shared>> -> memref<10240x128xf32, #tpu.memory_space<vmem_shared>>
        tpu.enqueue_indirect_dma source(%arg11 : memref<128x128xf32, #tpu.memory_space<vmem>>) target(%dma_start3A_281 : memref<10240x128xf32, #tpu.memory_space<vmem_shared>>) offsets(%dma_start3A_278 : memref<128xi32, #tpu.memory_space<vmem>>) semaphore(%run_scoped3A_275 : memref<!tpu.dma_semaphore, #tpu.memory_space<semaphore_mem>>) {add = true}
        %dma_wait3A_282 = arith.constant 0 : i32
        %dma_wait3A_283 = tpu.memref_slice %arg9[%run_scoped3A, %dma_wait3A_282] : memref<8x128xi32, #tpu.memory_space<vmem>> -> memref<1x128xi32, #tpu.memory_space<vmem>>
        %dma_wait3A_284 = tpu.memref_squeeze %dma_wait3A_283 : memref<1x128xi32, #tpu.memory_space<vmem>> -> memref<128xi32, #tpu.memory_space<vmem>>
        %dma_wait3A_285 = arith.constant 0 : i32
        %dma_wait3A_286 = arith.constant 0 : i32
        %dma_wait3A_287 = tpu.memref_slice %arg12[%dma_wait3A_285, %dma_wait3A_286] : memref<10240x128xf32, #tpu.memory_space<vmem_shared>> -> memref<10240x128xf32, #tpu.memory_space<vmem_shared>>
        tpu.wait_indirect_dma semaphore(%run_scoped3A_275 : memref<!tpu.dma_semaphore, #tpu.memory_space<semaphore_mem>>) src(%arg11 : memref<128x128xf32, #tpu.memory_space<vmem>>) dst(%dma_wait3A_287 : memref<10240x128xf32, #tpu.memory_space<vmem_shared>>)
        tpu.yield
      }) : () -> ()
      %dma_start3A_90 = arith.constant 128 : i32
      %dma_start3A_91 = tpu.memref_slice %arg7[%dma_start3A_90] : memref<1024xi32, #tpu.memory_space<vmem>> -> memref<128xi32, #tpu.memory_space<vmem>>
      %dma_start3A_92 = arith.constant 0 : i32
      %dma_start3A_93 = arith.constant 0 : i32
      %dma_start3A_94 = tpu.memref_slice %arg4[%dma_start3A_92, %dma_start3A_93] : memref<10240x128xf32, #tpu.memory_space<hbm>> -> memref<10240x128xf32, #tpu.memory_space<hbm>>
      tpu.enqueue_indirect_dma source(%dma_start3A_94 : memref<10240x128xf32, #tpu.memory_space<hbm>>) target(%arg11 : memref<128x128xf32, #tpu.memory_space<vmem>>) offsets(%dma_start3A_91 : memref<128xi32, #tpu.memory_space<vmem>>) semaphore(%arg13 : memref<!tpu.dma_semaphore, #tpu.memory_space<semaphore_mem>>)
      %dma_wait3A_95 = arith.constant 128 : i32
      %dma_wait3A_96 = tpu.memref_slice %arg7[%dma_wait3A_95] : memref<1024xi32, #tpu.memory_space<vmem>> -> memref<128xi32, #tpu.memory_space<vmem>>
      %dma_wait3A_97 = arith.constant 0 : i32
      %dma_wait3A_98 = arith.constant 0 : i32
      %dma_wait3A_99 = tpu.memref_slice %arg4[%dma_wait3A_97, %dma_wait3A_98] : memref<10240x128xf32, #tpu.memory_space<hbm>> -> memref<10240x128xf32, #tpu.memory_space<hbm>>
      tpu.wait_indirect_dma semaphore(%arg13 : memref<!tpu.dma_semaphore, #tpu.memory_space<semaphore_mem>>) src(%dma_wait3A_99 : memref<10240x128xf32, #tpu.memory_space<hbm>>) dst(%arg11 : memref<128x128xf32, #tpu.memory_space<vmem>>)
      %run_scoped3A_100 = arith.constant 1 : i32
      "tpu.region"() ({
        %run_scoped3A_275 = tpu.sem_alloc : memref<!tpu.dma_semaphore, #tpu.memory_space<semaphore_mem>>
        %dma_start3A_276 = arith.constant 0 : i32
        %dma_start3A_277 = tpu.memref_slice %arg9[%run_scoped3A_100, %dma_start3A_276] : memref<8x128xi32, #tpu.memory_space<vmem>> -> memref<1x128xi32, #tpu.memory_space<vmem>>
        %dma_start3A_278 = tpu.memref_squeeze %dma_start3A_277 : memref<1x128xi32, #tpu.memory_space<vmem>> -> memref<128xi32, #tpu.memory_space<vmem>>
        %dma_start3A_279 = arith.constant 0 : i32
        %dma_start3A_280 = arith.constant 0 : i32
        %dma_start3A_281 = tpu.memref_slice %arg12[%dma_start3A_279, %dma_start3A_280] : memref<10240x128xf32, #tpu.memory_space<vmem_shared>> -> memref<10240x128xf32, #tpu.memory_space<vmem_shared>>
        tpu.enqueue_indirect_dma source(%arg11 : memref<128x128xf32, #tpu.memory_space<vmem>>) target(%dma_start3A_281 : memref<10240x128xf32, #tpu.memory_space<vmem_shared>>) offsets(%dma_start3A_278 : memref<128xi32, #tpu.memory_space<vmem>>) semaphore(%run_scoped3A_275 : memref<!tpu.dma_semaphore, #tpu.memory_space<semaphore_mem>>) {add = true}
        %dma_wait3A_282 = arith.constant 0 : i32
        %dma_wait3A_283 = tpu.memref_slice %arg9[%run_scoped3A_100, %dma_wait3A_282] : memref<8x128xi32, #tpu.memory_space<vmem>> -> memref<1x128xi32, #tpu.memory_space<vmem>>
        %dma_wait3A_284 = tpu.memref_squeeze %dma_wait3A_283 : memref<1x128xi32, #tpu.memory_space<vmem>> -> memref<128xi32, #tpu.memory_space<vmem>>
        %dma_wait3A_285 = arith.constant 0 : i32
        %dma_wait3A_286 = arith.constant 0 : i32
        %dma_wait3A_287 = tpu.memref_slice %arg12[%dma_wait3A_285, %dma_wait3A_286] : memref<10240x128xf32, #tpu.memory_space<vmem_shared>> -> memref<10240x128xf32, #tpu.memory_space<vmem_shared>>
        tpu.wait_indirect_dma semaphore(%run_scoped3A_275 : memref<!tpu.dma_semaphore, #tpu.memory_space<semaphore_mem>>) src(%arg11 : memref<128x128xf32, #tpu.memory_space<vmem>>) dst(%dma_wait3A_287 : memref<10240x128xf32, #tpu.memory_space<vmem_shared>>)
        tpu.yield
      }) : () -> ()
      %dma_start3A_101 = arith.constant 256 : i32
      %dma_start3A_102 = tpu.memref_slice %arg7[%dma_start3A_101] : memref<1024xi32, #tpu.memory_space<vmem>> -> memref<128xi32, #tpu.memory_space<vmem>>
      %dma_start3A_103 = arith.constant 0 : i32
      %dma_start3A_104 = arith.constant 0 : i32
      %dma_start3A_105 = tpu.memref_slice %arg4[%dma_start3A_103, %dma_start3A_104] : memref<10240x128xf32, #tpu.memory_space<hbm>> -> memref<10240x128xf32, #tpu.memory_space<hbm>>
      tpu.enqueue_indirect_dma source(%dma_start3A_105 : memref<10240x128xf32, #tpu.memory_space<hbm>>) target(%arg11 : memref<128x128xf32, #tpu.memory_space<vmem>>) offsets(%dma_start3A_102 : memref<128xi32, #tpu.memory_space<vmem>>) semaphore(%arg13 : memref<!tpu.dma_semaphore, #tpu.memory_space<semaphore_mem>>)
      %dma_wait3A_106 = arith.constant 256 : i32
      %dma_wait3A_107 = tpu.memref_slice %arg7[%dma_wait3A_106] : memref<1024xi32, #tpu.memory_space<vmem>> -> memref<128xi32, #tpu.memory_space<vmem>>
      %dma_wait3A_108 = arith.constant 0 : i32
      %dma_wait3A_109 = arith.constant 0 : i32
      %dma_wait3A_110 = tpu.memref_slice %arg4[%dma_wait3A_108, %dma_wait3A_109] : memref<10240x128xf32, #tpu.memory_space<hbm>> -> memref<10240x128xf32, #tpu.memory_space<hbm>>
      tpu.wait_indirect_dma semaphore(%arg13 : memref<!tpu.dma_semaphore, #tpu.memory_space<semaphore_mem>>) src(%dma_wait3A_110 : memref<10240x128xf32, #tpu.memory_space<hbm>>) dst(%arg11 : memref<128x128xf32, #tpu.memory_space<vmem>>)
      %run_scoped3A_111 = arith.constant 2 : i32
      "tpu.region"() ({
        %run_scoped3A_275 = tpu.sem_alloc : memref<!tpu.dma_semaphore, #tpu.memory_space<semaphore_mem>>
        %dma_start3A_276 = arith.constant 0 : i32
        %dma_start3A_277 = tpu.memref_slice %arg9[%run_scoped3A_111, %dma_start3A_276] : memref<8x128xi32, #tpu.memory_space<vmem>> -> memref<1x128xi32, #tpu.memory_space<vmem>>
        %dma_start3A_278 = tpu.memref_squeeze %dma_start3A_277 : memref<1x128xi32, #tpu.memory_space<vmem>> -> memref<128xi32, #tpu.memory_space<vmem>>
        %dma_start3A_279 = arith.constant 0 : i32
        %dma_start3A_280 = arith.constant 0 : i32
        %dma_start3A_281 = tpu.memref_slice %arg12[%dma_start3A_279, %dma_start3A_280] : memref<10240x128xf32, #tpu.memory_space<vmem_shared>> -> memref<10240x128xf32, #tpu.memory_space<vmem_shared>>
        tpu.enqueue_indirect_dma source(%arg11 : memref<128x128xf32, #tpu.memory_space<vmem>>) target(%dma_start3A_281 : memref<10240x128xf32, #tpu.memory_space<vmem_shared>>) offsets(%dma_start3A_278 : memref<128xi32, #tpu.memory_space<vmem>>) semaphore(%run_scoped3A_275 : memref<!tpu.dma_semaphore, #tpu.memory_space<semaphore_mem>>) {add = true}
        %dma_wait3A_282 = arith.constant 0 : i32
        %dma_wait3A_283 = tpu.memref_slice %arg9[%run_scoped3A_111, %dma_wait3A_282] : memref<8x128xi32, #tpu.memory_space<vmem>> -> memref<1x128xi32, #tpu.memory_space<vmem>>
        %dma_wait3A_284 = tpu.memref_squeeze %dma_wait3A_283 : memref<1x128xi32, #tpu.memory_space<vmem>> -> memref<128xi32, #tpu.memory_space<vmem>>
        %dma_wait3A_285 = arith.constant 0 : i32
        %dma_wait3A_286 = arith.constant 0 : i32
        %dma_wait3A_287 = tpu.memref_slice %arg12[%dma_wait3A_285, %dma_wait3A_286] : memref<10240x128xf32, #tpu.memory_space<vmem_shared>> -> memref<10240x128xf32, #tpu.memory_space<vmem_shared>>
        tpu.wait_indirect_dma semaphore(%run_scoped3A_275 : memref<!tpu.dma_semaphore, #tpu.memory_space<semaphore_mem>>) src(%arg11 : memref<128x128xf32, #tpu.memory_space<vmem>>) dst(%dma_wait3A_287 : memref<10240x128xf32, #tpu.memory_space<vmem_shared>>)
        tpu.yield
      }) : () -> ()
      %dma_start3A_112 = arith.constant 384 : i32
      %dma_start3A_113 = tpu.memref_slice %arg7[%dma_start3A_112] : memref<1024xi32, #tpu.memory_space<vmem>> -> memref<128xi32, #tpu.memory_space<vmem>>
      %dma_start3A_114 = arith.constant 0 : i32
      %dma_start3A_115 = arith.constant 0 : i32
      %dma_start3A_116 = tpu.memref_slice %arg4[%dma_start3A_114, %dma_start3A_115] : memref<10240x128xf32, #tpu.memory_space<hbm>> -> memref<10240x128xf32, #tpu.memory_space<hbm>>
      tpu.enqueue_indirect_dma source(%dma_start3A_116 : memref<10240x128xf32, #tpu.memory_space<hbm>>) target(%arg11 : memref<128x128xf32, #tpu.memory_space<vmem>>) offsets(%dma_start3A_113 : memref<128xi32, #tpu.memory_space<vmem>>) semaphore(%arg13 : memref<!tpu.dma_semaphore, #tpu.memory_space<semaphore_mem>>)
      %dma_wait3A_117 = arith.constant 384 : i32
      %dma_wait3A_118 = tpu.memref_slice %arg7[%dma_wait3A_117] : memref<1024xi32, #tpu.memory_space<vmem>> -> memref<128xi32, #tpu.memory_space<vmem>>
      %dma_wait3A_119 = arith.constant 0 : i32
      %dma_wait3A_120 = arith.constant 0 : i32
      %dma_wait3A_121 = tpu.memref_slice %arg4[%dma_wait3A_119, %dma_wait3A_120] : memref<10240x128xf32, #tpu.memory_space<hbm>> -> memref<10240x128xf32, #tpu.memory_space<hbm>>
      tpu.wait_indirect_dma semaphore(%arg13 : memref<!tpu.dma_semaphore, #tpu.memory_space<semaphore_mem>>) src(%dma_wait3A_121 : memref<10240x128xf32, #tpu.memory_space<hbm>>) dst(%arg11 : memref<128x128xf32, #tpu.memory_space<vmem>>)
      %run_scoped3A_122 = arith.constant 3 : i32
      "tpu.region"() ({
        %run_scoped3A_275 = tpu.sem_alloc : memref<!tpu.dma_semaphore, #tpu.memory_space<semaphore_mem>>
        %dma_start3A_276 = arith.constant 0 : i32
        %dma_start3A_277 = tpu.memref_slice %arg9[%run_scoped3A_122, %dma_start3A_276] : memref<8x128xi32, #tpu.memory_space<vmem>> -> memref<1x128xi32, #tpu.memory_space<vmem>>
        %dma_start3A_278 = tpu.memref_squeeze %dma_start3A_277 : memref<1x128xi32, #tpu.memory_space<vmem>> -> memref<128xi32, #tpu.memory_space<vmem>>
        %dma_start3A_279 = arith.constant 0 : i32
        %dma_start3A_280 = arith.constant 0 : i32
        %dma_start3A_281 = tpu.memref_slice %arg12[%dma_start3A_279, %dma_start3A_280] : memref<10240x128xf32, #tpu.memory_space<vmem_shared>> -> memref<10240x128xf32, #tpu.memory_space<vmem_shared>>
        tpu.enqueue_indirect_dma source(%arg11 : memref<128x128xf32, #tpu.memory_space<vmem>>) target(%dma_start3A_281 : memref<10240x128xf32, #tpu.memory_space<vmem_shared>>) offsets(%dma_start3A_278 : memref<128xi32, #tpu.memory_space<vmem>>) semaphore(%run_scoped3A_275 : memref<!tpu.dma_semaphore, #tpu.memory_space<semaphore_mem>>) {add = true}
        %dma_wait3A_282 = arith.constant 0 : i32
        %dma_wait3A_283 = tpu.memref_slice %arg9[%run_scoped3A_122, %dma_wait3A_282] : memref<8x128xi32, #tpu.memory_space<vmem>> -> memref<1x128xi32, #tpu.memory_space<vmem>>
        %dma_wait3A_284 = tpu.memref_squeeze %dma_wait3A_283 : memref<1x128xi32, #tpu.memory_space<vmem>> -> memref<128xi32, #tpu.memory_space<vmem>>
        %dma_wait3A_285 = arith.constant 0 : i32
        %dma_wait3A_286 = arith.constant 0 : i32
        %dma_wait3A_287 = tpu.memref_slice %arg12[%dma_wait3A_285, %dma_wait3A_286] : memref<10240x128xf32, #tpu.memory_space<vmem_shared>> -> memref<10240x128xf32, #tpu.memory_space<vmem_shared>>
        tpu.wait_indirect_dma semaphore(%run_scoped3A_275 : memref<!tpu.dma_semaphore, #tpu.memory_space<semaphore_mem>>) src(%arg11 : memref<128x128xf32, #tpu.memory_space<vmem>>) dst(%dma_wait3A_287 : memref<10240x128xf32, #tpu.memory_space<vmem_shared>>)
        tpu.yield
      }) : () -> ()
      %dma_start3A_123 = arith.constant 512 : i32
      %dma_start3A_124 = tpu.memref_slice %arg7[%dma_start3A_123] : memref<1024xi32, #tpu.memory_space<vmem>> -> memref<128xi32, #tpu.memory_space<vmem>>
      %dma_start3A_125 = arith.constant 0 : i32
      %dma_start3A_126 = arith.constant 0 : i32
      %dma_start3A_127 = tpu.memref_slice %arg4[%dma_start3A_125, %dma_start3A_126] : memref<10240x128xf32, #tpu.memory_space<hbm>> -> memref<10240x128xf32, #tpu.memory_space<hbm>>
      tpu.enqueue_indirect_dma source(%dma_start3A_127 : memref<10240x128xf32, #tpu.memory_space<hbm>>) target(%arg11 : memref<128x128xf32, #tpu.memory_space<vmem>>) offsets(%dma_start3A_124 : memref<128xi32, #tpu.memory_space<vmem>>) semaphore(%arg13 : memref<!tpu.dma_semaphore, #tpu.memory_space<semaphore_mem>>)
      %dma_wait3A_128 = arith.constant 512 : i32
      %dma_wait3A_129 = tpu.memref_slice %arg7[%dma_wait3A_128] : memref<1024xi32, #tpu.memory_space<vmem>> -> memref<128xi32, #tpu.memory_space<vmem>>
      %dma_wait3A_130 = arith.constant 0 : i32
      %dma_wait3A_131 = arith.constant 0 : i32
      %dma_wait3A_132 = tpu.memref_slice %arg4[%dma_wait3A_130, %dma_wait3A_131] : memref<10240x128xf32, #tpu.memory_space<hbm>> -> memref<10240x128xf32, #tpu.memory_space<hbm>>
      tpu.wait_indirect_dma semaphore(%arg13 : memref<!tpu.dma_semaphore, #tpu.memory_space<semaphore_mem>>) src(%dma_wait3A_132 : memref<10240x128xf32, #tpu.memory_space<hbm>>) dst(%arg11 : memref<128x128xf32, #tpu.memory_space<vmem>>)
      %run_scoped3A_133 = arith.constant 4 : i32
      "tpu.region"() ({
        %run_scoped3A_275 = tpu.sem_alloc : memref<!tpu.dma_semaphore, #tpu.memory_space<semaphore_mem>>
        %dma_start3A_276 = arith.constant 0 : i32
        %dma_start3A_277 = tpu.memref_slice %arg9[%run_scoped3A_133, %dma_start3A_276] : memref<8x128xi32, #tpu.memory_space<vmem>> -> memref<1x128xi32, #tpu.memory_space<vmem>>
        %dma_start3A_278 = tpu.memref_squeeze %dma_start3A_277 : memref<1x128xi32, #tpu.memory_space<vmem>> -> memref<128xi32, #tpu.memory_space<vmem>>
        %dma_start3A_279 = arith.constant 0 : i32
        %dma_start3A_280 = arith.constant 0 : i32
        %dma_start3A_281 = tpu.memref_slice %arg12[%dma_start3A_279, %dma_start3A_280] : memref<10240x128xf32, #tpu.memory_space<vmem_shared>> -> memref<10240x128xf32, #tpu.memory_space<vmem_shared>>
        tpu.enqueue_indirect_dma source(%arg11 : memref<128x128xf32, #tpu.memory_space<vmem>>) target(%dma_start3A_281 : memref<10240x128xf32, #tpu.memory_space<vmem_shared>>) offsets(%dma_start3A_278 : memref<128xi32, #tpu.memory_space<vmem>>) semaphore(%run_scoped3A_275 : memref<!tpu.dma_semaphore, #tpu.memory_space<semaphore_mem>>) {add = true}
        %dma_wait3A_282 = arith.constant 0 : i32
        %dma_wait3A_283 = tpu.memref_slice %arg9[%run_scoped3A_133, %dma_wait3A_282] : memref<8x128xi32, #tpu.memory_space<vmem>> -> memref<1x128xi32, #tpu.memory_space<vmem>>
        %dma_wait3A_284 = tpu.memref_squeeze %dma_wait3A_283 : memref<1x128xi32, #tpu.memory_space<vmem>> -> memref<128xi32, #tpu.memory_space<vmem>>
        %dma_wait3A_285 = arith.constant 0 : i32
        %dma_wait3A_286 = arith.constant 0 : i32
        %dma_wait3A_287 = tpu.memref_slice %arg12[%dma_wait3A_285, %dma_wait3A_286] : memref<10240x128xf32, #tpu.memory_space<vmem_shared>> -> memref<10240x128xf32, #tpu.memory_space<vmem_shared>>
        tpu.wait_indirect_dma semaphore(%run_scoped3A_275 : memref<!tpu.dma_semaphore, #tpu.memory_space<semaphore_mem>>) src(%arg11 : memref<128x128xf32, #tpu.memory_space<vmem>>) dst(%dma_wait3A_287 : memref<10240x128xf32, #tpu.memory_space<vmem_shared>>)
        tpu.yield
      }) : () -> ()
      %dma_start3A_134 = arith.constant 640 : i32
      %dma_start3A_135 = tpu.memref_slice %arg7[%dma_start3A_134] : memref<1024xi32, #tpu.memory_space<vmem>> -> memref<128xi32, #tpu.memory_space<vmem>>
      %dma_start3A_136 = arith.constant 0 : i32
      %dma_start3A_137 = arith.constant 0 : i32
      %dma_start3A_138 = tpu.memref_slice %arg4[%dma_start3A_136, %dma_start3A_137] : memref<10240x128xf32, #tpu.memory_space<hbm>> -> memref<10240x128xf32, #tpu.memory_space<hbm>>
      tpu.enqueue_indirect_dma source(%dma_start3A_138 : memref<10240x128xf32, #tpu.memory_space<hbm>>) target(%arg11 : memref<128x128xf32, #tpu.memory_space<vmem>>) offsets(%dma_start3A_135 : memref<128xi32, #tpu.memory_space<vmem>>) semaphore(%arg13 : memref<!tpu.dma_semaphore, #tpu.memory_space<semaphore_mem>>)
      %dma_wait3A_139 = arith.constant 640 : i32
      %dma_wait3A_140 = tpu.memref_slice %arg7[%dma_wait3A_139] : memref<1024xi32, #tpu.memory_space<vmem>> -> memref<128xi32, #tpu.memory_space<vmem>>
      %dma_wait3A_141 = arith.constant 0 : i32
      %dma_wait3A_142 = arith.constant 0 : i32
      %dma_wait3A_143 = tpu.memref_slice %arg4[%dma_wait3A_141, %dma_wait3A_142] : memref<10240x128xf32, #tpu.memory_space<hbm>> -> memref<10240x128xf32, #tpu.memory_space<hbm>>
      tpu.wait_indirect_dma semaphore(%arg13 : memref<!tpu.dma_semaphore, #tpu.memory_space<semaphore_mem>>) src(%dma_wait3A_143 : memref<10240x128xf32, #tpu.memory_space<hbm>>) dst(%arg11 : memref<128x128xf32, #tpu.memory_space<vmem>>)
      %run_scoped3A_144 = arith.constant 5 : i32
      "tpu.region"() ({
        %run_scoped3A_275 = tpu.sem_alloc : memref<!tpu.dma_semaphore, #tpu.memory_space<semaphore_mem>>
        %dma_start3A_276 = arith.constant 0 : i32
        %dma_start3A_277 = tpu.memref_slice %arg9[%run_scoped3A_144, %dma_start3A_276] : memref<8x128xi32, #tpu.memory_space<vmem>> -> memref<1x128xi32, #tpu.memory_space<vmem>>
        %dma_start3A_278 = tpu.memref_squeeze %dma_start3A_277 : memref<1x128xi32, #tpu.memory_space<vmem>> -> memref<128xi32, #tpu.memory_space<vmem>>
        %dma_start3A_279 = arith.constant 0 : i32
        %dma_start3A_280 = arith.constant 0 : i32
        %dma_start3A_281 = tpu.memref_slice %arg12[%dma_start3A_279, %dma_start3A_280] : memref<10240x128xf32, #tpu.memory_space<vmem_shared>> -> memref<10240x128xf32, #tpu.memory_space<vmem_shared>>
        tpu.enqueue_indirect_dma source(%arg11 : memref<128x128xf32, #tpu.memory_space<vmem>>) target(%dma_start3A_281 : memref<10240x128xf32, #tpu.memory_space<vmem_shared>>) offsets(%dma_start3A_278 : memref<128xi32, #tpu.memory_space<vmem>>) semaphore(%run_scoped3A_275 : memref<!tpu.dma_semaphore, #tpu.memory_space<semaphore_mem>>) {add = true}
        %dma_wait3A_282 = arith.constant 0 : i32
        %dma_wait3A_283 = tpu.memref_slice %arg9[%run_scoped3A_144, %dma_wait3A_282] : memref<8x128xi32, #tpu.memory_space<vmem>> -> memref<1x128xi32, #tpu.memory_space<vmem>>
        %dma_wait3A_284 = tpu.memref_squeeze %dma_wait3A_283 : memref<1x128xi32, #tpu.memory_space<vmem>> -> memref<128xi32, #tpu.memory_space<vmem>>
        %dma_wait3A_285 = arith.constant 0 : i32
        %dma_wait3A_286 = arith.constant 0 : i32
        %dma_wait3A_287 = tpu.memref_slice %arg12[%dma_wait3A_285, %dma_wait3A_286] : memref<10240x128xf32, #tpu.memory_space<vmem_shared>> -> memref<10240x128xf32, #tpu.memory_space<vmem_shared>>
        tpu.wait_indirect_dma semaphore(%run_scoped3A_275 : memref<!tpu.dma_semaphore, #tpu.memory_space<semaphore_mem>>) src(%arg11 : memref<128x128xf32, #tpu.memory_space<vmem>>) dst(%dma_wait3A_287 : memref<10240x128xf32, #tpu.memory_space<vmem_shared>>)
        tpu.yield
      }) : () -> ()
      %dma_start3A_145 = arith.constant 768 : i32
      %dma_start3A_146 = tpu.memref_slice %arg7[%dma_start3A_145] : memref<1024xi32, #tpu.memory_space<vmem>> -> memref<128xi32, #tpu.memory_space<vmem>>
      %dma_start3A_147 = arith.constant 0 : i32
      %dma_start3A_148 = arith.constant 0 : i32
      %dma_start3A_149 = tpu.memref_slice %arg4[%dma_start3A_147, %dma_start3A_148] : memref<10240x128xf32, #tpu.memory_space<hbm>> -> memref<10240x128xf32, #tpu.memory_space<hbm>>
      tpu.enqueue_indirect_dma source(%dma_start3A_149 : memref<10240x128xf32, #tpu.memory_space<hbm>>) target(%arg11 : memref<128x128xf32, #tpu.memory_space<vmem>>) offsets(%dma_start3A_146 : memref<128xi32, #tpu.memory_space<vmem>>) semaphore(%arg13 : memref<!tpu.dma_semaphore, #tpu.memory_space<semaphore_mem>>)
      %dma_wait3A_150 = arith.constant 768 : i32
      %dma_wait3A_151 = tpu.memref_slice %arg7[%dma_wait3A_150] : memref<1024xi32, #tpu.memory_space<vmem>> -> memref<128xi32, #tpu.memory_space<vmem>>
      %dma_wait3A_152 = arith.constant 0 : i32
      %dma_wait3A_153 = arith.constant 0 : i32
      %dma_wait3A_154 = tpu.memref_slice %arg4[%dma_wait3A_152, %dma_wait3A_153] : memref<10240x128xf32, #tpu.memory_space<hbm>> -> memref<10240x128xf32, #tpu.memory_space<hbm>>
      tpu.wait_indirect_dma semaphore(%arg13 : memref<!tpu.dma_semaphore, #tpu.memory_space<semaphore_mem>>) src(%dma_wait3A_154 : memref<10240x128xf32, #tpu.memory_space<hbm>>) dst(%arg11 : memref<128x128xf32, #tpu.memory_space<vmem>>)
      %run_scoped3A_155 = arith.constant 6 : i32
      "tpu.region"() ({
        %run_scoped3A_275 = tpu.sem_alloc : memref<!tpu.dma_semaphore, #tpu.memory_space<semaphore_mem>>
        %dma_start3A_276 = arith.constant 0 : i32
        %dma_start3A_277 = tpu.memref_slice %arg9[%run_scoped3A_155, %dma_start3A_276] : memref<8x128xi32, #tpu.memory_space<vmem>> -> memref<1x128xi32, #tpu.memory_space<vmem>>
        %dma_start3A_278 = tpu.memref_squeeze %dma_start3A_277 : memref<1x128xi32, #tpu.memory_space<vmem>> -> memref<128xi32, #tpu.memory_space<vmem>>
        %dma_start3A_279 = arith.constant 0 : i32
        %dma_start3A_280 = arith.constant 0 : i32
        %dma_start3A_281 = tpu.memref_slice %arg12[%dma_start3A_279, %dma_start3A_280] : memref<10240x128xf32, #tpu.memory_space<vmem_shared>> -> memref<10240x128xf32, #tpu.memory_space<vmem_shared>>
        tpu.enqueue_indirect_dma source(%arg11 : memref<128x128xf32, #tpu.memory_space<vmem>>) target(%dma_start3A_281 : memref<10240x128xf32, #tpu.memory_space<vmem_shared>>) offsets(%dma_start3A_278 : memref<128xi32, #tpu.memory_space<vmem>>) semaphore(%run_scoped3A_275 : memref<!tpu.dma_semaphore, #tpu.memory_space<semaphore_mem>>) {add = true}
        %dma_wait3A_282 = arith.constant 0 : i32
        %dma_wait3A_283 = tpu.memref_slice %arg9[%run_scoped3A_155, %dma_wait3A_282] : memref<8x128xi32, #tpu.memory_space<vmem>> -> memref<1x128xi32, #tpu.memory_space<vmem>>
        %dma_wait3A_284 = tpu.memref_squeeze %dma_wait3A_283 : memref<1x128xi32, #tpu.memory_space<vmem>> -> memref<128xi32, #tpu.memory_space<vmem>>
        %dma_wait3A_285 = arith.constant 0 : i32
        %dma_wait3A_286 = arith.constant 0 : i32
        %dma_wait3A_287 = tpu.memref_slice %arg12[%dma_wait3A_285, %dma_wait3A_286] : memref<10240x128xf32, #tpu.memory_space<vmem_shared>> -> memref<10240x128xf32, #tpu.memory_space<vmem_shared>>
        tpu.wait_indirect_dma semaphore(%run_scoped3A_275 : memref<!tpu.dma_semaphore, #tpu.memory_space<semaphore_mem>>) src(%arg11 : memref<128x128xf32, #tpu.memory_space<vmem>>) dst(%dma_wait3A_287 : memref<10240x128xf32, #tpu.memory_space<vmem_shared>>)
        tpu.yield
      }) : () -> ()
      %dma_start3A_156 = arith.constant 896 : i32
      %dma_start3A_157 = tpu.memref_slice %arg7[%dma_start3A_156] : memref<1024xi32, #tpu.memory_space<vmem>> -> memref<128xi32, #tpu.memory_space<vmem>>
      %dma_start3A_158 = arith.constant 0 : i32
      %dma_start3A_159 = arith.constant 0 : i32
      %dma_start3A_160 = tpu.memref_slice %arg4[%dma_start3A_158, %dma_start3A_159] : memref<10240x128xf32, #tpu.memory_space<hbm>> -> memref<10240x128xf32, #tpu.memory_space<hbm>>
      tpu.enqueue_indirect_dma source(%dma_start3A_160 : memref<10240x128xf32, #tpu.memory_space<hbm>>) target(%arg11 : memref<128x128xf32, #tpu.memory_space<vmem>>) offsets(%dma_start3A_157 : memref<128xi32, #tpu.memory_space<vmem>>) semaphore(%arg13 : memref<!tpu.dma_semaphore, #tpu.memory_space<semaphore_mem>>)
      %dma_wait3A_161 = arith.constant 896 : i32
      %dma_wait3A_162 = tpu.memref_slice %arg7[%dma_wait3A_161] : memref<1024xi32, #tpu.memory_space<vmem>> -> memref<128xi32, #tpu.memory_space<vmem>>
      %dma_wait3A_163 = arith.constant 0 : i32
      %dma_wait3A_164 = arith.constant 0 : i32
      %dma_wait3A_165 = tpu.memref_slice %arg4[%dma_wait3A_163, %dma_wait3A_164] : memref<10240x128xf32, #tpu.memory_space<hbm>> -> memref<10240x128xf32, #tpu.memory_space<hbm>>
      tpu.wait_indirect_dma semaphore(%arg13 : memref<!tpu.dma_semaphore, #tpu.memory_space<semaphore_mem>>) src(%dma_wait3A_165 : memref<10240x128xf32, #tpu.memory_space<hbm>>) dst(%arg11 : memref<128x128xf32, #tpu.memory_space<vmem>>)
      %run_scoped3A_166 = arith.constant 7 : i32
      "tpu.region"() ({
        %run_scoped3A_275 = tpu.sem_alloc : memref<!tpu.dma_semaphore, #tpu.memory_space<semaphore_mem>>
        %dma_start3A_276 = arith.constant 0 : i32
        %dma_start3A_277 = tpu.memref_slice %arg9[%run_scoped3A_166, %dma_start3A_276] : memref<8x128xi32, #tpu.memory_space<vmem>> -> memref<1x128xi32, #tpu.memory_space<vmem>>
        %dma_start3A_278 = tpu.memref_squeeze %dma_start3A_277 : memref<1x128xi32, #tpu.memory_space<vmem>> -> memref<128xi32, #tpu.memory_space<vmem>>
        %dma_start3A_279 = arith.constant 0 : i32
        %dma_start3A_280 = arith.constant 0 : i32
        %dma_start3A_281 = tpu.memref_slice %arg12[%dma_start3A_279, %dma_start3A_280] : memref<10240x128xf32, #tpu.memory_space<vmem_shared>> -> memref<10240x128xf32, #tpu.memory_space<vmem_shared>>
        tpu.enqueue_indirect_dma source(%arg11 : memref<128x128xf32, #tpu.memory_space<vmem>>) target(%dma_start3A_281 : memref<10240x128xf32, #tpu.memory_space<vmem_shared>>) offsets(%dma_start3A_278 : memref<128xi32, #tpu.memory_space<vmem>>) semaphore(%run_scoped3A_275 : memref<!tpu.dma_semaphore, #tpu.memory_space<semaphore_mem>>) {add = true}
        %dma_wait3A_282 = arith.constant 0 : i32
        %dma_wait3A_283 = tpu.memref_slice %arg9[%run_scoped3A_166, %dma_wait3A_282] : memref<8x128xi32, #tpu.memory_space<vmem>> -> memref<1x128xi32, #tpu.memory_space<vmem>>
        %dma_wait3A_284 = tpu.memref_squeeze %dma_wait3A_283 : memref<1x128xi32, #tpu.memory_space<vmem>> -> memref<128xi32, #tpu.memory_space<vmem>>
        %dma_wait3A_285 = arith.constant 0 : i32
        %dma_wait3A_286 = arith.constant 0 : i32
        %dma_wait3A_287 = tpu.memref_slice %arg12[%dma_wait3A_285, %dma_wait3A_286] : memref<10240x128xf32, #tpu.memory_space<vmem_shared>> -> memref<10240x128xf32, #tpu.memory_space<vmem_shared>>
        tpu.wait_indirect_dma semaphore(%run_scoped3A_275 : memref<!tpu.dma_semaphore, #tpu.memory_space<semaphore_mem>>) src(%arg11 : memref<128x128xf32, #tpu.memory_space<vmem>>) dst(%dma_wait3A_287 : memref<10240x128xf32, #tpu.memory_space<vmem_shared>>)
        tpu.yield
      }) : () -> ()
      %convert_element_type3A = arith.extui %lt3A : i1 to i32
      %cond3A = arith.constant 0 : i32
      %cond3A_167 = arith.cmpi ne, %convert_element_type3A, %cond3A : i32
      scf.if %cond3A_167 {
        %add3A_275 = arith.constant 16 : i32
        %add3A_276 = arith.addi %add3A_67, %add3A_275 : i32
        %mul3A_277 = arith.constant 128 : i32
        %mul3A_278 = arith.muli %add3A_276, %mul3A_277 : i32
        %dma_start3A_279 = tpu.memref_slice %arg2[%mul3A_278] : memref<327680xi32, #tpu.memory_space<hbm>> -> memref<1024xi32, #tpu.memory_space<hbm>>
        %dma_start3A_280 = tpu.memref_slice %arg2[%mul3A_278] : memref<327680xi32, #tpu.memory_space<hbm>> -> memref<1024xi32, #tpu.memory_space<hbm>>
        tpu.enqueue_dma source(%dma_start3A_280 : memref<1024xi32, #tpu.memory_space<hbm>>) target(%arg7 : memref<1024xi32, #tpu.memory_space<vmem>>) target_semaphore(%arg14 : memref<!tpu.dma_semaphore, #tpu.memory_space<semaphore_mem>>)
        %add3A_281 = arith.constant 16 : i32
        %add3A_282 = arith.addi %add3A_67, %add3A_281 : i32
        %dma_start3A_283 = arith.constant 0 : i32
        %dma_start3A_284 = tpu.memref_slice %arg3[%add3A_282, %dma_start3A_283] : memref<2560x128xi32, #tpu.memory_space<hbm>> -> memref<8x128xi32, #tpu.memory_space<hbm>>
        %dma_start3A_285 = arith.constant 0 : i32
        %dma_start3A_286 = tpu.memref_slice %arg3[%add3A_282, %dma_start3A_285] : memref<2560x128xi32, #tpu.memory_space<hbm>> -> memref<8x128xi32, #tpu.memory_space<hbm>>
        tpu.enqueue_dma source(%dma_start3A_286 : memref<8x128xi32, #tpu.memory_space<hbm>>) target(%arg9 : memref<8x128xi32, #tpu.memory_space<vmem>>) target_semaphore(%arg16 : memref<!tpu.dma_semaphore, #tpu.memory_space<semaphore_mem>>)
      } else {
      }
      %add3A_168 = arith.constant 8 : i32
      %add3A_169 = arith.addi %add3A_67, %add3A_168 : i32
      %add3A_170 = arith.constant 24 : i32
      %add3A_171 = arith.addi %add3A_67, %add3A_170 : i32
      %add3A_172 = arith.addi %select_n3A_8, %select_n3A : i32
      %lt3A_173 = arith.cmpi slt, %add3A_171, %add3A_172 : i32
      %dma_wait3A_174 = arith.constant 0 : i32
      %dma_wait3A_175 = tpu.memref_slice %arg2[%dma_wait3A_174] : memref<327680xi32, #tpu.memory_space<hbm>> -> memref<1024xi32, #tpu.memory_space<hbm>>
      %dma_wait3A_176 = arith.constant 0 : i32
      %dma_wait3A_177 = tpu.memref_slice %arg2[%dma_wait3A_176] : memref<327680xi32, #tpu.memory_space<hbm>> -> memref<1024xi32, #tpu.memory_space<hbm>>
      tpu.wait_dma2 semaphore(%arg15 : memref<!tpu.dma_semaphore, #tpu.memory_space<semaphore_mem>>) src(%dma_wait3A_177 : memref<1024xi32, #tpu.memory_space<hbm>>) dst(%arg8 : memref<1024xi32, #tpu.memory_space<vmem>>)
      %dma_wait3A_178 = arith.constant 0 : i32
      %dma_wait3A_179 = arith.constant 0 : i32
      %dma_wait3A_180 = tpu.memref_slice %arg3[%dma_wait3A_178, %dma_wait3A_179] : memref<2560x128xi32, #tpu.memory_space<hbm>> -> memref<8x128xi32, #tpu.memory_space<hbm>>
      %dma_wait3A_181 = arith.constant 0 : i32
      %dma_wait3A_182 = arith.constant 0 : i32
      %dma_wait3A_183 = tpu.memref_slice %arg3[%dma_wait3A_181, %dma_wait3A_182] : memref<2560x128xi32, #tpu.memory_space<hbm>> -> memref<8x128xi32, #tpu.memory_space<hbm>>
      tpu.wait_dma2 semaphore(%arg17 : memref<!tpu.dma_semaphore, #tpu.memory_space<semaphore_mem>>) src(%dma_wait3A_183 : memref<8x128xi32, #tpu.memory_space<hbm>>) dst(%arg10 : memref<8x128xi32, #tpu.memory_space<vmem>>)
      %dma_start3A_184 = arith.constant 0 : i32
      %dma_start3A_185 = tpu.memref_slice %arg8[%dma_start3A_184] : memref<1024xi32, #tpu.memory_space<vmem>> -> memref<128xi32, #tpu.memory_space<vmem>>
      %dma_start3A_186 = arith.constant 0 : i32
      %dma_start3A_187 = arith.constant 0 : i32
      %dma_start3A_188 = tpu.memref_slice %arg4[%dma_start3A_186, %dma_start3A_187] : memref<10240x128xf32, #tpu.memory_space<hbm>> -> memref<10240x128xf32, #tpu.memory_space<hbm>>
      tpu.enqueue_indirect_dma source(%dma_start3A_188 : memref<10240x128xf32, #tpu.memory_space<hbm>>) target(%arg11 : memref<128x128xf32, #tpu.memory_space<vmem>>) offsets(%dma_start3A_185 : memref<128xi32, #tpu.memory_space<vmem>>) semaphore(%arg13 : memref<!tpu.dma_semaphore, #tpu.memory_space<semaphore_mem>>)
      %dma_wait3A_189 = arith.constant 0 : i32
      %dma_wait3A_190 = tpu.memref_slice %arg8[%dma_wait3A_189] : memref<1024xi32, #tpu.memory_space<vmem>> -> memref<128xi32, #tpu.memory_space<vmem>>
      %dma_wait3A_191 = arith.constant 0 : i32
      %dma_wait3A_192 = arith.constant 0 : i32
      %dma_wait3A_193 = tpu.memref_slice %arg4[%dma_wait3A_191, %dma_wait3A_192] : memref<10240x128xf32, #tpu.memory_space<hbm>> -> memref<10240x128xf32, #tpu.memory_space<hbm>>
      tpu.wait_indirect_dma semaphore(%arg13 : memref<!tpu.dma_semaphore, #tpu.memory_space<semaphore_mem>>) src(%dma_wait3A_193 : memref<10240x128xf32, #tpu.memory_space<hbm>>) dst(%arg11 : memref<128x128xf32, #tpu.memory_space<vmem>>)
      %run_scoped3A_194 = arith.constant 0 : i32
      "tpu.region"() ({
        %run_scoped3A_275 = tpu.sem_alloc : memref<!tpu.dma_semaphore, #tpu.memory_space<semaphore_mem>>
        %dma_start3A_276 = arith.constant 0 : i32
        %dma_start3A_277 = tpu.memref_slice %arg10[%run_scoped3A_194, %dma_start3A_276] : memref<8x128xi32, #tpu.memory_space<vmem>> -> memref<1x128xi32, #tpu.memory_space<vmem>>
        %dma_start3A_278 = tpu.memref_squeeze %dma_start3A_277 : memref<1x128xi32, #tpu.memory_space<vmem>> -> memref<128xi32, #tpu.memory_space<vmem>>
        %dma_start3A_279 = arith.constant 0 : i32
        %dma_start3A_280 = arith.constant 0 : i32
        %dma_start3A_281 = tpu.memref_slice %arg12[%dma_start3A_279, %dma_start3A_280] : memref<10240x128xf32, #tpu.memory_space<vmem_shared>> -> memref<10240x128xf32, #tpu.memory_space<vmem_shared>>
        tpu.enqueue_indirect_dma source(%arg11 : memref<128x128xf32, #tpu.memory_space<vmem>>) target(%dma_start3A_281 : memref<10240x128xf32, #tpu.memory_space<vmem_shared>>) offsets(%dma_start3A_278 : memref<128xi32, #tpu.memory_space<vmem>>) semaphore(%run_scoped3A_275 : memref<!tpu.dma_semaphore, #tpu.memory_space<semaphore_mem>>) {add = true}
        %dma_wait3A_282 = arith.constant 0 : i32
        %dma_wait3A_283 = tpu.memref_slice %arg10[%run_scoped3A_194, %dma_wait3A_282] : memref<8x128xi32, #tpu.memory_space<vmem>> -> memref<1x128xi32, #tpu.memory_space<vmem>>
        %dma_wait3A_284 = tpu.memref_squeeze %dma_wait3A_283 : memref<1x128xi32, #tpu.memory_space<vmem>> -> memref<128xi32, #tpu.memory_space<vmem>>
        %dma_wait3A_285 = arith.constant 0 : i32
        %dma_wait3A_286 = arith.constant 0 : i32
        %dma_wait3A_287 = tpu.memref_slice %arg12[%dma_wait3A_285, %dma_wait3A_286] : memref<10240x128xf32, #tpu.memory_space<vmem_shared>> -> memref<10240x128xf32, #tpu.memory_space<vmem_shared>>
        tpu.wait_indirect_dma semaphore(%run_scoped3A_275 : memref<!tpu.dma_semaphore, #tpu.memory_space<semaphore_mem>>) src(%arg11 : memref<128x128xf32, #tpu.memory_space<vmem>>) dst(%dma_wait3A_287 : memref<10240x128xf32, #tpu.memory_space<vmem_shared>>)
        tpu.yield
      }) : () -> ()
      %dma_start3A_195 = arith.constant 128 : i32
      %dma_start3A_196 = tpu.memref_slice %arg8[%dma_start3A_195] : memref<1024xi32, #tpu.memory_space<vmem>> -> memref<128xi32, #tpu.memory_space<vmem>>
      %dma_start3A_197 = arith.constant 0 : i32
      %dma_start3A_198 = arith.constant 0 : i32
      %dma_start3A_199 = tpu.memref_slice %arg4[%dma_start3A_197, %dma_start3A_198] : memref<10240x128xf32, #tpu.memory_space<hbm>> -> memref<10240x128xf32, #tpu.memory_space<hbm>>
      tpu.enqueue_indirect_dma source(%dma_start3A_199 : memref<10240x128xf32, #tpu.memory_space<hbm>>) target(%arg11 : memref<128x128xf32, #tpu.memory_space<vmem>>) offsets(%dma_start3A_196 : memref<128xi32, #tpu.memory_space<vmem>>) semaphore(%arg13 : memref<!tpu.dma_semaphore, #tpu.memory_space<semaphore_mem>>)
      %dma_wait3A_200 = arith.constant 128 : i32
      %dma_wait3A_201 = tpu.memref_slice %arg8[%dma_wait3A_200] : memref<1024xi32, #tpu.memory_space<vmem>> -> memref<128xi32, #tpu.memory_space<vmem>>
      %dma_wait3A_202 = arith.constant 0 : i32
      %dma_wait3A_203 = arith.constant 0 : i32
      %dma_wait3A_204 = tpu.memref_slice %arg4[%dma_wait3A_202, %dma_wait3A_203] : memref<10240x128xf32, #tpu.memory_space<hbm>> -> memref<10240x128xf32, #tpu.memory_space<hbm>>
      tpu.wait_indirect_dma semaphore(%arg13 : memref<!tpu.dma_semaphore, #tpu.memory_space<semaphore_mem>>) src(%dma_wait3A_204 : memref<10240x128xf32, #tpu.memory_space<hbm>>) dst(%arg11 : memref<128x128xf32, #tpu.memory_space<vmem>>)
      %run_scoped3A_205 = arith.constant 1 : i32
      "tpu.region"() ({
        %run_scoped3A_275 = tpu.sem_alloc : memref<!tpu.dma_semaphore, #tpu.memory_space<semaphore_mem>>
        %dma_start3A_276 = arith.constant 0 : i32
        %dma_start3A_277 = tpu.memref_slice %arg10[%run_scoped3A_205, %dma_start3A_276] : memref<8x128xi32, #tpu.memory_space<vmem>> -> memref<1x128xi32, #tpu.memory_space<vmem>>
        %dma_start3A_278 = tpu.memref_squeeze %dma_start3A_277 : memref<1x128xi32, #tpu.memory_space<vmem>> -> memref<128xi32, #tpu.memory_space<vmem>>
        %dma_start3A_279 = arith.constant 0 : i32
        %dma_start3A_280 = arith.constant 0 : i32
        %dma_start3A_281 = tpu.memref_slice %arg12[%dma_start3A_279, %dma_start3A_280] : memref<10240x128xf32, #tpu.memory_space<vmem_shared>> -> memref<10240x128xf32, #tpu.memory_space<vmem_shared>>
        tpu.enqueue_indirect_dma source(%arg11 : memref<128x128xf32, #tpu.memory_space<vmem>>) target(%dma_start3A_281 : memref<10240x128xf32, #tpu.memory_space<vmem_shared>>) offsets(%dma_start3A_278 : memref<128xi32, #tpu.memory_space<vmem>>) semaphore(%run_scoped3A_275 : memref<!tpu.dma_semaphore, #tpu.memory_space<semaphore_mem>>) {add = true}
        %dma_wait3A_282 = arith.constant 0 : i32
        %dma_wait3A_283 = tpu.memref_slice %arg10[%run_scoped3A_205, %dma_wait3A_282] : memref<8x128xi32, #tpu.memory_space<vmem>> -> memref<1x128xi32, #tpu.memory_space<vmem>>
        %dma_wait3A_284 = tpu.memref_squeeze %dma_wait3A_283 : memref<1x128xi32, #tpu.memory_space<vmem>> -> memref<128xi32, #tpu.memory_space<vmem>>
        %dma_wait3A_285 = arith.constant 0 : i32
        %dma_wait3A_286 = arith.constant 0 : i32
        %dma_wait3A_287 = tpu.memref_slice %arg12[%dma_wait3A_285, %dma_wait3A_286] : memref<10240x128xf32, #tpu.memory_space<vmem_shared>> -> memref<10240x128xf32, #tpu.memory_space<vmem_shared>>
        tpu.wait_indirect_dma semaphore(%run_scoped3A_275 : memref<!tpu.dma_semaphore, #tpu.memory_space<semaphore_mem>>) src(%arg11 : memref<128x128xf32, #tpu.memory_space<vmem>>) dst(%dma_wait3A_287 : memref<10240x128xf32, #tpu.memory_space<vmem_shared>>)
        tpu.yield
      }) : () -> ()
      %dma_start3A_206 = arith.constant 256 : i32
      %dma_start3A_207 = tpu.memref_slice %arg8[%dma_start3A_206] : memref<1024xi32, #tpu.memory_space<vmem>> -> memref<128xi32, #tpu.memory_space<vmem>>
      %dma_start3A_208 = arith.constant 0 : i32
      %dma_start3A_209 = arith.constant 0 : i32
      %dma_start3A_210 = tpu.memref_slice %arg4[%dma_start3A_208, %dma_start3A_209] : memref<10240x128xf32, #tpu.memory_space<hbm>> -> memref<10240x128xf32, #tpu.memory_space<hbm>>
      tpu.enqueue_indirect_dma source(%dma_start3A_210 : memref<10240x128xf32, #tpu.memory_space<hbm>>) target(%arg11 : memref<128x128xf32, #tpu.memory_space<vmem>>) offsets(%dma_start3A_207 : memref<128xi32, #tpu.memory_space<vmem>>) semaphore(%arg13 : memref<!tpu.dma_semaphore, #tpu.memory_space<semaphore_mem>>)
      %dma_wait3A_211 = arith.constant 256 : i32
      %dma_wait3A_212 = tpu.memref_slice %arg8[%dma_wait3A_211] : memref<1024xi32, #tpu.memory_space<vmem>> -> memref<128xi32, #tpu.memory_space<vmem>>
      %dma_wait3A_213 = arith.constant 0 : i32
      %dma_wait3A_214 = arith.constant 0 : i32
      %dma_wait3A_215 = tpu.memref_slice %arg4[%dma_wait3A_213, %dma_wait3A_214] : memref<10240x128xf32, #tpu.memory_space<hbm>> -> memref<10240x128xf32, #tpu.memory_space<hbm>>
      tpu.wait_indirect_dma semaphore(%arg13 : memref<!tpu.dma_semaphore, #tpu.memory_space<semaphore_mem>>) src(%dma_wait3A_215 : memref<10240x128xf32, #tpu.memory_space<hbm>>) dst(%arg11 : memref<128x128xf32, #tpu.memory_space<vmem>>)
      %run_scoped3A_216 = arith.constant 2 : i32
      "tpu.region"() ({
        %run_scoped3A_275 = tpu.sem_alloc : memref<!tpu.dma_semaphore, #tpu.memory_space<semaphore_mem>>
        %dma_start3A_276 = arith.constant 0 : i32
        %dma_start3A_277 = tpu.memref_slice %arg10[%run_scoped3A_216, %dma_start3A_276] : memref<8x128xi32, #tpu.memory_space<vmem>> -> memref<1x128xi32, #tpu.memory_space<vmem>>
        %dma_start3A_278 = tpu.memref_squeeze %dma_start3A_277 : memref<1x128xi32, #tpu.memory_space<vmem>> -> memref<128xi32, #tpu.memory_space<vmem>>
        %dma_start3A_279 = arith.constant 0 : i32
        %dma_start3A_280 = arith.constant 0 : i32
        %dma_start3A_281 = tpu.memref_slice %arg12[%dma_start3A_279, %dma_start3A_280] : memref<10240x128xf32, #tpu.memory_space<vmem_shared>> -> memref<10240x128xf32, #tpu.memory_space<vmem_shared>>
        tpu.enqueue_indirect_dma source(%arg11 : memref<128x128xf32, #tpu.memory_space<vmem>>) target(%dma_start3A_281 : memref<10240x128xf32, #tpu.memory_space<vmem_shared>>) offsets(%dma_start3A_278 : memref<128xi32, #tpu.memory_space<vmem>>) semaphore(%run_scoped3A_275 : memref<!tpu.dma_semaphore, #tpu.memory_space<semaphore_mem>>) {add = true}
        %dma_wait3A_282 = arith.constant 0 : i32
        %dma_wait3A_283 = tpu.memref_slice %arg10[%run_scoped3A_216, %dma_wait3A_282] : memref<8x128xi32, #tpu.memory_space<vmem>> -> memref<1x128xi32, #tpu.memory_space<vmem>>
        %dma_wait3A_284 = tpu.memref_squeeze %dma_wait3A_283 : memref<1x128xi32, #tpu.memory_space<vmem>> -> memref<128xi32, #tpu.memory_space<vmem>>
        %dma_wait3A_285 = arith.constant 0 : i32
        %dma_wait3A_286 = arith.constant 0 : i32
        %dma_wait3A_287 = tpu.memref_slice %arg12[%dma_wait3A_285, %dma_wait3A_286] : memref<10240x128xf32, #tpu.memory_space<vmem_shared>> -> memref<10240x128xf32, #tpu.memory_space<vmem_shared>>
        tpu.wait_indirect_dma semaphore(%run_scoped3A_275 : memref<!tpu.dma_semaphore, #tpu.memory_space<semaphore_mem>>) src(%arg11 : memref<128x128xf32, #tpu.memory_space<vmem>>) dst(%dma_wait3A_287 : memref<10240x128xf32, #tpu.memory_space<vmem_shared>>)
        tpu.yield
      }) : () -> ()
      %dma_start3A_217 = arith.constant 384 : i32
      %dma_start3A_218 = tpu.memref_slice %arg8[%dma_start3A_217] : memref<1024xi32, #tpu.memory_space<vmem>> -> memref<128xi32, #tpu.memory_space<vmem>>
      %dma_start3A_219 = arith.constant 0 : i32
      %dma_start3A_220 = arith.constant 0 : i32
      %dma_start3A_221 = tpu.memref_slice %arg4[%dma_start3A_219, %dma_start3A_220] : memref<10240x128xf32, #tpu.memory_space<hbm>> -> memref<10240x128xf32, #tpu.memory_space<hbm>>
      tpu.enqueue_indirect_dma source(%dma_start3A_221 : memref<10240x128xf32, #tpu.memory_space<hbm>>) target(%arg11 : memref<128x128xf32, #tpu.memory_space<vmem>>) offsets(%dma_start3A_218 : memref<128xi32, #tpu.memory_space<vmem>>) semaphore(%arg13 : memref<!tpu.dma_semaphore, #tpu.memory_space<semaphore_mem>>)
      %dma_wait3A_222 = arith.constant 384 : i32
      %dma_wait3A_223 = tpu.memref_slice %arg8[%dma_wait3A_222] : memref<1024xi32, #tpu.memory_space<vmem>> -> memref<128xi32, #tpu.memory_space<vmem>>
      %dma_wait3A_224 = arith.constant 0 : i32
      %dma_wait3A_225 = arith.constant 0 : i32
      %dma_wait3A_226 = tpu.memref_slice %arg4[%dma_wait3A_224, %dma_wait3A_225] : memref<10240x128xf32, #tpu.memory_space<hbm>> -> memref<10240x128xf32, #tpu.memory_space<hbm>>
      tpu.wait_indirect_dma semaphore(%arg13 : memref<!tpu.dma_semaphore, #tpu.memory_space<semaphore_mem>>) src(%dma_wait3A_226 : memref<10240x128xf32, #tpu.memory_space<hbm>>) dst(%arg11 : memref<128x128xf32, #tpu.memory_space<vmem>>)
      %run_scoped3A_227 = arith.constant 3 : i32
      "tpu.region"() ({
        %run_scoped3A_275 = tpu.sem_alloc : memref<!tpu.dma_semaphore, #tpu.memory_space<semaphore_mem>>
        %dma_start3A_276 = arith.constant 0 : i32
        %dma_start3A_277 = tpu.memref_slice %arg10[%run_scoped3A_227, %dma_start3A_276] : memref<8x128xi32, #tpu.memory_space<vmem>> -> memref<1x128xi32, #tpu.memory_space<vmem>>
        %dma_start3A_278 = tpu.memref_squeeze %dma_start3A_277 : memref<1x128xi32, #tpu.memory_space<vmem>> -> memref<128xi32, #tpu.memory_space<vmem>>
        %dma_start3A_279 = arith.constant 0 : i32
        %dma_start3A_280 = arith.constant 0 : i32
        %dma_start3A_281 = tpu.memref_slice %arg12[%dma_start3A_279, %dma_start3A_280] : memref<10240x128xf32, #tpu.memory_space<vmem_shared>> -> memref<10240x128xf32, #tpu.memory_space<vmem_shared>>
        tpu.enqueue_indirect_dma source(%arg11 : memref<128x128xf32, #tpu.memory_space<vmem>>) target(%dma_start3A_281 : memref<10240x128xf32, #tpu.memory_space<vmem_shared>>) offsets(%dma_start3A_278 : memref<128xi32, #tpu.memory_space<vmem>>) semaphore(%run_scoped3A_275 : memref<!tpu.dma_semaphore, #tpu.memory_space<semaphore_mem>>) {add = true}
        %dma_wait3A_282 = arith.constant 0 : i32
        %dma_wait3A_283 = tpu.memref_slice %arg10[%run_scoped3A_227, %dma_wait3A_282] : memref<8x128xi32, #tpu.memory_space<vmem>> -> memref<1x128xi32, #tpu.memory_space<vmem>>
        %dma_wait3A_284 = tpu.memref_squeeze %dma_wait3A_283 : memref<1x128xi32, #tpu.memory_space<vmem>> -> memref<128xi32, #tpu.memory_space<vmem>>
        %dma_wait3A_285 = arith.constant 0 : i32
        %dma_wait3A_286 = arith.constant 0 : i32
        %dma_wait3A_287 = tpu.memref_slice %arg12[%dma_wait3A_285, %dma_wait3A_286] : memref<10240x128xf32, #tpu.memory_space<vmem_shared>> -> memref<10240x128xf32, #tpu.memory_space<vmem_shared>>
        tpu.wait_indirect_dma semaphore(%run_scoped3A_275 : memref<!tpu.dma_semaphore, #tpu.memory_space<semaphore_mem>>) src(%arg11 : memref<128x128xf32, #tpu.memory_space<vmem>>) dst(%dma_wait3A_287 : memref<10240x128xf32, #tpu.memory_space<vmem_shared>>)
        tpu.yield
      }) : () -> ()
      %dma_start3A_228 = arith.constant 512 : i32
      %dma_start3A_229 = tpu.memref_slice %arg8[%dma_start3A_228] : memref<1024xi32, #tpu.memory_space<vmem>> -> memref<128xi32, #tpu.memory_space<vmem>>
      %dma_start3A_230 = arith.constant 0 : i32
      %dma_start3A_231 = arith.constant 0 : i32
      %dma_start3A_232 = tpu.memref_slice %arg4[%dma_start3A_230, %dma_start3A_231] : memref<10240x128xf32, #tpu.memory_space<hbm>> -> memref<10240x128xf32, #tpu.memory_space<hbm>>
      tpu.enqueue_indirect_dma source(%dma_start3A_232 : memref<10240x128xf32, #tpu.memory_space<hbm>>) target(%arg11 : memref<128x128xf32, #tpu.memory_space<vmem>>) offsets(%dma_start3A_229 : memref<128xi32, #tpu.memory_space<vmem>>) semaphore(%arg13 : memref<!tpu.dma_semaphore, #tpu.memory_space<semaphore_mem>>)
      %dma_wait3A_233 = arith.constant 512 : i32
      %dma_wait3A_234 = tpu.memref_slice %arg8[%dma_wait3A_233] : memref<1024xi32, #tpu.memory_space<vmem>> -> memref<128xi32, #tpu.memory_space<vmem>>
      %dma_wait3A_235 = arith.constant 0 : i32
      %dma_wait3A_236 = arith.constant 0 : i32
      %dma_wait3A_237 = tpu.memref_slice %arg4[%dma_wait3A_235, %dma_wait3A_236] : memref<10240x128xf32, #tpu.memory_space<hbm>> -> memref<10240x128xf32, #tpu.memory_space<hbm>>
      tpu.wait_indirect_dma semaphore(%arg13 : memref<!tpu.dma_semaphore, #tpu.memory_space<semaphore_mem>>) src(%dma_wait3A_237 : memref<10240x128xf32, #tpu.memory_space<hbm>>) dst(%arg11 : memref<128x128xf32, #tpu.memory_space<vmem>>)
      %run_scoped3A_238 = arith.constant 4 : i32
      "tpu.region"() ({
        %run_scoped3A_275 = tpu.sem_alloc : memref<!tpu.dma_semaphore, #tpu.memory_space<semaphore_mem>>
        %dma_start3A_276 = arith.constant 0 : i32
        %dma_start3A_277 = tpu.memref_slice %arg10[%run_scoped3A_238, %dma_start3A_276] : memref<8x128xi32, #tpu.memory_space<vmem>> -> memref<1x128xi32, #tpu.memory_space<vmem>>
        %dma_start3A_278 = tpu.memref_squeeze %dma_start3A_277 : memref<1x128xi32, #tpu.memory_space<vmem>> -> memref<128xi32, #tpu.memory_space<vmem>>
        %dma_start3A_279 = arith.constant 0 : i32
        %dma_start3A_280 = arith.constant 0 : i32
        %dma_start3A_281 = tpu.memref_slice %arg12[%dma_start3A_279, %dma_start3A_280] : memref<10240x128xf32, #tpu.memory_space<vmem_shared>> -> memref<10240x128xf32, #tpu.memory_space<vmem_shared>>
        tpu.enqueue_indirect_dma source(%arg11 : memref<128x128xf32, #tpu.memory_space<vmem>>) target(%dma_start3A_281 : memref<10240x128xf32, #tpu.memory_space<vmem_shared>>) offsets(%dma_start3A_278 : memref<128xi32, #tpu.memory_space<vmem>>) semaphore(%run_scoped3A_275 : memref<!tpu.dma_semaphore, #tpu.memory_space<semaphore_mem>>) {add = true}
        %dma_wait3A_282 = arith.constant 0 : i32
        %dma_wait3A_283 = tpu.memref_slice %arg10[%run_scoped3A_238, %dma_wait3A_282] : memref<8x128xi32, #tpu.memory_space<vmem>> -> memref<1x128xi32, #tpu.memory_space<vmem>>
        %dma_wait3A_284 = tpu.memref_squeeze %dma_wait3A_283 : memref<1x128xi32, #tpu.memory_space<vmem>> -> memref<128xi32, #tpu.memory_space<vmem>>
        %dma_wait3A_285 = arith.constant 0 : i32
        %dma_wait3A_286 = arith.constant 0 : i32
        %dma_wait3A_287 = tpu.memref_slice %arg12[%dma_wait3A_285, %dma_wait3A_286] : memref<10240x128xf32, #tpu.memory_space<vmem_shared>> -> memref<10240x128xf32, #tpu.memory_space<vmem_shared>>
        tpu.wait_indirect_dma semaphore(%run_scoped3A_275 : memref<!tpu.dma_semaphore, #tpu.memory_space<semaphore_mem>>) src(%arg11 : memref<128x128xf32, #tpu.memory_space<vmem>>) dst(%dma_wait3A_287 : memref<10240x128xf32, #tpu.memory_space<vmem_shared>>)
        tpu.yield
      }) : () -> ()
      %dma_start3A_239 = arith.constant 640 : i32
      %dma_start3A_240 = tpu.memref_slice %arg8[%dma_start3A_239] : memref<1024xi32, #tpu.memory_space<vmem>> -> memref<128xi32, #tpu.memory_space<vmem>>
      %dma_start3A_241 = arith.constant 0 : i32
      %dma_start3A_242 = arith.constant 0 : i32
      %dma_start3A_243 = tpu.memref_slice %arg4[%dma_start3A_241, %dma_start3A_242] : memref<10240x128xf32, #tpu.memory_space<hbm>> -> memref<10240x128xf32, #tpu.memory_space<hbm>>
      tpu.enqueue_indirect_dma source(%dma_start3A_243 : memref<10240x128xf32, #tpu.memory_space<hbm>>) target(%arg11 : memref<128x128xf32, #tpu.memory_space<vmem>>) offsets(%dma_start3A_240 : memref<128xi32, #tpu.memory_space<vmem>>) semaphore(%arg13 : memref<!tpu.dma_semaphore, #tpu.memory_space<semaphore_mem>>)
      %dma_wait3A_244 = arith.constant 640 : i32
      %dma_wait3A_245 = tpu.memref_slice %arg8[%dma_wait3A_244] : memref<1024xi32, #tpu.memory_space<vmem>> -> memref<128xi32, #tpu.memory_space<vmem>>
      %dma_wait3A_246 = arith.constant 0 : i32
      %dma_wait3A_247 = arith.constant 0 : i32
      %dma_wait3A_248 = tpu.memref_slice %arg4[%dma_wait3A_246, %dma_wait3A_247] : memref<10240x128xf32, #tpu.memory_space<hbm>> -> memref<10240x128xf32, #tpu.memory_space<hbm>>
      tpu.wait_indirect_dma semaphore(%arg13 : memref<!tpu.dma_semaphore, #tpu.memory_space<semaphore_mem>>) src(%dma_wait3A_248 : memref<10240x128xf32, #tpu.memory_space<hbm>>) dst(%arg11 : memref<128x128xf32, #tpu.memory_space<vmem>>)
      %run_scoped3A_249 = arith.constant 5 : i32
      "tpu.region"() ({
        %run_scoped3A_275 = tpu.sem_alloc : memref<!tpu.dma_semaphore, #tpu.memory_space<semaphore_mem>>
        %dma_start3A_276 = arith.constant 0 : i32
        %dma_start3A_277 = tpu.memref_slice %arg10[%run_scoped3A_249, %dma_start3A_276] : memref<8x128xi32, #tpu.memory_space<vmem>> -> memref<1x128xi32, #tpu.memory_space<vmem>>
        %dma_start3A_278 = tpu.memref_squeeze %dma_start3A_277 : memref<1x128xi32, #tpu.memory_space<vmem>> -> memref<128xi32, #tpu.memory_space<vmem>>
        %dma_start3A_279 = arith.constant 0 : i32
        %dma_start3A_280 = arith.constant 0 : i32
        %dma_start3A_281 = tpu.memref_slice %arg12[%dma_start3A_279, %dma_start3A_280] : memref<10240x128xf32, #tpu.memory_space<vmem_shared>> -> memref<10240x128xf32, #tpu.memory_space<vmem_shared>>
        tpu.enqueue_indirect_dma source(%arg11 : memref<128x128xf32, #tpu.memory_space<vmem>>) target(%dma_start3A_281 : memref<10240x128xf32, #tpu.memory_space<vmem_shared>>) offsets(%dma_start3A_278 : memref<128xi32, #tpu.memory_space<vmem>>) semaphore(%run_scoped3A_275 : memref<!tpu.dma_semaphore, #tpu.memory_space<semaphore_mem>>) {add = true}
        %dma_wait3A_282 = arith.constant 0 : i32
        %dma_wait3A_283 = tpu.memref_slice %arg10[%run_scoped3A_249, %dma_wait3A_282] : memref<8x128xi32, #tpu.memory_space<vmem>> -> memref<1x128xi32, #tpu.memory_space<vmem>>
        %dma_wait3A_284 = tpu.memref_squeeze %dma_wait3A_283 : memref<1x128xi32, #tpu.memory_space<vmem>> -> memref<128xi32, #tpu.memory_space<vmem>>
        %dma_wait3A_285 = arith.constant 0 : i32
        %dma_wait3A_286 = arith.constant 0 : i32
        %dma_wait3A_287 = tpu.memref_slice %arg12[%dma_wait3A_285, %dma_wait3A_286] : memref<10240x128xf32, #tpu.memory_space<vmem_shared>> -> memref<10240x128xf32, #tpu.memory_space<vmem_shared>>
        tpu.wait_indirect_dma semaphore(%run_scoped3A_275 : memref<!tpu.dma_semaphore, #tpu.memory_space<semaphore_mem>>) src(%arg11 : memref<128x128xf32, #tpu.memory_space<vmem>>) dst(%dma_wait3A_287 : memref<10240x128xf32, #tpu.memory_space<vmem_shared>>)
        tpu.yield
      }) : () -> ()
      %dma_start3A_250 = arith.constant 768 : i32
      %dma_start3A_251 = tpu.memref_slice %arg8[%dma_start3A_250] : memref<1024xi32, #tpu.memory_space<vmem>> -> memref<128xi32, #tpu.memory_space<vmem>>
      %dma_start3A_252 = arith.constant 0 : i32
      %dma_start3A_253 = arith.constant 0 : i32
      %dma_start3A_254 = tpu.memref_slice %arg4[%dma_start3A_252, %dma_start3A_253] : memref<10240x128xf32, #tpu.memory_space<hbm>> -> memref<10240x128xf32, #tpu.memory_space<hbm>>
      tpu.enqueue_indirect_dma source(%dma_start3A_254 : memref<10240x128xf32, #tpu.memory_space<hbm>>) target(%arg11 : memref<128x128xf32, #tpu.memory_space<vmem>>) offsets(%dma_start3A_251 : memref<128xi32, #tpu.memory_space<vmem>>) semaphore(%arg13 : memref<!tpu.dma_semaphore, #tpu.memory_space<semaphore_mem>>)
      %dma_wait3A_255 = arith.constant 768 : i32
      %dma_wait3A_256 = tpu.memref_slice %arg8[%dma_wait3A_255] : memref<1024xi32, #tpu.memory_space<vmem>> -> memref<128xi32, #tpu.memory_space<vmem>>
      %dma_wait3A_257 = arith.constant 0 : i32
      %dma_wait3A_258 = arith.constant 0 : i32
      %dma_wait3A_259 = tpu.memref_slice %arg4[%dma_wait3A_257, %dma_wait3A_258] : memref<10240x128xf32, #tpu.memory_space<hbm>> -> memref<10240x128xf32, #tpu.memory_space<hbm>>
      tpu.wait_indirect_dma semaphore(%arg13 : memref<!tpu.dma_semaphore, #tpu.memory_space<semaphore_mem>>) src(%dma_wait3A_259 : memref<10240x128xf32, #tpu.memory_space<hbm>>) dst(%arg11 : memref<128x128xf32, #tpu.memory_space<vmem>>)
      %run_scoped3A_260 = arith.constant 6 : i32
      "tpu.region"() ({
        %run_scoped3A_275 = tpu.sem_alloc : memref<!tpu.dma_semaphore, #tpu.memory_space<semaphore_mem>>
        %dma_start3A_276 = arith.constant 0 : i32
        %dma_start3A_277 = tpu.memref_slice %arg10[%run_scoped3A_260, %dma_start3A_276] : memref<8x128xi32, #tpu.memory_space<vmem>> -> memref<1x128xi32, #tpu.memory_space<vmem>>
        %dma_start3A_278 = tpu.memref_squeeze %dma_start3A_277 : memref<1x128xi32, #tpu.memory_space<vmem>> -> memref<128xi32, #tpu.memory_space<vmem>>
        %dma_start3A_279 = arith.constant 0 : i32
        %dma_start3A_280 = arith.constant 0 : i32
        %dma_start3A_281 = tpu.memref_slice %arg12[%dma_start3A_279, %dma_start3A_280] : memref<10240x128xf32, #tpu.memory_space<vmem_shared>> -> memref<10240x128xf32, #tpu.memory_space<vmem_shared>>
        tpu.enqueue_indirect_dma source(%arg11 : memref<128x128xf32, #tpu.memory_space<vmem>>) target(%dma_start3A_281 : memref<10240x128xf32, #tpu.memory_space<vmem_shared>>) offsets(%dma_start3A_278 : memref<128xi32, #tpu.memory_space<vmem>>) semaphore(%run_scoped3A_275 : memref<!tpu.dma_semaphore, #tpu.memory_space<semaphore_mem>>) {add = true}
        %dma_wait3A_282 = arith.constant 0 : i32
        %dma_wait3A_283 = tpu.memref_slice %arg10[%run_scoped3A_260, %dma_wait3A_282] : memref<8x128xi32, #tpu.memory_space<vmem>> -> memref<1x128xi32, #tpu.memory_space<vmem>>
        %dma_wait3A_284 = tpu.memref_squeeze %dma_wait3A_283 : memref<1x128xi32, #tpu.memory_space<vmem>> -> memref<128xi32, #tpu.memory_space<vmem>>
        %dma_wait3A_285 = arith.constant 0 : i32
        %dma_wait3A_286 = arith.constant 0 : i32
        %dma_wait3A_287 = tpu.memref_slice %arg12[%dma_wait3A_285, %dma_wait3A_286] : memref<10240x128xf32, #tpu.memory_space<vmem_shared>> -> memref<10240x128xf32, #tpu.memory_space<vmem_shared>>
        tpu.wait_indirect_dma semaphore(%run_scoped3A_275 : memref<!tpu.dma_semaphore, #tpu.memory_space<semaphore_mem>>) src(%arg11 : memref<128x128xf32, #tpu.memory_space<vmem>>) dst(%dma_wait3A_287 : memref<10240x128xf32, #tpu.memory_space<vmem_shared>>)
        tpu.yield
      }) : () -> ()
      %dma_start3A_261 = arith.constant 896 : i32
      %dma_start3A_262 = tpu.memref_slice %arg8[%dma_start3A_261] : memref<1024xi32, #tpu.memory_space<vmem>> -> memref<128xi32, #tpu.memory_space<vmem>>
      %dma_start3A_263 = arith.constant 0 : i32
      %dma_start3A_264 = arith.constant 0 : i32
      %dma_start3A_265 = tpu.memref_slice %arg4[%dma_start3A_263, %dma_start3A_264] : memref<10240x128xf32, #tpu.memory_space<hbm>> -> memref<10240x128xf32, #tpu.memory_space<hbm>>
      tpu.enqueue_indirect_dma source(%dma_start3A_265 : memref<10240x128xf32, #tpu.memory_space<hbm>>) target(%arg11 : memref<128x128xf32, #tpu.memory_space<vmem>>) offsets(%dma_start3A_262 : memref<128xi32, #tpu.memory_space<vmem>>) semaphore(%arg13 : memref<!tpu.dma_semaphore, #tpu.memory_space<semaphore_mem>>)
      %dma_wait3A_266 = arith.constant 896 : i32
      %dma_wait3A_267 = tpu.memref_slice %arg8[%dma_wait3A_266] : memref<1024xi32, #tpu.memory_space<vmem>> -> memref<128xi32, #tpu.memory_space<vmem>>
      %dma_wait3A_268 = arith.constant 0 : i32
      %dma_wait3A_269 = arith.constant 0 : i32
      %dma_wait3A_270 = tpu.memref_slice %arg4[%dma_wait3A_268, %dma_wait3A_269] : memref<10240x128xf32, #tpu.memory_space<hbm>> -> memref<10240x128xf32, #tpu.memory_space<hbm>>
      tpu.wait_indirect_dma semaphore(%arg13 : memref<!tpu.dma_semaphore, #tpu.memory_space<semaphore_mem>>) src(%dma_wait3A_270 : memref<10240x128xf32, #tpu.memory_space<hbm>>) dst(%arg11 : memref<128x128xf32, #tpu.memory_space<vmem>>)
      %run_scoped3A_271 = arith.constant 7 : i32
      "tpu.region"() ({
        %run_scoped3A_275 = tpu.sem_alloc : memref<!tpu.dma_semaphore, #tpu.memory_space<semaphore_mem>>
        %dma_start3A_276 = arith.constant 0 : i32
        %dma_start3A_277 = tpu.memref_slice %arg10[%run_scoped3A_271, %dma_start3A_276] : memref<8x128xi32, #tpu.memory_space<vmem>> -> memref<1x128xi32, #tpu.memory_space<vmem>>
        %dma_start3A_278 = tpu.memref_squeeze %dma_start3A_277 : memref<1x128xi32, #tpu.memory_space<vmem>> -> memref<128xi32, #tpu.memory_space<vmem>>
        %dma_start3A_279 = arith.constant 0 : i32
        %dma_start3A_280 = arith.constant 0 : i32
        %dma_start3A_281 = tpu.memref_slice %arg12[%dma_start3A_279, %dma_start3A_280] : memref<10240x128xf32, #tpu.memory_space<vmem_shared>> -> memref<10240x128xf32, #tpu.memory_space<vmem_shared>>
        tpu.enqueue_indirect_dma source(%arg11 : memref<128x128xf32, #tpu.memory_space<vmem>>) target(%dma_start3A_281 : memref<10240x128xf32, #tpu.memory_space<vmem_shared>>) offsets(%dma_start3A_278 : memref<128xi32, #tpu.memory_space<vmem>>) semaphore(%run_scoped3A_275 : memref<!tpu.dma_semaphore, #tpu.memory_space<semaphore_mem>>) {add = true}
        %dma_wait3A_282 = arith.constant 0 : i32
        %dma_wait3A_283 = tpu.memref_slice %arg10[%run_scoped3A_271, %dma_wait3A_282] : memref<8x128xi32, #tpu.memory_space<vmem>> -> memref<1x128xi32, #tpu.memory_space<vmem>>
        %dma_wait3A_284 = tpu.memref_squeeze %dma_wait3A_283 : memref<1x128xi32, #tpu.memory_space<vmem>> -> memref<128xi32, #tpu.memory_space<vmem>>
        %dma_wait3A_285 = arith.constant 0 : i32
        %dma_wait3A_286 = arith.constant 0 : i32
        %dma_wait3A_287 = tpu.memref_slice %arg12[%dma_wait3A_285, %dma_wait3A_286] : memref<10240x128xf32, #tpu.memory_space<vmem_shared>> -> memref<10240x128xf32, #tpu.memory_space<vmem_shared>>
        tpu.wait_indirect_dma semaphore(%run_scoped3A_275 : memref<!tpu.dma_semaphore, #tpu.memory_space<semaphore_mem>>) src(%arg11 : memref<128x128xf32, #tpu.memory_space<vmem>>) dst(%dma_wait3A_287 : memref<10240x128xf32, #tpu.memory_space<vmem_shared>>)
        tpu.yield
      }) : () -> ()
      %convert_element_type3A_272 = arith.extui %lt3A_173 : i1 to i32
      %cond3A_273 = arith.constant 0 : i32
      %cond3A_274 = arith.cmpi ne, %convert_element_type3A_272, %cond3A_273 : i32
      scf.if %cond3A_274 {
        %add3A_275 = arith.constant 16 : i32
        %add3A_276 = arith.addi %add3A_169, %add3A_275 : i32
        %mul3A_277 = arith.constant 128 : i32
        %mul3A_278 = arith.muli %add3A_276, %mul3A_277 : i32
        %dma_start3A_279 = tpu.memref_slice %arg2[%mul3A_278] : memref<327680xi32, #tpu.memory_space<hbm>> -> memref<1024xi32, #tpu.memory_space<hbm>>
        %dma_start3A_280 = tpu.memref_slice %arg2[%mul3A_278] : memref<327680xi32, #tpu.memory_space<hbm>> -> memref<1024xi32, #tpu.memory_space<hbm>>
        tpu.enqueue_dma source(%dma_start3A_280 : memref<1024xi32, #tpu.memory_space<hbm>>) target(%arg8 : memref<1024xi32, #tpu.memory_space<vmem>>) target_semaphore(%arg15 : memref<!tpu.dma_semaphore, #tpu.memory_space<semaphore_mem>>)
        %add3A_281 = arith.constant 16 : i32
        %add3A_282 = arith.addi %add3A_169, %add3A_281 : i32
        %dma_start3A_283 = arith.constant 0 : i32
        %dma_start3A_284 = tpu.memref_slice %arg3[%add3A_282, %dma_start3A_283] : memref<2560x128xi32, #tpu.memory_space<hbm>> -> memref<8x128xi32, #tpu.memory_space<hbm>>
        %dma_start3A_285 = arith.constant 0 : i32
        %dma_start3A_286 = tpu.memref_slice %arg3[%add3A_282, %dma_start3A_285] : memref<2560x128xi32, #tpu.memory_space<hbm>> -> memref<8x128xi32, #tpu.memory_space<hbm>>
        tpu.enqueue_dma source(%dma_start3A_286 : memref<8x128xi32, #tpu.memory_space<hbm>>) target(%arg10 : memref<8x128xi32, #tpu.memory_space<vmem>>) target_semaphore(%arg17 : memref<!tpu.dma_semaphore, #tpu.memory_space<semaphore_mem>>)
      } else {
      }
    }
    %while3A_58 = arith.constant 1 : i32
    scf.for %while3A_64 = %while3A_56 to %while3A_52 step %while3A_58  : i32 {
      %mul3A_65 = arith.constant 16 : i32
      %mul3A_66 = arith.muli %mul3A_65, %while3A_64 : i32
      %add3A_67 = arith.addi %select_n3A_8, %mul3A_66 : i32
      %add3A_68 = arith.constant 16 : i32
      %add3A_69 = arith.addi %add3A_67, %add3A_68 : i32
      %add3A_70 = arith.addi %select_n3A_8, %select_n3A : i32
      %lt3A = arith.cmpi slt, %add3A_69, %add3A_70 : i32
      %dma_wait3A = arith.constant 0 : i32
      %dma_wait3A_71 = tpu.memref_slice %arg2[%dma_wait3A] : memref<327680xi32, #tpu.memory_space<hbm>> -> memref<1024xi32, #tpu.memory_space<hbm>>
      %dma_wait3A_72 = arith.constant 0 : i32
      %dma_wait3A_73 = tpu.memref_slice %arg2[%dma_wait3A_72] : memref<327680xi32, #tpu.memory_space<hbm>> -> memref<1024xi32, #tpu.memory_space<hbm>>
      tpu.wait_dma2 semaphore(%arg14 : memref<!tpu.dma_semaphore, #tpu.memory_space<semaphore_mem>>) src(%dma_wait3A_73 : memref<1024xi32, #tpu.memory_space<hbm>>) dst(%arg7 : memref<1024xi32, #tpu.memory_space<vmem>>)
      %dma_wait3A_74 = arith.constant 0 : i32
      %dma_wait3A_75 = arith.constant 0 : i32
      %dma_wait3A_76 = tpu.memref_slice %arg3[%dma_wait3A_74, %dma_wait3A_75] : memref<2560x128xi32, #tpu.memory_space<hbm>> -> memref<8x128xi32, #tpu.memory_space<hbm>>
      %dma_wait3A_77 = arith.constant 0 : i32
      %dma_wait3A_78 = arith.constant 0 : i32
      %dma_wait3A_79 = tpu.memref_slice %arg3[%dma_wait3A_77, %dma_wait3A_78] : memref<2560x128xi32, #tpu.memory_space<hbm>> -> memref<8x128xi32, #tpu.memory_space<hbm>>
      tpu.wait_dma2 semaphore(%arg16 : memref<!tpu.dma_semaphore, #tpu.memory_space<semaphore_mem>>) src(%dma_wait3A_79 : memref<8x128xi32, #tpu.memory_space<hbm>>) dst(%arg9 : memref<8x128xi32, #tpu.memory_space<vmem>>)
      %dma_start3A_80 = arith.constant 0 : i32
      %dma_start3A_81 = tpu.memref_slice %arg7[%dma_start3A_80] : memref<1024xi32, #tpu.memory_space<vmem>> -> memref<128xi32, #tpu.memory_space<vmem>>
      %dma_start3A_82 = arith.constant 0 : i32
      %dma_start3A_83 = arith.constant 0 : i32
      %dma_start3A_84 = tpu.memref_slice %arg4[%dma_start3A_82, %dma_start3A_83] : memref<10240x128xf32, #tpu.memory_space<hbm>> -> memref<10240x128xf32, #tpu.memory_space<hbm>>
      tpu.enqueue_indirect_dma source(%dma_start3A_84 : memref<10240x128xf32, #tpu.memory_space<hbm>>) target(%arg11 : memref<128x128xf32, #tpu.memory_space<vmem>>) offsets(%dma_start3A_81 : memref<128xi32, #tpu.memory_space<vmem>>) semaphore(%arg13 : memref<!tpu.dma_semaphore, #tpu.memory_space<semaphore_mem>>)
      %dma_wait3A_85 = arith.constant 0 : i32
      %dma_wait3A_86 = tpu.memref_slice %arg7[%dma_wait3A_85] : memref<1024xi32, #tpu.memory_space<vmem>> -> memref<128xi32, #tpu.memory_space<vmem>>
      %dma_wait3A_87 = arith.constant 0 : i32
      %dma_wait3A_88 = arith.constant 0 : i32
      %dma_wait3A_89 = tpu.memref_slice %arg4[%dma_wait3A_87, %dma_wait3A_88] : memref<10240x128xf32, #tpu.memory_space<hbm>> -> memref<10240x128xf32, #tpu.memory_space<hbm>>
      tpu.wait_indirect_dma semaphore(%arg13 : memref<!tpu.dma_semaphore, #tpu.memory_space<semaphore_mem>>) src(%dma_wait3A_89 : memref<10240x128xf32, #tpu.memory_space<hbm>>) dst(%arg11 : memref<128x128xf32, #tpu.memory_space<vmem>>)
      %run_scoped3A = arith.constant 0 : i32
      "tpu.region"() ({
        %run_scoped3A_275 = tpu.sem_alloc : memref<!tpu.dma_semaphore, #tpu.memory_space<semaphore_mem>>
        %dma_start3A_276 = arith.constant 0 : i32
        %dma_start3A_277 = tpu.memref_slice %arg9[%run_scoped3A, %dma_start3A_276] : memref<8x128xi32, #tpu.memory_space<vmem>> -> memref<1x128xi32, #tpu.memory_space<vmem>>
        %dma_start3A_278 = tpu.memref_squeeze %dma_start3A_277 : memref<1x128xi32, #tpu.memory_space<vmem>> -> memref<128xi32, #tpu.memory_space<vmem>>
        %dma_start3A_279 = arith.constant 0 : i32
        %dma_start3A_280 = arith.constant 0 : i32
        %dma_start3A_281 = tpu.memref_slice %arg12[%dma_start3A_279, %dma_start3A_280] : memref<10240x128xf32, #tpu.memory_space<vmem_shared>> -> memref<10240x128xf32, #tpu.memory_space<vmem_shared>>
        tpu.enqueue_indirect_dma source(%arg11 : memref<128x128xf32, #tpu.memory_space<vmem>>) target(%dma_start3A_281 : memref<10240x128xf32, #tpu.memory_space<vmem_shared>>) offsets(%dma_start3A_278 : memref<128xi32, #tpu.memory_space<vmem>>) semaphore(%run_scoped3A_275 : memref<!tpu.dma_semaphore, #tpu.memory_space<semaphore_mem>>) {add = true}
        %dma_wait3A_282 = arith.constant 0 : i32
        %dma_wait3A_283 = tpu.memref_slice %arg9[%run_scoped3A, %dma_wait3A_282] : memref<8x128xi32, #tpu.memory_space<vmem>> -> memref<1x128xi32, #tpu.memory_space<vmem>>
        %dma_wait3A_284 = tpu.memref_squeeze %dma_wait3A_283 : memref<1x128xi32, #tpu.memory_space<vmem>> -> memref<128xi32, #tpu.memory_space<vmem>>
        %dma_wait3A_285 = arith.constant 0 : i32
        %dma_wait3A_286 = arith.constant 0 : i32
        %dma_wait3A_287 = tpu.memref_slice %arg12[%dma_wait3A_285, %dma_wait3A_286] : memref<10240x128xf32, #tpu.memory_space<vmem_shared>> -> memref<10240x128xf32, #tpu.memory_space<vmem_shared>>
        tpu.wait_indirect_dma semaphore(%run_scoped3A_275 : memref<!tpu.dma_semaphore, #tpu.memory_space<semaphore_mem>>) src(%arg11 : memref<128x128xf32, #tpu.memory_space<vmem>>) dst(%dma_wait3A_287 : memref<10240x128xf32, #tpu.memory_space<vmem_shared>>)
        tpu.yield
      }) : () -> ()
      %dma_start3A_90 = arith.constant 128 : i32
      %dma_start3A_91 = tpu.memref_slice %arg7[%dma_start3A_90] : memref<1024xi32, #tpu.memory_space<vmem>> -> memref<128xi32, #tpu.memory_space<vmem>>
      %dma_start3A_92 = arith.constant 0 : i32
      %dma_start3A_93 = arith.constant 0 : i32
      %dma_start3A_94 = tpu.memref_slice %arg4[%dma_start3A_92, %dma_start3A_93] : memref<10240x128xf32, #tpu.memory_space<hbm>> -> memref<10240x128xf32, #tpu.memory_space<hbm>>
      tpu.enqueue_indirect_dma source(%dma_start3A_94 : memref<10240x128xf32, #tpu.memory_space<hbm>>) target(%arg11 : memref<128x128xf32, #tpu.memory_space<vmem>>) offsets(%dma_start3A_91 : memref<128xi32, #tpu.memory_space<vmem>>) semaphore(%arg13 : memref<!tpu.dma_semaphore, #tpu.memory_space<semaphore_mem>>)
      %dma_wait3A_95 = arith.constant 128 : i32
      %dma_wait3A_96 = tpu.memref_slice %arg7[%dma_wait3A_95] : memref<1024xi32, #tpu.memory_space<vmem>> -> memref<128xi32, #tpu.memory_space<vmem>>
      %dma_wait3A_97 = arith.constant 0 : i32
      %dma_wait3A_98 = arith.constant 0 : i32
      %dma_wait3A_99 = tpu.memref_slice %arg4[%dma_wait3A_97, %dma_wait3A_98] : memref<10240x128xf32, #tpu.memory_space<hbm>> -> memref<10240x128xf32, #tpu.memory_space<hbm>>
      tpu.wait_indirect_dma semaphore(%arg13 : memref<!tpu.dma_semaphore, #tpu.memory_space<semaphore_mem>>) src(%dma_wait3A_99 : memref<10240x128xf32, #tpu.memory_space<hbm>>) dst(%arg11 : memref<128x128xf32, #tpu.memory_space<vmem>>)
      %run_scoped3A_100 = arith.constant 1 : i32
      "tpu.region"() ({
        %run_scoped3A_275 = tpu.sem_alloc : memref<!tpu.dma_semaphore, #tpu.memory_space<semaphore_mem>>
        %dma_start3A_276 = arith.constant 0 : i32
        %dma_start3A_277 = tpu.memref_slice %arg9[%run_scoped3A_100, %dma_start3A_276] : memref<8x128xi32, #tpu.memory_space<vmem>> -> memref<1x128xi32, #tpu.memory_space<vmem>>
        %dma_start3A_278 = tpu.memref_squeeze %dma_start3A_277 : memref<1x128xi32, #tpu.memory_space<vmem>> -> memref<128xi32, #tpu.memory_space<vmem>>
        %dma_start3A_279 = arith.constant 0 : i32
        %dma_start3A_280 = arith.constant 0 : i32
        %dma_start3A_281 = tpu.memref_slice %arg12[%dma_start3A_279, %dma_start3A_280] : memref<10240x128xf32, #tpu.memory_space<vmem_shared>> -> memref<10240x128xf32, #tpu.memory_space<vmem_shared>>
        tpu.enqueue_indirect_dma source(%arg11 : memref<128x128xf32, #tpu.memory_space<vmem>>) target(%dma_start3A_281 : memref<10240x128xf32, #tpu.memory_space<vmem_shared>>) offsets(%dma_start3A_278 : memref<128xi32, #tpu.memory_space<vmem>>) semaphore(%run_scoped3A_275 : memref<!tpu.dma_semaphore, #tpu.memory_space<semaphore_mem>>) {add = true}
        %dma_wait3A_282 = arith.constant 0 : i32
        %dma_wait3A_283 = tpu.memref_slice %arg9[%run_scoped3A_100, %dma_wait3A_282] : memref<8x128xi32, #tpu.memory_space<vmem>> -> memref<1x128xi32, #tpu.memory_space<vmem>>
        %dma_wait3A_284 = tpu.memref_squeeze %dma_wait3A_283 : memref<1x128xi32, #tpu.memory_space<vmem>> -> memref<128xi32, #tpu.memory_space<vmem>>
        %dma_wait3A_285 = arith.constant 0 : i32
        %dma_wait3A_286 = arith.constant 0 : i32
        %dma_wait3A_287 = tpu.memref_slice %arg12[%dma_wait3A_285, %dma_wait3A_286] : memref<10240x128xf32, #tpu.memory_space<vmem_shared>> -> memref<10240x128xf32, #tpu.memory_space<vmem_shared>>
        tpu.wait_indirect_dma semaphore(%run_scoped3A_275 : memref<!tpu.dma_semaphore, #tpu.memory_space<semaphore_mem>>) src(%arg11 : memref<128x128xf32, #tpu.memory_space<vmem>>) dst(%dma_wait3A_287 : memref<10240x128xf32, #tpu.memory_space<vmem_shared>>)
        tpu.yield
      }) : () -> ()
      %dma_start3A_101 = arith.constant 256 : i32
      %dma_start3A_102 = tpu.memref_slice %arg7[%dma_start3A_101] : memref<1024xi32, #tpu.memory_space<vmem>> -> memref<128xi32, #tpu.memory_space<vmem>>
      %dma_start3A_103 = arith.constant 0 : i32
      %dma_start3A_104 = arith.constant 0 : i32
      %dma_start3A_105 = tpu.memref_slice %arg4[%dma_start3A_103, %dma_start3A_104] : memref<10240x128xf32, #tpu.memory_space<hbm>> -> memref<10240x128xf32, #tpu.memory_space<hbm>>
      tpu.enqueue_indirect_dma source(%dma_start3A_105 : memref<10240x128xf32, #tpu.memory_space<hbm>>) target(%arg11 : memref<128x128xf32, #tpu.memory_space<vmem>>) offsets(%dma_start3A_102 : memref<128xi32, #tpu.memory_space<vmem>>) semaphore(%arg13 : memref<!tpu.dma_semaphore, #tpu.memory_space<semaphore_mem>>)
      %dma_wait3A_106 = arith.constant 256 : i32
      %dma_wait3A_107 = tpu.memref_slice %arg7[%dma_wait3A_106] : memref<1024xi32, #tpu.memory_space<vmem>> -> memref<128xi32, #tpu.memory_space<vmem>>
      %dma_wait3A_108 = arith.constant 0 : i32
      %dma_wait3A_109 = arith.constant 0 : i32
      %dma_wait3A_110 = tpu.memref_slice %arg4[%dma_wait3A_108, %dma_wait3A_109] : memref<10240x128xf32, #tpu.memory_space<hbm>> -> memref<10240x128xf32, #tpu.memory_space<hbm>>
      tpu.wait_indirect_dma semaphore(%arg13 : memref<!tpu.dma_semaphore, #tpu.memory_space<semaphore_mem>>) src(%dma_wait3A_110 : memref<10240x128xf32, #tpu.memory_space<hbm>>) dst(%arg11 : memref<128x128xf32, #tpu.memory_space<vmem>>)
      %run_scoped3A_111 = arith.constant 2 : i32
      "tpu.region"() ({
        %run_scoped3A_275 = tpu.sem_alloc : memref<!tpu.dma_semaphore, #tpu.memory_space<semaphore_mem>>
        %dma_start3A_276 = arith.constant 0 : i32
        %dma_start3A_277 = tpu.memref_slice %arg9[%run_scoped3A_111, %dma_start3A_276] : memref<8x128xi32, #tpu.memory_space<vmem>> -> memref<1x128xi32, #tpu.memory_space<vmem>>
        %dma_start3A_278 = tpu.memref_squeeze %dma_start3A_277 : memref<1x128xi32, #tpu.memory_space<vmem>> -> memref<128xi32, #tpu.memory_space<vmem>>
        %dma_start3A_279 = arith.constant 0 : i32
        %dma_start3A_280 = arith.constant 0 : i32
        %dma_start3A_281 = tpu.memref_slice %arg12[%dma_start3A_279, %dma_start3A_280] : memref<10240x128xf32, #tpu.memory_space<vmem_shared>> -> memref<10240x128xf32, #tpu.memory_space<vmem_shared>>
        tpu.enqueue_indirect_dma source(%arg11 : memref<128x128xf32, #tpu.memory_space<vmem>>) target(%dma_start3A_281 : memref<10240x128xf32, #tpu.memory_space<vmem_shared>>) offsets(%dma_start3A_278 : memref<128xi32, #tpu.memory_space<vmem>>) semaphore(%run_scoped3A_275 : memref<!tpu.dma_semaphore, #tpu.memory_space<semaphore_mem>>) {add = true}
        %dma_wait3A_282 = arith.constant 0 : i32
        %dma_wait3A_283 = tpu.memref_slice %arg9[%run_scoped3A_111, %dma_wait3A_282] : memref<8x128xi32, #tpu.memory_space<vmem>> -> memref<1x128xi32, #tpu.memory_space<vmem>>
        %dma_wait3A_284 = tpu.memref_squeeze %dma_wait3A_283 : memref<1x128xi32, #tpu.memory_space<vmem>> -> memref<128xi32, #tpu.memory_space<vmem>>
        %dma_wait3A_285 = arith.constant 0 : i32
        %dma_wait3A_286 = arith.constant 0 : i32
        %dma_wait3A_287 = tpu.memref_slice %arg12[%dma_wait3A_285, %dma_wait3A_286] : memref<10240x128xf32, #tpu.memory_space<vmem_shared>> -> memref<10240x128xf32, #tpu.memory_space<vmem_shared>>
        tpu.wait_indirect_dma semaphore(%run_scoped3A_275 : memref<!tpu.dma_semaphore, #tpu.memory_space<semaphore_mem>>) src(%arg11 : memref<128x128xf32, #tpu.memory_space<vmem>>) dst(%dma_wait3A_287 : memref<10240x128xf32, #tpu.memory_space<vmem_shared>>)
        tpu.yield
      }) : () -> ()
      %dma_start3A_112 = arith.constant 384 : i32
      %dma_start3A_113 = tpu.memref_slice %arg7[%dma_start3A_112] : memref<1024xi32, #tpu.memory_space<vmem>> -> memref<128xi32, #tpu.memory_space<vmem>>
      %dma_start3A_114 = arith.constant 0 : i32
      %dma_start3A_115 = arith.constant 0 : i32
      %dma_start3A_116 = tpu.memref_slice %arg4[%dma_start3A_114, %dma_start3A_115] : memref<10240x128xf32, #tpu.memory_space<hbm>> -> memref<10240x128xf32, #tpu.memory_space<hbm>>
      tpu.enqueue_indirect_dma source(%dma_start3A_116 : memref<10240x128xf32, #tpu.memory_space<hbm>>) target(%arg11 : memref<128x128xf32, #tpu.memory_space<vmem>>) offsets(%dma_start3A_113 : memref<128xi32, #tpu.memory_space<vmem>>) semaphore(%arg13 : memref<!tpu.dma_semaphore, #tpu.memory_space<semaphore_mem>>)
      %dma_wait3A_117 = arith.constant 384 : i32
      %dma_wait3A_118 = tpu.memref_slice %arg7[%dma_wait3A_117] : memref<1024xi32, #tpu.memory_space<vmem>> -> memref<128xi32, #tpu.memory_space<vmem>>
      %dma_wait3A_119 = arith.constant 0 : i32
      %dma_wait3A_120 = arith.constant 0 : i32
      %dma_wait3A_121 = tpu.memref_slice %arg4[%dma_wait3A_119, %dma_wait3A_120] : memref<10240x128xf32, #tpu.memory_space<hbm>> -> memref<10240x128xf32, #tpu.memory_space<hbm>>
      tpu.wait_indirect_dma semaphore(%arg13 : memref<!tpu.dma_semaphore, #tpu.memory_space<semaphore_mem>>) src(%dma_wait3A_121 : memref<10240x128xf32, #tpu.memory_space<hbm>>) dst(%arg11 : memref<128x128xf32, #tpu.memory_space<vmem>>)
      %run_scoped3A_122 = arith.constant 3 : i32
      "tpu.region"() ({
        %run_scoped3A_275 = tpu.sem_alloc : memref<!tpu.dma_semaphore, #tpu.memory_space<semaphore_mem>>
        %dma_start3A_276 = arith.constant 0 : i32
        %dma_start3A_277 = tpu.memref_slice %arg9[%run_scoped3A_122, %dma_start3A_276] : memref<8x128xi32, #tpu.memory_space<vmem>> -> memref<1x128xi32, #tpu.memory_space<vmem>>
        %dma_start3A_278 = tpu.memref_squeeze %dma_start3A_277 : memref<1x128xi32, #tpu.memory_space<vmem>> -> memref<128xi32, #tpu.memory_space<vmem>>
        %dma_start3A_279 = arith.constant 0 : i32
        %dma_start3A_280 = arith.constant 0 : i32
        %dma_start3A_281 = tpu.memref_slice %arg12[%dma_start3A_279, %dma_start3A_280] : memref<10240x128xf32, #tpu.memory_space<vmem_shared>> -> memref<10240x128xf32, #tpu.memory_space<vmem_shared>>
        tpu.enqueue_indirect_dma source(%arg11 : memref<128x128xf32, #tpu.memory_space<vmem>>) target(%dma_start3A_281 : memref<10240x128xf32, #tpu.memory_space<vmem_shared>>) offsets(%dma_start3A_278 : memref<128xi32, #tpu.memory_space<vmem>>) semaphore(%run_scoped3A_275 : memref<!tpu.dma_semaphore, #tpu.memory_space<semaphore_mem>>) {add = true}
        %dma_wait3A_282 = arith.constant 0 : i32
        %dma_wait3A_283 = tpu.memref_slice %arg9[%run_scoped3A_122, %dma_wait3A_282] : memref<8x128xi32, #tpu.memory_space<vmem>> -> memref<1x128xi32, #tpu.memory_space<vmem>>
        %dma_wait3A_284 = tpu.memref_squeeze %dma_wait3A_283 : memref<1x128xi32, #tpu.memory_space<vmem>> -> memref<128xi32, #tpu.memory_space<vmem>>
        %dma_wait3A_285 = arith.constant 0 : i32
        %dma_wait3A_286 = arith.constant 0 : i32
        %dma_wait3A_287 = tpu.memref_slice %arg12[%dma_wait3A_285, %dma_wait3A_286] : memref<10240x128xf32, #tpu.memory_space<vmem_shared>> -> memref<10240x128xf32, #tpu.memory_space<vmem_shared>>
        tpu.wait_indirect_dma semaphore(%run_scoped3A_275 : memref<!tpu.dma_semaphore, #tpu.memory_space<semaphore_mem>>) src(%arg11 : memref<128x128xf32, #tpu.memory_space<vmem>>) dst(%dma_wait3A_287 : memref<10240x128xf32, #tpu.memory_space<vmem_shared>>)
        tpu.yield
      }) : () -> ()
      %dma_start3A_123 = arith.constant 512 : i32
      %dma_start3A_124 = tpu.memref_slice %arg7[%dma_start3A_123] : memref<1024xi32, #tpu.memory_space<vmem>> -> memref<128xi32, #tpu.memory_space<vmem>>
      %dma_start3A_125 = arith.constant 0 : i32
      %dma_start3A_126 = arith.constant 0 : i32
      %dma_start3A_127 = tpu.memref_slice %arg4[%dma_start3A_125, %dma_start3A_126] : memref<10240x128xf32, #tpu.memory_space<hbm>> -> memref<10240x128xf32, #tpu.memory_space<hbm>>
      tpu.enqueue_indirect_dma source(%dma_start3A_127 : memref<10240x128xf32, #tpu.memory_space<hbm>>) target(%arg11 : memref<128x128xf32, #tpu.memory_space<vmem>>) offsets(%dma_start3A_124 : memref<128xi32, #tpu.memory_space<vmem>>) semaphore(%arg13 : memref<!tpu.dma_semaphore, #tpu.memory_space<semaphore_mem>>)
      %dma_wait3A_128 = arith.constant 512 : i32
      %dma_wait3A_129 = tpu.memref_slice %arg7[%dma_wait3A_128] : memref<1024xi32, #tpu.memory_space<vmem>> -> memref<128xi32, #tpu.memory_space<vmem>>
      %dma_wait3A_130 = arith.constant 0 : i32
      %dma_wait3A_131 = arith.constant 0 : i32
      %dma_wait3A_132 = tpu.memref_slice %arg4[%dma_wait3A_130, %dma_wait3A_131] : memref<10240x128xf32, #tpu.memory_space<hbm>> -> memref<10240x128xf32, #tpu.memory_space<hbm>>
      tpu.wait_indirect_dma semaphore(%arg13 : memref<!tpu.dma_semaphore, #tpu.memory_space<semaphore_mem>>) src(%dma_wait3A_132 : memref<10240x128xf32, #tpu.memory_space<hbm>>) dst(%arg11 : memref<128x128xf32, #tpu.memory_space<vmem>>)
      %run_scoped3A_133 = arith.constant 4 : i32
      "tpu.region"() ({
        %run_scoped3A_275 = tpu.sem_alloc : memref<!tpu.dma_semaphore, #tpu.memory_space<semaphore_mem>>
        %dma_start3A_276 = arith.constant 0 : i32
        %dma_start3A_277 = tpu.memref_slice %arg9[%run_scoped3A_133, %dma_start3A_276] : memref<8x128xi32, #tpu.memory_space<vmem>> -> memref<1x128xi32, #tpu.memory_space<vmem>>
        %dma_start3A_278 = tpu.memref_squeeze %dma_start3A_277 : memref<1x128xi32, #tpu.memory_space<vmem>> -> memref<128xi32, #tpu.memory_space<vmem>>
        %dma_start3A_279 = arith.constant 0 : i32
        %dma_start3A_280 = arith.constant 0 : i32
        %dma_start3A_281 = tpu.memref_slice %arg12[%dma_start3A_279, %dma_start3A_280] : memref<10240x128xf32, #tpu.memory_space<vmem_shared>> -> memref<10240x128xf32, #tpu.memory_space<vmem_shared>>
        tpu.enqueue_indirect_dma source(%arg11 : memref<128x128xf32, #tpu.memory_space<vmem>>) target(%dma_start3A_281 : memref<10240x128xf32, #tpu.memory_space<vmem_shared>>) offsets(%dma_start3A_278 : memref<128xi32, #tpu.memory_space<vmem>>) semaphore(%run_scoped3A_275 : memref<!tpu.dma_semaphore, #tpu.memory_space<semaphore_mem>>) {add = true}
        %dma_wait3A_282 = arith.constant 0 : i32
        %dma_wait3A_283 = tpu.memref_slice %arg9[%run_scoped3A_133, %dma_wait3A_282] : memref<8x128xi32, #tpu.memory_space<vmem>> -> memref<1x128xi32, #tpu.memory_space<vmem>>
        %dma_wait3A_284 = tpu.memref_squeeze %dma_wait3A_283 : memref<1x128xi32, #tpu.memory_space<vmem>> -> memref<128xi32, #tpu.memory_space<vmem>>
        %dma_wait3A_285 = arith.constant 0 : i32
        %dma_wait3A_286 = arith.constant 0 : i32
        %dma_wait3A_287 = tpu.memref_slice %arg12[%dma_wait3A_285, %dma_wait3A_286] : memref<10240x128xf32, #tpu.memory_space<vmem_shared>> -> memref<10240x128xf32, #tpu.memory_space<vmem_shared>>
        tpu.wait_indirect_dma semaphore(%run_scoped3A_275 : memref<!tpu.dma_semaphore, #tpu.memory_space<semaphore_mem>>) src(%arg11 : memref<128x128xf32, #tpu.memory_space<vmem>>) dst(%dma_wait3A_287 : memref<10240x128xf32, #tpu.memory_space<vmem_shared>>)
        tpu.yield
      }) : () -> ()
      %dma_start3A_134 = arith.constant 640 : i32
      %dma_start3A_135 = tpu.memref_slice %arg7[%dma_start3A_134] : memref<1024xi32, #tpu.memory_space<vmem>> -> memref<128xi32, #tpu.memory_space<vmem>>
      %dma_start3A_136 = arith.constant 0 : i32
      %dma_start3A_137 = arith.constant 0 : i32
      %dma_start3A_138 = tpu.memref_slice %arg4[%dma_start3A_136, %dma_start3A_137] : memref<10240x128xf32, #tpu.memory_space<hbm>> -> memref<10240x128xf32, #tpu.memory_space<hbm>>
      tpu.enqueue_indirect_dma source(%dma_start3A_138 : memref<10240x128xf32, #tpu.memory_space<hbm>>) target(%arg11 : memref<128x128xf32, #tpu.memory_space<vmem>>) offsets(%dma_start3A_135 : memref<128xi32, #tpu.memory_space<vmem>>) semaphore(%arg13 : memref<!tpu.dma_semaphore, #tpu.memory_space<semaphore_mem>>)
      %dma_wait3A_139 = arith.constant 640 : i32
      %dma_wait3A_140 = tpu.memref_slice %arg7[%dma_wait3A_139] : memref<1024xi32, #tpu.memory_space<vmem>> -> memref<128xi32, #tpu.memory_space<vmem>>
      %dma_wait3A_141 = arith.constant 0 : i32
      %dma_wait3A_142 = arith.constant 0 : i32
      %dma_wait3A_143 = tpu.memref_slice %arg4[%dma_wait3A_141, %dma_wait3A_142] : memref<10240x128xf32, #tpu.memory_space<hbm>> -> memref<10240x128xf32, #tpu.memory_space<hbm>>
      tpu.wait_indirect_dma semaphore(%arg13 : memref<!tpu.dma_semaphore, #tpu.memory_space<semaphore_mem>>) src(%dma_wait3A_143 : memref<10240x128xf32, #tpu.memory_space<hbm>>) dst(%arg11 : memref<128x128xf32, #tpu.memory_space<vmem>>)
      %run_scoped3A_144 = arith.constant 5 : i32
      "tpu.region"() ({
        %run_scoped3A_275 = tpu.sem_alloc : memref<!tpu.dma_semaphore, #tpu.memory_space<semaphore_mem>>
        %dma_start3A_276 = arith.constant 0 : i32
        %dma_start3A_277 = tpu.memref_slice %arg9[%run_scoped3A_144, %dma_start3A_276] : memref<8x128xi32, #tpu.memory_space<vmem>> -> memref<1x128xi32, #tpu.memory_space<vmem>>
        %dma_start3A_278 = tpu.memref_squeeze %dma_start3A_277 : memref<1x128xi32, #tpu.memory_space<vmem>> -> memref<128xi32, #tpu.memory_space<vmem>>
        %dma_start3A_279 = arith.constant 0 : i32
        %dma_start3A_280 = arith.constant 0 : i32
        %dma_start3A_281 = tpu.memref_slice %arg12[%dma_start3A_279, %dma_start3A_280] : memref<10240x128xf32, #tpu.memory_space<vmem_shared>> -> memref<10240x128xf32, #tpu.memory_space<vmem_shared>>
        tpu.enqueue_indirect_dma source(%arg11 : memref<128x128xf32, #tpu.memory_space<vmem>>) target(%dma_start3A_281 : memref<10240x128xf32, #tpu.memory_space<vmem_shared>>) offsets(%dma_start3A_278 : memref<128xi32, #tpu.memory_space<vmem>>) semaphore(%run_scoped3A_275 : memref<!tpu.dma_semaphore, #tpu.memory_space<semaphore_mem>>) {add = true}
        %dma_wait3A_282 = arith.constant 0 : i32
        %dma_wait3A_283 = tpu.memref_slice %arg9[%run_scoped3A_144, %dma_wait3A_282] : memref<8x128xi32, #tpu.memory_space<vmem>> -> memref<1x128xi32, #tpu.memory_space<vmem>>
        %dma_wait3A_284 = tpu.memref_squeeze %dma_wait3A_283 : memref<1x128xi32, #tpu.memory_space<vmem>> -> memref<128xi32, #tpu.memory_space<vmem>>
        %dma_wait3A_285 = arith.constant 0 : i32
        %dma_wait3A_286 = arith.constant 0 : i32
        %dma_wait3A_287 = tpu.memref_slice %arg12[%dma_wait3A_285, %dma_wait3A_286] : memref<10240x128xf32, #tpu.memory_space<vmem_shared>> -> memref<10240x128xf32, #tpu.memory_space<vmem_shared>>
        tpu.wait_indirect_dma semaphore(%run_scoped3A_275 : memref<!tpu.dma_semaphore, #tpu.memory_space<semaphore_mem>>) src(%arg11 : memref<128x128xf32, #tpu.memory_space<vmem>>) dst(%dma_wait3A_287 : memref<10240x128xf32, #tpu.memory_space<vmem_shared>>)
        tpu.yield
      }) : () -> ()
      %dma_start3A_145 = arith.constant 768 : i32
      %dma_start3A_146 = tpu.memref_slice %arg7[%dma_start3A_145] : memref<1024xi32, #tpu.memory_space<vmem>> -> memref<128xi32, #tpu.memory_space<vmem>>
      %dma_start3A_147 = arith.constant 0 : i32
      %dma_start3A_148 = arith.constant 0 : i32
      %dma_start3A_149 = tpu.memref_slice %arg4[%dma_start3A_147, %dma_start3A_148] : memref<10240x128xf32, #tpu.memory_space<hbm>> -> memref<10240x128xf32, #tpu.memory_space<hbm>>
      tpu.enqueue_indirect_dma source(%dma_start3A_149 : memref<10240x128xf32, #tpu.memory_space<hbm>>) target(%arg11 : memref<128x128xf32, #tpu.memory_space<vmem>>) offsets(%dma_start3A_146 : memref<128xi32, #tpu.memory_space<vmem>>) semaphore(%arg13 : memref<!tpu.dma_semaphore, #tpu.memory_space<semaphore_mem>>)
      %dma_wait3A_150 = arith.constant 768 : i32
      %dma_wait3A_151 = tpu.memref_slice %arg7[%dma_wait3A_150] : memref<1024xi32, #tpu.memory_space<vmem>> -> memref<128xi32, #tpu.memory_space<vmem>>
      %dma_wait3A_152 = arith.constant 0 : i32
      %dma_wait3A_153 = arith.constant 0 : i32
      %dma_wait3A_154 = tpu.memref_slice %arg4[%dma_wait3A_152, %dma_wait3A_153] : memref<10240x128xf32, #tpu.memory_space<hbm>> -> memref<10240x128xf32, #tpu.memory_space<hbm>>
      tpu.wait_indirect_dma semaphore(%arg13 : memref<!tpu.dma_semaphore, #tpu.memory_space<semaphore_mem>>) src(%dma_wait3A_154 : memref<10240x128xf32, #tpu.memory_space<hbm>>) dst(%arg11 : memref<128x128xf32, #tpu.memory_space<vmem>>)
      %run_scoped3A_155 = arith.constant 6 : i32
      "tpu.region"() ({
        %run_scoped3A_275 = tpu.sem_alloc : memref<!tpu.dma_semaphore, #tpu.memory_space<semaphore_mem>>
        %dma_start3A_276 = arith.constant 0 : i32
        %dma_start3A_277 = tpu.memref_slice %arg9[%run_scoped3A_155, %dma_start3A_276] : memref<8x128xi32, #tpu.memory_space<vmem>> -> memref<1x128xi32, #tpu.memory_space<vmem>>
        %dma_start3A_278 = tpu.memref_squeeze %dma_start3A_277 : memref<1x128xi32, #tpu.memory_space<vmem>> -> memref<128xi32, #tpu.memory_space<vmem>>
        %dma_start3A_279 = arith.constant 0 : i32
        %dma_start3A_280 = arith.constant 0 : i32
        %dma_start3A_281 = tpu.memref_slice %arg12[%dma_start3A_279, %dma_start3A_280] : memref<10240x128xf32, #tpu.memory_space<vmem_shared>> -> memref<10240x128xf32, #tpu.memory_space<vmem_shared>>
        tpu.enqueue_indirect_dma source(%arg11 : memref<128x128xf32, #tpu.memory_space<vmem>>) target(%dma_start3A_281 : memref<10240x128xf32, #tpu.memory_space<vmem_shared>>) offsets(%dma_start3A_278 : memref<128xi32, #tpu.memory_space<vmem>>) semaphore(%run_scoped3A_275 : memref<!tpu.dma_semaphore, #tpu.memory_space<semaphore_mem>>) {add = true}
        %dma_wait3A_282 = arith.constant 0 : i32
        %dma_wait3A_283 = tpu.memref_slice %arg9[%run_scoped3A_155, %dma_wait3A_282] : memref<8x128xi32, #tpu.memory_space<vmem>> -> memref<1x128xi32, #tpu.memory_space<vmem>>
        %dma_wait3A_284 = tpu.memref_squeeze %dma_wait3A_283 : memref<1x128xi32, #tpu.memory_space<vmem>> -> memref<128xi32, #tpu.memory_space<vmem>>
        %dma_wait3A_285 = arith.constant 0 : i32
        %dma_wait3A_286 = arith.constant 0 : i32
        %dma_wait3A_287 = tpu.memref_slice %arg12[%dma_wait3A_285, %dma_wait3A_286] : memref<10240x128xf32, #tpu.memory_space<vmem_shared>> -> memref<10240x128xf32, #tpu.memory_space<vmem_shared>>
        tpu.wait_indirect_dma semaphore(%run_scoped3A_275 : memref<!tpu.dma_semaphore, #tpu.memory_space<semaphore_mem>>) src(%arg11 : memref<128x128xf32, #tpu.memory_space<vmem>>) dst(%dma_wait3A_287 : memref<10240x128xf32, #tpu.memory_space<vmem_shared>>)
        tpu.yield
      }) : () -> ()
      %dma_start3A_156 = arith.constant 896 : i32
      %dma_start3A_157 = tpu.memref_slice %arg7[%dma_start3A_156] : memref<1024xi32, #tpu.memory_space<vmem>> -> memref<128xi32, #tpu.memory_space<vmem>>
      %dma_start3A_158 = arith.constant 0 : i32
      %dma_start3A_159 = arith.constant 0 : i32
      %dma_start3A_160 = tpu.memref_slice %arg4[%dma_start3A_158, %dma_start3A_159] : memref<10240x128xf32, #tpu.memory_space<hbm>> -> memref<10240x128xf32, #tpu.memory_space<hbm>>
      tpu.enqueue_indirect_dma source(%dma_start3A_160 : memref<10240x128xf32, #tpu.memory_space<hbm>>) target(%arg11 : memref<128x128xf32, #tpu.memory_space<vmem>>) offsets(%dma_start3A_157 : memref<128xi32, #tpu.memory_space<vmem>>) semaphore(%arg13 : memref<!tpu.dma_semaphore, #tpu.memory_space<semaphore_mem>>)
      %dma_wait3A_161 = arith.constant 896 : i32
      %dma_wait3A_162 = tpu.memref_slice %arg7[%dma_wait3A_161] : memref<1024xi32, #tpu.memory_space<vmem>> -> memref<128xi32, #tpu.memory_space<vmem>>
      %dma_wait3A_163 = arith.constant 0 : i32
      %dma_wait3A_164 = arith.constant 0 : i32
      %dma_wait3A_165 = tpu.memref_slice %arg4[%dma_wait3A_163, %dma_wait3A_164] : memref<10240x128xf32, #tpu.memory_space<hbm>> -> memref<10240x128xf32, #tpu.memory_space<hbm>>
      tpu.wait_indirect_dma semaphore(%arg13 : memref<!tpu.dma_semaphore, #tpu.memory_space<semaphore_mem>>) src(%dma_wait3A_165 : memref<10240x128xf32, #tpu.memory_space<hbm>>) dst(%arg11 : memref<128x128xf32, #tpu.memory_space<vmem>>)
      %run_scoped3A_166 = arith.constant 7 : i32
      "tpu.region"() ({
        %run_scoped3A_275 = tpu.sem_alloc : memref<!tpu.dma_semaphore, #tpu.memory_space<semaphore_mem>>
        %dma_start3A_276 = arith.constant 0 : i32
        %dma_start3A_277 = tpu.memref_slice %arg9[%run_scoped3A_166, %dma_start3A_276] : memref<8x128xi32, #tpu.memory_space<vmem>> -> memref<1x128xi32, #tpu.memory_space<vmem>>
        %dma_start3A_278 = tpu.memref_squeeze %dma_start3A_277 : memref<1x128xi32, #tpu.memory_space<vmem>> -> memref<128xi32, #tpu.memory_space<vmem>>
        %dma_start3A_279 = arith.constant 0 : i32
        %dma_start3A_280 = arith.constant 0 : i32
        %dma_start3A_281 = tpu.memref_slice %arg12[%dma_start3A_279, %dma_start3A_280] : memref<10240x128xf32, #tpu.memory_space<vmem_shared>> -> memref<10240x128xf32, #tpu.memory_space<vmem_shared>>
        tpu.enqueue_indirect_dma source(%arg11 : memref<128x128xf32, #tpu.memory_space<vmem>>) target(%dma_start3A_281 : memref<10240x128xf32, #tpu.memory_space<vmem_shared>>) offsets(%dma_start3A_278 : memref<128xi32, #tpu.memory_space<vmem>>) semaphore(%run_scoped3A_275 : memref<!tpu.dma_semaphore, #tpu.memory_space<semaphore_mem>>) {add = true}
        %dma_wait3A_282 = arith.constant 0 : i32
        %dma_wait3A_283 = tpu.memref_slice %arg9[%run_scoped3A_166, %dma_wait3A_282] : memref<8x128xi32, #tpu.memory_space<vmem>> -> memref<1x128xi32, #tpu.memory_space<vmem>>
        %dma_wait3A_284 = tpu.memref_squeeze %dma_wait3A_283 : memref<1x128xi32, #tpu.memory_space<vmem>> -> memref<128xi32, #tpu.memory_space<vmem>>
        %dma_wait3A_285 = arith.constant 0 : i32
        %dma_wait3A_286 = arith.constant 0 : i32
        %dma_wait3A_287 = tpu.memref_slice %arg12[%dma_wait3A_285, %dma_wait3A_286] : memref<10240x128xf32, #tpu.memory_space<vmem_shared>> -> memref<10240x128xf32, #tpu.memory_space<vmem_shared>>
        tpu.wait_indirect_dma semaphore(%run_scoped3A_275 : memref<!tpu.dma_semaphore, #tpu.memory_space<semaphore_mem>>) src(%arg11 : memref<128x128xf32, #tpu.memory_space<vmem>>) dst(%dma_wait3A_287 : memref<10240x128xf32, #tpu.memory_space<vmem_shared>>)
        tpu.yield
      }) : () -> ()
      %convert_element_type3A = arith.extui %lt3A : i1 to i32
      %cond3A = arith.constant 0 : i32
      %cond3A_167 = arith.cmpi ne, %convert_element_type3A, %cond3A : i32
      scf.if %cond3A_167 {
        %add3A_275 = arith.constant 16 : i32
        %add3A_276 = arith.addi %add3A_67, %add3A_275 : i32
        %mul3A_277 = arith.constant 128 : i32
        %mul3A_278 = arith.muli %add3A_276, %mul3A_277 : i32
        %dma_start3A_279 = tpu.memref_slice %arg2[%mul3A_278] : memref<327680xi32, #tpu.memory_space<hbm>> -> memref<1024xi32, #tpu.memory_space<hbm>>
        %dma_start3A_280 = tpu.memref_slice %arg2[%mul3A_278] : memref<327680xi32, #tpu.memory_space<hbm>> -> memref<1024xi32, #tpu.memory_space<hbm>>
        tpu.enqueue_dma source(%dma_start3A_280 : memref<1024xi32, #tpu.memory_space<hbm>>) target(%arg7 : memref<1024xi32, #tpu.memory_space<vmem>>) target_semaphore(%arg14 : memref<!tpu.dma_semaphore, #tpu.memory_space<semaphore_mem>>)
        %add3A_281 = arith.constant 16 : i32
        %add3A_282 = arith.addi %add3A_67, %add3A_281 : i32
        %dma_start3A_283 = arith.constant 0 : i32
        %dma_start3A_284 = tpu.memref_slice %arg3[%add3A_282, %dma_start3A_283] : memref<2560x128xi32, #tpu.memory_space<hbm>> -> memref<8x128xi32, #tpu.memory_space<hbm>>
        %dma_start3A_285 = arith.constant 0 : i32
        %dma_start3A_286 = tpu.memref_slice %arg3[%add3A_282, %dma_start3A_285] : memref<2560x128xi32, #tpu.memory_space<hbm>> -> memref<8x128xi32, #tpu.memory_space<hbm>>
        tpu.enqueue_dma source(%dma_start3A_286 : memref<8x128xi32, #tpu.memory_space<hbm>>) target(%arg9 : memref<8x128xi32, #tpu.memory_space<vmem>>) target_semaphore(%arg16 : memref<!tpu.dma_semaphore, #tpu.memory_space<semaphore_mem>>)
      } else {
      }
      %add3A_168 = arith.constant 8 : i32
      %add3A_169 = arith.addi %add3A_67, %add3A_168 : i32
      %add3A_170 = arith.constant 24 : i32
      %add3A_171 = arith.addi %add3A_67, %add3A_170 : i32
      %add3A_172 = arith.addi %select_n3A_8, %select_n3A : i32
      %lt3A_173 = arith.cmpi slt, %add3A_171, %add3A_172 : i32
      %dma_wait3A_174 = arith.constant 0 : i32
      %dma_wait3A_175 = tpu.memref_slice %arg2[%dma_wait3A_174] : memref<327680xi32, #tpu.memory_space<hbm>> -> memref<1024xi32, #tpu.memory_space<hbm>>
      %dma_wait3A_176 = arith.constant 0 : i32
      %dma_wait3A_177 = tpu.memref_slice %arg2[%dma_wait3A_176] : memref<327680xi32, #tpu.memory_space<hbm>> -> memref<1024xi32, #tpu.memory_space<hbm>>
      tpu.wait_dma2 semaphore(%arg15 : memref<!tpu.dma_semaphore, #tpu.memory_space<semaphore_mem>>) src(%dma_wait3A_177 : memref<1024xi32, #tpu.memory_space<hbm>>) dst(%arg8 : memref<1024xi32, #tpu.memory_space<vmem>>)
      %dma_wait3A_178 = arith.constant 0 : i32
      %dma_wait3A_179 = arith.constant 0 : i32
      %dma_wait3A_180 = tpu.memref_slice %arg3[%dma_wait3A_178, %dma_wait3A_179] : memref<2560x128xi32, #tpu.memory_space<hbm>> -> memref<8x128xi32, #tpu.memory_space<hbm>>
      %dma_wait3A_181 = arith.constant 0 : i32
      %dma_wait3A_182 = arith.constant 0 : i32
      %dma_wait3A_183 = tpu.memref_slice %arg3[%dma_wait3A_181, %dma_wait3A_182] : memref<2560x128xi32, #tpu.memory_space<hbm>> -> memref<8x128xi32, #tpu.memory_space<hbm>>
      tpu.wait_dma2 semaphore(%arg17 : memref<!tpu.dma_semaphore, #tpu.memory_space<semaphore_mem>>) src(%dma_wait3A_183 : memref<8x128xi32, #tpu.memory_space<hbm>>) dst(%arg10 : memref<8x128xi32, #tpu.memory_space<vmem>>)
      %dma_start3A_184 = arith.constant 0 : i32
      %dma_start3A_185 = tpu.memref_slice %arg8[%dma_start3A_184] : memref<1024xi32, #tpu.memory_space<vmem>> -> memref<128xi32, #tpu.memory_space<vmem>>
      %dma_start3A_186 = arith.constant 0 : i32
      %dma_start3A_187 = arith.constant 0 : i32
      %dma_start3A_188 = tpu.memref_slice %arg4[%dma_start3A_186, %dma_start3A_187] : memref<10240x128xf32, #tpu.memory_space<hbm>> -> memref<10240x128xf32, #tpu.memory_space<hbm>>
      tpu.enqueue_indirect_dma source(%dma_start3A_188 : memref<10240x128xf32, #tpu.memory_space<hbm>>) target(%arg11 : memref<128x128xf32, #tpu.memory_space<vmem>>) offsets(%dma_start3A_185 : memref<128xi32, #tpu.memory_space<vmem>>) semaphore(%arg13 : memref<!tpu.dma_semaphore, #tpu.memory_space<semaphore_mem>>)
      %dma_wait3A_189 = arith.constant 0 : i32
      %dma_wait3A_190 = tpu.memref_slice %arg8[%dma_wait3A_189] : memref<1024xi32, #tpu.memory_space<vmem>> -> memref<128xi32, #tpu.memory_space<vmem>>
      %dma_wait3A_191 = arith.constant 0 : i32
      %dma_wait3A_192 = arith.constant 0 : i32
      %dma_wait3A_193 = tpu.memref_slice %arg4[%dma_wait3A_191, %dma_wait3A_192] : memref<10240x128xf32, #tpu.memory_space<hbm>> -> memref<10240x128xf32, #tpu.memory_space<hbm>>
      tpu.wait_indirect_dma semaphore(%arg13 : memref<!tpu.dma_semaphore, #tpu.memory_space<semaphore_mem>>) src(%dma_wait3A_193 : memref<10240x128xf32, #tpu.memory_space<hbm>>) dst(%arg11 : memref<128x128xf32, #tpu.memory_space<vmem>>)
      %run_scoped3A_194 = arith.constant 0 : i32
      "tpu.region"() ({
        %run_scoped3A_275 = tpu.sem_alloc : memref<!tpu.dma_semaphore, #tpu.memory_space<semaphore_mem>>
        %dma_start3A_276 = arith.constant 0 : i32
        %dma_start3A_277 = tpu.memref_slice %arg10[%run_scoped3A_194, %dma_start3A_276] : memref<8x128xi32, #tpu.memory_space<vmem>> -> memref<1x128xi32, #tpu.memory_space<vmem>>
        %dma_start3A_278 = tpu.memref_squeeze %dma_start3A_277 : memref<1x128xi32, #tpu.memory_space<vmem>> -> memref<128xi32, #tpu.memory_space<vmem>>
        %dma_start3A_279 = arith.constant 0 : i32
        %dma_start3A_280 = arith.constant 0 : i32
        %dma_start3A_281 = tpu.memref_slice %arg12[%dma_start3A_279, %dma_start3A_280] : memref<10240x128xf32, #tpu.memory_space<vmem_shared>> -> memref<10240x128xf32, #tpu.memory_space<vmem_shared>>
        tpu.enqueue_indirect_dma source(%arg11 : memref<128x128xf32, #tpu.memory_space<vmem>>) target(%dma_start3A_281 : memref<10240x128xf32, #tpu.memory_space<vmem_shared>>) offsets(%dma_start3A_278 : memref<128xi32, #tpu.memory_space<vmem>>) semaphore(%run_scoped3A_275 : memref<!tpu.dma_semaphore, #tpu.memory_space<semaphore_mem>>) {add = true}
        %dma_wait3A_282 = arith.constant 0 : i32
        %dma_wait3A_283 = tpu.memref_slice %arg10[%run_scoped3A_194, %dma_wait3A_282] : memref<8x128xi32, #tpu.memory_space<vmem>> -> memref<1x128xi32, #tpu.memory_space<vmem>>
        %dma_wait3A_284 = tpu.memref_squeeze %dma_wait3A_283 : memref<1x128xi32, #tpu.memory_space<vmem>> -> memref<128xi32, #tpu.memory_space<vmem>>
        %dma_wait3A_285 = arith.constant 0 : i32
        %dma_wait3A_286 = arith.constant 0 : i32
        %dma_wait3A_287 = tpu.memref_slice %arg12[%dma_wait3A_285, %dma_wait3A_286] : memref<10240x128xf32, #tpu.memory_space<vmem_shared>> -> memref<10240x128xf32, #tpu.memory_space<vmem_shared>>
        tpu.wait_indirect_dma semaphore(%run_scoped3A_275 : memref<!tpu.dma_semaphore, #tpu.memory_space<semaphore_mem>>) src(%arg11 : memref<128x128xf32, #tpu.memory_space<vmem>>) dst(%dma_wait3A_287 : memref<10240x128xf32, #tpu.memory_space<vmem_shared>>)
        tpu.yield
      }) : () -> ()
      %dma_start3A_195 = arith.constant 128 : i32
      %dma_start3A_196 = tpu.memref_slice %arg8[%dma_start3A_195] : memref<1024xi32, #tpu.memory_space<vmem>> -> memref<128xi32, #tpu.memory_space<vmem>>
      %dma_start3A_197 = arith.constant 0 : i32
      %dma_start3A_198 = arith.constant 0 : i32
      %dma_start3A_199 = tpu.memref_slice %arg4[%dma_start3A_197, %dma_start3A_198] : memref<10240x128xf32, #tpu.memory_space<hbm>> -> memref<10240x128xf32, #tpu.memory_space<hbm>>
      tpu.enqueue_indirect_dma source(%dma_start3A_199 : memref<10240x128xf32, #tpu.memory_space<hbm>>) target(%arg11 : memref<128x128xf32, #tpu.memory_space<vmem>>) offsets(%dma_start3A_196 : memref<128xi32, #tpu.memory_space<vmem>>) semaphore(%arg13 : memref<!tpu.dma_semaphore, #tpu.memory_space<semaphore_mem>>)
      %dma_wait3A_200 = arith.constant 128 : i32
      %dma_wait3A_201 = tpu.memref_slice %arg8[%dma_wait3A_200] : memref<1024xi32, #tpu.memory_space<vmem>> -> memref<128xi32, #tpu.memory_space<vmem>>
      %dma_wait3A_202 = arith.constant 0 : i32
      %dma_wait3A_203 = arith.constant 0 : i32
      %dma_wait3A_204 = tpu.memref_slice %arg4[%dma_wait3A_202, %dma_wait3A_203] : memref<10240x128xf32, #tpu.memory_space<hbm>> -> memref<10240x128xf32, #tpu.memory_space<hbm>>
      tpu.wait_indirect_dma semaphore(%arg13 : memref<!tpu.dma_semaphore, #tpu.memory_space<semaphore_mem>>) src(%dma_wait3A_204 : memref<10240x128xf32, #tpu.memory_space<hbm>>) dst(%arg11 : memref<128x128xf32, #tpu.memory_space<vmem>>)
      %run_scoped3A_205 = arith.constant 1 : i32
      "tpu.region"() ({
        %run_scoped3A_275 = tpu.sem_alloc : memref<!tpu.dma_semaphore, #tpu.memory_space<semaphore_mem>>
        %dma_start3A_276 = arith.constant 0 : i32
        %dma_start3A_277 = tpu.memref_slice %arg10[%run_scoped3A_205, %dma_start3A_276] : memref<8x128xi32, #tpu.memory_space<vmem>> -> memref<1x128xi32, #tpu.memory_space<vmem>>
        %dma_start3A_278 = tpu.memref_squeeze %dma_start3A_277 : memref<1x128xi32, #tpu.memory_space<vmem>> -> memref<128xi32, #tpu.memory_space<vmem>>
        %dma_start3A_279 = arith.constant 0 : i32
        %dma_start3A_280 = arith.constant 0 : i32
        %dma_start3A_281 = tpu.memref_slice %arg12[%dma_start3A_279, %dma_start3A_280] : memref<10240x128xf32, #tpu.memory_space<vmem_shared>> -> memref<10240x128xf32, #tpu.memory_space<vmem_shared>>
        tpu.enqueue_indirect_dma source(%arg11 : memref<128x128xf32, #tpu.memory_space<vmem>>) target(%dma_start3A_281 : memref<10240x128xf32, #tpu.memory_space<vmem_shared>>) offsets(%dma_start3A_278 : memref<128xi32, #tpu.memory_space<vmem>>) semaphore(%run_scoped3A_275 : memref<!tpu.dma_semaphore, #tpu.memory_space<semaphore_mem>>) {add = true}
        %dma_wait3A_282 = arith.constant 0 : i32
        %dma_wait3A_283 = tpu.memref_slice %arg10[%run_scoped3A_205, %dma_wait3A_282] : memref<8x128xi32, #tpu.memory_space<vmem>> -> memref<1x128xi32, #tpu.memory_space<vmem>>
        %dma_wait3A_284 = tpu.memref_squeeze %dma_wait3A_283 : memref<1x128xi32, #tpu.memory_space<vmem>> -> memref<128xi32, #tpu.memory_space<vmem>>
        %dma_wait3A_285 = arith.constant 0 : i32
        %dma_wait3A_286 = arith.constant 0 : i32
        %dma_wait3A_287 = tpu.memref_slice %arg12[%dma_wait3A_285, %dma_wait3A_286] : memref<10240x128xf32, #tpu.memory_space<vmem_shared>> -> memref<10240x128xf32, #tpu.memory_space<vmem_shared>>
        tpu.wait_indirect_dma semaphore(%run_scoped3A_275 : memref<!tpu.dma_semaphore, #tpu.memory_space<semaphore_mem>>) src(%arg11 : memref<128x128xf32, #tpu.memory_space<vmem>>) dst(%dma_wait3A_287 : memref<10240x128xf32, #tpu.memory_space<vmem_shared>>)
        tpu.yield
      }) : () -> ()
      %dma_start3A_206 = arith.constant 256 : i32
      %dma_start3A_207 = tpu.memref_slice %arg8[%dma_start3A_206] : memref<1024xi32, #tpu.memory_space<vmem>> -> memref<128xi32, #tpu.memory_space<vmem>>
      %dma_start3A_208 = arith.constant 0 : i32
      %dma_start3A_209 = arith.constant 0 : i32
      %dma_start3A_210 = tpu.memref_slice %arg4[%dma_start3A_208, %dma_start3A_209] : memref<10240x128xf32, #tpu.memory_space<hbm>> -> memref<10240x128xf32, #tpu.memory_space<hbm>>
      tpu.enqueue_indirect_dma source(%dma_start3A_210 : memref<10240x128xf32, #tpu.memory_space<hbm>>) target(%arg11 : memref<128x128xf32, #tpu.memory_space<vmem>>) offsets(%dma_start3A_207 : memref<128xi32, #tpu.memory_space<vmem>>) semaphore(%arg13 : memref<!tpu.dma_semaphore, #tpu.memory_space<semaphore_mem>>)
      %dma_wait3A_211 = arith.constant 256 : i32
      %dma_wait3A_212 = tpu.memref_slice %arg8[%dma_wait3A_211] : memref<1024xi32, #tpu.memory_space<vmem>> -> memref<128xi32, #tpu.memory_space<vmem>>
      %dma_wait3A_213 = arith.constant 0 : i32
      %dma_wait3A_214 = arith.constant 0 : i32
      %dma_wait3A_215 = tpu.memref_slice %arg4[%dma_wait3A_213, %dma_wait3A_214] : memref<10240x128xf32, #tpu.memory_space<hbm>> -> memref<10240x128xf32, #tpu.memory_space<hbm>>
      tpu.wait_indirect_dma semaphore(%arg13 : memref<!tpu.dma_semaphore, #tpu.memory_space<semaphore_mem>>) src(%dma_wait3A_215 : memref<10240x128xf32, #tpu.memory_space<hbm>>) dst(%arg11 : memref<128x128xf32, #tpu.memory_space<vmem>>)
      %run_scoped3A_216 = arith.constant 2 : i32
      "tpu.region"() ({
        %run_scoped3A_275 = tpu.sem_alloc : memref<!tpu.dma_semaphore, #tpu.memory_space<semaphore_mem>>
        %dma_start3A_276 = arith.constant 0 : i32
        %dma_start3A_277 = tpu.memref_slice %arg10[%run_scoped3A_216, %dma_start3A_276] : memref<8x128xi32, #tpu.memory_space<vmem>> -> memref<1x128xi32, #tpu.memory_space<vmem>>
        %dma_start3A_278 = tpu.memref_squeeze %dma_start3A_277 : memref<1x128xi32, #tpu.memory_space<vmem>> -> memref<128xi32, #tpu.memory_space<vmem>>
        %dma_start3A_279 = arith.constant 0 : i32
        %dma_start3A_280 = arith.constant 0 : i32
        %dma_start3A_281 = tpu.memref_slice %arg12[%dma_start3A_279, %dma_start3A_280] : memref<10240x128xf32, #tpu.memory_space<vmem_shared>> -> memref<10240x128xf32, #tpu.memory_space<vmem_shared>>
        tpu.enqueue_indirect_dma source(%arg11 : memref<128x128xf32, #tpu.memory_space<vmem>>) target(%dma_start3A_281 : memref<10240x128xf32, #tpu.memory_space<vmem_shared>>) offsets(%dma_start3A_278 : memref<128xi32, #tpu.memory_space<vmem>>) semaphore(%run_scoped3A_275 : memref<!tpu.dma_semaphore, #tpu.memory_space<semaphore_mem>>) {add = true}
        %dma_wait3A_282 = arith.constant 0 : i32
        %dma_wait3A_283 = tpu.memref_slice %arg10[%run_scoped3A_216, %dma_wait3A_282] : memref<8x128xi32, #tpu.memory_space<vmem>> -> memref<1x128xi32, #tpu.memory_space<vmem>>
        %dma_wait3A_284 = tpu.memref_squeeze %dma_wait3A_283 : memref<1x128xi32, #tpu.memory_space<vmem>> -> memref<128xi32, #tpu.memory_space<vmem>>
        %dma_wait3A_285 = arith.constant 0 : i32
        %dma_wait3A_286 = arith.constant 0 : i32
        %dma_wait3A_287 = tpu.memref_slice %arg12[%dma_wait3A_285, %dma_wait3A_286] : memref<10240x128xf32, #tpu.memory_space<vmem_shared>> -> memref<10240x128xf32, #tpu.memory_space<vmem_shared>>
        tpu.wait_indirect_dma semaphore(%run_scoped3A_275 : memref<!tpu.dma_semaphore, #tpu.memory_space<semaphore_mem>>) src(%arg11 : memref<128x128xf32, #tpu.memory_space<vmem>>) dst(%dma_wait3A_287 : memref<10240x128xf32, #tpu.memory_space<vmem_shared>>)
        tpu.yield
      }) : () -> ()
      %dma_start3A_217 = arith.constant 384 : i32
      %dma_start3A_218 = tpu.memref_slice %arg8[%dma_start3A_217] : memref<1024xi32, #tpu.memory_space<vmem>> -> memref<128xi32, #tpu.memory_space<vmem>>
      %dma_start3A_219 = arith.constant 0 : i32
      %dma_start3A_220 = arith.constant 0 : i32
      %dma_start3A_221 = tpu.memref_slice %arg4[%dma_start3A_219, %dma_start3A_220] : memref<10240x128xf32, #tpu.memory_space<hbm>> -> memref<10240x128xf32, #tpu.memory_space<hbm>>
      tpu.enqueue_indirect_dma source(%dma_start3A_221 : memref<10240x128xf32, #tpu.memory_space<hbm>>) target(%arg11 : memref<128x128xf32, #tpu.memory_space<vmem>>) offsets(%dma_start3A_218 : memref<128xi32, #tpu.memory_space<vmem>>) semaphore(%arg13 : memref<!tpu.dma_semaphore, #tpu.memory_space<semaphore_mem>>)
      %dma_wait3A_222 = arith.constant 384 : i32
      %dma_wait3A_223 = tpu.memref_slice %arg8[%dma_wait3A_222] : memref<1024xi32, #tpu.memory_space<vmem>> -> memref<128xi32, #tpu.memory_space<vmem>>
      %dma_wait3A_224 = arith.constant 0 : i32
      %dma_wait3A_225 = arith.constant 0 : i32
      %dma_wait3A_226 = tpu.memref_slice %arg4[%dma_wait3A_224, %dma_wait3A_225] : memref<10240x128xf32, #tpu.memory_space<hbm>> -> memref<10240x128xf32, #tpu.memory_space<hbm>>
      tpu.wait_indirect_dma semaphore(%arg13 : memref<!tpu.dma_semaphore, #tpu.memory_space<semaphore_mem>>) src(%dma_wait3A_226 : memref<10240x128xf32, #tpu.memory_space<hbm>>) dst(%arg11 : memref<128x128xf32, #tpu.memory_space<vmem>>)
      %run_scoped3A_227 = arith.constant 3 : i32
      "tpu.region"() ({
        %run_scoped3A_275 = tpu.sem_alloc : memref<!tpu.dma_semaphore, #tpu.memory_space<semaphore_mem>>
        %dma_start3A_276 = arith.constant 0 : i32
        %dma_start3A_277 = tpu.memref_slice %arg10[%run_scoped3A_227, %dma_start3A_276] : memref<8x128xi32, #tpu.memory_space<vmem>> -> memref<1x128xi32, #tpu.memory_space<vmem>>
        %dma_start3A_278 = tpu.memref_squeeze %dma_start3A_277 : memref<1x128xi32, #tpu.memory_space<vmem>> -> memref<128xi32, #tpu.memory_space<vmem>>
        %dma_start3A_279 = arith.constant 0 : i32
        %dma_start3A_280 = arith.constant 0 : i32
        %dma_start3A_281 = tpu.memref_slice %arg12[%dma_start3A_279, %dma_start3A_280] : memref<10240x128xf32, #tpu.memory_space<vmem_shared>> -> memref<10240x128xf32, #tpu.memory_space<vmem_shared>>
        tpu.enqueue_indirect_dma source(%arg11 : memref<128x128xf32, #tpu.memory_space<vmem>>) target(%dma_start3A_281 : memref<10240x128xf32, #tpu.memory_space<vmem_shared>>) offsets(%dma_start3A_278 : memref<128xi32, #tpu.memory_space<vmem>>) semaphore(%run_scoped3A_275 : memref<!tpu.dma_semaphore, #tpu.memory_space<semaphore_mem>>) {add = true}
        %dma_wait3A_282 = arith.constant 0 : i32
        %dma_wait3A_283 = tpu.memref_slice %arg10[%run_scoped3A_227, %dma_wait3A_282] : memref<8x128xi32, #tpu.memory_space<vmem>> -> memref<1x128xi32, #tpu.memory_space<vmem>>
        %dma_wait3A_284 = tpu.memref_squeeze %dma_wait3A_283 : memref<1x128xi32, #tpu.memory_space<vmem>> -> memref<128xi32, #tpu.memory_space<vmem>>
        %dma_wait3A_285 = arith.constant 0 : i32
        %dma_wait3A_286 = arith.constant 0 : i32
        %dma_wait3A_287 = tpu.memref_slice %arg12[%dma_wait3A_285, %dma_wait3A_286] : memref<10240x128xf32, #tpu.memory_space<vmem_shared>> -> memref<10240x128xf32, #tpu.memory_space<vmem_shared>>
        tpu.wait_indirect_dma semaphore(%run_scoped3A_275 : memref<!tpu.dma_semaphore, #tpu.memory_space<semaphore_mem>>) src(%arg11 : memref<128x128xf32, #tpu.memory_space<vmem>>) dst(%dma_wait3A_287 : memref<10240x128xf32, #tpu.memory_space<vmem_shared>>)
        tpu.yield
      }) : () -> ()
      %dma_start3A_228 = arith.constant 512 : i32
      %dma_start3A_229 = tpu.memref_slice %arg8[%dma_start3A_228] : memref<1024xi32, #tpu.memory_space<vmem>> -> memref<128xi32, #tpu.memory_space<vmem>>
      %dma_start3A_230 = arith.constant 0 : i32
      %dma_start3A_231 = arith.constant 0 : i32
      %dma_start3A_232 = tpu.memref_slice %arg4[%dma_start3A_230, %dma_start3A_231] : memref<10240x128xf32, #tpu.memory_space<hbm>> -> memref<10240x128xf32, #tpu.memory_space<hbm>>
      tpu.enqueue_indirect_dma source(%dma_start3A_232 : memref<10240x128xf32, #tpu.memory_space<hbm>>) target(%arg11 : memref<128x128xf32, #tpu.memory_space<vmem>>) offsets(%dma_start3A_229 : memref<128xi32, #tpu.memory_space<vmem>>) semaphore(%arg13 : memref<!tpu.dma_semaphore, #tpu.memory_space<semaphore_mem>>)
      %dma_wait3A_233 = arith.constant 512 : i32
      %dma_wait3A_234 = tpu.memref_slice %arg8[%dma_wait3A_233] : memref<1024xi32, #tpu.memory_space<vmem>> -> memref<128xi32, #tpu.memory_space<vmem>>
      %dma_wait3A_235 = arith.constant 0 : i32
      %dma_wait3A_236 = arith.constant 0 : i32
      %dma_wait3A_237 = tpu.memref_slice %arg4[%dma_wait3A_235, %dma_wait3A_236] : memref<10240x128xf32, #tpu.memory_space<hbm>> -> memref<10240x128xf32, #tpu.memory_space<hbm>>
      tpu.wait_indirect_dma semaphore(%arg13 : memref<!tpu.dma_semaphore, #tpu.memory_space<semaphore_mem>>) src(%dma_wait3A_237 : memref<10240x128xf32, #tpu.memory_space<hbm>>) dst(%arg11 : memref<128x128xf32, #tpu.memory_space<vmem>>)
      %run_scoped3A_238 = arith.constant 4 : i32
      "tpu.region"() ({
        %run_scoped3A_275 = tpu.sem_alloc : memref<!tpu.dma_semaphore, #tpu.memory_space<semaphore_mem>>
        %dma_start3A_276 = arith.constant 0 : i32
        %dma_start3A_277 = tpu.memref_slice %arg10[%run_scoped3A_238, %dma_start3A_276] : memref<8x128xi32, #tpu.memory_space<vmem>> -> memref<1x128xi32, #tpu.memory_space<vmem>>
        %dma_start3A_278 = tpu.memref_squeeze %dma_start3A_277 : memref<1x128xi32, #tpu.memory_space<vmem>> -> memref<128xi32, #tpu.memory_space<vmem>>
        %dma_start3A_279 = arith.constant 0 : i32
        %dma_start3A_280 = arith.constant 0 : i32
        %dma_start3A_281 = tpu.memref_slice %arg12[%dma_start3A_279, %dma_start3A_280] : memref<10240x128xf32, #tpu.memory_space<vmem_shared>> -> memref<10240x128xf32, #tpu.memory_space<vmem_shared>>
        tpu.enqueue_indirect_dma source(%arg11 : memref<128x128xf32, #tpu.memory_space<vmem>>) target(%dma_start3A_281 : memref<10240x128xf32, #tpu.memory_space<vmem_shared>>) offsets(%dma_start3A_278 : memref<128xi32, #tpu.memory_space<vmem>>) semaphore(%run_scoped3A_275 : memref<!tpu.dma_semaphore, #tpu.memory_space<semaphore_mem>>) {add = true}
        %dma_wait3A_282 = arith.constant 0 : i32
        %dma_wait3A_283 = tpu.memref_slice %arg10[%run_scoped3A_238, %dma_wait3A_282] : memref<8x128xi32, #tpu.memory_space<vmem>> -> memref<1x128xi32, #tpu.memory_space<vmem>>
        %dma_wait3A_284 = tpu.memref_squeeze %dma_wait3A_283 : memref<1x128xi32, #tpu.memory_space<vmem>> -> memref<128xi32, #tpu.memory_space<vmem>>
        %dma_wait3A_285 = arith.constant 0 : i32
        %dma_wait3A_286 = arith.constant 0 : i32
        %dma_wait3A_287 = tpu.memref_slice %arg12[%dma_wait3A_285, %dma_wait3A_286] : memref<10240x128xf32, #tpu.memory_space<vmem_shared>> -> memref<10240x128xf32, #tpu.memory_space<vmem_shared>>
        tpu.wait_indirect_dma semaphore(%run_scoped3A_275 : memref<!tpu.dma_semaphore, #tpu.memory_space<semaphore_mem>>) src(%arg11 : memref<128x128xf32, #tpu.memory_space<vmem>>) dst(%dma_wait3A_287 : memref<10240x128xf32, #tpu.memory_space<vmem_shared>>)
        tpu.yield
      }) : () -> ()
      %dma_start3A_239 = arith.constant 640 : i32
      %dma_start3A_240 = tpu.memref_slice %arg8[%dma_start3A_239] : memref<1024xi32, #tpu.memory_space<vmem>> -> memref<128xi32, #tpu.memory_space<vmem>>
      %dma_start3A_241 = arith.constant 0 : i32
      %dma_start3A_242 = arith.constant 0 : i32
      %dma_start3A_243 = tpu.memref_slice %arg4[%dma_start3A_241, %dma_start3A_242] : memref<10240x128xf32, #tpu.memory_space<hbm>> -> memref<10240x128xf32, #tpu.memory_space<hbm>>
      tpu.enqueue_indirect_dma source(%dma_start3A_243 : memref<10240x128xf32, #tpu.memory_space<hbm>>) target(%arg11 : memref<128x128xf32, #tpu.memory_space<vmem>>) offsets(%dma_start3A_240 : memref<128xi32, #tpu.memory_space<vmem>>) semaphore(%arg13 : memref<!tpu.dma_semaphore, #tpu.memory_space<semaphore_mem>>)
      %dma_wait3A_244 = arith.constant 640 : i32
      %dma_wait3A_245 = tpu.memref_slice %arg8[%dma_wait3A_244] : memref<1024xi32, #tpu.memory_space<vmem>> -> memref<128xi32, #tpu.memory_space<vmem>>
      %dma_wait3A_246 = arith.constant 0 : i32
      %dma_wait3A_247 = arith.constant 0 : i32
      %dma_wait3A_248 = tpu.memref_slice %arg4[%dma_wait3A_246, %dma_wait3A_247] : memref<10240x128xf32, #tpu.memory_space<hbm>> -> memref<10240x128xf32, #tpu.memory_space<hbm>>
      tpu.wait_indirect_dma semaphore(%arg13 : memref<!tpu.dma_semaphore, #tpu.memory_space<semaphore_mem>>) src(%dma_wait3A_248 : memref<10240x128xf32, #tpu.memory_space<hbm>>) dst(%arg11 : memref<128x128xf32, #tpu.memory_space<vmem>>)
      %run_scoped3A_249 = arith.constant 5 : i32
      "tpu.region"() ({
        %run_scoped3A_275 = tpu.sem_alloc : memref<!tpu.dma_semaphore, #tpu.memory_space<semaphore_mem>>
        %dma_start3A_276 = arith.constant 0 : i32
        %dma_start3A_277 = tpu.memref_slice %arg10[%run_scoped3A_249, %dma_start3A_276] : memref<8x128xi32, #tpu.memory_space<vmem>> -> memref<1x128xi32, #tpu.memory_space<vmem>>
        %dma_start3A_278 = tpu.memref_squeeze %dma_start3A_277 : memref<1x128xi32, #tpu.memory_space<vmem>> -> memref<128xi32, #tpu.memory_space<vmem>>
        %dma_start3A_279 = arith.constant 0 : i32
        %dma_start3A_280 = arith.constant 0 : i32
        %dma_start3A_281 = tpu.memref_slice %arg12[%dma_start3A_279, %dma_start3A_280] : memref<10240x128xf32, #tpu.memory_space<vmem_shared>> -> memref<10240x128xf32, #tpu.memory_space<vmem_shared>>
        tpu.enqueue_indirect_dma source(%arg11 : memref<128x128xf32, #tpu.memory_space<vmem>>) target(%dma_start3A_281 : memref<10240x128xf32, #tpu.memory_space<vmem_shared>>) offsets(%dma_start3A_278 : memref<128xi32, #tpu.memory_space<vmem>>) semaphore(%run_scoped3A_275 : memref<!tpu.dma_semaphore, #tpu.memory_space<semaphore_mem>>) {add = true}
        %dma_wait3A_282 = arith.constant 0 : i32
        %dma_wait3A_283 = tpu.memref_slice %arg10[%run_scoped3A_249, %dma_wait3A_282] : memref<8x128xi32, #tpu.memory_space<vmem>> -> memref<1x128xi32, #tpu.memory_space<vmem>>
        %dma_wait3A_284 = tpu.memref_squeeze %dma_wait3A_283 : memref<1x128xi32, #tpu.memory_space<vmem>> -> memref<128xi32, #tpu.memory_space<vmem>>
        %dma_wait3A_285 = arith.constant 0 : i32
        %dma_wait3A_286 = arith.constant 0 : i32
        %dma_wait3A_287 = tpu.memref_slice %arg12[%dma_wait3A_285, %dma_wait3A_286] : memref<10240x128xf32, #tpu.memory_space<vmem_shared>> -> memref<10240x128xf32, #tpu.memory_space<vmem_shared>>
        tpu.wait_indirect_dma semaphore(%run_scoped3A_275 : memref<!tpu.dma_semaphore, #tpu.memory_space<semaphore_mem>>) src(%arg11 : memref<128x128xf32, #tpu.memory_space<vmem>>) dst(%dma_wait3A_287 : memref<10240x128xf32, #tpu.memory_space<vmem_shared>>)
        tpu.yield
      }) : () -> ()
      %dma_start3A_250 = arith.constant 768 : i32
      %dma_start3A_251 = tpu.memref_slice %arg8[%dma_start3A_250] : memref<1024xi32, #tpu.memory_space<vmem>> -> memref<128xi32, #tpu.memory_space<vmem>>
      %dma_start3A_252 = arith.constant 0 : i32
      %dma_start3A_253 = arith.constant 0 : i32
      %dma_start3A_254 = tpu.memref_slice %arg4[%dma_start3A_252, %dma_start3A_253] : memref<10240x128xf32, #tpu.memory_space<hbm>> -> memref<10240x128xf32, #tpu.memory_space<hbm>>
      tpu.enqueue_indirect_dma source(%dma_start3A_254 : memref<10240x128xf32, #tpu.memory_space<hbm>>) target(%arg11 : memref<128x128xf32, #tpu.memory_space<vmem>>) offsets(%dma_start3A_251 : memref<128xi32, #tpu.memory_space<vmem>>) semaphore(%arg13 : memref<!tpu.dma_semaphore, #tpu.memory_space<semaphore_mem>>)
      %dma_wait3A_255 = arith.constant 768 : i32
      %dma_wait3A_256 = tpu.memref_slice %arg8[%dma_wait3A_255] : memref<1024xi32, #tpu.memory_space<vmem>> -> memref<128xi32, #tpu.memory_space<vmem>>
      %dma_wait3A_257 = arith.constant 0 : i32
      %dma_wait3A_258 = arith.constant 0 : i32
      %dma_wait3A_259 = tpu.memref_slice %arg4[%dma_wait3A_257, %dma_wait3A_258] : memref<10240x128xf32, #tpu.memory_space<hbm>> -> memref<10240x128xf32, #tpu.memory_space<hbm>>
      tpu.wait_indirect_dma semaphore(%arg13 : memref<!tpu.dma_semaphore, #tpu.memory_space<semaphore_mem>>) src(%dma_wait3A_259 : memref<10240x128xf32, #tpu.memory_space<hbm>>) dst(%arg11 : memref<128x128xf32, #tpu.memory_space<vmem>>)
      %run_scoped3A_260 = arith.constant 6 : i32
      "tpu.region"() ({
        %run_scoped3A_275 = tpu.sem_alloc : memref<!tpu.dma_semaphore, #tpu.memory_space<semaphore_mem>>
        %dma_start3A_276 = arith.constant 0 : i32
        %dma_start3A_277 = tpu.memref_slice %arg10[%run_scoped3A_260, %dma_start3A_276] : memref<8x128xi32, #tpu.memory_space<vmem>> -> memref<1x128xi32, #tpu.memory_space<vmem>>
        %dma_start3A_278 = tpu.memref_squeeze %dma_start3A_277 : memref<1x128xi32, #tpu.memory_space<vmem>> -> memref<128xi32, #tpu.memory_space<vmem>>
        %dma_start3A_279 = arith.constant 0 : i32
        %dma_start3A_280 = arith.constant 0 : i32
        %dma_start3A_281 = tpu.memref_slice %arg12[%dma_start3A_279, %dma_start3A_280] : memref<10240x128xf32, #tpu.memory_space<vmem_shared>> -> memref<10240x128xf32, #tpu.memory_space<vmem_shared>>
        tpu.enqueue_indirect_dma source(%arg11 : memref<128x128xf32, #tpu.memory_space<vmem>>) target(%dma_start3A_281 : memref<10240x128xf32, #tpu.memory_space<vmem_shared>>) offsets(%dma_start3A_278 : memref<128xi32, #tpu.memory_space<vmem>>) semaphore(%run_scoped3A_275 : memref<!tpu.dma_semaphore, #tpu.memory_space<semaphore_mem>>) {add = true}
        %dma_wait3A_282 = arith.constant 0 : i32
        %dma_wait3A_283 = tpu.memref_slice %arg10[%run_scoped3A_260, %dma_wait3A_282] : memref<8x128xi32, #tpu.memory_space<vmem>> -> memref<1x128xi32, #tpu.memory_space<vmem>>
        %dma_wait3A_284 = tpu.memref_squeeze %dma_wait3A_283 : memref<1x128xi32, #tpu.memory_space<vmem>> -> memref<128xi32, #tpu.memory_space<vmem>>
        %dma_wait3A_285 = arith.constant 0 : i32
        %dma_wait3A_286 = arith.constant 0 : i32
        %dma_wait3A_287 = tpu.memref_slice %arg12[%dma_wait3A_285, %dma_wait3A_286] : memref<10240x128xf32, #tpu.memory_space<vmem_shared>> -> memref<10240x128xf32, #tpu.memory_space<vmem_shared>>
        tpu.wait_indirect_dma semaphore(%run_scoped3A_275 : memref<!tpu.dma_semaphore, #tpu.memory_space<semaphore_mem>>) src(%arg11 : memref<128x128xf32, #tpu.memory_space<vmem>>) dst(%dma_wait3A_287 : memref<10240x128xf32, #tpu.memory_space<vmem_shared>>)
        tpu.yield
      }) : () -> ()
      %dma_start3A_261 = arith.constant 896 : i32
      %dma_start3A_262 = tpu.memref_slice %arg8[%dma_start3A_261] : memref<1024xi32, #tpu.memory_space<vmem>> -> memref<128xi32, #tpu.memory_space<vmem>>
      %dma_start3A_263 = arith.constant 0 : i32
      %dma_start3A_264 = arith.constant 0 : i32
      %dma_start3A_265 = tpu.memref_slice %arg4[%dma_start3A_263, %dma_start3A_264] : memref<10240x128xf32, #tpu.memory_space<hbm>> -> memref<10240x128xf32, #tpu.memory_space<hbm>>
      tpu.enqueue_indirect_dma source(%dma_start3A_265 : memref<10240x128xf32, #tpu.memory_space<hbm>>) target(%arg11 : memref<128x128xf32, #tpu.memory_space<vmem>>) offsets(%dma_start3A_262 : memref<128xi32, #tpu.memory_space<vmem>>) semaphore(%arg13 : memref<!tpu.dma_semaphore, #tpu.memory_space<semaphore_mem>>)
      %dma_wait3A_266 = arith.constant 896 : i32
      %dma_wait3A_267 = tpu.memref_slice %arg8[%dma_wait3A_266] : memref<1024xi32, #tpu.memory_space<vmem>> -> memref<128xi32, #tpu.memory_space<vmem>>
      %dma_wait3A_268 = arith.constant 0 : i32
      %dma_wait3A_269 = arith.constant 0 : i32
      %dma_wait3A_270 = tpu.memref_slice %arg4[%dma_wait3A_268, %dma_wait3A_269] : memref<10240x128xf32, #tpu.memory_space<hbm>> -> memref<10240x128xf32, #tpu.memory_space<hbm>>
      tpu.wait_indirect_dma semaphore(%arg13 : memref<!tpu.dma_semaphore, #tpu.memory_space<semaphore_mem>>) src(%dma_wait3A_270 : memref<10240x128xf32, #tpu.memory_space<hbm>>) dst(%arg11 : memref<128x128xf32, #tpu.memory_space<vmem>>)
      %run_scoped3A_271 = arith.constant 7 : i32
      "tpu.region"() ({
        %run_scoped3A_275 = tpu.sem_alloc : memref<!tpu.dma_semaphore, #tpu.memory_space<semaphore_mem>>
        %dma_start3A_276 = arith.constant 0 : i32
        %dma_start3A_277 = tpu.memref_slice %arg10[%run_scoped3A_271, %dma_start3A_276] : memref<8x128xi32, #tpu.memory_space<vmem>> -> memref<1x128xi32, #tpu.memory_space<vmem>>
        %dma_start3A_278 = tpu.memref_squeeze %dma_start3A_277 : memref<1x128xi32, #tpu.memory_space<vmem>> -> memref<128xi32, #tpu.memory_space<vmem>>
        %dma_start3A_279 = arith.constant 0 : i32
        %dma_start3A_280 = arith.constant 0 : i32
        %dma_start3A_281 = tpu.memref_slice %arg12[%dma_start3A_279, %dma_start3A_280] : memref<10240x128xf32, #tpu.memory_space<vmem_shared>> -> memref<10240x128xf32, #tpu.memory_space<vmem_shared>>
        tpu.enqueue_indirect_dma source(%arg11 : memref<128x128xf32, #tpu.memory_space<vmem>>) target(%dma_start3A_281 : memref<10240x128xf32, #tpu.memory_space<vmem_shared>>) offsets(%dma_start3A_278 : memref<128xi32, #tpu.memory_space<vmem>>) semaphore(%run_scoped3A_275 : memref<!tpu.dma_semaphore, #tpu.memory_space<semaphore_mem>>) {add = true}
        %dma_wait3A_282 = arith.constant 0 : i32
        %dma_wait3A_283 = tpu.memref_slice %arg10[%run_scoped3A_271, %dma_wait3A_282] : memref<8x128xi32, #tpu.memory_space<vmem>> -> memref<1x128xi32, #tpu.memory_space<vmem>>
        %dma_wait3A_284 = tpu.memref_squeeze %dma_wait3A_283 : memref<1x128xi32, #tpu.memory_space<vmem>> -> memref<128xi32, #tpu.memory_space<vmem>>
        %dma_wait3A_285 = arith.constant 0 : i32
        %dma_wait3A_286 = arith.constant 0 : i32
        %dma_wait3A_287 = tpu.memref_slice %arg12[%dma_wait3A_285, %dma_wait3A_286] : memref<10240x128xf32, #tpu.memory_space<vmem_shared>> -> memref<10240x128xf32, #tpu.memory_space<vmem_shared>>
        tpu.wait_indirect_dma semaphore(%run_scoped3A_275 : memref<!tpu.dma_semaphore, #tpu.memory_space<semaphore_mem>>) src(%arg11 : memref<128x128xf32, #tpu.memory_space<vmem>>) dst(%dma_wait3A_287 : memref<10240x128xf32, #tpu.memory_space<vmem_shared>>)
        tpu.yield
      }) : () -> ()
      %convert_element_type3A_272 = arith.extui %lt3A_173 : i1 to i32
      %cond3A_273 = arith.constant 0 : i32
      %cond3A_274 = arith.cmpi ne, %convert_element_type3A_272, %cond3A_273 : i32
      scf.if %cond3A_274 {
        %add3A_275 = arith.constant 16 : i32
        %add3A_276 = arith.addi %add3A_169, %add3A_275 : i32
        %mul3A_277 = arith.constant 128 : i32
        %mul3A_278 = arith.muli %add3A_276, %mul3A_277 : i32
        %dma_start3A_279 = tpu.memref_slice %arg2[%mul3A_278] : memref<327680xi32, #tpu.memory_space<hbm>> -> memref<1024xi32, #tpu.memory_space<hbm>>
        %dma_start3A_280 = tpu.memref_slice %arg2[%mul3A_278] : memref<327680xi32, #tpu.memory_space<hbm>> -> memref<1024xi32, #tpu.memory_space<hbm>>
        tpu.enqueue_dma source(%dma_start3A_280 : memref<1024xi32, #tpu.memory_space<hbm>>) target(%arg8 : memref<1024xi32, #tpu.memory_space<vmem>>) target_semaphore(%arg15 : memref<!tpu.dma_semaphore, #tpu.memory_space<semaphore_mem>>)
        %add3A_281 = arith.constant 16 : i32
        %add3A_282 = arith.addi %add3A_169, %add3A_281 : i32
        %dma_start3A_283 = arith.constant 0 : i32
        %dma_start3A_284 = tpu.memref_slice %arg3[%add3A_282, %dma_start3A_283] : memref<2560x128xi32, #tpu.memory_space<hbm>> -> memref<8x128xi32, #tpu.memory_space<hbm>>
        %dma_start3A_285 = arith.constant 0 : i32
        %dma_start3A_286 = tpu.memref_slice %arg3[%add3A_282, %dma_start3A_285] : memref<2560x128xi32, #tpu.memory_space<hbm>> -> memref<8x128xi32, #tpu.memory_space<hbm>>
        tpu.enqueue_dma source(%dma_start3A_286 : memref<8x128xi32, #tpu.memory_space<hbm>>) target(%arg10 : memref<8x128xi32, #tpu.memory_space<vmem>>) target_semaphore(%arg17 : memref<!tpu.dma_semaphore, #tpu.memory_space<semaphore_mem>>)
      } else {
      }
    }
    %barrier3A_59 = arith.constant 0 : index
    tpu.barrier barrier_id(%barrier3A_59)
    %mul3A_60 = arith.constant 640 : i32
    %mul3A_61 = arith.muli %arg1, %mul3A_60 : i32
    %mul3A_62 = arith.constant 640 : i32
    %mul3A_63 = arith.muli %arg1, %mul3A_62 : i32
    "tpu.region"() ({
      %run_scoped3A = tpu.sem_alloc : memref<!tpu.dma_semaphore, #tpu.memory_space<semaphore_mem>>
      %dma_start3A_64 = arith.constant 0 : i32
      %dma_start3A_65 = tpu.memref_slice %arg6[%arg0, %mul3A_63, %dma_start3A_64] : memref<2x10240x128xf32, #tpu.memory_space<hbm>> -> memref<1x640x128xf32, #tpu.memory_space<hbm>>
      %dma_start3A_66 = tpu.memref_squeeze %dma_start3A_65 : memref<1x640x128xf32, #tpu.memory_space<hbm>> -> memref<640x128xf32, #tpu.memory_space<hbm>>
      %dma_start3A_67 = arith.constant 0 : i32
      %dma_start3A_68 = tpu.memref_slice %arg12[%mul3A_61, %dma_start3A_67] : memref<10240x128xf32, #tpu.memory_space<vmem_shared>> -> memref<640x128xf32, #tpu.memory_space<vmem_shared>>
      tpu.enqueue_dma source(%dma_start3A_68 : memref<640x128xf32, #tpu.memory_space<vmem_shared>>) target(%dma_start3A_66 : memref<640x128xf32, #tpu.memory_space<hbm>>) target_semaphore(%run_scoped3A : memref<!tpu.dma_semaphore, #tpu.memory_space<semaphore_mem>>)
      %dma_wait3A = arith.constant 0 : i32
      %dma_wait3A_69 = tpu.memref_slice %arg6[%arg0, %mul3A_63, %dma_wait3A] : memref<2x10240x128xf32, #tpu.memory_space<hbm>> -> memref<1x640x128xf32, #tpu.memory_space<hbm>>
      %dma_wait3A_70 = tpu.memref_squeeze %dma_wait3A_69 : memref<1x640x128xf32, #tpu.memory_space<hbm>> -> memref<640x128xf32, #tpu.memory_space<hbm>>
      %dma_wait3A_71 = arith.constant 0 : i32
      %dma_wait3A_72 = tpu.memref_slice %arg12[%mul3A_61, %dma_wait3A_71] : memref<10240x128xf32, #tpu.memory_space<vmem_shared>> -> memref<640x128xf32, #tpu.memory_space<vmem_shared>>
      tpu.wait_dma2 semaphore(%run_scoped3A : memref<!tpu.dma_semaphore, #tpu.memory_space<semaphore_mem>>) src(%dma_wait3A_72 : memref<640x128xf32, #tpu.memory_space<vmem_shared>>) dst(%dma_wait3A_70 : memref<640x128xf32, #tpu.memory_space<hbm>>)
      tpu.yield
    }) : () -> ()
    return
  }
}

#map = affine_map<(d0, d1) -> (0)>
#map1 = affine_map<(d0, d1) -> (0, 0)>
#map2 = affine_map<(d0, d1) -> (0, 0, 0)>
module attributes {stable_mosaic.version = 14 : i64} {
  func.func @_agg_body(%arg0: i32, %arg1: i32, %arg2: memref<327680xi32, #tpu.memory_space<hbm>>, %arg3: memref<2560x128xi32, #tpu.memory_space<hbm>>, %arg4: memref<10240x128xf32, #tpu.memory_space<hbm>>, %arg5: memref<10240x128xf32, #tpu.memory_space<hbm>>, %arg6: memref<2x10240x128xf32, #tpu.memory_space<hbm>>, %arg7: memref<1024xi32, #tpu.memory_space<vmem>>, %arg8: memref<1024xi32, #tpu.memory_space<vmem>>, %arg9: memref<8x128xi32, #tpu.memory_space<vmem>>, %arg10: memref<8x128xi32, #tpu.memory_space<vmem>>, %arg11: memref<128x128xf32, #tpu.memory_space<vmem>>, %arg12: memref<10240x128xf32, #tpu.memory_space<vmem_shared>>, %arg13: memref<!tpu.dma_semaphore, #tpu.memory_space<semaphore_mem>>, %arg14: memref<!tpu.dma_semaphore, #tpu.memory_space<semaphore_mem>>, %arg15: memref<!tpu.dma_semaphore, #tpu.memory_space<semaphore_mem>>, %arg16: memref<!tpu.dma_semaphore, #tpu.memory_space<semaphore_mem>>, %arg17: memref<!tpu.dma_semaphore, #tpu.memory_space<semaphore_mem>>) attributes {dimension_semantics = [#tpu.dimension_semantics<core_parallel>, #tpu.dimension_semantics<subcore_parallel>], iteration_bounds = array<i64: 2, 16>, scalar_prefetch = 0 : i64, scratch_operands = 11 : i64, tpu.core_type = #tpu.core_type<sc_vector_subcore>, window_params = [{transform_indices = #map}, {transform_indices = #map1}, {transform_indices = #map1}, {transform_indices = #map1}, {transform_indices = #map2}]} {
    %eq3A = arith.constant 0 : i32
    %eq3A_0 = arith.cmpi eq, %arg0, %eq3A : i32
    %jit3A = arith.constant 144 : i32
    %jit3A_1 = arith.constant 16 : i32
    %select_n3A = arith.select %eq3A_0, %jit3A, %jit3A_1 : i32
    %eq3A_2 = arith.constant 0 : i32
    %eq3A_3 = arith.cmpi eq, %arg0, %eq3A_2 : i32
    %mul3A = arith.constant 144 : i32
    %mul3A_4 = arith.muli %arg1, %mul3A : i32
    %mul3A_5 = arith.constant 16 : i32
    %mul3A_6 = arith.muli %arg1, %mul3A_5 : i32
    %add3A = arith.constant 2304 : i32
    %add3A_7 = arith.addi %add3A, %mul3A_6 : i32
    %select_n3A_8 = arith.select %eq3A_3, %mul3A_4, %add3A_7 : i32
    %mul3A_9 = arith.constant 640 : i32
    %mul3A_10 = arith.muli %arg1, %mul3A_9 : i32
    %mul3A_11 = arith.constant 640 : i32
    %mul3A_12 = arith.muli %arg1, %mul3A_11 : i32
    "tpu.region"() ({
      %run_scoped3A = tpu.sem_alloc : memref<!tpu.dma_semaphore, #tpu.memory_space<semaphore_mem>>
      %dma_start3A_64 = arith.constant 0 : i32
      %dma_start3A_65 = tpu.memref_slice %arg12[%mul3A_12, %dma_start3A_64] : memref<10240x128xf32, #tpu.memory_space<vmem_shared>> -> memref<640x128xf32, #tpu.memory_space<vmem_shared>>
      %dma_start3A_66 = arith.constant 0 : i32
      %dma_start3A_67 = tpu.memref_slice %arg5[%mul3A_10, %dma_start3A_66] : memref<10240x128xf32, #tpu.memory_space<hbm>> -> memref<640x128xf32, #tpu.memory_space<hbm>>
      tpu.enqueue_dma source(%dma_start3A_67 : memref<640x128xf32, #tpu.memory_space<hbm>>) target(%dma_start3A_65 : memref<640x128xf32, #tpu.memory_space<vmem_shared>>) target_semaphore(%run_scoped3A : memref<!tpu.dma_semaphore, #tpu.memory_space<semaphore_mem>>)
      %dma_wait3A = arith.constant 0 : i32
      %dma_wait3A_68 = tpu.memref_slice %arg12[%mul3A_12, %dma_wait3A] : memref<10240x128xf32, #tpu.memory_space<vmem_shared>> -> memref<640x128xf32, #tpu.memory_space<vmem_shared>>
      %dma_wait3A_69 = arith.constant 0 : i32
      %dma_wait3A_70 = tpu.memref_slice %arg5[%mul3A_10, %dma_wait3A_69] : memref<10240x128xf32, #tpu.memory_space<hbm>> -> memref<640x128xf32, #tpu.memory_space<hbm>>
      tpu.wait_dma2 semaphore(%run_scoped3A : memref<!tpu.dma_semaphore, #tpu.memory_space<semaphore_mem>>) src(%dma_wait3A_70 : memref<640x128xf32, #tpu.memory_space<hbm>>) dst(%dma_wait3A_68 : memref<640x128xf32, #tpu.memory_space<vmem_shared>>)
      tpu.yield
    }) : () -> ()
    %mul3A_13 = arith.constant 128 : i32
    %mul3A_14 = arith.muli %select_n3A_8, %mul3A_13 : i32
    %dma_start3A = tpu.memref_slice %arg2[%mul3A_14] : memref<327680xi32, #tpu.memory_space<hbm>> -> memref<1024xi32, #tpu.memory_space<hbm>>
    %dma_start3A_15 = tpu.memref_slice %arg2[%mul3A_14] : memref<327680xi32, #tpu.memory_space<hbm>> -> memref<1024xi32, #tpu.memory_space<hbm>>
    tpu.enqueue_dma source(%dma_start3A_15 : memref<1024xi32, #tpu.memory_space<hbm>>) target(%arg7 : memref<1024xi32, #tpu.memory_space<vmem>>) target_semaphore(%arg14 : memref<!tpu.dma_semaphore, #tpu.memory_space<semaphore_mem>>)
    %add3A_16 = arith.constant 8 : i32
    %add3A_17 = arith.addi %select_n3A_8, %add3A_16 : i32
    %mul3A_18 = arith.constant 128 : i32
    %mul3A_19 = arith.muli %add3A_17, %mul3A_18 : i32
    %dma_start3A_20 = tpu.memref_slice %arg2[%mul3A_19] : memref<327680xi32, #tpu.memory_space<hbm>> -> memref<1024xi32, #tpu.memory_space<hbm>>
    %dma_start3A_21 = tpu.memref_slice %arg2[%mul3A_19] : memref<327680xi32, #tpu.memory_space<hbm>> -> memref<1024xi32, #tpu.memory_space<hbm>>
    tpu.enqueue_dma source(%dma_start3A_21 : memref<1024xi32, #tpu.memory_space<hbm>>) target(%arg8 : memref<1024xi32, #tpu.memory_space<vmem>>) target_semaphore(%arg15 : memref<!tpu.dma_semaphore, #tpu.memory_space<semaphore_mem>>)
    %dma_start3A_22 = arith.constant 0 : i32
    %dma_start3A_23 = tpu.memref_slice %arg3[%select_n3A_8, %dma_start3A_22] : memref<2560x128xi32, #tpu.memory_space<hbm>> -> memref<8x128xi32, #tpu.memory_space<hbm>>
    %dma_start3A_24 = arith.constant 0 : i32
    %dma_start3A_25 = tpu.memref_slice %arg3[%select_n3A_8, %dma_start3A_24] : memref<2560x128xi32, #tpu.memory_space<hbm>> -> memref<8x128xi32, #tpu.memory_space<hbm>>
    tpu.enqueue_dma source(%dma_start3A_25 : memref<8x128xi32, #tpu.memory_space<hbm>>) target(%arg9 : memref<8x128xi32, #tpu.memory_space<vmem>>) target_semaphore(%arg16 : memref<!tpu.dma_semaphore, #tpu.memory_space<semaphore_mem>>)
    %add3A_26 = arith.constant 8 : i32
    %add3A_27 = arith.addi %select_n3A_8, %add3A_26 : i32
    %dma_start3A_28 = arith.constant 0 : i32
    %dma_start3A_29 = tpu.memref_slice %arg3[%add3A_27, %dma_start3A_28] : memref<2560x128xi32, #tpu.memory_space<hbm>> -> memref<8x128xi32, #tpu.memory_space<hbm>>
    %dma_start3A_30 = arith.constant 0 : i32
    %dma_start3A_31 = tpu.memref_slice %arg3[%add3A_27, %dma_start3A_30] : memref<2560x128xi32, #tpu.memory_space<hbm>> -> memref<8x128xi32, #tpu.memory_space<hbm>>
    tpu.enqueue_dma source(%dma_start3A_31 : memref<8x128xi32, #tpu.memory_space<hbm>>) target(%arg10 : memref<8x128xi32, #tpu.memory_space<vmem>>) target_semaphore(%arg17 : memref<!tpu.dma_semaphore, #tpu.memory_space<semaphore_mem>>)
    %barrier3A = arith.constant 0 : index
    tpu.barrier barrier_id(%barrier3A)
    %jit3A_32 = arith.constant 16 : i32
    %div3A = arith.divsi %select_n3A, %jit3A_32 : i32
    %sign3A = arith.constant 0 : i32
    %sign3A_33 = arith.cmpi sgt, %select_n3A, %sign3A : i32
    %sign3A_34 = arith.extui %sign3A_33 : i1 to i32
    %sign3A_35 = arith.constant 0 : i32
    %sign3A_36 = arith.cmpi slt, %select_n3A, %sign3A_35 : i32
    %sign3A_37 = arith.extui %sign3A_36 : i1 to i32
    %sign3A_38 = arith.subi %sign3A_34, %sign3A_37 : i32
    %sign3A_39 = arith.constant 0 : i32
    %sign3A_40 = arith.cmpi sgt, %jit3A_32, %sign3A_39 : i32
    %sign3A_41 = arith.extui %sign3A_40 : i1 to i32
    %sign3A_42 = arith.constant 0 : i32
    %sign3A_43 = arith.cmpi slt, %jit3A_32, %sign3A_42 : i32
    %sign3A_44 = arith.extui %sign3A_43 : i1 to i32
    %sign3A_45 = arith.subi %sign3A_41, %sign3A_44 : i32
    %ne3A = arith.cmpi ne, %sign3A_38, %sign3A_45 : i32
    %rem3A = arith.remsi %select_n3A, %jit3A_32 : i32
    %ne3A_46 = arith.constant 0 : i32
    %ne3A_47 = arith.cmpi ne, %rem3A, %ne3A_46 : i32
    %and3A = arith.andi %ne3A, %ne3A_47 : i1
    %sub3A = arith.constant 1 : i32
    %sub3A_48 = arith.subi %div3A, %sub3A : i32
    %select_n3A_49 = arith.select %and3A, %sub3A_48, %div3A : i32
    %while3A = arith.constant 0 : i32
    %while3A_50 = arith.constant 0 : i32
    %while3A_51 = arith.subi %select_n3A_49, %while3A_50 : i32
    %while3A_52 = arith.addi %while3A_50, %while3A_51 : i32
    %while3A_53 = arith.constant 1 : i32
    %while3A_54 = arith.divsi %while3A_51, %while3A_53 : i32
    %while3A_55 = arith.muli %while3A_54, %while3A_53 : i32
    %while3A_56 = arith.addi %while3A_50, %while3A_55 : i32
    %while3A_57 = arith.constant 1 : i32
    scf.for %while3A_64 = %while3A_50 to %while3A_56 step %while3A_57  : i32 {
      %mul3A_65 = arith.constant 16 : i32
      %mul3A_66 = arith.muli %mul3A_65, %while3A_64 : i32
      %add3A_67 = arith.addi %select_n3A_8, %mul3A_66 : i32
      %add3A_68 = arith.constant 16 : i32
      %add3A_69 = arith.addi %add3A_67, %add3A_68 : i32
      %add3A_70 = arith.addi %select_n3A_8, %select_n3A : i32
      %lt3A = arith.cmpi slt, %add3A_69, %add3A_70 : i32
      %dma_wait3A = arith.constant 0 : i32
      %dma_wait3A_71 = tpu.memref_slice %arg2[%dma_wait3A] : memref<327680xi32, #tpu.memory_space<hbm>> -> memref<1024xi32, #tpu.memory_space<hbm>>
      %dma_wait3A_72 = arith.constant 0 : i32
      %dma_wait3A_73 = tpu.memref_slice %arg2[%dma_wait3A_72] : memref<327680xi32, #tpu.memory_space<hbm>> -> memref<1024xi32, #tpu.memory_space<hbm>>
      tpu.wait_dma2 semaphore(%arg14 : memref<!tpu.dma_semaphore, #tpu.memory_space<semaphore_mem>>) src(%dma_wait3A_73 : memref<1024xi32, #tpu.memory_space<hbm>>) dst(%arg7 : memref<1024xi32, #tpu.memory_space<vmem>>)
      %dma_wait3A_74 = arith.constant 0 : i32
      %dma_wait3A_75 = arith.constant 0 : i32
      %dma_wait3A_76 = tpu.memref_slice %arg3[%dma_wait3A_74, %dma_wait3A_75] : memref<2560x128xi32, #tpu.memory_space<hbm>> -> memref<8x128xi32, #tpu.memory_space<hbm>>
      %dma_wait3A_77 = arith.constant 0 : i32
      %dma_wait3A_78 = arith.constant 0 : i32
      %dma_wait3A_79 = tpu.memref_slice %arg3[%dma_wait3A_77, %dma_wait3A_78] : memref<2560x128xi32, #tpu.memory_space<hbm>> -> memref<8x128xi32, #tpu.memory_space<hbm>>
      tpu.wait_dma2 semaphore(%arg16 : memref<!tpu.dma_semaphore, #tpu.memory_space<semaphore_mem>>) src(%dma_wait3A_79 : memref<8x128xi32, #tpu.memory_space<hbm>>) dst(%arg9 : memref<8x128xi32, #tpu.memory_space<vmem>>)
      %dma_start3A_80 = arith.constant 0 : i32
      %dma_start3A_81 = tpu.memref_slice %arg7[%dma_start3A_80] : memref<1024xi32, #tpu.memory_space<vmem>> -> memref<128xi32, #tpu.memory_space<vmem>>
      %dma_start3A_82 = arith.constant 0 : i32
      %dma_start3A_83 = arith.constant 0 : i32
      %dma_start3A_84 = tpu.memref_slice %arg4[%dma_start3A_82, %dma_start3A_83] : memref<10240x128xf32, #tpu.memory_space<hbm>> -> memref<10240x128xf32, #tpu.memory_space<hbm>>
      tpu.enqueue_indirect_dma source(%dma_start3A_84 : memref<10240x128xf32, #tpu.memory_space<hbm>>) target(%arg11 : memref<128x128xf32, #tpu.memory_space<vmem>>) offsets(%dma_start3A_81 : memref<128xi32, #tpu.memory_space<vmem>>) semaphore(%arg13 : memref<!tpu.dma_semaphore, #tpu.memory_space<semaphore_mem>>)
      %dma_wait3A_85 = arith.constant 0 : i32
      %dma_wait3A_86 = tpu.memref_slice %arg7[%dma_wait3A_85] : memref<1024xi32, #tpu.memory_space<vmem>> -> memref<128xi32, #tpu.memory_space<vmem>>
      %dma_wait3A_87 = arith.constant 0 : i32
      %dma_wait3A_88 = arith.constant 0 : i32
      %dma_wait3A_89 = tpu.memref_slice %arg4[%dma_wait3A_87, %dma_wait3A_88] : memref<10240x128xf32, #tpu.memory_space<hbm>> -> memref<10240x128xf32, #tpu.memory_space<hbm>>
      tpu.wait_indirect_dma semaphore(%arg13 : memref<!tpu.dma_semaphore, #tpu.memory_space<semaphore_mem>>) src(%dma_wait3A_89 : memref<10240x128xf32, #tpu.memory_space<hbm>>) dst(%arg11 : memref<128x128xf32, #tpu.memory_space<vmem>>)
      %run_scoped3A = arith.constant 0 : i32
      "tpu.region"() ({
        %run_scoped3A_275 = tpu.sem_alloc : memref<!tpu.dma_semaphore, #tpu.memory_space<semaphore_mem>>
        %dma_start3A_276 = arith.constant 0 : i32
        %dma_start3A_277 = tpu.memref_slice %arg9[%run_scoped3A, %dma_start3A_276] : memref<8x128xi32, #tpu.memory_space<vmem>> -> memref<1x128xi32, #tpu.memory_space<vmem>>
        %dma_start3A_278 = tpu.memref_squeeze %dma_start3A_277 : memref<1x128xi32, #tpu.memory_space<vmem>> -> memref<128xi32, #tpu.memory_space<vmem>>
        %dma_start3A_279 = arith.constant 0 : i32
        %dma_start3A_280 = arith.constant 0 : i32
        %dma_start3A_281 = tpu.memref_slice %arg12[%dma_start3A_279, %dma_start3A_280] : memref<10240x128xf32, #tpu.memory_space<vmem_shared>> -> memref<10240x128xf32, #tpu.memory_space<vmem_shared>>
        tpu.enqueue_indirect_dma source(%arg11 : memref<128x128xf32, #tpu.memory_space<vmem>>) target(%dma_start3A_281 : memref<10240x128xf32, #tpu.memory_space<vmem_shared>>) offsets(%dma_start3A_278 : memref<128xi32, #tpu.memory_space<vmem>>) semaphore(%run_scoped3A_275 : memref<!tpu.dma_semaphore, #tpu.memory_space<semaphore_mem>>) {add = true}
        %dma_wait3A_282 = arith.constant 0 : i32
        %dma_wait3A_283 = tpu.memref_slice %arg9[%run_scoped3A, %dma_wait3A_282] : memref<8x128xi32, #tpu.memory_space<vmem>> -> memref<1x128xi32, #tpu.memory_space<vmem>>
        %dma_wait3A_284 = tpu.memref_squeeze %dma_wait3A_283 : memref<1x128xi32, #tpu.memory_space<vmem>> -> memref<128xi32, #tpu.memory_space<vmem>>
        %dma_wait3A_285 = arith.constant 0 : i32
        %dma_wait3A_286 = arith.constant 0 : i32
        %dma_wait3A_287 = tpu.memref_slice %arg12[%dma_wait3A_285, %dma_wait3A_286] : memref<10240x128xf32, #tpu.memory_space<vmem_shared>> -> memref<10240x128xf32, #tpu.memory_space<vmem_shared>>
        tpu.wait_indirect_dma semaphore(%run_scoped3A_275 : memref<!tpu.dma_semaphore, #tpu.memory_space<semaphore_mem>>) src(%arg11 : memref<128x128xf32, #tpu.memory_space<vmem>>) dst(%dma_wait3A_287 : memref<10240x128xf32, #tpu.memory_space<vmem_shared>>)
        tpu.yield
      }) : () -> ()
      %dma_start3A_90 = arith.constant 128 : i32
      %dma_start3A_91 = tpu.memref_slice %arg7[%dma_start3A_90] : memref<1024xi32, #tpu.memory_space<vmem>> -> memref<128xi32, #tpu.memory_space<vmem>>
      %dma_start3A_92 = arith.constant 0 : i32
      %dma_start3A_93 = arith.constant 0 : i32
      %dma_start3A_94 = tpu.memref_slice %arg4[%dma_start3A_92, %dma_start3A_93] : memref<10240x128xf32, #tpu.memory_space<hbm>> -> memref<10240x128xf32, #tpu.memory_space<hbm>>
      tpu.enqueue_indirect_dma source(%dma_start3A_94 : memref<10240x128xf32, #tpu.memory_space<hbm>>) target(%arg11 : memref<128x128xf32, #tpu.memory_space<vmem>>) offsets(%dma_start3A_91 : memref<128xi32, #tpu.memory_space<vmem>>) semaphore(%arg13 : memref<!tpu.dma_semaphore, #tpu.memory_space<semaphore_mem>>)
      %dma_wait3A_95 = arith.constant 128 : i32
      %dma_wait3A_96 = tpu.memref_slice %arg7[%dma_wait3A_95] : memref<1024xi32, #tpu.memory_space<vmem>> -> memref<128xi32, #tpu.memory_space<vmem>>
      %dma_wait3A_97 = arith.constant 0 : i32
      %dma_wait3A_98 = arith.constant 0 : i32
      %dma_wait3A_99 = tpu.memref_slice %arg4[%dma_wait3A_97, %dma_wait3A_98] : memref<10240x128xf32, #tpu.memory_space<hbm>> -> memref<10240x128xf32, #tpu.memory_space<hbm>>
      tpu.wait_indirect_dma semaphore(%arg13 : memref<!tpu.dma_semaphore, #tpu.memory_space<semaphore_mem>>) src(%dma_wait3A_99 : memref<10240x128xf32, #tpu.memory_space<hbm>>) dst(%arg11 : memref<128x128xf32, #tpu.memory_space<vmem>>)
      %run_scoped3A_100 = arith.constant 1 : i32
      "tpu.region"() ({
        %run_scoped3A_275 = tpu.sem_alloc : memref<!tpu.dma_semaphore, #tpu.memory_space<semaphore_mem>>
        %dma_start3A_276 = arith.constant 0 : i32
        %dma_start3A_277 = tpu.memref_slice %arg9[%run_scoped3A_100, %dma_start3A_276] : memref<8x128xi32, #tpu.memory_space<vmem>> -> memref<1x128xi32, #tpu.memory_space<vmem>>
        %dma_start3A_278 = tpu.memref_squeeze %dma_start3A_277 : memref<1x128xi32, #tpu.memory_space<vmem>> -> memref<128xi32, #tpu.memory_space<vmem>>
        %dma_start3A_279 = arith.constant 0 : i32
        %dma_start3A_280 = arith.constant 0 : i32
        %dma_start3A_281 = tpu.memref_slice %arg12[%dma_start3A_279, %dma_start3A_280] : memref<10240x128xf32, #tpu.memory_space<vmem_shared>> -> memref<10240x128xf32, #tpu.memory_space<vmem_shared>>
        tpu.enqueue_indirect_dma source(%arg11 : memref<128x128xf32, #tpu.memory_space<vmem>>) target(%dma_start3A_281 : memref<10240x128xf32, #tpu.memory_space<vmem_shared>>) offsets(%dma_start3A_278 : memref<128xi32, #tpu.memory_space<vmem>>) semaphore(%run_scoped3A_275 : memref<!tpu.dma_semaphore, #tpu.memory_space<semaphore_mem>>) {add = true}
        %dma_wait3A_282 = arith.constant 0 : i32
        %dma_wait3A_283 = tpu.memref_slice %arg9[%run_scoped3A_100, %dma_wait3A_282] : memref<8x128xi32, #tpu.memory_space<vmem>> -> memref<1x128xi32, #tpu.memory_space<vmem>>
        %dma_wait3A_284 = tpu.memref_squeeze %dma_wait3A_283 : memref<1x128xi32, #tpu.memory_space<vmem>> -> memref<128xi32, #tpu.memory_space<vmem>>
        %dma_wait3A_285 = arith.constant 0 : i32
        %dma_wait3A_286 = arith.constant 0 : i32
        %dma_wait3A_287 = tpu.memref_slice %arg12[%dma_wait3A_285, %dma_wait3A_286] : memref<10240x128xf32, #tpu.memory_space<vmem_shared>> -> memref<10240x128xf32, #tpu.memory_space<vmem_shared>>
        tpu.wait_indirect_dma semaphore(%run_scoped3A_275 : memref<!tpu.dma_semaphore, #tpu.memory_space<semaphore_mem>>) src(%arg11 : memref<128x128xf32, #tpu.memory_space<vmem>>) dst(%dma_wait3A_287 : memref<10240x128xf32, #tpu.memory_space<vmem_shared>>)
        tpu.yield
      }) : () -> ()
      %dma_start3A_101 = arith.constant 256 : i32
      %dma_start3A_102 = tpu.memref_slice %arg7[%dma_start3A_101] : memref<1024xi32, #tpu.memory_space<vmem>> -> memref<128xi32, #tpu.memory_space<vmem>>
      %dma_start3A_103 = arith.constant 0 : i32
      %dma_start3A_104 = arith.constant 0 : i32
      %dma_start3A_105 = tpu.memref_slice %arg4[%dma_start3A_103, %dma_start3A_104] : memref<10240x128xf32, #tpu.memory_space<hbm>> -> memref<10240x128xf32, #tpu.memory_space<hbm>>
      tpu.enqueue_indirect_dma source(%dma_start3A_105 : memref<10240x128xf32, #tpu.memory_space<hbm>>) target(%arg11 : memref<128x128xf32, #tpu.memory_space<vmem>>) offsets(%dma_start3A_102 : memref<128xi32, #tpu.memory_space<vmem>>) semaphore(%arg13 : memref<!tpu.dma_semaphore, #tpu.memory_space<semaphore_mem>>)
      %dma_wait3A_106 = arith.constant 256 : i32
      %dma_wait3A_107 = tpu.memref_slice %arg7[%dma_wait3A_106] : memref<1024xi32, #tpu.memory_space<vmem>> -> memref<128xi32, #tpu.memory_space<vmem>>
      %dma_wait3A_108 = arith.constant 0 : i32
      %dma_wait3A_109 = arith.constant 0 : i32
      %dma_wait3A_110 = tpu.memref_slice %arg4[%dma_wait3A_108, %dma_wait3A_109] : memref<10240x128xf32, #tpu.memory_space<hbm>> -> memref<10240x128xf32, #tpu.memory_space<hbm>>
      tpu.wait_indirect_dma semaphore(%arg13 : memref<!tpu.dma_semaphore, #tpu.memory_space<semaphore_mem>>) src(%dma_wait3A_110 : memref<10240x128xf32, #tpu.memory_space<hbm>>) dst(%arg11 : memref<128x128xf32, #tpu.memory_space<vmem>>)
      %run_scoped3A_111 = arith.constant 2 : i32
      "tpu.region"() ({
        %run_scoped3A_275 = tpu.sem_alloc : memref<!tpu.dma_semaphore, #tpu.memory_space<semaphore_mem>>
        %dma_start3A_276 = arith.constant 0 : i32
        %dma_start3A_277 = tpu.memref_slice %arg9[%run_scoped3A_111, %dma_start3A_276] : memref<8x128xi32, #tpu.memory_space<vmem>> -> memref<1x128xi32, #tpu.memory_space<vmem>>
        %dma_start3A_278 = tpu.memref_squeeze %dma_start3A_277 : memref<1x128xi32, #tpu.memory_space<vmem>> -> memref<128xi32, #tpu.memory_space<vmem>>
        %dma_start3A_279 = arith.constant 0 : i32
        %dma_start3A_280 = arith.constant 0 : i32
        %dma_start3A_281 = tpu.memref_slice %arg12[%dma_start3A_279, %dma_start3A_280] : memref<10240x128xf32, #tpu.memory_space<vmem_shared>> -> memref<10240x128xf32, #tpu.memory_space<vmem_shared>>
        tpu.enqueue_indirect_dma source(%arg11 : memref<128x128xf32, #tpu.memory_space<vmem>>) target(%dma_start3A_281 : memref<10240x128xf32, #tpu.memory_space<vmem_shared>>) offsets(%dma_start3A_278 : memref<128xi32, #tpu.memory_space<vmem>>) semaphore(%run_scoped3A_275 : memref<!tpu.dma_semaphore, #tpu.memory_space<semaphore_mem>>) {add = true}
        %dma_wait3A_282 = arith.constant 0 : i32
        %dma_wait3A_283 = tpu.memref_slice %arg9[%run_scoped3A_111, %dma_wait3A_282] : memref<8x128xi32, #tpu.memory_space<vmem>> -> memref<1x128xi32, #tpu.memory_space<vmem>>
        %dma_wait3A_284 = tpu.memref_squeeze %dma_wait3A_283 : memref<1x128xi32, #tpu.memory_space<vmem>> -> memref<128xi32, #tpu.memory_space<vmem>>
        %dma_wait3A_285 = arith.constant 0 : i32
        %dma_wait3A_286 = arith.constant 0 : i32
        %dma_wait3A_287 = tpu.memref_slice %arg12[%dma_wait3A_285, %dma_wait3A_286] : memref<10240x128xf32, #tpu.memory_space<vmem_shared>> -> memref<10240x128xf32, #tpu.memory_space<vmem_shared>>
        tpu.wait_indirect_dma semaphore(%run_scoped3A_275 : memref<!tpu.dma_semaphore, #tpu.memory_space<semaphore_mem>>) src(%arg11 : memref<128x128xf32, #tpu.memory_space<vmem>>) dst(%dma_wait3A_287 : memref<10240x128xf32, #tpu.memory_space<vmem_shared>>)
        tpu.yield
      }) : () -> ()
      %dma_start3A_112 = arith.constant 384 : i32
      %dma_start3A_113 = tpu.memref_slice %arg7[%dma_start3A_112] : memref<1024xi32, #tpu.memory_space<vmem>> -> memref<128xi32, #tpu.memory_space<vmem>>
      %dma_start3A_114 = arith.constant 0 : i32
      %dma_start3A_115 = arith.constant 0 : i32
      %dma_start3A_116 = tpu.memref_slice %arg4[%dma_start3A_114, %dma_start3A_115] : memref<10240x128xf32, #tpu.memory_space<hbm>> -> memref<10240x128xf32, #tpu.memory_space<hbm>>
      tpu.enqueue_indirect_dma source(%dma_start3A_116 : memref<10240x128xf32, #tpu.memory_space<hbm>>) target(%arg11 : memref<128x128xf32, #tpu.memory_space<vmem>>) offsets(%dma_start3A_113 : memref<128xi32, #tpu.memory_space<vmem>>) semaphore(%arg13 : memref<!tpu.dma_semaphore, #tpu.memory_space<semaphore_mem>>)
      %dma_wait3A_117 = arith.constant 384 : i32
      %dma_wait3A_118 = tpu.memref_slice %arg7[%dma_wait3A_117] : memref<1024xi32, #tpu.memory_space<vmem>> -> memref<128xi32, #tpu.memory_space<vmem>>
      %dma_wait3A_119 = arith.constant 0 : i32
      %dma_wait3A_120 = arith.constant 0 : i32
      %dma_wait3A_121 = tpu.memref_slice %arg4[%dma_wait3A_119, %dma_wait3A_120] : memref<10240x128xf32, #tpu.memory_space<hbm>> -> memref<10240x128xf32, #tpu.memory_space<hbm>>
      tpu.wait_indirect_dma semaphore(%arg13 : memref<!tpu.dma_semaphore, #tpu.memory_space<semaphore_mem>>) src(%dma_wait3A_121 : memref<10240x128xf32, #tpu.memory_space<hbm>>) dst(%arg11 : memref<128x128xf32, #tpu.memory_space<vmem>>)
      %run_scoped3A_122 = arith.constant 3 : i32
      "tpu.region"() ({
        %run_scoped3A_275 = tpu.sem_alloc : memref<!tpu.dma_semaphore, #tpu.memory_space<semaphore_mem>>
        %dma_start3A_276 = arith.constant 0 : i32
        %dma_start3A_277 = tpu.memref_slice %arg9[%run_scoped3A_122, %dma_start3A_276] : memref<8x128xi32, #tpu.memory_space<vmem>> -> memref<1x128xi32, #tpu.memory_space<vmem>>
        %dma_start3A_278 = tpu.memref_squeeze %dma_start3A_277 : memref<1x128xi32, #tpu.memory_space<vmem>> -> memref<128xi32, #tpu.memory_space<vmem>>
        %dma_start3A_279 = arith.constant 0 : i32
        %dma_start3A_280 = arith.constant 0 : i32
        %dma_start3A_281 = tpu.memref_slice %arg12[%dma_start3A_279, %dma_start3A_280] : memref<10240x128xf32, #tpu.memory_space<vmem_shared>> -> memref<10240x128xf32, #tpu.memory_space<vmem_shared>>
        tpu.enqueue_indirect_dma source(%arg11 : memref<128x128xf32, #tpu.memory_space<vmem>>) target(%dma_start3A_281 : memref<10240x128xf32, #tpu.memory_space<vmem_shared>>) offsets(%dma_start3A_278 : memref<128xi32, #tpu.memory_space<vmem>>) semaphore(%run_scoped3A_275 : memref<!tpu.dma_semaphore, #tpu.memory_space<semaphore_mem>>) {add = true}
        %dma_wait3A_282 = arith.constant 0 : i32
        %dma_wait3A_283 = tpu.memref_slice %arg9[%run_scoped3A_122, %dma_wait3A_282] : memref<8x128xi32, #tpu.memory_space<vmem>> -> memref<1x128xi32, #tpu.memory_space<vmem>>
        %dma_wait3A_284 = tpu.memref_squeeze %dma_wait3A_283 : memref<1x128xi32, #tpu.memory_space<vmem>> -> memref<128xi32, #tpu.memory_space<vmem>>
        %dma_wait3A_285 = arith.constant 0 : i32
        %dma_wait3A_286 = arith.constant 0 : i32
        %dma_wait3A_287 = tpu.memref_slice %arg12[%dma_wait3A_285, %dma_wait3A_286] : memref<10240x128xf32, #tpu.memory_space<vmem_shared>> -> memref<10240x128xf32, #tpu.memory_space<vmem_shared>>
        tpu.wait_indirect_dma semaphore(%run_scoped3A_275 : memref<!tpu.dma_semaphore, #tpu.memory_space<semaphore_mem>>) src(%arg11 : memref<128x128xf32, #tpu.memory_space<vmem>>) dst(%dma_wait3A_287 : memref<10240x128xf32, #tpu.memory_space<vmem_shared>>)
        tpu.yield
      }) : () -> ()
      %dma_start3A_123 = arith.constant 512 : i32
      %dma_start3A_124 = tpu.memref_slice %arg7[%dma_start3A_123] : memref<1024xi32, #tpu.memory_space<vmem>> -> memref<128xi32, #tpu.memory_space<vmem>>
      %dma_start3A_125 = arith.constant 0 : i32
      %dma_start3A_126 = arith.constant 0 : i32
      %dma_start3A_127 = tpu.memref_slice %arg4[%dma_start3A_125, %dma_start3A_126] : memref<10240x128xf32, #tpu.memory_space<hbm>> -> memref<10240x128xf32, #tpu.memory_space<hbm>>
      tpu.enqueue_indirect_dma source(%dma_start3A_127 : memref<10240x128xf32, #tpu.memory_space<hbm>>) target(%arg11 : memref<128x128xf32, #tpu.memory_space<vmem>>) offsets(%dma_start3A_124 : memref<128xi32, #tpu.memory_space<vmem>>) semaphore(%arg13 : memref<!tpu.dma_semaphore, #tpu.memory_space<semaphore_mem>>)
      %dma_wait3A_128 = arith.constant 512 : i32
      %dma_wait3A_129 = tpu.memref_slice %arg7[%dma_wait3A_128] : memref<1024xi32, #tpu.memory_space<vmem>> -> memref<128xi32, #tpu.memory_space<vmem>>
      %dma_wait3A_130 = arith.constant 0 : i32
      %dma_wait3A_131 = arith.constant 0 : i32
      %dma_wait3A_132 = tpu.memref_slice %arg4[%dma_wait3A_130, %dma_wait3A_131] : memref<10240x128xf32, #tpu.memory_space<hbm>> -> memref<10240x128xf32, #tpu.memory_space<hbm>>
      tpu.wait_indirect_dma semaphore(%arg13 : memref<!tpu.dma_semaphore, #tpu.memory_space<semaphore_mem>>) src(%dma_wait3A_132 : memref<10240x128xf32, #tpu.memory_space<hbm>>) dst(%arg11 : memref<128x128xf32, #tpu.memory_space<vmem>>)
      %run_scoped3A_133 = arith.constant 4 : i32
      "tpu.region"() ({
        %run_scoped3A_275 = tpu.sem_alloc : memref<!tpu.dma_semaphore, #tpu.memory_space<semaphore_mem>>
        %dma_start3A_276 = arith.constant 0 : i32
        %dma_start3A_277 = tpu.memref_slice %arg9[%run_scoped3A_133, %dma_start3A_276] : memref<8x128xi32, #tpu.memory_space<vmem>> -> memref<1x128xi32, #tpu.memory_space<vmem>>
        %dma_start3A_278 = tpu.memref_squeeze %dma_start3A_277 : memref<1x128xi32, #tpu.memory_space<vmem>> -> memref<128xi32, #tpu.memory_space<vmem>>
        %dma_start3A_279 = arith.constant 0 : i32
        %dma_start3A_280 = arith.constant 0 : i32
        %dma_start3A_281 = tpu.memref_slice %arg12[%dma_start3A_279, %dma_start3A_280] : memref<10240x128xf32, #tpu.memory_space<vmem_shared>> -> memref<10240x128xf32, #tpu.memory_space<vmem_shared>>
        tpu.enqueue_indirect_dma source(%arg11 : memref<128x128xf32, #tpu.memory_space<vmem>>) target(%dma_start3A_281 : memref<10240x128xf32, #tpu.memory_space<vmem_shared>>) offsets(%dma_start3A_278 : memref<128xi32, #tpu.memory_space<vmem>>) semaphore(%run_scoped3A_275 : memref<!tpu.dma_semaphore, #tpu.memory_space<semaphore_mem>>) {add = true}
        %dma_wait3A_282 = arith.constant 0 : i32
        %dma_wait3A_283 = tpu.memref_slice %arg9[%run_scoped3A_133, %dma_wait3A_282] : memref<8x128xi32, #tpu.memory_space<vmem>> -> memref<1x128xi32, #tpu.memory_space<vmem>>
        %dma_wait3A_284 = tpu.memref_squeeze %dma_wait3A_283 : memref<1x128xi32, #tpu.memory_space<vmem>> -> memref<128xi32, #tpu.memory_space<vmem>>
        %dma_wait3A_285 = arith.constant 0 : i32
        %dma_wait3A_286 = arith.constant 0 : i32
        %dma_wait3A_287 = tpu.memref_slice %arg12[%dma_wait3A_285, %dma_wait3A_286] : memref<10240x128xf32, #tpu.memory_space<vmem_shared>> -> memref<10240x128xf32, #tpu.memory_space<vmem_shared>>
        tpu.wait_indirect_dma semaphore(%run_scoped3A_275 : memref<!tpu.dma_semaphore, #tpu.memory_space<semaphore_mem>>) src(%arg11 : memref<128x128xf32, #tpu.memory_space<vmem>>) dst(%dma_wait3A_287 : memref<10240x128xf32, #tpu.memory_space<vmem_shared>>)
        tpu.yield
      }) : () -> ()
      %dma_start3A_134 = arith.constant 640 : i32
      %dma_start3A_135 = tpu.memref_slice %arg7[%dma_start3A_134] : memref<1024xi32, #tpu.memory_space<vmem>> -> memref<128xi32, #tpu.memory_space<vmem>>
      %dma_start3A_136 = arith.constant 0 : i32
      %dma_start3A_137 = arith.constant 0 : i32
      %dma_start3A_138 = tpu.memref_slice %arg4[%dma_start3A_136, %dma_start3A_137] : memref<10240x128xf32, #tpu.memory_space<hbm>> -> memref<10240x128xf32, #tpu.memory_space<hbm>>
      tpu.enqueue_indirect_dma source(%dma_start3A_138 : memref<10240x128xf32, #tpu.memory_space<hbm>>) target(%arg11 : memref<128x128xf32, #tpu.memory_space<vmem>>) offsets(%dma_start3A_135 : memref<128xi32, #tpu.memory_space<vmem>>) semaphore(%arg13 : memref<!tpu.dma_semaphore, #tpu.memory_space<semaphore_mem>>)
      %dma_wait3A_139 = arith.constant 640 : i32
      %dma_wait3A_140 = tpu.memref_slice %arg7[%dma_wait3A_139] : memref<1024xi32, #tpu.memory_space<vmem>> -> memref<128xi32, #tpu.memory_space<vmem>>
      %dma_wait3A_141 = arith.constant 0 : i32
      %dma_wait3A_142 = arith.constant 0 : i32
      %dma_wait3A_143 = tpu.memref_slice %arg4[%dma_wait3A_141, %dma_wait3A_142] : memref<10240x128xf32, #tpu.memory_space<hbm>> -> memref<10240x128xf32, #tpu.memory_space<hbm>>
      tpu.wait_indirect_dma semaphore(%arg13 : memref<!tpu.dma_semaphore, #tpu.memory_space<semaphore_mem>>) src(%dma_wait3A_143 : memref<10240x128xf32, #tpu.memory_space<hbm>>) dst(%arg11 : memref<128x128xf32, #tpu.memory_space<vmem>>)
      %run_scoped3A_144 = arith.constant 5 : i32
      "tpu.region"() ({
        %run_scoped3A_275 = tpu.sem_alloc : memref<!tpu.dma_semaphore, #tpu.memory_space<semaphore_mem>>
        %dma_start3A_276 = arith.constant 0 : i32
        %dma_start3A_277 = tpu.memref_slice %arg9[%run_scoped3A_144, %dma_start3A_276] : memref<8x128xi32, #tpu.memory_space<vmem>> -> memref<1x128xi32, #tpu.memory_space<vmem>>
        %dma_start3A_278 = tpu.memref_squeeze %dma_start3A_277 : memref<1x128xi32, #tpu.memory_space<vmem>> -> memref<128xi32, #tpu.memory_space<vmem>>
        %dma_start3A_279 = arith.constant 0 : i32
        %dma_start3A_280 = arith.constant 0 : i32
        %dma_start3A_281 = tpu.memref_slice %arg12[%dma_start3A_279, %dma_start3A_280] : memref<10240x128xf32, #tpu.memory_space<vmem_shared>> -> memref<10240x128xf32, #tpu.memory_space<vmem_shared>>
        tpu.enqueue_indirect_dma source(%arg11 : memref<128x128xf32, #tpu.memory_space<vmem>>) target(%dma_start3A_281 : memref<10240x128xf32, #tpu.memory_space<vmem_shared>>) offsets(%dma_start3A_278 : memref<128xi32, #tpu.memory_space<vmem>>) semaphore(%run_scoped3A_275 : memref<!tpu.dma_semaphore, #tpu.memory_space<semaphore_mem>>) {add = true}
        %dma_wait3A_282 = arith.constant 0 : i32
        %dma_wait3A_283 = tpu.memref_slice %arg9[%run_scoped3A_144, %dma_wait3A_282] : memref<8x128xi32, #tpu.memory_space<vmem>> -> memref<1x128xi32, #tpu.memory_space<vmem>>
        %dma_wait3A_284 = tpu.memref_squeeze %dma_wait3A_283 : memref<1x128xi32, #tpu.memory_space<vmem>> -> memref<128xi32, #tpu.memory_space<vmem>>
        %dma_wait3A_285 = arith.constant 0 : i32
        %dma_wait3A_286 = arith.constant 0 : i32
        %dma_wait3A_287 = tpu.memref_slice %arg12[%dma_wait3A_285, %dma_wait3A_286] : memref<10240x128xf32, #tpu.memory_space<vmem_shared>> -> memref<10240x128xf32, #tpu.memory_space<vmem_shared>>
        tpu.wait_indirect_dma semaphore(%run_scoped3A_275 : memref<!tpu.dma_semaphore, #tpu.memory_space<semaphore_mem>>) src(%arg11 : memref<128x128xf32, #tpu.memory_space<vmem>>) dst(%dma_wait3A_287 : memref<10240x128xf32, #tpu.memory_space<vmem_shared>>)
        tpu.yield
      }) : () -> ()
      %dma_start3A_145 = arith.constant 768 : i32
      %dma_start3A_146 = tpu.memref_slice %arg7[%dma_start3A_145] : memref<1024xi32, #tpu.memory_space<vmem>> -> memref<128xi32, #tpu.memory_space<vmem>>
      %dma_start3A_147 = arith.constant 0 : i32
      %dma_start3A_148 = arith.constant 0 : i32
      %dma_start3A_149 = tpu.memref_slice %arg4[%dma_start3A_147, %dma_start3A_148] : memref<10240x128xf32, #tpu.memory_space<hbm>> -> memref<10240x128xf32, #tpu.memory_space<hbm>>
      tpu.enqueue_indirect_dma source(%dma_start3A_149 : memref<10240x128xf32, #tpu.memory_space<hbm>>) target(%arg11 : memref<128x128xf32, #tpu.memory_space<vmem>>) offsets(%dma_start3A_146 : memref<128xi32, #tpu.memory_space<vmem>>) semaphore(%arg13 : memref<!tpu.dma_semaphore, #tpu.memory_space<semaphore_mem>>)
      %dma_wait3A_150 = arith.constant 768 : i32
      %dma_wait3A_151 = tpu.memref_slice %arg7[%dma_wait3A_150] : memref<1024xi32, #tpu.memory_space<vmem>> -> memref<128xi32, #tpu.memory_space<vmem>>
      %dma_wait3A_152 = arith.constant 0 : i32
      %dma_wait3A_153 = arith.constant 0 : i32
      %dma_wait3A_154 = tpu.memref_slice %arg4[%dma_wait3A_152, %dma_wait3A_153] : memref<10240x128xf32, #tpu.memory_space<hbm>> -> memref<10240x128xf32, #tpu.memory_space<hbm>>
      tpu.wait_indirect_dma semaphore(%arg13 : memref<!tpu.dma_semaphore, #tpu.memory_space<semaphore_mem>>) src(%dma_wait3A_154 : memref<10240x128xf32, #tpu.memory_space<hbm>>) dst(%arg11 : memref<128x128xf32, #tpu.memory_space<vmem>>)
      %run_scoped3A_155 = arith.constant 6 : i32
      "tpu.region"() ({
        %run_scoped3A_275 = tpu.sem_alloc : memref<!tpu.dma_semaphore, #tpu.memory_space<semaphore_mem>>
        %dma_start3A_276 = arith.constant 0 : i32
        %dma_start3A_277 = tpu.memref_slice %arg9[%run_scoped3A_155, %dma_start3A_276] : memref<8x128xi32, #tpu.memory_space<vmem>> -> memref<1x128xi32, #tpu.memory_space<vmem>>
        %dma_start3A_278 = tpu.memref_squeeze %dma_start3A_277 : memref<1x128xi32, #tpu.memory_space<vmem>> -> memref<128xi32, #tpu.memory_space<vmem>>
        %dma_start3A_279 = arith.constant 0 : i32
        %dma_start3A_280 = arith.constant 0 : i32
        %dma_start3A_281 = tpu.memref_slice %arg12[%dma_start3A_279, %dma_start3A_280] : memref<10240x128xf32, #tpu.memory_space<vmem_shared>> -> memref<10240x128xf32, #tpu.memory_space<vmem_shared>>
        tpu.enqueue_indirect_dma source(%arg11 : memref<128x128xf32, #tpu.memory_space<vmem>>) target(%dma_start3A_281 : memref<10240x128xf32, #tpu.memory_space<vmem_shared>>) offsets(%dma_start3A_278 : memref<128xi32, #tpu.memory_space<vmem>>) semaphore(%run_scoped3A_275 : memref<!tpu.dma_semaphore, #tpu.memory_space<semaphore_mem>>) {add = true}
        %dma_wait3A_282 = arith.constant 0 : i32
        %dma_wait3A_283 = tpu.memref_slice %arg9[%run_scoped3A_155, %dma_wait3A_282] : memref<8x128xi32, #tpu.memory_space<vmem>> -> memref<1x128xi32, #tpu.memory_space<vmem>>
        %dma_wait3A_284 = tpu.memref_squeeze %dma_wait3A_283 : memref<1x128xi32, #tpu.memory_space<vmem>> -> memref<128xi32, #tpu.memory_space<vmem>>
        %dma_wait3A_285 = arith.constant 0 : i32
        %dma_wait3A_286 = arith.constant 0 : i32
        %dma_wait3A_287 = tpu.memref_slice %arg12[%dma_wait3A_285, %dma_wait3A_286] : memref<10240x128xf32, #tpu.memory_space<vmem_shared>> -> memref<10240x128xf32, #tpu.memory_space<vmem_shared>>
        tpu.wait_indirect_dma semaphore(%run_scoped3A_275 : memref<!tpu.dma_semaphore, #tpu.memory_space<semaphore_mem>>) src(%arg11 : memref<128x128xf32, #tpu.memory_space<vmem>>) dst(%dma_wait3A_287 : memref<10240x128xf32, #tpu.memory_space<vmem_shared>>)
        tpu.yield
      }) : () -> ()
      %dma_start3A_156 = arith.constant 896 : i32
      %dma_start3A_157 = tpu.memref_slice %arg7[%dma_start3A_156] : memref<1024xi32, #tpu.memory_space<vmem>> -> memref<128xi32, #tpu.memory_space<vmem>>
      %dma_start3A_158 = arith.constant 0 : i32
      %dma_start3A_159 = arith.constant 0 : i32
      %dma_start3A_160 = tpu.memref_slice %arg4[%dma_start3A_158, %dma_start3A_159] : memref<10240x128xf32, #tpu.memory_space<hbm>> -> memref<10240x128xf32, #tpu.memory_space<hbm>>
      tpu.enqueue_indirect_dma source(%dma_start3A_160 : memref<10240x128xf32, #tpu.memory_space<hbm>>) target(%arg11 : memref<128x128xf32, #tpu.memory_space<vmem>>) offsets(%dma_start3A_157 : memref<128xi32, #tpu.memory_space<vmem>>) semaphore(%arg13 : memref<!tpu.dma_semaphore, #tpu.memory_space<semaphore_mem>>)
      %dma_wait3A_161 = arith.constant 896 : i32
      %dma_wait3A_162 = tpu.memref_slice %arg7[%dma_wait3A_161] : memref<1024xi32, #tpu.memory_space<vmem>> -> memref<128xi32, #tpu.memory_space<vmem>>
      %dma_wait3A_163 = arith.constant 0 : i32
      %dma_wait3A_164 = arith.constant 0 : i32
      %dma_wait3A_165 = tpu.memref_slice %arg4[%dma_wait3A_163, %dma_wait3A_164] : memref<10240x128xf32, #tpu.memory_space<hbm>> -> memref<10240x128xf32, #tpu.memory_space<hbm>>
      tpu.wait_indirect_dma semaphore(%arg13 : memref<!tpu.dma_semaphore, #tpu.memory_space<semaphore_mem>>) src(%dma_wait3A_165 : memref<10240x128xf32, #tpu.memory_space<hbm>>) dst(%arg11 : memref<128x128xf32, #tpu.memory_space<vmem>>)
      %run_scoped3A_166 = arith.constant 7 : i32
      "tpu.region"() ({
        %run_scoped3A_275 = tpu.sem_alloc : memref<!tpu.dma_semaphore, #tpu.memory_space<semaphore_mem>>
        %dma_start3A_276 = arith.constant 0 : i32
        %dma_start3A_277 = tpu.memref_slice %arg9[%run_scoped3A_166, %dma_start3A_276] : memref<8x128xi32, #tpu.memory_space<vmem>> -> memref<1x128xi32, #tpu.memory_space<vmem>>
        %dma_start3A_278 = tpu.memref_squeeze %dma_start3A_277 : memref<1x128xi32, #tpu.memory_space<vmem>> -> memref<128xi32, #tpu.memory_space<vmem>>
        %dma_start3A_279 = arith.constant 0 : i32
        %dma_start3A_280 = arith.constant 0 : i32
        %dma_start3A_281 = tpu.memref_slice %arg12[%dma_start3A_279, %dma_start3A_280] : memref<10240x128xf32, #tpu.memory_space<vmem_shared>> -> memref<10240x128xf32, #tpu.memory_space<vmem_shared>>
        tpu.enqueue_indirect_dma source(%arg11 : memref<128x128xf32, #tpu.memory_space<vmem>>) target(%dma_start3A_281 : memref<10240x128xf32, #tpu.memory_space<vmem_shared>>) offsets(%dma_start3A_278 : memref<128xi32, #tpu.memory_space<vmem>>) semaphore(%run_scoped3A_275 : memref<!tpu.dma_semaphore, #tpu.memory_space<semaphore_mem>>) {add = true}
        %dma_wait3A_282 = arith.constant 0 : i32
        %dma_wait3A_283 = tpu.memref_slice %arg9[%run_scoped3A_166, %dma_wait3A_282] : memref<8x128xi32, #tpu.memory_space<vmem>> -> memref<1x128xi32, #tpu.memory_space<vmem>>
        %dma_wait3A_284 = tpu.memref_squeeze %dma_wait3A_283 : memref<1x128xi32, #tpu.memory_space<vmem>> -> memref<128xi32, #tpu.memory_space<vmem>>
        %dma_wait3A_285 = arith.constant 0 : i32
        %dma_wait3A_286 = arith.constant 0 : i32
        %dma_wait3A_287 = tpu.memref_slice %arg12[%dma_wait3A_285, %dma_wait3A_286] : memref<10240x128xf32, #tpu.memory_space<vmem_shared>> -> memref<10240x128xf32, #tpu.memory_space<vmem_shared>>
        tpu.wait_indirect_dma semaphore(%run_scoped3A_275 : memref<!tpu.dma_semaphore, #tpu.memory_space<semaphore_mem>>) src(%arg11 : memref<128x128xf32, #tpu.memory_space<vmem>>) dst(%dma_wait3A_287 : memref<10240x128xf32, #tpu.memory_space<vmem_shared>>)
        tpu.yield
      }) : () -> ()
      %convert_element_type3A = arith.extui %lt3A : i1 to i32
      %cond3A = arith.constant 0 : i32
      %cond3A_167 = arith.cmpi ne, %convert_element_type3A, %cond3A : i32
      scf.if %cond3A_167 {
        %add3A_275 = arith.constant 16 : i32
        %add3A_276 = arith.addi %add3A_67, %add3A_275 : i32
        %mul3A_277 = arith.constant 128 : i32
        %mul3A_278 = arith.muli %add3A_276, %mul3A_277 : i32
        %dma_start3A_279 = tpu.memref_slice %arg2[%mul3A_278] : memref<327680xi32, #tpu.memory_space<hbm>> -> memref<1024xi32, #tpu.memory_space<hbm>>
        %dma_start3A_280 = tpu.memref_slice %arg2[%mul3A_278] : memref<327680xi32, #tpu.memory_space<hbm>> -> memref<1024xi32, #tpu.memory_space<hbm>>
        tpu.enqueue_dma source(%dma_start3A_280 : memref<1024xi32, #tpu.memory_space<hbm>>) target(%arg7 : memref<1024xi32, #tpu.memory_space<vmem>>) target_semaphore(%arg14 : memref<!tpu.dma_semaphore, #tpu.memory_space<semaphore_mem>>)
        %add3A_281 = arith.constant 16 : i32
        %add3A_282 = arith.addi %add3A_67, %add3A_281 : i32
        %dma_start3A_283 = arith.constant 0 : i32
        %dma_start3A_284 = tpu.memref_slice %arg3[%add3A_282, %dma_start3A_283] : memref<2560x128xi32, #tpu.memory_space<hbm>> -> memref<8x128xi32, #tpu.memory_space<hbm>>
        %dma_start3A_285 = arith.constant 0 : i32
        %dma_start3A_286 = tpu.memref_slice %arg3[%add3A_282, %dma_start3A_285] : memref<2560x128xi32, #tpu.memory_space<hbm>> -> memref<8x128xi32, #tpu.memory_space<hbm>>
        tpu.enqueue_dma source(%dma_start3A_286 : memref<8x128xi32, #tpu.memory_space<hbm>>) target(%arg9 : memref<8x128xi32, #tpu.memory_space<vmem>>) target_semaphore(%arg16 : memref<!tpu.dma_semaphore, #tpu.memory_space<semaphore_mem>>)
      } else {
      }
      %add3A_168 = arith.constant 8 : i32
      %add3A_169 = arith.addi %add3A_67, %add3A_168 : i32
      %add3A_170 = arith.constant 24 : i32
      %add3A_171 = arith.addi %add3A_67, %add3A_170 : i32
      %add3A_172 = arith.addi %select_n3A_8, %select_n3A : i32
      %lt3A_173 = arith.cmpi slt, %add3A_171, %add3A_172 : i32
      %dma_wait3A_174 = arith.constant 0 : i32
      %dma_wait3A_175 = tpu.memref_slice %arg2[%dma_wait3A_174] : memref<327680xi32, #tpu.memory_space<hbm>> -> memref<1024xi32, #tpu.memory_space<hbm>>
      %dma_wait3A_176 = arith.constant 0 : i32
      %dma_wait3A_177 = tpu.memref_slice %arg2[%dma_wait3A_176] : memref<327680xi32, #tpu.memory_space<hbm>> -> memref<1024xi32, #tpu.memory_space<hbm>>
      tpu.wait_dma2 semaphore(%arg15 : memref<!tpu.dma_semaphore, #tpu.memory_space<semaphore_mem>>) src(%dma_wait3A_177 : memref<1024xi32, #tpu.memory_space<hbm>>) dst(%arg8 : memref<1024xi32, #tpu.memory_space<vmem>>)
      %dma_wait3A_178 = arith.constant 0 : i32
      %dma_wait3A_179 = arith.constant 0 : i32
      %dma_wait3A_180 = tpu.memref_slice %arg3[%dma_wait3A_178, %dma_wait3A_179] : memref<2560x128xi32, #tpu.memory_space<hbm>> -> memref<8x128xi32, #tpu.memory_space<hbm>>
      %dma_wait3A_181 = arith.constant 0 : i32
      %dma_wait3A_182 = arith.constant 0 : i32
      %dma_wait3A_183 = tpu.memref_slice %arg3[%dma_wait3A_181, %dma_wait3A_182] : memref<2560x128xi32, #tpu.memory_space<hbm>> -> memref<8x128xi32, #tpu.memory_space<hbm>>
      tpu.wait_dma2 semaphore(%arg17 : memref<!tpu.dma_semaphore, #tpu.memory_space<semaphore_mem>>) src(%dma_wait3A_183 : memref<8x128xi32, #tpu.memory_space<hbm>>) dst(%arg10 : memref<8x128xi32, #tpu.memory_space<vmem>>)
      %dma_start3A_184 = arith.constant 0 : i32
      %dma_start3A_185 = tpu.memref_slice %arg8[%dma_start3A_184] : memref<1024xi32, #tpu.memory_space<vmem>> -> memref<128xi32, #tpu.memory_space<vmem>>
      %dma_start3A_186 = arith.constant 0 : i32
      %dma_start3A_187 = arith.constant 0 : i32
      %dma_start3A_188 = tpu.memref_slice %arg4[%dma_start3A_186, %dma_start3A_187] : memref<10240x128xf32, #tpu.memory_space<hbm>> -> memref<10240x128xf32, #tpu.memory_space<hbm>>
      tpu.enqueue_indirect_dma source(%dma_start3A_188 : memref<10240x128xf32, #tpu.memory_space<hbm>>) target(%arg11 : memref<128x128xf32, #tpu.memory_space<vmem>>) offsets(%dma_start3A_185 : memref<128xi32, #tpu.memory_space<vmem>>) semaphore(%arg13 : memref<!tpu.dma_semaphore, #tpu.memory_space<semaphore_mem>>)
      %dma_wait3A_189 = arith.constant 0 : i32
      %dma_wait3A_190 = tpu.memref_slice %arg8[%dma_wait3A_189] : memref<1024xi32, #tpu.memory_space<vmem>> -> memref<128xi32, #tpu.memory_space<vmem>>
      %dma_wait3A_191 = arith.constant 0 : i32
      %dma_wait3A_192 = arith.constant 0 : i32
      %dma_wait3A_193 = tpu.memref_slice %arg4[%dma_wait3A_191, %dma_wait3A_192] : memref<10240x128xf32, #tpu.memory_space<hbm>> -> memref<10240x128xf32, #tpu.memory_space<hbm>>
      tpu.wait_indirect_dma semaphore(%arg13 : memref<!tpu.dma_semaphore, #tpu.memory_space<semaphore_mem>>) src(%dma_wait3A_193 : memref<10240x128xf32, #tpu.memory_space<hbm>>) dst(%arg11 : memref<128x128xf32, #tpu.memory_space<vmem>>)
      %run_scoped3A_194 = arith.constant 0 : i32
      "tpu.region"() ({
        %run_scoped3A_275 = tpu.sem_alloc : memref<!tpu.dma_semaphore, #tpu.memory_space<semaphore_mem>>
        %dma_start3A_276 = arith.constant 0 : i32
        %dma_start3A_277 = tpu.memref_slice %arg10[%run_scoped3A_194, %dma_start3A_276] : memref<8x128xi32, #tpu.memory_space<vmem>> -> memref<1x128xi32, #tpu.memory_space<vmem>>
        %dma_start3A_278 = tpu.memref_squeeze %dma_start3A_277 : memref<1x128xi32, #tpu.memory_space<vmem>> -> memref<128xi32, #tpu.memory_space<vmem>>
        %dma_start3A_279 = arith.constant 0 : i32
        %dma_start3A_280 = arith.constant 0 : i32
        %dma_start3A_281 = tpu.memref_slice %arg12[%dma_start3A_279, %dma_start3A_280] : memref<10240x128xf32, #tpu.memory_space<vmem_shared>> -> memref<10240x128xf32, #tpu.memory_space<vmem_shared>>
        tpu.enqueue_indirect_dma source(%arg11 : memref<128x128xf32, #tpu.memory_space<vmem>>) target(%dma_start3A_281 : memref<10240x128xf32, #tpu.memory_space<vmem_shared>>) offsets(%dma_start3A_278 : memref<128xi32, #tpu.memory_space<vmem>>) semaphore(%run_scoped3A_275 : memref<!tpu.dma_semaphore, #tpu.memory_space<semaphore_mem>>) {add = true}
        %dma_wait3A_282 = arith.constant 0 : i32
        %dma_wait3A_283 = tpu.memref_slice %arg10[%run_scoped3A_194, %dma_wait3A_282] : memref<8x128xi32, #tpu.memory_space<vmem>> -> memref<1x128xi32, #tpu.memory_space<vmem>>
        %dma_wait3A_284 = tpu.memref_squeeze %dma_wait3A_283 : memref<1x128xi32, #tpu.memory_space<vmem>> -> memref<128xi32, #tpu.memory_space<vmem>>
        %dma_wait3A_285 = arith.constant 0 : i32
        %dma_wait3A_286 = arith.constant 0 : i32
        %dma_wait3A_287 = tpu.memref_slice %arg12[%dma_wait3A_285, %dma_wait3A_286] : memref<10240x128xf32, #tpu.memory_space<vmem_shared>> -> memref<10240x128xf32, #tpu.memory_space<vmem_shared>>
        tpu.wait_indirect_dma semaphore(%run_scoped3A_275 : memref<!tpu.dma_semaphore, #tpu.memory_space<semaphore_mem>>) src(%arg11 : memref<128x128xf32, #tpu.memory_space<vmem>>) dst(%dma_wait3A_287 : memref<10240x128xf32, #tpu.memory_space<vmem_shared>>)
        tpu.yield
      }) : () -> ()
      %dma_start3A_195 = arith.constant 128 : i32
      %dma_start3A_196 = tpu.memref_slice %arg8[%dma_start3A_195] : memref<1024xi32, #tpu.memory_space<vmem>> -> memref<128xi32, #tpu.memory_space<vmem>>
      %dma_start3A_197 = arith.constant 0 : i32
      %dma_start3A_198 = arith.constant 0 : i32
      %dma_start3A_199 = tpu.memref_slice %arg4[%dma_start3A_197, %dma_start3A_198] : memref<10240x128xf32, #tpu.memory_space<hbm>> -> memref<10240x128xf32, #tpu.memory_space<hbm>>
      tpu.enqueue_indirect_dma source(%dma_start3A_199 : memref<10240x128xf32, #tpu.memory_space<hbm>>) target(%arg11 : memref<128x128xf32, #tpu.memory_space<vmem>>) offsets(%dma_start3A_196 : memref<128xi32, #tpu.memory_space<vmem>>) semaphore(%arg13 : memref<!tpu.dma_semaphore, #tpu.memory_space<semaphore_mem>>)
      %dma_wait3A_200 = arith.constant 128 : i32
      %dma_wait3A_201 = tpu.memref_slice %arg8[%dma_wait3A_200] : memref<1024xi32, #tpu.memory_space<vmem>> -> memref<128xi32, #tpu.memory_space<vmem>>
      %dma_wait3A_202 = arith.constant 0 : i32
      %dma_wait3A_203 = arith.constant 0 : i32
      %dma_wait3A_204 = tpu.memref_slice %arg4[%dma_wait3A_202, %dma_wait3A_203] : memref<10240x128xf32, #tpu.memory_space<hbm>> -> memref<10240x128xf32, #tpu.memory_space<hbm>>
      tpu.wait_indirect_dma semaphore(%arg13 : memref<!tpu.dma_semaphore, #tpu.memory_space<semaphore_mem>>) src(%dma_wait3A_204 : memref<10240x128xf32, #tpu.memory_space<hbm>>) dst(%arg11 : memref<128x128xf32, #tpu.memory_space<vmem>>)
      %run_scoped3A_205 = arith.constant 1 : i32
      "tpu.region"() ({
        %run_scoped3A_275 = tpu.sem_alloc : memref<!tpu.dma_semaphore, #tpu.memory_space<semaphore_mem>>
        %dma_start3A_276 = arith.constant 0 : i32
        %dma_start3A_277 = tpu.memref_slice %arg10[%run_scoped3A_205, %dma_start3A_276] : memref<8x128xi32, #tpu.memory_space<vmem>> -> memref<1x128xi32, #tpu.memory_space<vmem>>
        %dma_start3A_278 = tpu.memref_squeeze %dma_start3A_277 : memref<1x128xi32, #tpu.memory_space<vmem>> -> memref<128xi32, #tpu.memory_space<vmem>>
        %dma_start3A_279 = arith.constant 0 : i32
        %dma_start3A_280 = arith.constant 0 : i32
        %dma_start3A_281 = tpu.memref_slice %arg12[%dma_start3A_279, %dma_start3A_280] : memref<10240x128xf32, #tpu.memory_space<vmem_shared>> -> memref<10240x128xf32, #tpu.memory_space<vmem_shared>>
        tpu.enqueue_indirect_dma source(%arg11 : memref<128x128xf32, #tpu.memory_space<vmem>>) target(%dma_start3A_281 : memref<10240x128xf32, #tpu.memory_space<vmem_shared>>) offsets(%dma_start3A_278 : memref<128xi32, #tpu.memory_space<vmem>>) semaphore(%run_scoped3A_275 : memref<!tpu.dma_semaphore, #tpu.memory_space<semaphore_mem>>) {add = true}
        %dma_wait3A_282 = arith.constant 0 : i32
        %dma_wait3A_283 = tpu.memref_slice %arg10[%run_scoped3A_205, %dma_wait3A_282] : memref<8x128xi32, #tpu.memory_space<vmem>> -> memref<1x128xi32, #tpu.memory_space<vmem>>
        %dma_wait3A_284 = tpu.memref_squeeze %dma_wait3A_283 : memref<1x128xi32, #tpu.memory_space<vmem>> -> memref<128xi32, #tpu.memory_space<vmem>>
        %dma_wait3A_285 = arith.constant 0 : i32
        %dma_wait3A_286 = arith.constant 0 : i32
        %dma_wait3A_287 = tpu.memref_slice %arg12[%dma_wait3A_285, %dma_wait3A_286] : memref<10240x128xf32, #tpu.memory_space<vmem_shared>> -> memref<10240x128xf32, #tpu.memory_space<vmem_shared>>
        tpu.wait_indirect_dma semaphore(%run_scoped3A_275 : memref<!tpu.dma_semaphore, #tpu.memory_space<semaphore_mem>>) src(%arg11 : memref<128x128xf32, #tpu.memory_space<vmem>>) dst(%dma_wait3A_287 : memref<10240x128xf32, #tpu.memory_space<vmem_shared>>)
        tpu.yield
      }) : () -> ()
      %dma_start3A_206 = arith.constant 256 : i32
      %dma_start3A_207 = tpu.memref_slice %arg8[%dma_start3A_206] : memref<1024xi32, #tpu.memory_space<vmem>> -> memref<128xi32, #tpu.memory_space<vmem>>
      %dma_start3A_208 = arith.constant 0 : i32
      %dma_start3A_209 = arith.constant 0 : i32
      %dma_start3A_210 = tpu.memref_slice %arg4[%dma_start3A_208, %dma_start3A_209] : memref<10240x128xf32, #tpu.memory_space<hbm>> -> memref<10240x128xf32, #tpu.memory_space<hbm>>
      tpu.enqueue_indirect_dma source(%dma_start3A_210 : memref<10240x128xf32, #tpu.memory_space<hbm>>) target(%arg11 : memref<128x128xf32, #tpu.memory_space<vmem>>) offsets(%dma_start3A_207 : memref<128xi32, #tpu.memory_space<vmem>>) semaphore(%arg13 : memref<!tpu.dma_semaphore, #tpu.memory_space<semaphore_mem>>)
      %dma_wait3A_211 = arith.constant 256 : i32
      %dma_wait3A_212 = tpu.memref_slice %arg8[%dma_wait3A_211] : memref<1024xi32, #tpu.memory_space<vmem>> -> memref<128xi32, #tpu.memory_space<vmem>>
      %dma_wait3A_213 = arith.constant 0 : i32
      %dma_wait3A_214 = arith.constant 0 : i32
      %dma_wait3A_215 = tpu.memref_slice %arg4[%dma_wait3A_213, %dma_wait3A_214] : memref<10240x128xf32, #tpu.memory_space<hbm>> -> memref<10240x128xf32, #tpu.memory_space<hbm>>
      tpu.wait_indirect_dma semaphore(%arg13 : memref<!tpu.dma_semaphore, #tpu.memory_space<semaphore_mem>>) src(%dma_wait3A_215 : memref<10240x128xf32, #tpu.memory_space<hbm>>) dst(%arg11 : memref<128x128xf32, #tpu.memory_space<vmem>>)
      %run_scoped3A_216 = arith.constant 2 : i32
      "tpu.region"() ({
        %run_scoped3A_275 = tpu.sem_alloc : memref<!tpu.dma_semaphore, #tpu.memory_space<semaphore_mem>>
        %dma_start3A_276 = arith.constant 0 : i32
        %dma_start3A_277 = tpu.memref_slice %arg10[%run_scoped3A_216, %dma_start3A_276] : memref<8x128xi32, #tpu.memory_space<vmem>> -> memref<1x128xi32, #tpu.memory_space<vmem>>
        %dma_start3A_278 = tpu.memref_squeeze %dma_start3A_277 : memref<1x128xi32, #tpu.memory_space<vmem>> -> memref<128xi32, #tpu.memory_space<vmem>>
        %dma_start3A_279 = arith.constant 0 : i32
        %dma_start3A_280 = arith.constant 0 : i32
        %dma_start3A_281 = tpu.memref_slice %arg12[%dma_start3A_279, %dma_start3A_280] : memref<10240x128xf32, #tpu.memory_space<vmem_shared>> -> memref<10240x128xf32, #tpu.memory_space<vmem_shared>>
        tpu.enqueue_indirect_dma source(%arg11 : memref<128x128xf32, #tpu.memory_space<vmem>>) target(%dma_start3A_281 : memref<10240x128xf32, #tpu.memory_space<vmem_shared>>) offsets(%dma_start3A_278 : memref<128xi32, #tpu.memory_space<vmem>>) semaphore(%run_scoped3A_275 : memref<!tpu.dma_semaphore, #tpu.memory_space<semaphore_mem>>) {add = true}
        %dma_wait3A_282 = arith.constant 0 : i32
        %dma_wait3A_283 = tpu.memref_slice %arg10[%run_scoped3A_216, %dma_wait3A_282] : memref<8x128xi32, #tpu.memory_space<vmem>> -> memref<1x128xi32, #tpu.memory_space<vmem>>
        %dma_wait3A_284 = tpu.memref_squeeze %dma_wait3A_283 : memref<1x128xi32, #tpu.memory_space<vmem>> -> memref<128xi32, #tpu.memory_space<vmem>>
        %dma_wait3A_285 = arith.constant 0 : i32
        %dma_wait3A_286 = arith.constant 0 : i32
        %dma_wait3A_287 = tpu.memref_slice %arg12[%dma_wait3A_285, %dma_wait3A_286] : memref<10240x128xf32, #tpu.memory_space<vmem_shared>> -> memref<10240x128xf32, #tpu.memory_space<vmem_shared>>
        tpu.wait_indirect_dma semaphore(%run_scoped3A_275 : memref<!tpu.dma_semaphore, #tpu.memory_space<semaphore_mem>>) src(%arg11 : memref<128x128xf32, #tpu.memory_space<vmem>>) dst(%dma_wait3A_287 : memref<10240x128xf32, #tpu.memory_space<vmem_shared>>)
        tpu.yield
      }) : () -> ()
      %dma_start3A_217 = arith.constant 384 : i32
      %dma_start3A_218 = tpu.memref_slice %arg8[%dma_start3A_217] : memref<1024xi32, #tpu.memory_space<vmem>> -> memref<128xi32, #tpu.memory_space<vmem>>
      %dma_start3A_219 = arith.constant 0 : i32
      %dma_start3A_220 = arith.constant 0 : i32
      %dma_start3A_221 = tpu.memref_slice %arg4[%dma_start3A_219, %dma_start3A_220] : memref<10240x128xf32, #tpu.memory_space<hbm>> -> memref<10240x128xf32, #tpu.memory_space<hbm>>
      tpu.enqueue_indirect_dma source(%dma_start3A_221 : memref<10240x128xf32, #tpu.memory_space<hbm>>) target(%arg11 : memref<128x128xf32, #tpu.memory_space<vmem>>) offsets(%dma_start3A_218 : memref<128xi32, #tpu.memory_space<vmem>>) semaphore(%arg13 : memref<!tpu.dma_semaphore, #tpu.memory_space<semaphore_mem>>)
      %dma_wait3A_222 = arith.constant 384 : i32
      %dma_wait3A_223 = tpu.memref_slice %arg8[%dma_wait3A_222] : memref<1024xi32, #tpu.memory_space<vmem>> -> memref<128xi32, #tpu.memory_space<vmem>>
      %dma_wait3A_224 = arith.constant 0 : i32
      %dma_wait3A_225 = arith.constant 0 : i32
      %dma_wait3A_226 = tpu.memref_slice %arg4[%dma_wait3A_224, %dma_wait3A_225] : memref<10240x128xf32, #tpu.memory_space<hbm>> -> memref<10240x128xf32, #tpu.memory_space<hbm>>
      tpu.wait_indirect_dma semaphore(%arg13 : memref<!tpu.dma_semaphore, #tpu.memory_space<semaphore_mem>>) src(%dma_wait3A_226 : memref<10240x128xf32, #tpu.memory_space<hbm>>) dst(%arg11 : memref<128x128xf32, #tpu.memory_space<vmem>>)
      %run_scoped3A_227 = arith.constant 3 : i32
      "tpu.region"() ({
        %run_scoped3A_275 = tpu.sem_alloc : memref<!tpu.dma_semaphore, #tpu.memory_space<semaphore_mem>>
        %dma_start3A_276 = arith.constant 0 : i32
        %dma_start3A_277 = tpu.memref_slice %arg10[%run_scoped3A_227, %dma_start3A_276] : memref<8x128xi32, #tpu.memory_space<vmem>> -> memref<1x128xi32, #tpu.memory_space<vmem>>
        %dma_start3A_278 = tpu.memref_squeeze %dma_start3A_277 : memref<1x128xi32, #tpu.memory_space<vmem>> -> memref<128xi32, #tpu.memory_space<vmem>>
        %dma_start3A_279 = arith.constant 0 : i32
        %dma_start3A_280 = arith.constant 0 : i32
        %dma_start3A_281 = tpu.memref_slice %arg12[%dma_start3A_279, %dma_start3A_280] : memref<10240x128xf32, #tpu.memory_space<vmem_shared>> -> memref<10240x128xf32, #tpu.memory_space<vmem_shared>>
        tpu.enqueue_indirect_dma source(%arg11 : memref<128x128xf32, #tpu.memory_space<vmem>>) target(%dma_start3A_281 : memref<10240x128xf32, #tpu.memory_space<vmem_shared>>) offsets(%dma_start3A_278 : memref<128xi32, #tpu.memory_space<vmem>>) semaphore(%run_scoped3A_275 : memref<!tpu.dma_semaphore, #tpu.memory_space<semaphore_mem>>) {add = true}
        %dma_wait3A_282 = arith.constant 0 : i32
        %dma_wait3A_283 = tpu.memref_slice %arg10[%run_scoped3A_227, %dma_wait3A_282] : memref<8x128xi32, #tpu.memory_space<vmem>> -> memref<1x128xi32, #tpu.memory_space<vmem>>
        %dma_wait3A_284 = tpu.memref_squeeze %dma_wait3A_283 : memref<1x128xi32, #tpu.memory_space<vmem>> -> memref<128xi32, #tpu.memory_space<vmem>>
        %dma_wait3A_285 = arith.constant 0 : i32
        %dma_wait3A_286 = arith.constant 0 : i32
        %dma_wait3A_287 = tpu.memref_slice %arg12[%dma_wait3A_285, %dma_wait3A_286] : memref<10240x128xf32, #tpu.memory_space<vmem_shared>> -> memref<10240x128xf32, #tpu.memory_space<vmem_shared>>
        tpu.wait_indirect_dma semaphore(%run_scoped3A_275 : memref<!tpu.dma_semaphore, #tpu.memory_space<semaphore_mem>>) src(%arg11 : memref<128x128xf32, #tpu.memory_space<vmem>>) dst(%dma_wait3A_287 : memref<10240x128xf32, #tpu.memory_space<vmem_shared>>)
        tpu.yield
      }) : () -> ()
      %dma_start3A_228 = arith.constant 512 : i32
      %dma_start3A_229 = tpu.memref_slice %arg8[%dma_start3A_228] : memref<1024xi32, #tpu.memory_space<vmem>> -> memref<128xi32, #tpu.memory_space<vmem>>
      %dma_start3A_230 = arith.constant 0 : i32
      %dma_start3A_231 = arith.constant 0 : i32
      %dma_start3A_232 = tpu.memref_slice %arg4[%dma_start3A_230, %dma_start3A_231] : memref<10240x128xf32, #tpu.memory_space<hbm>> -> memref<10240x128xf32, #tpu.memory_space<hbm>>
      tpu.enqueue_indirect_dma source(%dma_start3A_232 : memref<10240x128xf32, #tpu.memory_space<hbm>>) target(%arg11 : memref<128x128xf32, #tpu.memory_space<vmem>>) offsets(%dma_start3A_229 : memref<128xi32, #tpu.memory_space<vmem>>) semaphore(%arg13 : memref<!tpu.dma_semaphore, #tpu.memory_space<semaphore_mem>>)
      %dma_wait3A_233 = arith.constant 512 : i32
      %dma_wait3A_234 = tpu.memref_slice %arg8[%dma_wait3A_233] : memref<1024xi32, #tpu.memory_space<vmem>> -> memref<128xi32, #tpu.memory_space<vmem>>
      %dma_wait3A_235 = arith.constant 0 : i32
      %dma_wait3A_236 = arith.constant 0 : i32
      %dma_wait3A_237 = tpu.memref_slice %arg4[%dma_wait3A_235, %dma_wait3A_236] : memref<10240x128xf32, #tpu.memory_space<hbm>> -> memref<10240x128xf32, #tpu.memory_space<hbm>>
      tpu.wait_indirect_dma semaphore(%arg13 : memref<!tpu.dma_semaphore, #tpu.memory_space<semaphore_mem>>) src(%dma_wait3A_237 : memref<10240x128xf32, #tpu.memory_space<hbm>>) dst(%arg11 : memref<128x128xf32, #tpu.memory_space<vmem>>)
      %run_scoped3A_238 = arith.constant 4 : i32
      "tpu.region"() ({
        %run_scoped3A_275 = tpu.sem_alloc : memref<!tpu.dma_semaphore, #tpu.memory_space<semaphore_mem>>
        %dma_start3A_276 = arith.constant 0 : i32
        %dma_start3A_277 = tpu.memref_slice %arg10[%run_scoped3A_238, %dma_start3A_276] : memref<8x128xi32, #tpu.memory_space<vmem>> -> memref<1x128xi32, #tpu.memory_space<vmem>>
        %dma_start3A_278 = tpu.memref_squeeze %dma_start3A_277 : memref<1x128xi32, #tpu.memory_space<vmem>> -> memref<128xi32, #tpu.memory_space<vmem>>
        %dma_start3A_279 = arith.constant 0 : i32
        %dma_start3A_280 = arith.constant 0 : i32
        %dma_start3A_281 = tpu.memref_slice %arg12[%dma_start3A_279, %dma_start3A_280] : memref<10240x128xf32, #tpu.memory_space<vmem_shared>> -> memref<10240x128xf32, #tpu.memory_space<vmem_shared>>
        tpu.enqueue_indirect_dma source(%arg11 : memref<128x128xf32, #tpu.memory_space<vmem>>) target(%dma_start3A_281 : memref<10240x128xf32, #tpu.memory_space<vmem_shared>>) offsets(%dma_start3A_278 : memref<128xi32, #tpu.memory_space<vmem>>) semaphore(%run_scoped3A_275 : memref<!tpu.dma_semaphore, #tpu.memory_space<semaphore_mem>>) {add = true}
        %dma_wait3A_282 = arith.constant 0 : i32
        %dma_wait3A_283 = tpu.memref_slice %arg10[%run_scoped3A_238, %dma_wait3A_282] : memref<8x128xi32, #tpu.memory_space<vmem>> -> memref<1x128xi32, #tpu.memory_space<vmem>>
        %dma_wait3A_284 = tpu.memref_squeeze %dma_wait3A_283 : memref<1x128xi32, #tpu.memory_space<vmem>> -> memref<128xi32, #tpu.memory_space<vmem>>
        %dma_wait3A_285 = arith.constant 0 : i32
        %dma_wait3A_286 = arith.constant 0 : i32
        %dma_wait3A_287 = tpu.memref_slice %arg12[%dma_wait3A_285, %dma_wait3A_286] : memref<10240x128xf32, #tpu.memory_space<vmem_shared>> -> memref<10240x128xf32, #tpu.memory_space<vmem_shared>>
        tpu.wait_indirect_dma semaphore(%run_scoped3A_275 : memref<!tpu.dma_semaphore, #tpu.memory_space<semaphore_mem>>) src(%arg11 : memref<128x128xf32, #tpu.memory_space<vmem>>) dst(%dma_wait3A_287 : memref<10240x128xf32, #tpu.memory_space<vmem_shared>>)
        tpu.yield
      }) : () -> ()
      %dma_start3A_239 = arith.constant 640 : i32
      %dma_start3A_240 = tpu.memref_slice %arg8[%dma_start3A_239] : memref<1024xi32, #tpu.memory_space<vmem>> -> memref<128xi32, #tpu.memory_space<vmem>>
      %dma_start3A_241 = arith.constant 0 : i32
      %dma_start3A_242 = arith.constant 0 : i32
      %dma_start3A_243 = tpu.memref_slice %arg4[%dma_start3A_241, %dma_start3A_242] : memref<10240x128xf32, #tpu.memory_space<hbm>> -> memref<10240x128xf32, #tpu.memory_space<hbm>>
      tpu.enqueue_indirect_dma source(%dma_start3A_243 : memref<10240x128xf32, #tpu.memory_space<hbm>>) target(%arg11 : memref<128x128xf32, #tpu.memory_space<vmem>>) offsets(%dma_start3A_240 : memref<128xi32, #tpu.memory_space<vmem>>) semaphore(%arg13 : memref<!tpu.dma_semaphore, #tpu.memory_space<semaphore_mem>>)
      %dma_wait3A_244 = arith.constant 640 : i32
      %dma_wait3A_245 = tpu.memref_slice %arg8[%dma_wait3A_244] : memref<1024xi32, #tpu.memory_space<vmem>> -> memref<128xi32, #tpu.memory_space<vmem>>
      %dma_wait3A_246 = arith.constant 0 : i32
      %dma_wait3A_247 = arith.constant 0 : i32
      %dma_wait3A_248 = tpu.memref_slice %arg4[%dma_wait3A_246, %dma_wait3A_247] : memref<10240x128xf32, #tpu.memory_space<hbm>> -> memref<10240x128xf32, #tpu.memory_space<hbm>>
      tpu.wait_indirect_dma semaphore(%arg13 : memref<!tpu.dma_semaphore, #tpu.memory_space<semaphore_mem>>) src(%dma_wait3A_248 : memref<10240x128xf32, #tpu.memory_space<hbm>>) dst(%arg11 : memref<128x128xf32, #tpu.memory_space<vmem>>)
      %run_scoped3A_249 = arith.constant 5 : i32
      "tpu.region"() ({
        %run_scoped3A_275 = tpu.sem_alloc : memref<!tpu.dma_semaphore, #tpu.memory_space<semaphore_mem>>
        %dma_start3A_276 = arith.constant 0 : i32
        %dma_start3A_277 = tpu.memref_slice %arg10[%run_scoped3A_249, %dma_start3A_276] : memref<8x128xi32, #tpu.memory_space<vmem>> -> memref<1x128xi32, #tpu.memory_space<vmem>>
        %dma_start3A_278 = tpu.memref_squeeze %dma_start3A_277 : memref<1x128xi32, #tpu.memory_space<vmem>> -> memref<128xi32, #tpu.memory_space<vmem>>
        %dma_start3A_279 = arith.constant 0 : i32
        %dma_start3A_280 = arith.constant 0 : i32
        %dma_start3A_281 = tpu.memref_slice %arg12[%dma_start3A_279, %dma_start3A_280] : memref<10240x128xf32, #tpu.memory_space<vmem_shared>> -> memref<10240x128xf32, #tpu.memory_space<vmem_shared>>
        tpu.enqueue_indirect_dma source(%arg11 : memref<128x128xf32, #tpu.memory_space<vmem>>) target(%dma_start3A_281 : memref<10240x128xf32, #tpu.memory_space<vmem_shared>>) offsets(%dma_start3A_278 : memref<128xi32, #tpu.memory_space<vmem>>) semaphore(%run_scoped3A_275 : memref<!tpu.dma_semaphore, #tpu.memory_space<semaphore_mem>>) {add = true}
        %dma_wait3A_282 = arith.constant 0 : i32
        %dma_wait3A_283 = tpu.memref_slice %arg10[%run_scoped3A_249, %dma_wait3A_282] : memref<8x128xi32, #tpu.memory_space<vmem>> -> memref<1x128xi32, #tpu.memory_space<vmem>>
        %dma_wait3A_284 = tpu.memref_squeeze %dma_wait3A_283 : memref<1x128xi32, #tpu.memory_space<vmem>> -> memref<128xi32, #tpu.memory_space<vmem>>
        %dma_wait3A_285 = arith.constant 0 : i32
        %dma_wait3A_286 = arith.constant 0 : i32
        %dma_wait3A_287 = tpu.memref_slice %arg12[%dma_wait3A_285, %dma_wait3A_286] : memref<10240x128xf32, #tpu.memory_space<vmem_shared>> -> memref<10240x128xf32, #tpu.memory_space<vmem_shared>>
        tpu.wait_indirect_dma semaphore(%run_scoped3A_275 : memref<!tpu.dma_semaphore, #tpu.memory_space<semaphore_mem>>) src(%arg11 : memref<128x128xf32, #tpu.memory_space<vmem>>) dst(%dma_wait3A_287 : memref<10240x128xf32, #tpu.memory_space<vmem_shared>>)
        tpu.yield
      }) : () -> ()
      %dma_start3A_250 = arith.constant 768 : i32
      %dma_start3A_251 = tpu.memref_slice %arg8[%dma_start3A_250] : memref<1024xi32, #tpu.memory_space<vmem>> -> memref<128xi32, #tpu.memory_space<vmem>>
      %dma_start3A_252 = arith.constant 0 : i32
      %dma_start3A_253 = arith.constant 0 : i32
      %dma_start3A_254 = tpu.memref_slice %arg4[%dma_start3A_252, %dma_start3A_253] : memref<10240x128xf32, #tpu.memory_space<hbm>> -> memref<10240x128xf32, #tpu.memory_space<hbm>>
      tpu.enqueue_indirect_dma source(%dma_start3A_254 : memref<10240x128xf32, #tpu.memory_space<hbm>>) target(%arg11 : memref<128x128xf32, #tpu.memory_space<vmem>>) offsets(%dma_start3A_251 : memref<128xi32, #tpu.memory_space<vmem>>) semaphore(%arg13 : memref<!tpu.dma_semaphore, #tpu.memory_space<semaphore_mem>>)
      %dma_wait3A_255 = arith.constant 768 : i32
      %dma_wait3A_256 = tpu.memref_slice %arg8[%dma_wait3A_255] : memref<1024xi32, #tpu.memory_space<vmem>> -> memref<128xi32, #tpu.memory_space<vmem>>
      %dma_wait3A_257 = arith.constant 0 : i32
      %dma_wait3A_258 = arith.constant 0 : i32
      %dma_wait3A_259 = tpu.memref_slice %arg4[%dma_wait3A_257, %dma_wait3A_258] : memref<10240x128xf32, #tpu.memory_space<hbm>> -> memref<10240x128xf32, #tpu.memory_space<hbm>>
      tpu.wait_indirect_dma semaphore(%arg13 : memref<!tpu.dma_semaphore, #tpu.memory_space<semaphore_mem>>) src(%dma_wait3A_259 : memref<10240x128xf32, #tpu.memory_space<hbm>>) dst(%arg11 : memref<128x128xf32, #tpu.memory_space<vmem>>)
      %run_scoped3A_260 = arith.constant 6 : i32
      "tpu.region"() ({
        %run_scoped3A_275 = tpu.sem_alloc : memref<!tpu.dma_semaphore, #tpu.memory_space<semaphore_mem>>
        %dma_start3A_276 = arith.constant 0 : i32
        %dma_start3A_277 = tpu.memref_slice %arg10[%run_scoped3A_260, %dma_start3A_276] : memref<8x128xi32, #tpu.memory_space<vmem>> -> memref<1x128xi32, #tpu.memory_space<vmem>>
        %dma_start3A_278 = tpu.memref_squeeze %dma_start3A_277 : memref<1x128xi32, #tpu.memory_space<vmem>> -> memref<128xi32, #tpu.memory_space<vmem>>
        %dma_start3A_279 = arith.constant 0 : i32
        %dma_start3A_280 = arith.constant 0 : i32
        %dma_start3A_281 = tpu.memref_slice %arg12[%dma_start3A_279, %dma_start3A_280] : memref<10240x128xf32, #tpu.memory_space<vmem_shared>> -> memref<10240x128xf32, #tpu.memory_space<vmem_shared>>
        tpu.enqueue_indirect_dma source(%arg11 : memref<128x128xf32, #tpu.memory_space<vmem>>) target(%dma_start3A_281 : memref<10240x128xf32, #tpu.memory_space<vmem_shared>>) offsets(%dma_start3A_278 : memref<128xi32, #tpu.memory_space<vmem>>) semaphore(%run_scoped3A_275 : memref<!tpu.dma_semaphore, #tpu.memory_space<semaphore_mem>>) {add = true}
        %dma_wait3A_282 = arith.constant 0 : i32
        %dma_wait3A_283 = tpu.memref_slice %arg10[%run_scoped3A_260, %dma_wait3A_282] : memref<8x128xi32, #tpu.memory_space<vmem>> -> memref<1x128xi32, #tpu.memory_space<vmem>>
        %dma_wait3A_284 = tpu.memref_squeeze %dma_wait3A_283 : memref<1x128xi32, #tpu.memory_space<vmem>> -> memref<128xi32, #tpu.memory_space<vmem>>
        %dma_wait3A_285 = arith.constant 0 : i32
        %dma_wait3A_286 = arith.constant 0 : i32
        %dma_wait3A_287 = tpu.memref_slice %arg12[%dma_wait3A_285, %dma_wait3A_286] : memref<10240x128xf32, #tpu.memory_space<vmem_shared>> -> memref<10240x128xf32, #tpu.memory_space<vmem_shared>>
        tpu.wait_indirect_dma semaphore(%run_scoped3A_275 : memref<!tpu.dma_semaphore, #tpu.memory_space<semaphore_mem>>) src(%arg11 : memref<128x128xf32, #tpu.memory_space<vmem>>) dst(%dma_wait3A_287 : memref<10240x128xf32, #tpu.memory_space<vmem_shared>>)
        tpu.yield
      }) : () -> ()
      %dma_start3A_261 = arith.constant 896 : i32
      %dma_start3A_262 = tpu.memref_slice %arg8[%dma_start3A_261] : memref<1024xi32, #tpu.memory_space<vmem>> -> memref<128xi32, #tpu.memory_space<vmem>>
      %dma_start3A_263 = arith.constant 0 : i32
      %dma_start3A_264 = arith.constant 0 : i32
      %dma_start3A_265 = tpu.memref_slice %arg4[%dma_start3A_263, %dma_start3A_264] : memref<10240x128xf32, #tpu.memory_space<hbm>> -> memref<10240x128xf32, #tpu.memory_space<hbm>>
      tpu.enqueue_indirect_dma source(%dma_start3A_265 : memref<10240x128xf32, #tpu.memory_space<hbm>>) target(%arg11 : memref<128x128xf32, #tpu.memory_space<vmem>>) offsets(%dma_start3A_262 : memref<128xi32, #tpu.memory_space<vmem>>) semaphore(%arg13 : memref<!tpu.dma_semaphore, #tpu.memory_space<semaphore_mem>>)
      %dma_wait3A_266 = arith.constant 896 : i32
      %dma_wait3A_267 = tpu.memref_slice %arg8[%dma_wait3A_266] : memref<1024xi32, #tpu.memory_space<vmem>> -> memref<128xi32, #tpu.memory_space<vmem>>
      %dma_wait3A_268 = arith.constant 0 : i32
      %dma_wait3A_269 = arith.constant 0 : i32
      %dma_wait3A_270 = tpu.memref_slice %arg4[%dma_wait3A_268, %dma_wait3A_269] : memref<10240x128xf32, #tpu.memory_space<hbm>> -> memref<10240x128xf32, #tpu.memory_space<hbm>>
      tpu.wait_indirect_dma semaphore(%arg13 : memref<!tpu.dma_semaphore, #tpu.memory_space<semaphore_mem>>) src(%dma_wait3A_270 : memref<10240x128xf32, #tpu.memory_space<hbm>>) dst(%arg11 : memref<128x128xf32, #tpu.memory_space<vmem>>)
      %run_scoped3A_271 = arith.constant 7 : i32
      "tpu.region"() ({
        %run_scoped3A_275 = tpu.sem_alloc : memref<!tpu.dma_semaphore, #tpu.memory_space<semaphore_mem>>
        %dma_start3A_276 = arith.constant 0 : i32
        %dma_start3A_277 = tpu.memref_slice %arg10[%run_scoped3A_271, %dma_start3A_276] : memref<8x128xi32, #tpu.memory_space<vmem>> -> memref<1x128xi32, #tpu.memory_space<vmem>>
        %dma_start3A_278 = tpu.memref_squeeze %dma_start3A_277 : memref<1x128xi32, #tpu.memory_space<vmem>> -> memref<128xi32, #tpu.memory_space<vmem>>
        %dma_start3A_279 = arith.constant 0 : i32
        %dma_start3A_280 = arith.constant 0 : i32
        %dma_start3A_281 = tpu.memref_slice %arg12[%dma_start3A_279, %dma_start3A_280] : memref<10240x128xf32, #tpu.memory_space<vmem_shared>> -> memref<10240x128xf32, #tpu.memory_space<vmem_shared>>
        tpu.enqueue_indirect_dma source(%arg11 : memref<128x128xf32, #tpu.memory_space<vmem>>) target(%dma_start3A_281 : memref<10240x128xf32, #tpu.memory_space<vmem_shared>>) offsets(%dma_start3A_278 : memref<128xi32, #tpu.memory_space<vmem>>) semaphore(%run_scoped3A_275 : memref<!tpu.dma_semaphore, #tpu.memory_space<semaphore_mem>>) {add = true}
        %dma_wait3A_282 = arith.constant 0 : i32
        %dma_wait3A_283 = tpu.memref_slice %arg10[%run_scoped3A_271, %dma_wait3A_282] : memref<8x128xi32, #tpu.memory_space<vmem>> -> memref<1x128xi32, #tpu.memory_space<vmem>>
        %dma_wait3A_284 = tpu.memref_squeeze %dma_wait3A_283 : memref<1x128xi32, #tpu.memory_space<vmem>> -> memref<128xi32, #tpu.memory_space<vmem>>
        %dma_wait3A_285 = arith.constant 0 : i32
        %dma_wait3A_286 = arith.constant 0 : i32
        %dma_wait3A_287 = tpu.memref_slice %arg12[%dma_wait3A_285, %dma_wait3A_286] : memref<10240x128xf32, #tpu.memory_space<vmem_shared>> -> memref<10240x128xf32, #tpu.memory_space<vmem_shared>>
        tpu.wait_indirect_dma semaphore(%run_scoped3A_275 : memref<!tpu.dma_semaphore, #tpu.memory_space<semaphore_mem>>) src(%arg11 : memref<128x128xf32, #tpu.memory_space<vmem>>) dst(%dma_wait3A_287 : memref<10240x128xf32, #tpu.memory_space<vmem_shared>>)
        tpu.yield
      }) : () -> ()
      %convert_element_type3A_272 = arith.extui %lt3A_173 : i1 to i32
      %cond3A_273 = arith.constant 0 : i32
      %cond3A_274 = arith.cmpi ne, %convert_element_type3A_272, %cond3A_273 : i32
      scf.if %cond3A_274 {
        %add3A_275 = arith.constant 16 : i32
        %add3A_276 = arith.addi %add3A_169, %add3A_275 : i32
        %mul3A_277 = arith.constant 128 : i32
        %mul3A_278 = arith.muli %add3A_276, %mul3A_277 : i32
        %dma_start3A_279 = tpu.memref_slice %arg2[%mul3A_278] : memref<327680xi32, #tpu.memory_space<hbm>> -> memref<1024xi32, #tpu.memory_space<hbm>>
        %dma_start3A_280 = tpu.memref_slice %arg2[%mul3A_278] : memref<327680xi32, #tpu.memory_space<hbm>> -> memref<1024xi32, #tpu.memory_space<hbm>>
        tpu.enqueue_dma source(%dma_start3A_280 : memref<1024xi32, #tpu.memory_space<hbm>>) target(%arg8 : memref<1024xi32, #tpu.memory_space<vmem>>) target_semaphore(%arg15 : memref<!tpu.dma_semaphore, #tpu.memory_space<semaphore_mem>>)
        %add3A_281 = arith.constant 16 : i32
        %add3A_282 = arith.addi %add3A_169, %add3A_281 : i32
        %dma_start3A_283 = arith.constant 0 : i32
        %dma_start3A_284 = tpu.memref_slice %arg3[%add3A_282, %dma_start3A_283] : memref<2560x128xi32, #tpu.memory_space<hbm>> -> memref<8x128xi32, #tpu.memory_space<hbm>>
        %dma_start3A_285 = arith.constant 0 : i32
        %dma_start3A_286 = tpu.memref_slice %arg3[%add3A_282, %dma_start3A_285] : memref<2560x128xi32, #tpu.memory_space<hbm>> -> memref<8x128xi32, #tpu.memory_space<hbm>>
        tpu.enqueue_dma source(%dma_start3A_286 : memref<8x128xi32, #tpu.memory_space<hbm>>) target(%arg10 : memref<8x128xi32, #tpu.memory_space<vmem>>) target_semaphore(%arg17 : memref<!tpu.dma_semaphore, #tpu.memory_space<semaphore_mem>>)
      } else {
      }
    }
    %while3A_58 = arith.constant 1 : i32
    scf.for %while3A_64 = %while3A_56 to %while3A_52 step %while3A_58  : i32 {
      %mul3A_65 = arith.constant 16 : i32
      %mul3A_66 = arith.muli %mul3A_65, %while3A_64 : i32
      %add3A_67 = arith.addi %select_n3A_8, %mul3A_66 : i32
      %add3A_68 = arith.constant 16 : i32
      %add3A_69 = arith.addi %add3A_67, %add3A_68 : i32
      %add3A_70 = arith.addi %select_n3A_8, %select_n3A : i32
      %lt3A = arith.cmpi slt, %add3A_69, %add3A_70 : i32
      %dma_wait3A = arith.constant 0 : i32
      %dma_wait3A_71 = tpu.memref_slice %arg2[%dma_wait3A] : memref<327680xi32, #tpu.memory_space<hbm>> -> memref<1024xi32, #tpu.memory_space<hbm>>
      %dma_wait3A_72 = arith.constant 0 : i32
      %dma_wait3A_73 = tpu.memref_slice %arg2[%dma_wait3A_72] : memref<327680xi32, #tpu.memory_space<hbm>> -> memref<1024xi32, #tpu.memory_space<hbm>>
      tpu.wait_dma2 semaphore(%arg14 : memref<!tpu.dma_semaphore, #tpu.memory_space<semaphore_mem>>) src(%dma_wait3A_73 : memref<1024xi32, #tpu.memory_space<hbm>>) dst(%arg7 : memref<1024xi32, #tpu.memory_space<vmem>>)
      %dma_wait3A_74 = arith.constant 0 : i32
      %dma_wait3A_75 = arith.constant 0 : i32
      %dma_wait3A_76 = tpu.memref_slice %arg3[%dma_wait3A_74, %dma_wait3A_75] : memref<2560x128xi32, #tpu.memory_space<hbm>> -> memref<8x128xi32, #tpu.memory_space<hbm>>
      %dma_wait3A_77 = arith.constant 0 : i32
      %dma_wait3A_78 = arith.constant 0 : i32
      %dma_wait3A_79 = tpu.memref_slice %arg3[%dma_wait3A_77, %dma_wait3A_78] : memref<2560x128xi32, #tpu.memory_space<hbm>> -> memref<8x128xi32, #tpu.memory_space<hbm>>
      tpu.wait_dma2 semaphore(%arg16 : memref<!tpu.dma_semaphore, #tpu.memory_space<semaphore_mem>>) src(%dma_wait3A_79 : memref<8x128xi32, #tpu.memory_space<hbm>>) dst(%arg9 : memref<8x128xi32, #tpu.memory_space<vmem>>)
      %dma_start3A_80 = arith.constant 0 : i32
      %dma_start3A_81 = tpu.memref_slice %arg7[%dma_start3A_80] : memref<1024xi32, #tpu.memory_space<vmem>> -> memref<128xi32, #tpu.memory_space<vmem>>
      %dma_start3A_82 = arith.constant 0 : i32
      %dma_start3A_83 = arith.constant 0 : i32
      %dma_start3A_84 = tpu.memref_slice %arg4[%dma_start3A_82, %dma_start3A_83] : memref<10240x128xf32, #tpu.memory_space<hbm>> -> memref<10240x128xf32, #tpu.memory_space<hbm>>
      tpu.enqueue_indirect_dma source(%dma_start3A_84 : memref<10240x128xf32, #tpu.memory_space<hbm>>) target(%arg11 : memref<128x128xf32, #tpu.memory_space<vmem>>) offsets(%dma_start3A_81 : memref<128xi32, #tpu.memory_space<vmem>>) semaphore(%arg13 : memref<!tpu.dma_semaphore, #tpu.memory_space<semaphore_mem>>)
      %dma_wait3A_85 = arith.constant 0 : i32
      %dma_wait3A_86 = tpu.memref_slice %arg7[%dma_wait3A_85] : memref<1024xi32, #tpu.memory_space<vmem>> -> memref<128xi32, #tpu.memory_space<vmem>>
      %dma_wait3A_87 = arith.constant 0 : i32
      %dma_wait3A_88 = arith.constant 0 : i32
      %dma_wait3A_89 = tpu.memref_slice %arg4[%dma_wait3A_87, %dma_wait3A_88] : memref<10240x128xf32, #tpu.memory_space<hbm>> -> memref<10240x128xf32, #tpu.memory_space<hbm>>
      tpu.wait_indirect_dma semaphore(%arg13 : memref<!tpu.dma_semaphore, #tpu.memory_space<semaphore_mem>>) src(%dma_wait3A_89 : memref<10240x128xf32, #tpu.memory_space<hbm>>) dst(%arg11 : memref<128x128xf32, #tpu.memory_space<vmem>>)
      %run_scoped3A = arith.constant 0 : i32
      "tpu.region"() ({
        %run_scoped3A_275 = tpu.sem_alloc : memref<!tpu.dma_semaphore, #tpu.memory_space<semaphore_mem>>
        %dma_start3A_276 = arith.constant 0 : i32
        %dma_start3A_277 = tpu.memref_slice %arg9[%run_scoped3A, %dma_start3A_276] : memref<8x128xi32, #tpu.memory_space<vmem>> -> memref<1x128xi32, #tpu.memory_space<vmem>>
        %dma_start3A_278 = tpu.memref_squeeze %dma_start3A_277 : memref<1x128xi32, #tpu.memory_space<vmem>> -> memref<128xi32, #tpu.memory_space<vmem>>
        %dma_start3A_279 = arith.constant 0 : i32
        %dma_start3A_280 = arith.constant 0 : i32
        %dma_start3A_281 = tpu.memref_slice %arg12[%dma_start3A_279, %dma_start3A_280] : memref<10240x128xf32, #tpu.memory_space<vmem_shared>> -> memref<10240x128xf32, #tpu.memory_space<vmem_shared>>
        tpu.enqueue_indirect_dma source(%arg11 : memref<128x128xf32, #tpu.memory_space<vmem>>) target(%dma_start3A_281 : memref<10240x128xf32, #tpu.memory_space<vmem_shared>>) offsets(%dma_start3A_278 : memref<128xi32, #tpu.memory_space<vmem>>) semaphore(%run_scoped3A_275 : memref<!tpu.dma_semaphore, #tpu.memory_space<semaphore_mem>>) {add = true}
        %dma_wait3A_282 = arith.constant 0 : i32
        %dma_wait3A_283 = tpu.memref_slice %arg9[%run_scoped3A, %dma_wait3A_282] : memref<8x128xi32, #tpu.memory_space<vmem>> -> memref<1x128xi32, #tpu.memory_space<vmem>>
        %dma_wait3A_284 = tpu.memref_squeeze %dma_wait3A_283 : memref<1x128xi32, #tpu.memory_space<vmem>> -> memref<128xi32, #tpu.memory_space<vmem>>
        %dma_wait3A_285 = arith.constant 0 : i32
        %dma_wait3A_286 = arith.constant 0 : i32
        %dma_wait3A_287 = tpu.memref_slice %arg12[%dma_wait3A_285, %dma_wait3A_286] : memref<10240x128xf32, #tpu.memory_space<vmem_shared>> -> memref<10240x128xf32, #tpu.memory_space<vmem_shared>>
        tpu.wait_indirect_dma semaphore(%run_scoped3A_275 : memref<!tpu.dma_semaphore, #tpu.memory_space<semaphore_mem>>) src(%arg11 : memref<128x128xf32, #tpu.memory_space<vmem>>) dst(%dma_wait3A_287 : memref<10240x128xf32, #tpu.memory_space<vmem_shared>>)
        tpu.yield
      }) : () -> ()
      %dma_start3A_90 = arith.constant 128 : i32
      %dma_start3A_91 = tpu.memref_slice %arg7[%dma_start3A_90] : memref<1024xi32, #tpu.memory_space<vmem>> -> memref<128xi32, #tpu.memory_space<vmem>>
      %dma_start3A_92 = arith.constant 0 : i32
      %dma_start3A_93 = arith.constant 0 : i32
      %dma_start3A_94 = tpu.memref_slice %arg4[%dma_start3A_92, %dma_start3A_93] : memref<10240x128xf32, #tpu.memory_space<hbm>> -> memref<10240x128xf32, #tpu.memory_space<hbm>>
      tpu.enqueue_indirect_dma source(%dma_start3A_94 : memref<10240x128xf32, #tpu.memory_space<hbm>>) target(%arg11 : memref<128x128xf32, #tpu.memory_space<vmem>>) offsets(%dma_start3A_91 : memref<128xi32, #tpu.memory_space<vmem>>) semaphore(%arg13 : memref<!tpu.dma_semaphore, #tpu.memory_space<semaphore_mem>>)
      %dma_wait3A_95 = arith.constant 128 : i32
      %dma_wait3A_96 = tpu.memref_slice %arg7[%dma_wait3A_95] : memref<1024xi32, #tpu.memory_space<vmem>> -> memref<128xi32, #tpu.memory_space<vmem>>
      %dma_wait3A_97 = arith.constant 0 : i32
      %dma_wait3A_98 = arith.constant 0 : i32
      %dma_wait3A_99 = tpu.memref_slice %arg4[%dma_wait3A_97, %dma_wait3A_98] : memref<10240x128xf32, #tpu.memory_space<hbm>> -> memref<10240x128xf32, #tpu.memory_space<hbm>>
      tpu.wait_indirect_dma semaphore(%arg13 : memref<!tpu.dma_semaphore, #tpu.memory_space<semaphore_mem>>) src(%dma_wait3A_99 : memref<10240x128xf32, #tpu.memory_space<hbm>>) dst(%arg11 : memref<128x128xf32, #tpu.memory_space<vmem>>)
      %run_scoped3A_100 = arith.constant 1 : i32
      "tpu.region"() ({
        %run_scoped3A_275 = tpu.sem_alloc : memref<!tpu.dma_semaphore, #tpu.memory_space<semaphore_mem>>
        %dma_start3A_276 = arith.constant 0 : i32
        %dma_start3A_277 = tpu.memref_slice %arg9[%run_scoped3A_100, %dma_start3A_276] : memref<8x128xi32, #tpu.memory_space<vmem>> -> memref<1x128xi32, #tpu.memory_space<vmem>>
        %dma_start3A_278 = tpu.memref_squeeze %dma_start3A_277 : memref<1x128xi32, #tpu.memory_space<vmem>> -> memref<128xi32, #tpu.memory_space<vmem>>
        %dma_start3A_279 = arith.constant 0 : i32
        %dma_start3A_280 = arith.constant 0 : i32
        %dma_start3A_281 = tpu.memref_slice %arg12[%dma_start3A_279, %dma_start3A_280] : memref<10240x128xf32, #tpu.memory_space<vmem_shared>> -> memref<10240x128xf32, #tpu.memory_space<vmem_shared>>
        tpu.enqueue_indirect_dma source(%arg11 : memref<128x128xf32, #tpu.memory_space<vmem>>) target(%dma_start3A_281 : memref<10240x128xf32, #tpu.memory_space<vmem_shared>>) offsets(%dma_start3A_278 : memref<128xi32, #tpu.memory_space<vmem>>) semaphore(%run_scoped3A_275 : memref<!tpu.dma_semaphore, #tpu.memory_space<semaphore_mem>>) {add = true}
        %dma_wait3A_282 = arith.constant 0 : i32
        %dma_wait3A_283 = tpu.memref_slice %arg9[%run_scoped3A_100, %dma_wait3A_282] : memref<8x128xi32, #tpu.memory_space<vmem>> -> memref<1x128xi32, #tpu.memory_space<vmem>>
        %dma_wait3A_284 = tpu.memref_squeeze %dma_wait3A_283 : memref<1x128xi32, #tpu.memory_space<vmem>> -> memref<128xi32, #tpu.memory_space<vmem>>
        %dma_wait3A_285 = arith.constant 0 : i32
        %dma_wait3A_286 = arith.constant 0 : i32
        %dma_wait3A_287 = tpu.memref_slice %arg12[%dma_wait3A_285, %dma_wait3A_286] : memref<10240x128xf32, #tpu.memory_space<vmem_shared>> -> memref<10240x128xf32, #tpu.memory_space<vmem_shared>>
        tpu.wait_indirect_dma semaphore(%run_scoped3A_275 : memref<!tpu.dma_semaphore, #tpu.memory_space<semaphore_mem>>) src(%arg11 : memref<128x128xf32, #tpu.memory_space<vmem>>) dst(%dma_wait3A_287 : memref<10240x128xf32, #tpu.memory_space<vmem_shared>>)
        tpu.yield
      }) : () -> ()
      %dma_start3A_101 = arith.constant 256 : i32
      %dma_start3A_102 = tpu.memref_slice %arg7[%dma_start3A_101] : memref<1024xi32, #tpu.memory_space<vmem>> -> memref<128xi32, #tpu.memory_space<vmem>>
      %dma_start3A_103 = arith.constant 0 : i32
      %dma_start3A_104 = arith.constant 0 : i32
      %dma_start3A_105 = tpu.memref_slice %arg4[%dma_start3A_103, %dma_start3A_104] : memref<10240x128xf32, #tpu.memory_space<hbm>> -> memref<10240x128xf32, #tpu.memory_space<hbm>>
      tpu.enqueue_indirect_dma source(%dma_start3A_105 : memref<10240x128xf32, #tpu.memory_space<hbm>>) target(%arg11 : memref<128x128xf32, #tpu.memory_space<vmem>>) offsets(%dma_start3A_102 : memref<128xi32, #tpu.memory_space<vmem>>) semaphore(%arg13 : memref<!tpu.dma_semaphore, #tpu.memory_space<semaphore_mem>>)
      %dma_wait3A_106 = arith.constant 256 : i32
      %dma_wait3A_107 = tpu.memref_slice %arg7[%dma_wait3A_106] : memref<1024xi32, #tpu.memory_space<vmem>> -> memref<128xi32, #tpu.memory_space<vmem>>
      %dma_wait3A_108 = arith.constant 0 : i32
      %dma_wait3A_109 = arith.constant 0 : i32
      %dma_wait3A_110 = tpu.memref_slice %arg4[%dma_wait3A_108, %dma_wait3A_109] : memref<10240x128xf32, #tpu.memory_space<hbm>> -> memref<10240x128xf32, #tpu.memory_space<hbm>>
      tpu.wait_indirect_dma semaphore(%arg13 : memref<!tpu.dma_semaphore, #tpu.memory_space<semaphore_mem>>) src(%dma_wait3A_110 : memref<10240x128xf32, #tpu.memory_space<hbm>>) dst(%arg11 : memref<128x128xf32, #tpu.memory_space<vmem>>)
      %run_scoped3A_111 = arith.constant 2 : i32
      "tpu.region"() ({
        %run_scoped3A_275 = tpu.sem_alloc : memref<!tpu.dma_semaphore, #tpu.memory_space<semaphore_mem>>
        %dma_start3A_276 = arith.constant 0 : i32
        %dma_start3A_277 = tpu.memref_slice %arg9[%run_scoped3A_111, %dma_start3A_276] : memref<8x128xi32, #tpu.memory_space<vmem>> -> memref<1x128xi32, #tpu.memory_space<vmem>>
        %dma_start3A_278 = tpu.memref_squeeze %dma_start3A_277 : memref<1x128xi32, #tpu.memory_space<vmem>> -> memref<128xi32, #tpu.memory_space<vmem>>
        %dma_start3A_279 = arith.constant 0 : i32
        %dma_start3A_280 = arith.constant 0 : i32
        %dma_start3A_281 = tpu.memref_slice %arg12[%dma_start3A_279, %dma_start3A_280] : memref<10240x128xf32, #tpu.memory_space<vmem_shared>> -> memref<10240x128xf32, #tpu.memory_space<vmem_shared>>
        tpu.enqueue_indirect_dma source(%arg11 : memref<128x128xf32, #tpu.memory_space<vmem>>) target(%dma_start3A_281 : memref<10240x128xf32, #tpu.memory_space<vmem_shared>>) offsets(%dma_start3A_278 : memref<128xi32, #tpu.memory_space<vmem>>) semaphore(%run_scoped3A_275 : memref<!tpu.dma_semaphore, #tpu.memory_space<semaphore_mem>>) {add = true}
        %dma_wait3A_282 = arith.constant 0 : i32
        %dma_wait3A_283 = tpu.memref_slice %arg9[%run_scoped3A_111, %dma_wait3A_282] : memref<8x128xi32, #tpu.memory_space<vmem>> -> memref<1x128xi32, #tpu.memory_space<vmem>>
        %dma_wait3A_284 = tpu.memref_squeeze %dma_wait3A_283 : memref<1x128xi32, #tpu.memory_space<vmem>> -> memref<128xi32, #tpu.memory_space<vmem>>
        %dma_wait3A_285 = arith.constant 0 : i32
        %dma_wait3A_286 = arith.constant 0 : i32
        %dma_wait3A_287 = tpu.memref_slice %arg12[%dma_wait3A_285, %dma_wait3A_286] : memref<10240x128xf32, #tpu.memory_space<vmem_shared>> -> memref<10240x128xf32, #tpu.memory_space<vmem_shared>>
        tpu.wait_indirect_dma semaphore(%run_scoped3A_275 : memref<!tpu.dma_semaphore, #tpu.memory_space<semaphore_mem>>) src(%arg11 : memref<128x128xf32, #tpu.memory_space<vmem>>) dst(%dma_wait3A_287 : memref<10240x128xf32, #tpu.memory_space<vmem_shared>>)
        tpu.yield
      }) : () -> ()
      %dma_start3A_112 = arith.constant 384 : i32
      %dma_start3A_113 = tpu.memref_slice %arg7[%dma_start3A_112] : memref<1024xi32, #tpu.memory_space<vmem>> -> memref<128xi32, #tpu.memory_space<vmem>>
      %dma_start3A_114 = arith.constant 0 : i32
      %dma_start3A_115 = arith.constant 0 : i32
      %dma_start3A_116 = tpu.memref_slice %arg4[%dma_start3A_114, %dma_start3A_115] : memref<10240x128xf32, #tpu.memory_space<hbm>> -> memref<10240x128xf32, #tpu.memory_space<hbm>>
      tpu.enqueue_indirect_dma source(%dma_start3A_116 : memref<10240x128xf32, #tpu.memory_space<hbm>>) target(%arg11 : memref<128x128xf32, #tpu.memory_space<vmem>>) offsets(%dma_start3A_113 : memref<128xi32, #tpu.memory_space<vmem>>) semaphore(%arg13 : memref<!tpu.dma_semaphore, #tpu.memory_space<semaphore_mem>>)
      %dma_wait3A_117 = arith.constant 384 : i32
      %dma_wait3A_118 = tpu.memref_slice %arg7[%dma_wait3A_117] : memref<1024xi32, #tpu.memory_space<vmem>> -> memref<128xi32, #tpu.memory_space<vmem>>
      %dma_wait3A_119 = arith.constant 0 : i32
      %dma_wait3A_120 = arith.constant 0 : i32
      %dma_wait3A_121 = tpu.memref_slice %arg4[%dma_wait3A_119, %dma_wait3A_120] : memref<10240x128xf32, #tpu.memory_space<hbm>> -> memref<10240x128xf32, #tpu.memory_space<hbm>>
      tpu.wait_indirect_dma semaphore(%arg13 : memref<!tpu.dma_semaphore, #tpu.memory_space<semaphore_mem>>) src(%dma_wait3A_121 : memref<10240x128xf32, #tpu.memory_space<hbm>>) dst(%arg11 : memref<128x128xf32, #tpu.memory_space<vmem>>)
      %run_scoped3A_122 = arith.constant 3 : i32
      "tpu.region"() ({
        %run_scoped3A_275 = tpu.sem_alloc : memref<!tpu.dma_semaphore, #tpu.memory_space<semaphore_mem>>
        %dma_start3A_276 = arith.constant 0 : i32
        %dma_start3A_277 = tpu.memref_slice %arg9[%run_scoped3A_122, %dma_start3A_276] : memref<8x128xi32, #tpu.memory_space<vmem>> -> memref<1x128xi32, #tpu.memory_space<vmem>>
        %dma_start3A_278 = tpu.memref_squeeze %dma_start3A_277 : memref<1x128xi32, #tpu.memory_space<vmem>> -> memref<128xi32, #tpu.memory_space<vmem>>
        %dma_start3A_279 = arith.constant 0 : i32
        %dma_start3A_280 = arith.constant 0 : i32
        %dma_start3A_281 = tpu.memref_slice %arg12[%dma_start3A_279, %dma_start3A_280] : memref<10240x128xf32, #tpu.memory_space<vmem_shared>> -> memref<10240x128xf32, #tpu.memory_space<vmem_shared>>
        tpu.enqueue_indirect_dma source(%arg11 : memref<128x128xf32, #tpu.memory_space<vmem>>) target(%dma_start3A_281 : memref<10240x128xf32, #tpu.memory_space<vmem_shared>>) offsets(%dma_start3A_278 : memref<128xi32, #tpu.memory_space<vmem>>) semaphore(%run_scoped3A_275 : memref<!tpu.dma_semaphore, #tpu.memory_space<semaphore_mem>>) {add = true}
        %dma_wait3A_282 = arith.constant 0 : i32
        %dma_wait3A_283 = tpu.memref_slice %arg9[%run_scoped3A_122, %dma_wait3A_282] : memref<8x128xi32, #tpu.memory_space<vmem>> -> memref<1x128xi32, #tpu.memory_space<vmem>>
        %dma_wait3A_284 = tpu.memref_squeeze %dma_wait3A_283 : memref<1x128xi32, #tpu.memory_space<vmem>> -> memref<128xi32, #tpu.memory_space<vmem>>
        %dma_wait3A_285 = arith.constant 0 : i32
        %dma_wait3A_286 = arith.constant 0 : i32
        %dma_wait3A_287 = tpu.memref_slice %arg12[%dma_wait3A_285, %dma_wait3A_286] : memref<10240x128xf32, #tpu.memory_space<vmem_shared>> -> memref<10240x128xf32, #tpu.memory_space<vmem_shared>>
        tpu.wait_indirect_dma semaphore(%run_scoped3A_275 : memref<!tpu.dma_semaphore, #tpu.memory_space<semaphore_mem>>) src(%arg11 : memref<128x128xf32, #tpu.memory_space<vmem>>) dst(%dma_wait3A_287 : memref<10240x128xf32, #tpu.memory_space<vmem_shared>>)
        tpu.yield
      }) : () -> ()
      %dma_start3A_123 = arith.constant 512 : i32
      %dma_start3A_124 = tpu.memref_slice %arg7[%dma_start3A_123] : memref<1024xi32, #tpu.memory_space<vmem>> -> memref<128xi32, #tpu.memory_space<vmem>>
      %dma_start3A_125 = arith.constant 0 : i32
      %dma_start3A_126 = arith.constant 0 : i32
      %dma_start3A_127 = tpu.memref_slice %arg4[%dma_start3A_125, %dma_start3A_126] : memref<10240x128xf32, #tpu.memory_space<hbm>> -> memref<10240x128xf32, #tpu.memory_space<hbm>>
      tpu.enqueue_indirect_dma source(%dma_start3A_127 : memref<10240x128xf32, #tpu.memory_space<hbm>>) target(%arg11 : memref<128x128xf32, #tpu.memory_space<vmem>>) offsets(%dma_start3A_124 : memref<128xi32, #tpu.memory_space<vmem>>) semaphore(%arg13 : memref<!tpu.dma_semaphore, #tpu.memory_space<semaphore_mem>>)
      %dma_wait3A_128 = arith.constant 512 : i32
      %dma_wait3A_129 = tpu.memref_slice %arg7[%dma_wait3A_128] : memref<1024xi32, #tpu.memory_space<vmem>> -> memref<128xi32, #tpu.memory_space<vmem>>
      %dma_wait3A_130 = arith.constant 0 : i32
      %dma_wait3A_131 = arith.constant 0 : i32
      %dma_wait3A_132 = tpu.memref_slice %arg4[%dma_wait3A_130, %dma_wait3A_131] : memref<10240x128xf32, #tpu.memory_space<hbm>> -> memref<10240x128xf32, #tpu.memory_space<hbm>>
      tpu.wait_indirect_dma semaphore(%arg13 : memref<!tpu.dma_semaphore, #tpu.memory_space<semaphore_mem>>) src(%dma_wait3A_132 : memref<10240x128xf32, #tpu.memory_space<hbm>>) dst(%arg11 : memref<128x128xf32, #tpu.memory_space<vmem>>)
      %run_scoped3A_133 = arith.constant 4 : i32
      "tpu.region"() ({
        %run_scoped3A_275 = tpu.sem_alloc : memref<!tpu.dma_semaphore, #tpu.memory_space<semaphore_mem>>
        %dma_start3A_276 = arith.constant 0 : i32
        %dma_start3A_277 = tpu.memref_slice %arg9[%run_scoped3A_133, %dma_start3A_276] : memref<8x128xi32, #tpu.memory_space<vmem>> -> memref<1x128xi32, #tpu.memory_space<vmem>>
        %dma_start3A_278 = tpu.memref_squeeze %dma_start3A_277 : memref<1x128xi32, #tpu.memory_space<vmem>> -> memref<128xi32, #tpu.memory_space<vmem>>
        %dma_start3A_279 = arith.constant 0 : i32
        %dma_start3A_280 = arith.constant 0 : i32
        %dma_start3A_281 = tpu.memref_slice %arg12[%dma_start3A_279, %dma_start3A_280] : memref<10240x128xf32, #tpu.memory_space<vmem_shared>> -> memref<10240x128xf32, #tpu.memory_space<vmem_shared>>
        tpu.enqueue_indirect_dma source(%arg11 : memref<128x128xf32, #tpu.memory_space<vmem>>) target(%dma_start3A_281 : memref<10240x128xf32, #tpu.memory_space<vmem_shared>>) offsets(%dma_start3A_278 : memref<128xi32, #tpu.memory_space<vmem>>) semaphore(%run_scoped3A_275 : memref<!tpu.dma_semaphore, #tpu.memory_space<semaphore_mem>>) {add = true}
        %dma_wait3A_282 = arith.constant 0 : i32
        %dma_wait3A_283 = tpu.memref_slice %arg9[%run_scoped3A_133, %dma_wait3A_282] : memref<8x128xi32, #tpu.memory_space<vmem>> -> memref<1x128xi32, #tpu.memory_space<vmem>>
        %dma_wait3A_284 = tpu.memref_squeeze %dma_wait3A_283 : memref<1x128xi32, #tpu.memory_space<vmem>> -> memref<128xi32, #tpu.memory_space<vmem>>
        %dma_wait3A_285 = arith.constant 0 : i32
        %dma_wait3A_286 = arith.constant 0 : i32
        %dma_wait3A_287 = tpu.memref_slice %arg12[%dma_wait3A_285, %dma_wait3A_286] : memref<10240x128xf32, #tpu.memory_space<vmem_shared>> -> memref<10240x128xf32, #tpu.memory_space<vmem_shared>>
        tpu.wait_indirect_dma semaphore(%run_scoped3A_275 : memref<!tpu.dma_semaphore, #tpu.memory_space<semaphore_mem>>) src(%arg11 : memref<128x128xf32, #tpu.memory_space<vmem>>) dst(%dma_wait3A_287 : memref<10240x128xf32, #tpu.memory_space<vmem_shared>>)
        tpu.yield
      }) : () -> ()
      %dma_start3A_134 = arith.constant 640 : i32
      %dma_start3A_135 = tpu.memref_slice %arg7[%dma_start3A_134] : memref<1024xi32, #tpu.memory_space<vmem>> -> memref<128xi32, #tpu.memory_space<vmem>>
      %dma_start3A_136 = arith.constant 0 : i32
      %dma_start3A_137 = arith.constant 0 : i32
      %dma_start3A_138 = tpu.memref_slice %arg4[%dma_start3A_136, %dma_start3A_137] : memref<10240x128xf32, #tpu.memory_space<hbm>> -> memref<10240x128xf32, #tpu.memory_space<hbm>>
      tpu.enqueue_indirect_dma source(%dma_start3A_138 : memref<10240x128xf32, #tpu.memory_space<hbm>>) target(%arg11 : memref<128x128xf32, #tpu.memory_space<vmem>>) offsets(%dma_start3A_135 : memref<128xi32, #tpu.memory_space<vmem>>) semaphore(%arg13 : memref<!tpu.dma_semaphore, #tpu.memory_space<semaphore_mem>>)
      %dma_wait3A_139 = arith.constant 640 : i32
      %dma_wait3A_140 = tpu.memref_slice %arg7[%dma_wait3A_139] : memref<1024xi32, #tpu.memory_space<vmem>> -> memref<128xi32, #tpu.memory_space<vmem>>
      %dma_wait3A_141 = arith.constant 0 : i32
      %dma_wait3A_142 = arith.constant 0 : i32
      %dma_wait3A_143 = tpu.memref_slice %arg4[%dma_wait3A_141, %dma_wait3A_142] : memref<10240x128xf32, #tpu.memory_space<hbm>> -> memref<10240x128xf32, #tpu.memory_space<hbm>>
      tpu.wait_indirect_dma semaphore(%arg13 : memref<!tpu.dma_semaphore, #tpu.memory_space<semaphore_mem>>) src(%dma_wait3A_143 : memref<10240x128xf32, #tpu.memory_space<hbm>>) dst(%arg11 : memref<128x128xf32, #tpu.memory_space<vmem>>)
      %run_scoped3A_144 = arith.constant 5 : i32
      "tpu.region"() ({
        %run_scoped3A_275 = tpu.sem_alloc : memref<!tpu.dma_semaphore, #tpu.memory_space<semaphore_mem>>
        %dma_start3A_276 = arith.constant 0 : i32
        %dma_start3A_277 = tpu.memref_slice %arg9[%run_scoped3A_144, %dma_start3A_276] : memref<8x128xi32, #tpu.memory_space<vmem>> -> memref<1x128xi32, #tpu.memory_space<vmem>>
        %dma_start3A_278 = tpu.memref_squeeze %dma_start3A_277 : memref<1x128xi32, #tpu.memory_space<vmem>> -> memref<128xi32, #tpu.memory_space<vmem>>
        %dma_start3A_279 = arith.constant 0 : i32
        %dma_start3A_280 = arith.constant 0 : i32
        %dma_start3A_281 = tpu.memref_slice %arg12[%dma_start3A_279, %dma_start3A_280] : memref<10240x128xf32, #tpu.memory_space<vmem_shared>> -> memref<10240x128xf32, #tpu.memory_space<vmem_shared>>
        tpu.enqueue_indirect_dma source(%arg11 : memref<128x128xf32, #tpu.memory_space<vmem>>) target(%dma_start3A_281 : memref<10240x128xf32, #tpu.memory_space<vmem_shared>>) offsets(%dma_start3A_278 : memref<128xi32, #tpu.memory_space<vmem>>) semaphore(%run_scoped3A_275 : memref<!tpu.dma_semaphore, #tpu.memory_space<semaphore_mem>>) {add = true}
        %dma_wait3A_282 = arith.constant 0 : i32
        %dma_wait3A_283 = tpu.memref_slice %arg9[%run_scoped3A_144, %dma_wait3A_282] : memref<8x128xi32, #tpu.memory_space<vmem>> -> memref<1x128xi32, #tpu.memory_space<vmem>>
        %dma_wait3A_284 = tpu.memref_squeeze %dma_wait3A_283 : memref<1x128xi32, #tpu.memory_space<vmem>> -> memref<128xi32, #tpu.memory_space<vmem>>
        %dma_wait3A_285 = arith.constant 0 : i32
        %dma_wait3A_286 = arith.constant 0 : i32
        %dma_wait3A_287 = tpu.memref_slice %arg12[%dma_wait3A_285, %dma_wait3A_286] : memref<10240x128xf32, #tpu.memory_space<vmem_shared>> -> memref<10240x128xf32, #tpu.memory_space<vmem_shared>>
        tpu.wait_indirect_dma semaphore(%run_scoped3A_275 : memref<!tpu.dma_semaphore, #tpu.memory_space<semaphore_mem>>) src(%arg11 : memref<128x128xf32, #tpu.memory_space<vmem>>) dst(%dma_wait3A_287 : memref<10240x128xf32, #tpu.memory_space<vmem_shared>>)
        tpu.yield
      }) : () -> ()
      %dma_start3A_145 = arith.constant 768 : i32
      %dma_start3A_146 = tpu.memref_slice %arg7[%dma_start3A_145] : memref<1024xi32, #tpu.memory_space<vmem>> -> memref<128xi32, #tpu.memory_space<vmem>>
      %dma_start3A_147 = arith.constant 0 : i32
      %dma_start3A_148 = arith.constant 0 : i32
      %dma_start3A_149 = tpu.memref_slice %arg4[%dma_start3A_147, %dma_start3A_148] : memref<10240x128xf32, #tpu.memory_space<hbm>> -> memref<10240x128xf32, #tpu.memory_space<hbm>>
      tpu.enqueue_indirect_dma source(%dma_start3A_149 : memref<10240x128xf32, #tpu.memory_space<hbm>>) target(%arg11 : memref<128x128xf32, #tpu.memory_space<vmem>>) offsets(%dma_start3A_146 : memref<128xi32, #tpu.memory_space<vmem>>) semaphore(%arg13 : memref<!tpu.dma_semaphore, #tpu.memory_space<semaphore_mem>>)
      %dma_wait3A_150 = arith.constant 768 : i32
      %dma_wait3A_151 = tpu.memref_slice %arg7[%dma_wait3A_150] : memref<1024xi32, #tpu.memory_space<vmem>> -> memref<128xi32, #tpu.memory_space<vmem>>
      %dma_wait3A_152 = arith.constant 0 : i32
      %dma_wait3A_153 = arith.constant 0 : i32
      %dma_wait3A_154 = tpu.memref_slice %arg4[%dma_wait3A_152, %dma_wait3A_153] : memref<10240x128xf32, #tpu.memory_space<hbm>> -> memref<10240x128xf32, #tpu.memory_space<hbm>>
      tpu.wait_indirect_dma semaphore(%arg13 : memref<!tpu.dma_semaphore, #tpu.memory_space<semaphore_mem>>) src(%dma_wait3A_154 : memref<10240x128xf32, #tpu.memory_space<hbm>>) dst(%arg11 : memref<128x128xf32, #tpu.memory_space<vmem>>)
      %run_scoped3A_155 = arith.constant 6 : i32
      "tpu.region"() ({
        %run_scoped3A_275 = tpu.sem_alloc : memref<!tpu.dma_semaphore, #tpu.memory_space<semaphore_mem>>
        %dma_start3A_276 = arith.constant 0 : i32
        %dma_start3A_277 = tpu.memref_slice %arg9[%run_scoped3A_155, %dma_start3A_276] : memref<8x128xi32, #tpu.memory_space<vmem>> -> memref<1x128xi32, #tpu.memory_space<vmem>>
        %dma_start3A_278 = tpu.memref_squeeze %dma_start3A_277 : memref<1x128xi32, #tpu.memory_space<vmem>> -> memref<128xi32, #tpu.memory_space<vmem>>
        %dma_start3A_279 = arith.constant 0 : i32
        %dma_start3A_280 = arith.constant 0 : i32
        %dma_start3A_281 = tpu.memref_slice %arg12[%dma_start3A_279, %dma_start3A_280] : memref<10240x128xf32, #tpu.memory_space<vmem_shared>> -> memref<10240x128xf32, #tpu.memory_space<vmem_shared>>
        tpu.enqueue_indirect_dma source(%arg11 : memref<128x128xf32, #tpu.memory_space<vmem>>) target(%dma_start3A_281 : memref<10240x128xf32, #tpu.memory_space<vmem_shared>>) offsets(%dma_start3A_278 : memref<128xi32, #tpu.memory_space<vmem>>) semaphore(%run_scoped3A_275 : memref<!tpu.dma_semaphore, #tpu.memory_space<semaphore_mem>>) {add = true}
        %dma_wait3A_282 = arith.constant 0 : i32
        %dma_wait3A_283 = tpu.memref_slice %arg9[%run_scoped3A_155, %dma_wait3A_282] : memref<8x128xi32, #tpu.memory_space<vmem>> -> memref<1x128xi32, #tpu.memory_space<vmem>>
        %dma_wait3A_284 = tpu.memref_squeeze %dma_wait3A_283 : memref<1x128xi32, #tpu.memory_space<vmem>> -> memref<128xi32, #tpu.memory_space<vmem>>
        %dma_wait3A_285 = arith.constant 0 : i32
        %dma_wait3A_286 = arith.constant 0 : i32
        %dma_wait3A_287 = tpu.memref_slice %arg12[%dma_wait3A_285, %dma_wait3A_286] : memref<10240x128xf32, #tpu.memory_space<vmem_shared>> -> memref<10240x128xf32, #tpu.memory_space<vmem_shared>>
        tpu.wait_indirect_dma semaphore(%run_scoped3A_275 : memref<!tpu.dma_semaphore, #tpu.memory_space<semaphore_mem>>) src(%arg11 : memref<128x128xf32, #tpu.memory_space<vmem>>) dst(%dma_wait3A_287 : memref<10240x128xf32, #tpu.memory_space<vmem_shared>>)
        tpu.yield
      }) : () -> ()
      %dma_start3A_156 = arith.constant 896 : i32
      %dma_start3A_157 = tpu.memref_slice %arg7[%dma_start3A_156] : memref<1024xi32, #tpu.memory_space<vmem>> -> memref<128xi32, #tpu.memory_space<vmem>>
      %dma_start3A_158 = arith.constant 0 : i32
      %dma_start3A_159 = arith.constant 0 : i32
      %dma_start3A_160 = tpu.memref_slice %arg4[%dma_start3A_158, %dma_start3A_159] : memref<10240x128xf32, #tpu.memory_space<hbm>> -> memref<10240x128xf32, #tpu.memory_space<hbm>>
      tpu.enqueue_indirect_dma source(%dma_start3A_160 : memref<10240x128xf32, #tpu.memory_space<hbm>>) target(%arg11 : memref<128x128xf32, #tpu.memory_space<vmem>>) offsets(%dma_start3A_157 : memref<128xi32, #tpu.memory_space<vmem>>) semaphore(%arg13 : memref<!tpu.dma_semaphore, #tpu.memory_space<semaphore_mem>>)
      %dma_wait3A_161 = arith.constant 896 : i32
      %dma_wait3A_162 = tpu.memref_slice %arg7[%dma_wait3A_161] : memref<1024xi32, #tpu.memory_space<vmem>> -> memref<128xi32, #tpu.memory_space<vmem>>
      %dma_wait3A_163 = arith.constant 0 : i32
      %dma_wait3A_164 = arith.constant 0 : i32
      %dma_wait3A_165 = tpu.memref_slice %arg4[%dma_wait3A_163, %dma_wait3A_164] : memref<10240x128xf32, #tpu.memory_space<hbm>> -> memref<10240x128xf32, #tpu.memory_space<hbm>>
      tpu.wait_indirect_dma semaphore(%arg13 : memref<!tpu.dma_semaphore, #tpu.memory_space<semaphore_mem>>) src(%dma_wait3A_165 : memref<10240x128xf32, #tpu.memory_space<hbm>>) dst(%arg11 : memref<128x128xf32, #tpu.memory_space<vmem>>)
      %run_scoped3A_166 = arith.constant 7 : i32
      "tpu.region"() ({
        %run_scoped3A_275 = tpu.sem_alloc : memref<!tpu.dma_semaphore, #tpu.memory_space<semaphore_mem>>
        %dma_start3A_276 = arith.constant 0 : i32
        %dma_start3A_277 = tpu.memref_slice %arg9[%run_scoped3A_166, %dma_start3A_276] : memref<8x128xi32, #tpu.memory_space<vmem>> -> memref<1x128xi32, #tpu.memory_space<vmem>>
        %dma_start3A_278 = tpu.memref_squeeze %dma_start3A_277 : memref<1x128xi32, #tpu.memory_space<vmem>> -> memref<128xi32, #tpu.memory_space<vmem>>
        %dma_start3A_279 = arith.constant 0 : i32
        %dma_start3A_280 = arith.constant 0 : i32
        %dma_start3A_281 = tpu.memref_slice %arg12[%dma_start3A_279, %dma_start3A_280] : memref<10240x128xf32, #tpu.memory_space<vmem_shared>> -> memref<10240x128xf32, #tpu.memory_space<vmem_shared>>
        tpu.enqueue_indirect_dma source(%arg11 : memref<128x128xf32, #tpu.memory_space<vmem>>) target(%dma_start3A_281 : memref<10240x128xf32, #tpu.memory_space<vmem_shared>>) offsets(%dma_start3A_278 : memref<128xi32, #tpu.memory_space<vmem>>) semaphore(%run_scoped3A_275 : memref<!tpu.dma_semaphore, #tpu.memory_space<semaphore_mem>>) {add = true}
        %dma_wait3A_282 = arith.constant 0 : i32
        %dma_wait3A_283 = tpu.memref_slice %arg9[%run_scoped3A_166, %dma_wait3A_282] : memref<8x128xi32, #tpu.memory_space<vmem>> -> memref<1x128xi32, #tpu.memory_space<vmem>>
        %dma_wait3A_284 = tpu.memref_squeeze %dma_wait3A_283 : memref<1x128xi32, #tpu.memory_space<vmem>> -> memref<128xi32, #tpu.memory_space<vmem>>
        %dma_wait3A_285 = arith.constant 0 : i32
        %dma_wait3A_286 = arith.constant 0 : i32
        %dma_wait3A_287 = tpu.memref_slice %arg12[%dma_wait3A_285, %dma_wait3A_286] : memref<10240x128xf32, #tpu.memory_space<vmem_shared>> -> memref<10240x128xf32, #tpu.memory_space<vmem_shared>>
        tpu.wait_indirect_dma semaphore(%run_scoped3A_275 : memref<!tpu.dma_semaphore, #tpu.memory_space<semaphore_mem>>) src(%arg11 : memref<128x128xf32, #tpu.memory_space<vmem>>) dst(%dma_wait3A_287 : memref<10240x128xf32, #tpu.memory_space<vmem_shared>>)
        tpu.yield
      }) : () -> ()
      %convert_element_type3A = arith.extui %lt3A : i1 to i32
      %cond3A = arith.constant 0 : i32
      %cond3A_167 = arith.cmpi ne, %convert_element_type3A, %cond3A : i32
      scf.if %cond3A_167 {
        %add3A_275 = arith.constant 16 : i32
        %add3A_276 = arith.addi %add3A_67, %add3A_275 : i32
        %mul3A_277 = arith.constant 128 : i32
        %mul3A_278 = arith.muli %add3A_276, %mul3A_277 : i32
        %dma_start3A_279 = tpu.memref_slice %arg2[%mul3A_278] : memref<327680xi32, #tpu.memory_space<hbm>> -> memref<1024xi32, #tpu.memory_space<hbm>>
        %dma_start3A_280 = tpu.memref_slice %arg2[%mul3A_278] : memref<327680xi32, #tpu.memory_space<hbm>> -> memref<1024xi32, #tpu.memory_space<hbm>>
        tpu.enqueue_dma source(%dma_start3A_280 : memref<1024xi32, #tpu.memory_space<hbm>>) target(%arg7 : memref<1024xi32, #tpu.memory_space<vmem>>) target_semaphore(%arg14 : memref<!tpu.dma_semaphore, #tpu.memory_space<semaphore_mem>>)
        %add3A_281 = arith.constant 16 : i32
        %add3A_282 = arith.addi %add3A_67, %add3A_281 : i32
        %dma_start3A_283 = arith.constant 0 : i32
        %dma_start3A_284 = tpu.memref_slice %arg3[%add3A_282, %dma_start3A_283] : memref<2560x128xi32, #tpu.memory_space<hbm>> -> memref<8x128xi32, #tpu.memory_space<hbm>>
        %dma_start3A_285 = arith.constant 0 : i32
        %dma_start3A_286 = tpu.memref_slice %arg3[%add3A_282, %dma_start3A_285] : memref<2560x128xi32, #tpu.memory_space<hbm>> -> memref<8x128xi32, #tpu.memory_space<hbm>>
        tpu.enqueue_dma source(%dma_start3A_286 : memref<8x128xi32, #tpu.memory_space<hbm>>) target(%arg9 : memref<8x128xi32, #tpu.memory_space<vmem>>) target_semaphore(%arg16 : memref<!tpu.dma_semaphore, #tpu.memory_space<semaphore_mem>>)
      } else {
      }
      %add3A_168 = arith.constant 8 : i32
      %add3A_169 = arith.addi %add3A_67, %add3A_168 : i32
      %add3A_170 = arith.constant 24 : i32
      %add3A_171 = arith.addi %add3A_67, %add3A_170 : i32
      %add3A_172 = arith.addi %select_n3A_8, %select_n3A : i32
      %lt3A_173 = arith.cmpi slt, %add3A_171, %add3A_172 : i32
      %dma_wait3A_174 = arith.constant 0 : i32
      %dma_wait3A_175 = tpu.memref_slice %arg2[%dma_wait3A_174] : memref<327680xi32, #tpu.memory_space<hbm>> -> memref<1024xi32, #tpu.memory_space<hbm>>
      %dma_wait3A_176 = arith.constant 0 : i32
      %dma_wait3A_177 = tpu.memref_slice %arg2[%dma_wait3A_176] : memref<327680xi32, #tpu.memory_space<hbm>> -> memref<1024xi32, #tpu.memory_space<hbm>>
      tpu.wait_dma2 semaphore(%arg15 : memref<!tpu.dma_semaphore, #tpu.memory_space<semaphore_mem>>) src(%dma_wait3A_177 : memref<1024xi32, #tpu.memory_space<hbm>>) dst(%arg8 : memref<1024xi32, #tpu.memory_space<vmem>>)
      %dma_wait3A_178 = arith.constant 0 : i32
      %dma_wait3A_179 = arith.constant 0 : i32
      %dma_wait3A_180 = tpu.memref_slice %arg3[%dma_wait3A_178, %dma_wait3A_179] : memref<2560x128xi32, #tpu.memory_space<hbm>> -> memref<8x128xi32, #tpu.memory_space<hbm>>
      %dma_wait3A_181 = arith.constant 0 : i32
      %dma_wait3A_182 = arith.constant 0 : i32
      %dma_wait3A_183 = tpu.memref_slice %arg3[%dma_wait3A_181, %dma_wait3A_182] : memref<2560x128xi32, #tpu.memory_space<hbm>> -> memref<8x128xi32, #tpu.memory_space<hbm>>
      tpu.wait_dma2 semaphore(%arg17 : memref<!tpu.dma_semaphore, #tpu.memory_space<semaphore_mem>>) src(%dma_wait3A_183 : memref<8x128xi32, #tpu.memory_space<hbm>>) dst(%arg10 : memref<8x128xi32, #tpu.memory_space<vmem>>)
      %dma_start3A_184 = arith.constant 0 : i32
      %dma_start3A_185 = tpu.memref_slice %arg8[%dma_start3A_184] : memref<1024xi32, #tpu.memory_space<vmem>> -> memref<128xi32, #tpu.memory_space<vmem>>
      %dma_start3A_186 = arith.constant 0 : i32
      %dma_start3A_187 = arith.constant 0 : i32
      %dma_start3A_188 = tpu.memref_slice %arg4[%dma_start3A_186, %dma_start3A_187] : memref<10240x128xf32, #tpu.memory_space<hbm>> -> memref<10240x128xf32, #tpu.memory_space<hbm>>
      tpu.enqueue_indirect_dma source(%dma_start3A_188 : memref<10240x128xf32, #tpu.memory_space<hbm>>) target(%arg11 : memref<128x128xf32, #tpu.memory_space<vmem>>) offsets(%dma_start3A_185 : memref<128xi32, #tpu.memory_space<vmem>>) semaphore(%arg13 : memref<!tpu.dma_semaphore, #tpu.memory_space<semaphore_mem>>)
      %dma_wait3A_189 = arith.constant 0 : i32
      %dma_wait3A_190 = tpu.memref_slice %arg8[%dma_wait3A_189] : memref<1024xi32, #tpu.memory_space<vmem>> -> memref<128xi32, #tpu.memory_space<vmem>>
      %dma_wait3A_191 = arith.constant 0 : i32
      %dma_wait3A_192 = arith.constant 0 : i32
      %dma_wait3A_193 = tpu.memref_slice %arg4[%dma_wait3A_191, %dma_wait3A_192] : memref<10240x128xf32, #tpu.memory_space<hbm>> -> memref<10240x128xf32, #tpu.memory_space<hbm>>
      tpu.wait_indirect_dma semaphore(%arg13 : memref<!tpu.dma_semaphore, #tpu.memory_space<semaphore_mem>>) src(%dma_wait3A_193 : memref<10240x128xf32, #tpu.memory_space<hbm>>) dst(%arg11 : memref<128x128xf32, #tpu.memory_space<vmem>>)
      %run_scoped3A_194 = arith.constant 0 : i32
      "tpu.region"() ({
        %run_scoped3A_275 = tpu.sem_alloc : memref<!tpu.dma_semaphore, #tpu.memory_space<semaphore_mem>>
        %dma_start3A_276 = arith.constant 0 : i32
        %dma_start3A_277 = tpu.memref_slice %arg10[%run_scoped3A_194, %dma_start3A_276] : memref<8x128xi32, #tpu.memory_space<vmem>> -> memref<1x128xi32, #tpu.memory_space<vmem>>
        %dma_start3A_278 = tpu.memref_squeeze %dma_start3A_277 : memref<1x128xi32, #tpu.memory_space<vmem>> -> memref<128xi32, #tpu.memory_space<vmem>>
        %dma_start3A_279 = arith.constant 0 : i32
        %dma_start3A_280 = arith.constant 0 : i32
        %dma_start3A_281 = tpu.memref_slice %arg12[%dma_start3A_279, %dma_start3A_280] : memref<10240x128xf32, #tpu.memory_space<vmem_shared>> -> memref<10240x128xf32, #tpu.memory_space<vmem_shared>>
        tpu.enqueue_indirect_dma source(%arg11 : memref<128x128xf32, #tpu.memory_space<vmem>>) target(%dma_start3A_281 : memref<10240x128xf32, #tpu.memory_space<vmem_shared>>) offsets(%dma_start3A_278 : memref<128xi32, #tpu.memory_space<vmem>>) semaphore(%run_scoped3A_275 : memref<!tpu.dma_semaphore, #tpu.memory_space<semaphore_mem>>) {add = true}
        %dma_wait3A_282 = arith.constant 0 : i32
        %dma_wait3A_283 = tpu.memref_slice %arg10[%run_scoped3A_194, %dma_wait3A_282] : memref<8x128xi32, #tpu.memory_space<vmem>> -> memref<1x128xi32, #tpu.memory_space<vmem>>
        %dma_wait3A_284 = tpu.memref_squeeze %dma_wait3A_283 : memref<1x128xi32, #tpu.memory_space<vmem>> -> memref<128xi32, #tpu.memory_space<vmem>>
        %dma_wait3A_285 = arith.constant 0 : i32
        %dma_wait3A_286 = arith.constant 0 : i32
        %dma_wait3A_287 = tpu.memref_slice %arg12[%dma_wait3A_285, %dma_wait3A_286] : memref<10240x128xf32, #tpu.memory_space<vmem_shared>> -> memref<10240x128xf32, #tpu.memory_space<vmem_shared>>
        tpu.wait_indirect_dma semaphore(%run_scoped3A_275 : memref<!tpu.dma_semaphore, #tpu.memory_space<semaphore_mem>>) src(%arg11 : memref<128x128xf32, #tpu.memory_space<vmem>>) dst(%dma_wait3A_287 : memref<10240x128xf32, #tpu.memory_space<vmem_shared>>)
        tpu.yield
      }) : () -> ()
      %dma_start3A_195 = arith.constant 128 : i32
      %dma_start3A_196 = tpu.memref_slice %arg8[%dma_start3A_195] : memref<1024xi32, #tpu.memory_space<vmem>> -> memref<128xi32, #tpu.memory_space<vmem>>
      %dma_start3A_197 = arith.constant 0 : i32
      %dma_start3A_198 = arith.constant 0 : i32
      %dma_start3A_199 = tpu.memref_slice %arg4[%dma_start3A_197, %dma_start3A_198] : memref<10240x128xf32, #tpu.memory_space<hbm>> -> memref<10240x128xf32, #tpu.memory_space<hbm>>
      tpu.enqueue_indirect_dma source(%dma_start3A_199 : memref<10240x128xf32, #tpu.memory_space<hbm>>) target(%arg11 : memref<128x128xf32, #tpu.memory_space<vmem>>) offsets(%dma_start3A_196 : memref<128xi32, #tpu.memory_space<vmem>>) semaphore(%arg13 : memref<!tpu.dma_semaphore, #tpu.memory_space<semaphore_mem>>)
      %dma_wait3A_200 = arith.constant 128 : i32
      %dma_wait3A_201 = tpu.memref_slice %arg8[%dma_wait3A_200] : memref<1024xi32, #tpu.memory_space<vmem>> -> memref<128xi32, #tpu.memory_space<vmem>>
      %dma_wait3A_202 = arith.constant 0 : i32
      %dma_wait3A_203 = arith.constant 0 : i32
      %dma_wait3A_204 = tpu.memref_slice %arg4[%dma_wait3A_202, %dma_wait3A_203] : memref<10240x128xf32, #tpu.memory_space<hbm>> -> memref<10240x128xf32, #tpu.memory_space<hbm>>
      tpu.wait_indirect_dma semaphore(%arg13 : memref<!tpu.dma_semaphore, #tpu.memory_space<semaphore_mem>>) src(%dma_wait3A_204 : memref<10240x128xf32, #tpu.memory_space<hbm>>) dst(%arg11 : memref<128x128xf32, #tpu.memory_space<vmem>>)
      %run_scoped3A_205 = arith.constant 1 : i32
      "tpu.region"() ({
        %run_scoped3A_275 = tpu.sem_alloc : memref<!tpu.dma_semaphore, #tpu.memory_space<semaphore_mem>>
        %dma_start3A_276 = arith.constant 0 : i32
        %dma_start3A_277 = tpu.memref_slice %arg10[%run_scoped3A_205, %dma_start3A_276] : memref<8x128xi32, #tpu.memory_space<vmem>> -> memref<1x128xi32, #tpu.memory_space<vmem>>
        %dma_start3A_278 = tpu.memref_squeeze %dma_start3A_277 : memref<1x128xi32, #tpu.memory_space<vmem>> -> memref<128xi32, #tpu.memory_space<vmem>>
        %dma_start3A_279 = arith.constant 0 : i32
        %dma_start3A_280 = arith.constant 0 : i32
        %dma_start3A_281 = tpu.memref_slice %arg12[%dma_start3A_279, %dma_start3A_280] : memref<10240x128xf32, #tpu.memory_space<vmem_shared>> -> memref<10240x128xf32, #tpu.memory_space<vmem_shared>>
        tpu.enqueue_indirect_dma source(%arg11 : memref<128x128xf32, #tpu.memory_space<vmem>>) target(%dma_start3A_281 : memref<10240x128xf32, #tpu.memory_space<vmem_shared>>) offsets(%dma_start3A_278 : memref<128xi32, #tpu.memory_space<vmem>>) semaphore(%run_scoped3A_275 : memref<!tpu.dma_semaphore, #tpu.memory_space<semaphore_mem>>) {add = true}
        %dma_wait3A_282 = arith.constant 0 : i32
        %dma_wait3A_283 = tpu.memref_slice %arg10[%run_scoped3A_205, %dma_wait3A_282] : memref<8x128xi32, #tpu.memory_space<vmem>> -> memref<1x128xi32, #tpu.memory_space<vmem>>
        %dma_wait3A_284 = tpu.memref_squeeze %dma_wait3A_283 : memref<1x128xi32, #tpu.memory_space<vmem>> -> memref<128xi32, #tpu.memory_space<vmem>>
        %dma_wait3A_285 = arith.constant 0 : i32
        %dma_wait3A_286 = arith.constant 0 : i32
        %dma_wait3A_287 = tpu.memref_slice %arg12[%dma_wait3A_285, %dma_wait3A_286] : memref<10240x128xf32, #tpu.memory_space<vmem_shared>> -> memref<10240x128xf32, #tpu.memory_space<vmem_shared>>
        tpu.wait_indirect_dma semaphore(%run_scoped3A_275 : memref<!tpu.dma_semaphore, #tpu.memory_space<semaphore_mem>>) src(%arg11 : memref<128x128xf32, #tpu.memory_space<vmem>>) dst(%dma_wait3A_287 : memref<10240x128xf32, #tpu.memory_space<vmem_shared>>)
        tpu.yield
      }) : () -> ()
      %dma_start3A_206 = arith.constant 256 : i32
      %dma_start3A_207 = tpu.memref_slice %arg8[%dma_start3A_206] : memref<1024xi32, #tpu.memory_space<vmem>> -> memref<128xi32, #tpu.memory_space<vmem>>
      %dma_start3A_208 = arith.constant 0 : i32
      %dma_start3A_209 = arith.constant 0 : i32
      %dma_start3A_210 = tpu.memref_slice %arg4[%dma_start3A_208, %dma_start3A_209] : memref<10240x128xf32, #tpu.memory_space<hbm>> -> memref<10240x128xf32, #tpu.memory_space<hbm>>
      tpu.enqueue_indirect_dma source(%dma_start3A_210 : memref<10240x128xf32, #tpu.memory_space<hbm>>) target(%arg11 : memref<128x128xf32, #tpu.memory_space<vmem>>) offsets(%dma_start3A_207 : memref<128xi32, #tpu.memory_space<vmem>>) semaphore(%arg13 : memref<!tpu.dma_semaphore, #tpu.memory_space<semaphore_mem>>)
      %dma_wait3A_211 = arith.constant 256 : i32
      %dma_wait3A_212 = tpu.memref_slice %arg8[%dma_wait3A_211] : memref<1024xi32, #tpu.memory_space<vmem>> -> memref<128xi32, #tpu.memory_space<vmem>>
      %dma_wait3A_213 = arith.constant 0 : i32
      %dma_wait3A_214 = arith.constant 0 : i32
      %dma_wait3A_215 = tpu.memref_slice %arg4[%dma_wait3A_213, %dma_wait3A_214] : memref<10240x128xf32, #tpu.memory_space<hbm>> -> memref<10240x128xf32, #tpu.memory_space<hbm>>
      tpu.wait_indirect_dma semaphore(%arg13 : memref<!tpu.dma_semaphore, #tpu.memory_space<semaphore_mem>>) src(%dma_wait3A_215 : memref<10240x128xf32, #tpu.memory_space<hbm>>) dst(%arg11 : memref<128x128xf32, #tpu.memory_space<vmem>>)
      %run_scoped3A_216 = arith.constant 2 : i32
      "tpu.region"() ({
        %run_scoped3A_275 = tpu.sem_alloc : memref<!tpu.dma_semaphore, #tpu.memory_space<semaphore_mem>>
        %dma_start3A_276 = arith.constant 0 : i32
        %dma_start3A_277 = tpu.memref_slice %arg10[%run_scoped3A_216, %dma_start3A_276] : memref<8x128xi32, #tpu.memory_space<vmem>> -> memref<1x128xi32, #tpu.memory_space<vmem>>
        %dma_start3A_278 = tpu.memref_squeeze %dma_start3A_277 : memref<1x128xi32, #tpu.memory_space<vmem>> -> memref<128xi32, #tpu.memory_space<vmem>>
        %dma_start3A_279 = arith.constant 0 : i32
        %dma_start3A_280 = arith.constant 0 : i32
        %dma_start3A_281 = tpu.memref_slice %arg12[%dma_start3A_279, %dma_start3A_280] : memref<10240x128xf32, #tpu.memory_space<vmem_shared>> -> memref<10240x128xf32, #tpu.memory_space<vmem_shared>>
        tpu.enqueue_indirect_dma source(%arg11 : memref<128x128xf32, #tpu.memory_space<vmem>>) target(%dma_start3A_281 : memref<10240x128xf32, #tpu.memory_space<vmem_shared>>) offsets(%dma_start3A_278 : memref<128xi32, #tpu.memory_space<vmem>>) semaphore(%run_scoped3A_275 : memref<!tpu.dma_semaphore, #tpu.memory_space<semaphore_mem>>) {add = true}
        %dma_wait3A_282 = arith.constant 0 : i32
        %dma_wait3A_283 = tpu.memref_slice %arg10[%run_scoped3A_216, %dma_wait3A_282] : memref<8x128xi32, #tpu.memory_space<vmem>> -> memref<1x128xi32, #tpu.memory_space<vmem>>
        %dma_wait3A_284 = tpu.memref_squeeze %dma_wait3A_283 : memref<1x128xi32, #tpu.memory_space<vmem>> -> memref<128xi32, #tpu.memory_space<vmem>>
        %dma_wait3A_285 = arith.constant 0 : i32
        %dma_wait3A_286 = arith.constant 0 : i32
        %dma_wait3A_287 = tpu.memref_slice %arg12[%dma_wait3A_285, %dma_wait3A_286] : memref<10240x128xf32, #tpu.memory_space<vmem_shared>> -> memref<10240x128xf32, #tpu.memory_space<vmem_shared>>
        tpu.wait_indirect_dma semaphore(%run_scoped3A_275 : memref<!tpu.dma_semaphore, #tpu.memory_space<semaphore_mem>>) src(%arg11 : memref<128x128xf32, #tpu.memory_space<vmem>>) dst(%dma_wait3A_287 : memref<10240x128xf32, #tpu.memory_space<vmem_shared>>)
        tpu.yield
      }) : () -> ()
      %dma_start3A_217 = arith.constant 384 : i32
      %dma_start3A_218 = tpu.memref_slice %arg8[%dma_start3A_217] : memref<1024xi32, #tpu.memory_space<vmem>> -> memref<128xi32, #tpu.memory_space<vmem>>
      %dma_start3A_219 = arith.constant 0 : i32
      %dma_start3A_220 = arith.constant 0 : i32
      %dma_start3A_221 = tpu.memref_slice %arg4[%dma_start3A_219, %dma_start3A_220] : memref<10240x128xf32, #tpu.memory_space<hbm>> -> memref<10240x128xf32, #tpu.memory_space<hbm>>
      tpu.enqueue_indirect_dma source(%dma_start3A_221 : memref<10240x128xf32, #tpu.memory_space<hbm>>) target(%arg11 : memref<128x128xf32, #tpu.memory_space<vmem>>) offsets(%dma_start3A_218 : memref<128xi32, #tpu.memory_space<vmem>>) semaphore(%arg13 : memref<!tpu.dma_semaphore, #tpu.memory_space<semaphore_mem>>)
      %dma_wait3A_222 = arith.constant 384 : i32
      %dma_wait3A_223 = tpu.memref_slice %arg8[%dma_wait3A_222] : memref<1024xi32, #tpu.memory_space<vmem>> -> memref<128xi32, #tpu.memory_space<vmem>>
      %dma_wait3A_224 = arith.constant 0 : i32
      %dma_wait3A_225 = arith.constant 0 : i32
      %dma_wait3A_226 = tpu.memref_slice %arg4[%dma_wait3A_224, %dma_wait3A_225] : memref<10240x128xf32, #tpu.memory_space<hbm>> -> memref<10240x128xf32, #tpu.memory_space<hbm>>
      tpu.wait_indirect_dma semaphore(%arg13 : memref<!tpu.dma_semaphore, #tpu.memory_space<semaphore_mem>>) src(%dma_wait3A_226 : memref<10240x128xf32, #tpu.memory_space<hbm>>) dst(%arg11 : memref<128x128xf32, #tpu.memory_space<vmem>>)
      %run_scoped3A_227 = arith.constant 3 : i32
      "tpu.region"() ({
        %run_scoped3A_275 = tpu.sem_alloc : memref<!tpu.dma_semaphore, #tpu.memory_space<semaphore_mem>>
        %dma_start3A_276 = arith.constant 0 : i32
        %dma_start3A_277 = tpu.memref_slice %arg10[%run_scoped3A_227, %dma_start3A_276] : memref<8x128xi32, #tpu.memory_space<vmem>> -> memref<1x128xi32, #tpu.memory_space<vmem>>
        %dma_start3A_278 = tpu.memref_squeeze %dma_start3A_277 : memref<1x128xi32, #tpu.memory_space<vmem>> -> memref<128xi32, #tpu.memory_space<vmem>>
        %dma_start3A_279 = arith.constant 0 : i32
        %dma_start3A_280 = arith.constant 0 : i32
        %dma_start3A_281 = tpu.memref_slice %arg12[%dma_start3A_279, %dma_start3A_280] : memref<10240x128xf32, #tpu.memory_space<vmem_shared>> -> memref<10240x128xf32, #tpu.memory_space<vmem_shared>>
        tpu.enqueue_indirect_dma source(%arg11 : memref<128x128xf32, #tpu.memory_space<vmem>>) target(%dma_start3A_281 : memref<10240x128xf32, #tpu.memory_space<vmem_shared>>) offsets(%dma_start3A_278 : memref<128xi32, #tpu.memory_space<vmem>>) semaphore(%run_scoped3A_275 : memref<!tpu.dma_semaphore, #tpu.memory_space<semaphore_mem>>) {add = true}
        %dma_wait3A_282 = arith.constant 0 : i32
        %dma_wait3A_283 = tpu.memref_slice %arg10[%run_scoped3A_227, %dma_wait3A_282] : memref<8x128xi32, #tpu.memory_space<vmem>> -> memref<1x128xi32, #tpu.memory_space<vmem>>
        %dma_wait3A_284 = tpu.memref_squeeze %dma_wait3A_283 : memref<1x128xi32, #tpu.memory_space<vmem>> -> memref<128xi32, #tpu.memory_space<vmem>>
        %dma_wait3A_285 = arith.constant 0 : i32
        %dma_wait3A_286 = arith.constant 0 : i32
        %dma_wait3A_287 = tpu.memref_slice %arg12[%dma_wait3A_285, %dma_wait3A_286] : memref<10240x128xf32, #tpu.memory_space<vmem_shared>> -> memref<10240x128xf32, #tpu.memory_space<vmem_shared>>
        tpu.wait_indirect_dma semaphore(%run_scoped3A_275 : memref<!tpu.dma_semaphore, #tpu.memory_space<semaphore_mem>>) src(%arg11 : memref<128x128xf32, #tpu.memory_space<vmem>>) dst(%dma_wait3A_287 : memref<10240x128xf32, #tpu.memory_space<vmem_shared>>)
        tpu.yield
      }) : () -> ()
      %dma_start3A_228 = arith.constant 512 : i32
      %dma_start3A_229 = tpu.memref_slice %arg8[%dma_start3A_228] : memref<1024xi32, #tpu.memory_space<vmem>> -> memref<128xi32, #tpu.memory_space<vmem>>
      %dma_start3A_230 = arith.constant 0 : i32
      %dma_start3A_231 = arith.constant 0 : i32
      %dma_start3A_232 = tpu.memref_slice %arg4[%dma_start3A_230, %dma_start3A_231] : memref<10240x128xf32, #tpu.memory_space<hbm>> -> memref<10240x128xf32, #tpu.memory_space<hbm>>
      tpu.enqueue_indirect_dma source(%dma_start3A_232 : memref<10240x128xf32, #tpu.memory_space<hbm>>) target(%arg11 : memref<128x128xf32, #tpu.memory_space<vmem>>) offsets(%dma_start3A_229 : memref<128xi32, #tpu.memory_space<vmem>>) semaphore(%arg13 : memref<!tpu.dma_semaphore, #tpu.memory_space<semaphore_mem>>)
      %dma_wait3A_233 = arith.constant 512 : i32
      %dma_wait3A_234 = tpu.memref_slice %arg8[%dma_wait3A_233] : memref<1024xi32, #tpu.memory_space<vmem>> -> memref<128xi32, #tpu.memory_space<vmem>>
      %dma_wait3A_235 = arith.constant 0 : i32
      %dma_wait3A_236 = arith.constant 0 : i32
      %dma_wait3A_237 = tpu.memref_slice %arg4[%dma_wait3A_235, %dma_wait3A_236] : memref<10240x128xf32, #tpu.memory_space<hbm>> -> memref<10240x128xf32, #tpu.memory_space<hbm>>
      tpu.wait_indirect_dma semaphore(%arg13 : memref<!tpu.dma_semaphore, #tpu.memory_space<semaphore_mem>>) src(%dma_wait3A_237 : memref<10240x128xf32, #tpu.memory_space<hbm>>) dst(%arg11 : memref<128x128xf32, #tpu.memory_space<vmem>>)
      %run_scoped3A_238 = arith.constant 4 : i32
      "tpu.region"() ({
        %run_scoped3A_275 = tpu.sem_alloc : memref<!tpu.dma_semaphore, #tpu.memory_space<semaphore_mem>>
        %dma_start3A_276 = arith.constant 0 : i32
        %dma_start3A_277 = tpu.memref_slice %arg10[%run_scoped3A_238, %dma_start3A_276] : memref<8x128xi32, #tpu.memory_space<vmem>> -> memref<1x128xi32, #tpu.memory_space<vmem>>
        %dma_start3A_278 = tpu.memref_squeeze %dma_start3A_277 : memref<1x128xi32, #tpu.memory_space<vmem>> -> memref<128xi32, #tpu.memory_space<vmem>>
        %dma_start3A_279 = arith.constant 0 : i32
        %dma_start3A_280 = arith.constant 0 : i32
        %dma_start3A_281 = tpu.memref_slice %arg12[%dma_start3A_279, %dma_start3A_280] : memref<10240x128xf32, #tpu.memory_space<vmem_shared>> -> memref<10240x128xf32, #tpu.memory_space<vmem_shared>>
        tpu.enqueue_indirect_dma source(%arg11 : memref<128x128xf32, #tpu.memory_space<vmem>>) target(%dma_start3A_281 : memref<10240x128xf32, #tpu.memory_space<vmem_shared>>) offsets(%dma_start3A_278 : memref<128xi32, #tpu.memory_space<vmem>>) semaphore(%run_scoped3A_275 : memref<!tpu.dma_semaphore, #tpu.memory_space<semaphore_mem>>) {add = true}
        %dma_wait3A_282 = arith.constant 0 : i32
        %dma_wait3A_283 = tpu.memref_slice %arg10[%run_scoped3A_238, %dma_wait3A_282] : memref<8x128xi32, #tpu.memory_space<vmem>> -> memref<1x128xi32, #tpu.memory_space<vmem>>
        %dma_wait3A_284 = tpu.memref_squeeze %dma_wait3A_283 : memref<1x128xi32, #tpu.memory_space<vmem>> -> memref<128xi32, #tpu.memory_space<vmem>>
        %dma_wait3A_285 = arith.constant 0 : i32
        %dma_wait3A_286 = arith.constant 0 : i32
        %dma_wait3A_287 = tpu.memref_slice %arg12[%dma_wait3A_285, %dma_wait3A_286] : memref<10240x128xf32, #tpu.memory_space<vmem_shared>> -> memref<10240x128xf32, #tpu.memory_space<vmem_shared>>
        tpu.wait_indirect_dma semaphore(%run_scoped3A_275 : memref<!tpu.dma_semaphore, #tpu.memory_space<semaphore_mem>>) src(%arg11 : memref<128x128xf32, #tpu.memory_space<vmem>>) dst(%dma_wait3A_287 : memref<10240x128xf32, #tpu.memory_space<vmem_shared>>)
        tpu.yield
      }) : () -> ()
      %dma_start3A_239 = arith.constant 640 : i32
      %dma_start3A_240 = tpu.memref_slice %arg8[%dma_start3A_239] : memref<1024xi32, #tpu.memory_space<vmem>> -> memref<128xi32, #tpu.memory_space<vmem>>
      %dma_start3A_241 = arith.constant 0 : i32
      %dma_start3A_242 = arith.constant 0 : i32
      %dma_start3A_243 = tpu.memref_slice %arg4[%dma_start3A_241, %dma_start3A_242] : memref<10240x128xf32, #tpu.memory_space<hbm>> -> memref<10240x128xf32, #tpu.memory_space<hbm>>
      tpu.enqueue_indirect_dma source(%dma_start3A_243 : memref<10240x128xf32, #tpu.memory_space<hbm>>) target(%arg11 : memref<128x128xf32, #tpu.memory_space<vmem>>) offsets(%dma_start3A_240 : memref<128xi32, #tpu.memory_space<vmem>>) semaphore(%arg13 : memref<!tpu.dma_semaphore, #tpu.memory_space<semaphore_mem>>)
      %dma_wait3A_244 = arith.constant 640 : i32
      %dma_wait3A_245 = tpu.memref_slice %arg8[%dma_wait3A_244] : memref<1024xi32, #tpu.memory_space<vmem>> -> memref<128xi32, #tpu.memory_space<vmem>>
      %dma_wait3A_246 = arith.constant 0 : i32
      %dma_wait3A_247 = arith.constant 0 : i32
      %dma_wait3A_248 = tpu.memref_slice %arg4[%dma_wait3A_246, %dma_wait3A_247] : memref<10240x128xf32, #tpu.memory_space<hbm>> -> memref<10240x128xf32, #tpu.memory_space<hbm>>
      tpu.wait_indirect_dma semaphore(%arg13 : memref<!tpu.dma_semaphore, #tpu.memory_space<semaphore_mem>>) src(%dma_wait3A_248 : memref<10240x128xf32, #tpu.memory_space<hbm>>) dst(%arg11 : memref<128x128xf32, #tpu.memory_space<vmem>>)
      %run_scoped3A_249 = arith.constant 5 : i32
      "tpu.region"() ({
        %run_scoped3A_275 = tpu.sem_alloc : memref<!tpu.dma_semaphore, #tpu.memory_space<semaphore_mem>>
        %dma_start3A_276 = arith.constant 0 : i32
        %dma_start3A_277 = tpu.memref_slice %arg10[%run_scoped3A_249, %dma_start3A_276] : memref<8x128xi32, #tpu.memory_space<vmem>> -> memref<1x128xi32, #tpu.memory_space<vmem>>
        %dma_start3A_278 = tpu.memref_squeeze %dma_start3A_277 : memref<1x128xi32, #tpu.memory_space<vmem>> -> memref<128xi32, #tpu.memory_space<vmem>>
        %dma_start3A_279 = arith.constant 0 : i32
        %dma_start3A_280 = arith.constant 0 : i32
        %dma_start3A_281 = tpu.memref_slice %arg12[%dma_start3A_279, %dma_start3A_280] : memref<10240x128xf32, #tpu.memory_space<vmem_shared>> -> memref<10240x128xf32, #tpu.memory_space<vmem_shared>>
        tpu.enqueue_indirect_dma source(%arg11 : memref<128x128xf32, #tpu.memory_space<vmem>>) target(%dma_start3A_281 : memref<10240x128xf32, #tpu.memory_space<vmem_shared>>) offsets(%dma_start3A_278 : memref<128xi32, #tpu.memory_space<vmem>>) semaphore(%run_scoped3A_275 : memref<!tpu.dma_semaphore, #tpu.memory_space<semaphore_mem>>) {add = true}
        %dma_wait3A_282 = arith.constant 0 : i32
        %dma_wait3A_283 = tpu.memref_slice %arg10[%run_scoped3A_249, %dma_wait3A_282] : memref<8x128xi32, #tpu.memory_space<vmem>> -> memref<1x128xi32, #tpu.memory_space<vmem>>
        %dma_wait3A_284 = tpu.memref_squeeze %dma_wait3A_283 : memref<1x128xi32, #tpu.memory_space<vmem>> -> memref<128xi32, #tpu.memory_space<vmem>>
        %dma_wait3A_285 = arith.constant 0 : i32
        %dma_wait3A_286 = arith.constant 0 : i32
        %dma_wait3A_287 = tpu.memref_slice %arg12[%dma_wait3A_285, %dma_wait3A_286] : memref<10240x128xf32, #tpu.memory_space<vmem_shared>> -> memref<10240x128xf32, #tpu.memory_space<vmem_shared>>
        tpu.wait_indirect_dma semaphore(%run_scoped3A_275 : memref<!tpu.dma_semaphore, #tpu.memory_space<semaphore_mem>>) src(%arg11 : memref<128x128xf32, #tpu.memory_space<vmem>>) dst(%dma_wait3A_287 : memref<10240x128xf32, #tpu.memory_space<vmem_shared>>)
        tpu.yield
      }) : () -> ()
      %dma_start3A_250 = arith.constant 768 : i32
      %dma_start3A_251 = tpu.memref_slice %arg8[%dma_start3A_250] : memref<1024xi32, #tpu.memory_space<vmem>> -> memref<128xi32, #tpu.memory_space<vmem>>
      %dma_start3A_252 = arith.constant 0 : i32
      %dma_start3A_253 = arith.constant 0 : i32
      %dma_start3A_254 = tpu.memref_slice %arg4[%dma_start3A_252, %dma_start3A_253] : memref<10240x128xf32, #tpu.memory_space<hbm>> -> memref<10240x128xf32, #tpu.memory_space<hbm>>
      tpu.enqueue_indirect_dma source(%dma_start3A_254 : memref<10240x128xf32, #tpu.memory_space<hbm>>) target(%arg11 : memref<128x128xf32, #tpu.memory_space<vmem>>) offsets(%dma_start3A_251 : memref<128xi32, #tpu.memory_space<vmem>>) semaphore(%arg13 : memref<!tpu.dma_semaphore, #tpu.memory_space<semaphore_mem>>)
      %dma_wait3A_255 = arith.constant 768 : i32
      %dma_wait3A_256 = tpu.memref_slice %arg8[%dma_wait3A_255] : memref<1024xi32, #tpu.memory_space<vmem>> -> memref<128xi32, #tpu.memory_space<vmem>>
      %dma_wait3A_257 = arith.constant 0 : i32
      %dma_wait3A_258 = arith.constant 0 : i32
      %dma_wait3A_259 = tpu.memref_slice %arg4[%dma_wait3A_257, %dma_wait3A_258] : memref<10240x128xf32, #tpu.memory_space<hbm>> -> memref<10240x128xf32, #tpu.memory_space<hbm>>
      tpu.wait_indirect_dma semaphore(%arg13 : memref<!tpu.dma_semaphore, #tpu.memory_space<semaphore_mem>>) src(%dma_wait3A_259 : memref<10240x128xf32, #tpu.memory_space<hbm>>) dst(%arg11 : memref<128x128xf32, #tpu.memory_space<vmem>>)
      %run_scoped3A_260 = arith.constant 6 : i32
      "tpu.region"() ({
        %run_scoped3A_275 = tpu.sem_alloc : memref<!tpu.dma_semaphore, #tpu.memory_space<semaphore_mem>>
        %dma_start3A_276 = arith.constant 0 : i32
        %dma_start3A_277 = tpu.memref_slice %arg10[%run_scoped3A_260, %dma_start3A_276] : memref<8x128xi32, #tpu.memory_space<vmem>> -> memref<1x128xi32, #tpu.memory_space<vmem>>
        %dma_start3A_278 = tpu.memref_squeeze %dma_start3A_277 : memref<1x128xi32, #tpu.memory_space<vmem>> -> memref<128xi32, #tpu.memory_space<vmem>>
        %dma_start3A_279 = arith.constant 0 : i32
        %dma_start3A_280 = arith.constant 0 : i32
        %dma_start3A_281 = tpu.memref_slice %arg12[%dma_start3A_279, %dma_start3A_280] : memref<10240x128xf32, #tpu.memory_space<vmem_shared>> -> memref<10240x128xf32, #tpu.memory_space<vmem_shared>>
        tpu.enqueue_indirect_dma source(%arg11 : memref<128x128xf32, #tpu.memory_space<vmem>>) target(%dma_start3A_281 : memref<10240x128xf32, #tpu.memory_space<vmem_shared>>) offsets(%dma_start3A_278 : memref<128xi32, #tpu.memory_space<vmem>>) semaphore(%run_scoped3A_275 : memref<!tpu.dma_semaphore, #tpu.memory_space<semaphore_mem>>) {add = true}
        %dma_wait3A_282 = arith.constant 0 : i32
        %dma_wait3A_283 = tpu.memref_slice %arg10[%run_scoped3A_260, %dma_wait3A_282] : memref<8x128xi32, #tpu.memory_space<vmem>> -> memref<1x128xi32, #tpu.memory_space<vmem>>
        %dma_wait3A_284 = tpu.memref_squeeze %dma_wait3A_283 : memref<1x128xi32, #tpu.memory_space<vmem>> -> memref<128xi32, #tpu.memory_space<vmem>>
        %dma_wait3A_285 = arith.constant 0 : i32
        %dma_wait3A_286 = arith.constant 0 : i32
        %dma_wait3A_287 = tpu.memref_slice %arg12[%dma_wait3A_285, %dma_wait3A_286] : memref<10240x128xf32, #tpu.memory_space<vmem_shared>> -> memref<10240x128xf32, #tpu.memory_space<vmem_shared>>
        tpu.wait_indirect_dma semaphore(%run_scoped3A_275 : memref<!tpu.dma_semaphore, #tpu.memory_space<semaphore_mem>>) src(%arg11 : memref<128x128xf32, #tpu.memory_space<vmem>>) dst(%dma_wait3A_287 : memref<10240x128xf32, #tpu.memory_space<vmem_shared>>)
        tpu.yield
      }) : () -> ()
      %dma_start3A_261 = arith.constant 896 : i32
      %dma_start3A_262 = tpu.memref_slice %arg8[%dma_start3A_261] : memref<1024xi32, #tpu.memory_space<vmem>> -> memref<128xi32, #tpu.memory_space<vmem>>
      %dma_start3A_263 = arith.constant 0 : i32
      %dma_start3A_264 = arith.constant 0 : i32
      %dma_start3A_265 = tpu.memref_slice %arg4[%dma_start3A_263, %dma_start3A_264] : memref<10240x128xf32, #tpu.memory_space<hbm>> -> memref<10240x128xf32, #tpu.memory_space<hbm>>
      tpu.enqueue_indirect_dma source(%dma_start3A_265 : memref<10240x128xf32, #tpu.memory_space<hbm>>) target(%arg11 : memref<128x128xf32, #tpu.memory_space<vmem>>) offsets(%dma_start3A_262 : memref<128xi32, #tpu.memory_space<vmem>>) semaphore(%arg13 : memref<!tpu.dma_semaphore, #tpu.memory_space<semaphore_mem>>)
      %dma_wait3A_266 = arith.constant 896 : i32
      %dma_wait3A_267 = tpu.memref_slice %arg8[%dma_wait3A_266] : memref<1024xi32, #tpu.memory_space<vmem>> -> memref<128xi32, #tpu.memory_space<vmem>>
      %dma_wait3A_268 = arith.constant 0 : i32
      %dma_wait3A_269 = arith.constant 0 : i32
      %dma_wait3A_270 = tpu.memref_slice %arg4[%dma_wait3A_268, %dma_wait3A_269] : memref<10240x128xf32, #tpu.memory_space<hbm>> -> memref<10240x128xf32, #tpu.memory_space<hbm>>
      tpu.wait_indirect_dma semaphore(%arg13 : memref<!tpu.dma_semaphore, #tpu.memory_space<semaphore_mem>>) src(%dma_wait3A_270 : memref<10240x128xf32, #tpu.memory_space<hbm>>) dst(%arg11 : memref<128x128xf32, #tpu.memory_space<vmem>>)
      %run_scoped3A_271 = arith.constant 7 : i32
      "tpu.region"() ({
        %run_scoped3A_275 = tpu.sem_alloc : memref<!tpu.dma_semaphore, #tpu.memory_space<semaphore_mem>>
        %dma_start3A_276 = arith.constant 0 : i32
        %dma_start3A_277 = tpu.memref_slice %arg10[%run_scoped3A_271, %dma_start3A_276] : memref<8x128xi32, #tpu.memory_space<vmem>> -> memref<1x128xi32, #tpu.memory_space<vmem>>
        %dma_start3A_278 = tpu.memref_squeeze %dma_start3A_277 : memref<1x128xi32, #tpu.memory_space<vmem>> -> memref<128xi32, #tpu.memory_space<vmem>>
        %dma_start3A_279 = arith.constant 0 : i32
        %dma_start3A_280 = arith.constant 0 : i32
        %dma_start3A_281 = tpu.memref_slice %arg12[%dma_start3A_279, %dma_start3A_280] : memref<10240x128xf32, #tpu.memory_space<vmem_shared>> -> memref<10240x128xf32, #tpu.memory_space<vmem_shared>>
        tpu.enqueue_indirect_dma source(%arg11 : memref<128x128xf32, #tpu.memory_space<vmem>>) target(%dma_start3A_281 : memref<10240x128xf32, #tpu.memory_space<vmem_shared>>) offsets(%dma_start3A_278 : memref<128xi32, #tpu.memory_space<vmem>>) semaphore(%run_scoped3A_275 : memref<!tpu.dma_semaphore, #tpu.memory_space<semaphore_mem>>) {add = true}
        %dma_wait3A_282 = arith.constant 0 : i32
        %dma_wait3A_283 = tpu.memref_slice %arg10[%run_scoped3A_271, %dma_wait3A_282] : memref<8x128xi32, #tpu.memory_space<vmem>> -> memref<1x128xi32, #tpu.memory_space<vmem>>
        %dma_wait3A_284 = tpu.memref_squeeze %dma_wait3A_283 : memref<1x128xi32, #tpu.memory_space<vmem>> -> memref<128xi32, #tpu.memory_space<vmem>>
        %dma_wait3A_285 = arith.constant 0 : i32
        %dma_wait3A_286 = arith.constant 0 : i32
        %dma_wait3A_287 = tpu.memref_slice %arg12[%dma_wait3A_285, %dma_wait3A_286] : memref<10240x128xf32, #tpu.memory_space<vmem_shared>> -> memref<10240x128xf32, #tpu.memory_space<vmem_shared>>
        tpu.wait_indirect_dma semaphore(%run_scoped3A_275 : memref<!tpu.dma_semaphore, #tpu.memory_space<semaphore_mem>>) src(%arg11 : memref<128x128xf32, #tpu.memory_space<vmem>>) dst(%dma_wait3A_287 : memref<10240x128xf32, #tpu.memory_space<vmem_shared>>)
        tpu.yield
      }) : () -> ()
      %convert_element_type3A_272 = arith.extui %lt3A_173 : i1 to i32
      %cond3A_273 = arith.constant 0 : i32
      %cond3A_274 = arith.cmpi ne, %convert_element_type3A_272, %cond3A_273 : i32
      scf.if %cond3A_274 {
        %add3A_275 = arith.constant 16 : i32
        %add3A_276 = arith.addi %add3A_169, %add3A_275 : i32
        %mul3A_277 = arith.constant 128 : i32
        %mul3A_278 = arith.muli %add3A_276, %mul3A_277 : i32
        %dma_start3A_279 = tpu.memref_slice %arg2[%mul3A_278] : memref<327680xi32, #tpu.memory_space<hbm>> -> memref<1024xi32, #tpu.memory_space<hbm>>
        %dma_start3A_280 = tpu.memref_slice %arg2[%mul3A_278] : memref<327680xi32, #tpu.memory_space<hbm>> -> memref<1024xi32, #tpu.memory_space<hbm>>
        tpu.enqueue_dma source(%dma_start3A_280 : memref<1024xi32, #tpu.memory_space<hbm>>) target(%arg8 : memref<1024xi32, #tpu.memory_space<vmem>>) target_semaphore(%arg15 : memref<!tpu.dma_semaphore, #tpu.memory_space<semaphore_mem>>)
        %add3A_281 = arith.constant 16 : i32
        %add3A_282 = arith.addi %add3A_169, %add3A_281 : i32
        %dma_start3A_283 = arith.constant 0 : i32
        %dma_start3A_284 = tpu.memref_slice %arg3[%add3A_282, %dma_start3A_283] : memref<2560x128xi32, #tpu.memory_space<hbm>> -> memref<8x128xi32, #tpu.memory_space<hbm>>
        %dma_start3A_285 = arith.constant 0 : i32
        %dma_start3A_286 = tpu.memref_slice %arg3[%add3A_282, %dma_start3A_285] : memref<2560x128xi32, #tpu.memory_space<hbm>> -> memref<8x128xi32, #tpu.memory_space<hbm>>
        tpu.enqueue_dma source(%dma_start3A_286 : memref<8x128xi32, #tpu.memory_space<hbm>>) target(%arg10 : memref<8x128xi32, #tpu.memory_space<vmem>>) target_semaphore(%arg17 : memref<!tpu.dma_semaphore, #tpu.memory_space<semaphore_mem>>)
      } else {
      }
    }
    %barrier3A_59 = arith.constant 0 : index
    tpu.barrier barrier_id(%barrier3A_59)
    %mul3A_60 = arith.constant 640 : i32
    %mul3A_61 = arith.muli %arg1, %mul3A_60 : i32
    %mul3A_62 = arith.constant 640 : i32
    %mul3A_63 = arith.muli %arg1, %mul3A_62 : i32
    "tpu.region"() ({
      %run_scoped3A = tpu.sem_alloc : memref<!tpu.dma_semaphore, #tpu.memory_space<semaphore_mem>>
      %dma_start3A_64 = arith.constant 0 : i32
      %dma_start3A_65 = tpu.memref_slice %arg6[%arg0, %mul3A_63, %dma_start3A_64] : memref<2x10240x128xf32, #tpu.memory_space<hbm>> -> memref<1x640x128xf32, #tpu.memory_space<hbm>>
      %dma_start3A_66 = tpu.memref_squeeze %dma_start3A_65 : memref<1x640x128xf32, #tpu.memory_space<hbm>> -> memref<640x128xf32, #tpu.memory_space<hbm>>
      %dma_start3A_67 = arith.constant 0 : i32
      %dma_start3A_68 = tpu.memref_slice %arg12[%mul3A_61, %dma_start3A_67] : memref<10240x128xf32, #tpu.memory_space<vmem_shared>> -> memref<640x128xf32, #tpu.memory_space<vmem_shared>>
      tpu.enqueue_dma source(%dma_start3A_68 : memref<640x128xf32, #tpu.memory_space<vmem_shared>>) target(%dma_start3A_66 : memref<640x128xf32, #tpu.memory_space<hbm>>) target_semaphore(%run_scoped3A : memref<!tpu.dma_semaphore, #tpu.memory_space<semaphore_mem>>)
      %dma_wait3A = arith.constant 0 : i32
      %dma_wait3A_69 = tpu.memref_slice %arg6[%arg0, %mul3A_63, %dma_wait3A] : memref<2x10240x128xf32, #tpu.memory_space<hbm>> -> memref<1x640x128xf32, #tpu.memory_space<hbm>>
      %dma_wait3A_70 = tpu.memref_squeeze %dma_wait3A_69 : memref<1x640x128xf32, #tpu.memory_space<hbm>> -> memref<640x128xf32, #tpu.memory_space<hbm>>
      %dma_wait3A_71 = arith.constant 0 : i32
      %dma_wait3A_72 = tpu.memref_slice %arg12[%mul3A_61, %dma_wait3A_71] : memref<10240x128xf32, #tpu.memory_space<vmem_shared>> -> memref<640x128xf32, #tpu.memory_space<vmem_shared>>
      tpu.wait_dma2 semaphore(%run_scoped3A : memref<!tpu.dma_semaphore, #tpu.memory_space<semaphore_mem>>) src(%dma_wait3A_72 : memref<640x128xf32, #tpu.memory_space<vmem_shared>>) dst(%dma_wait3A_70 : memref<640x128xf32, #tpu.memory_space<hbm>>)
      tpu.yield
    }) : () -> ()
    return
  }
}

module attributes {stable_mosaic.version = 14 : i64} {
  func.func @_tc1_body(%arg0: i32, %arg1: memref<1024x128xf32, #tpu.memory_space<vmem>>, %arg2: memref<128x128xf32, #tpu.memory_space<vmem>>, %arg3: memref<1024x2xf32, #tpu.memory_space<vmem>>, %arg4: memref<1024x128xf32, #tpu.memory_space<vmem>>) attributes {dimension_semantics = [#tpu.dimension_semantics<arbitrary>], iteration_bounds = array<i64: 10>, scalar_prefetch = 0 : i64, scratch_operands = 0 : i64, tpu.core_type = #tpu.core_type<tc>, window_params = [{transform_indices = @transform_0, window_bounds = array<i64: 1024, 128>}, {pipeline_mode = #tpu.pipeline_mode<synchronous>, transform_indices = @transform_1, window_bounds = array<i64: 128, 128>}, {transform_indices = @transform_2, window_bounds = array<i64: 1024, 2>}, {transform_indices = @transform_3, window_bounds = array<i64: 1024, 128>}]} {
    %get3A = arith.constant 0 : index
    %get3A_0 = arith.constant 0 : index
    %get3A_1 = vector.load %arg3[%get3A, %get3A_0] : memref<1024x2xf32, #tpu.memory_space<vmem>>, vector<1024x1xf32>
    %get3A_2 = arith.constant 0 : index
    %get3A_3 = arith.constant 1 : index
    %get3A_4 = vector.load %arg3[%get3A_2, %get3A_3] : memref<1024x2xf32, #tpu.memory_space<vmem>>, vector<1024x1xf32>
    %add3A = arith.addf %get3A_1, %get3A_4 : vector<1024x1xf32>
    %gt3A = arith.constant 0.000000e+00 : f32
    %gt3A_5 = vector.broadcast %gt3A : f32 to vector<1024x1xf32>
    %gt3A_6 = arith.cmpf ogt, %add3A, %gt3A_5 : vector<1024x1xf32>
    %rsqrt3A = math.rsqrt %add3A : vector<1024x1xf32>
    %jit3A = arith.constant 0.000000e+00 : f32
    %broadcast_in_dim3A = vector.broadcast %jit3A : f32 to vector<1024x1xf32>
    %select_n3A = arith.select %gt3A_6, %rsqrt3A, %broadcast_in_dim3A : vector<1024x1xi1>, vector<1024x1xf32>
    %get3A_7 = arith.constant 0 : index
    %get3A_8 = arith.constant 0 : index
    %get3A_9 = vector.load %arg1[%get3A_7, %get3A_8] : memref<1024x128xf32, #tpu.memory_space<vmem>>, vector<1024x128xf32>
    %get3A_10 = arith.constant 0 : index
    %get3A_11 = arith.constant 0 : index
    %get3A_12 = vector.load %arg2[%get3A_10, %get3A_11] : memref<128x128xf32, #tpu.memory_space<vmem>>, vector<128x128xf32>
    %dot_general3A = arith.constant dense<0.000000e+00> : vector<1024x128xf32>
    %dot_general3A_13 = tpu.matmul %get3A_9, %get3A_12, %dot_general3A {dimension_numbers = #tpu.dot_dimension_numbers<[1], [0], [0], [1], [0, 0, 1, 1], [], []>, transpose_lhs_hint = false} : vector<1024x128xf32>, vector<128x128xf32>, vector<1024x128xf32> -> vector<1024x128xf32>
    %mul3A = vector.broadcast %select_n3A : vector<1024x1xf32> to vector<1024x128xf32>
    %mul3A_14 = arith.mulf %dot_general3A_13, %mul3A : vector<1024x128xf32>
    %swap3A = arith.constant 0 : index
    %swap3A_15 = arith.constant 0 : index
    %swap3A_16 = vector.load %arg4[%swap3A, %swap3A_15] : memref<1024x128xf32, #tpu.memory_space<vmem>>, vector<1024x128xf32>
    tpu.vector_store %arg4[%swap3A, %swap3A_15], %mul3A_14 {strides = array<i32>} : memref<1024x128xf32, #tpu.memory_space<vmem>>, vector<1024x128xf32>,
    return
  }
  func.func @transform_0(%arg0: i32) -> (i32, i32) {
    %c0_i32 = arith.constant 0 : i32
    %c0_i32_0 = arith.constant 0 : i32
    return %arg0, %c0_i32 : i32, i32
  }
  func.func @transform_1(%arg0: i32) -> (i32, i32) {
    %c0_i32 = arith.constant 0 : i32
    %c0_i32_0 = arith.constant 0 : i32
    %c0_i32_1 = arith.constant 0 : i32
    return %c0_i32, %c0_i32_0 : i32, i32
  }
  func.func @transform_2(%arg0: i32) -> (i32, i32) {
    %c0_i32 = arith.constant 0 : i32
    %c0_i32_0 = arith.constant 0 : i32
    return %arg0, %c0_i32 : i32, i32
  }
  func.func @transform_3(%arg0: i32) -> (i32, i32) {
    %c0_i32 = arith.constant 0 : i32
    %c0_i32_0 = arith.constant 0 : i32
    return %arg0, %c0_i32 : i32, i32
  }
}

module attributes {stable_mosaic.version = 14 : i64} {
  func.func @_tc2_body(%arg0: i32, %arg1: memref<2x1024x128xf32, #tpu.memory_space<vmem>>, %arg2: memref<1024x2xf32, #tpu.memory_space<vmem>>, %arg3: memref<1x128xf32, #tpu.memory_space<vmem>>, %arg4: memref<128x128xf32, #tpu.memory_space<vmem>>, %arg5: memref<1024x128xf32, #tpu.memory_space<vmem>>) attributes {dimension_semantics = [#tpu.dimension_semantics<arbitrary>], iteration_bounds = array<i64: 10>, scalar_prefetch = 0 : i64, scratch_operands = 0 : i64, tpu.core_type = #tpu.core_type<tc>, window_params = [{transform_indices = @transform_0, window_bounds = array<i64: 2, 1024, 128>}, {transform_indices = @transform_1, window_bounds = array<i64: 1024, 2>}, {pipeline_mode = #tpu.pipeline_mode<synchronous>, transform_indices = @transform_2, window_bounds = array<i64: 1, 128>}, {pipeline_mode = #tpu.pipeline_mode<synchronous>, transform_indices = @transform_3, window_bounds = array<i64: 128, 128>}, {transform_indices = @transform_4, window_bounds = array<i64: 1024, 128>}]} {
    %get3A = arith.constant 0 : index
    %get3A_0 = arith.constant 0 : index
    %get3A_1 = vector.load %arg2[%get3A, %get3A_0] : memref<1024x2xf32, #tpu.memory_space<vmem>>, vector<1024x1xf32>
    %get3A_2 = arith.constant 0 : index
    %get3A_3 = arith.constant 1 : index
    %get3A_4 = vector.load %arg2[%get3A_2, %get3A_3] : memref<1024x2xf32, #tpu.memory_space<vmem>>, vector<1024x1xf32>
    %add3A = arith.addf %get3A_1, %get3A_4 : vector<1024x1xf32>
    %gt3A = arith.constant 0.000000e+00 : f32
    %gt3A_5 = vector.broadcast %gt3A : f32 to vector<1024x1xf32>
    %gt3A_6 = arith.cmpf ogt, %add3A, %gt3A_5 : vector<1024x1xf32>
    %rsqrt3A = math.rsqrt %add3A : vector<1024x1xf32>
    %jit3A = arith.constant 0.000000e+00 : f32
    %broadcast_in_dim3A = vector.broadcast %jit3A : f32 to vector<1024x1xf32>
    %select_n3A = arith.select %gt3A_6, %rsqrt3A, %broadcast_in_dim3A : vector<1024x1xi1>, vector<1024x1xf32>
    %get3A_7 = arith.constant 0 : index
    %get3A_8 = arith.constant 0 : index
    %get3A_9 = arith.constant 0 : index
    %get3A_10 = vector.load %arg1[%get3A_7, %get3A_8, %get3A_9] : memref<2x1024x128xf32, #tpu.memory_space<vmem>>, vector<1x1024x128xf32>
    %get3A_11 = vector.shape_cast %get3A_10 : vector<1x1024x128xf32> to vector<1024x128xf32>
    %get3A_12 = arith.constant 1 : index
    %get3A_13 = arith.constant 0 : index
    %get3A_14 = arith.constant 0 : index
    %get3A_15 = vector.load %arg1[%get3A_12, %get3A_13, %get3A_14] : memref<2x1024x128xf32, #tpu.memory_space<vmem>>, vector<1x1024x128xf32>
    %get3A_16 = vector.shape_cast %get3A_15 : vector<1x1024x128xf32> to vector<1024x128xf32>
    %add3A_17 = arith.addf %get3A_11, %get3A_16 : vector<1024x128xf32>
    %mul3A = vector.broadcast %select_n3A : vector<1024x1xf32> to vector<1024x128xf32>
    %mul3A_18 = arith.mulf %add3A_17, %mul3A : vector<1024x128xf32>
    %get3A_19 = arith.constant 0 : index
    %get3A_20 = arith.constant 0 : index
    %get3A_21 = vector.load %arg3[%get3A_19, %get3A_20] : memref<1x128xf32, #tpu.memory_space<vmem>>, vector<1x128xf32>
    %add3A_22 = vector.broadcast %get3A_21 : vector<1x128xf32> to vector<1024x128xf32>
    %add3A_23 = arith.addf %mul3A_18, %add3A_22 : vector<1024x128xf32>
    %max3A = arith.constant 0.000000e+00 : f32
    %max3A_24 = vector.broadcast %max3A : f32 to vector<1024x128xf32>
    %max3A_25 = arith.maximumf %add3A_23, %max3A_24 : vector<1024x128xf32>
    %get3A_26 = arith.constant 0 : index
    %get3A_27 = arith.constant 0 : index
    %get3A_28 = vector.load %arg4[%get3A_26, %get3A_27] : memref<128x128xf32, #tpu.memory_space<vmem>>, vector<128x128xf32>
    %dot_general3A = arith.constant dense<0.000000e+00> : vector<1024x128xf32>
    %dot_general3A_29 = tpu.matmul %max3A_25, %get3A_28, %dot_general3A {dimension_numbers = #tpu.dot_dimension_numbers<[1], [0], [0], [1], [0, 0, 1, 1], [], []>, transpose_lhs_hint = false} : vector<1024x128xf32>, vector<128x128xf32>, vector<1024x128xf32> -> vector<1024x128xf32>
    %mul3A_30 = vector.broadcast %select_n3A : vector<1024x1xf32> to vector<1024x128xf32>
    %mul3A_31 = arith.mulf %dot_general3A_29, %mul3A_30 : vector<1024x128xf32>
    %swap3A = arith.constant 0 : index
    %swap3A_32 = arith.constant 0 : index
    %swap3A_33 = vector.load %arg5[%swap3A, %swap3A_32] : memref<1024x128xf32, #tpu.memory_space<vmem>>, vector<1024x128xf32>
    tpu.vector_store %arg5[%swap3A, %swap3A_32], %mul3A_31 {strides = array<i32>} : memref<1024x128xf32, #tpu.memory_space<vmem>>, vector<1024x128xf32>,
    return
  }
  func.func @transform_0(%arg0: i32) -> (i32, i32, i32) {
    %c0_i32 = arith.constant 0 : i32
    %c0_i32_0 = arith.constant 0 : i32
    %c0_i32_1 = arith.constant 0 : i32
    return %c0_i32, %arg0, %c0_i32_0 : i32, i32, i32
  }
  func.func @transform_1(%arg0: i32) -> (i32, i32) {
    %c0_i32 = arith.constant 0 : i32
    %c0_i32_0 = arith.constant 0 : i32
    return %arg0, %c0_i32 : i32, i32
  }
  func.func @transform_2(%arg0: i32) -> (i32, i32) {
    %c0_i32 = arith.constant 0 : i32
    %c0_i32_0 = arith.constant 0 : i32
    %c0_i32_1 = arith.constant 0 : i32
    return %c0_i32, %c0_i32_0 : i32, i32
  }
  func.func @transform_3(%arg0: i32) -> (i32, i32) {
    %c0_i32 = arith.constant 0 : i32
    %c0_i32_0 = arith.constant 0 : i32
    %c0_i32_1 = arith.constant 0 : i32
    return %c0_i32, %c0_i32_0 : i32, i32
  }
  func.func @transform_4(%arg0: i32) -> (i32, i32) {
    %c0_i32 = arith.constant 0 : i32
    %c0_i32_0 = arith.constant 0 : i32
    return %arg0, %c0_i32 : i32, i32
  }
}

module attributes {stable_mosaic.version = 14 : i64} {
  func.func @_tc3_body(%arg0: i32, %arg1: memref<2x1024x128xf32, #tpu.memory_space<vmem>>, %arg2: memref<1024x2xf32, #tpu.memory_space<vmem>>, %arg3: memref<1x128xf32, #tpu.memory_space<vmem>>, %arg4: memref<1024x128xf32, #tpu.memory_space<vmem>>) attributes {dimension_semantics = [#tpu.dimension_semantics<arbitrary>], iteration_bounds = array<i64: 10>, scalar_prefetch = 0 : i64, scratch_operands = 0 : i64, tpu.core_type = #tpu.core_type<tc>, window_params = [{transform_indices = @transform_0, window_bounds = array<i64: 2, 1024, 128>}, {transform_indices = @transform_1, window_bounds = array<i64: 1024, 2>}, {pipeline_mode = #tpu.pipeline_mode<synchronous>, transform_indices = @transform_2, window_bounds = array<i64: 1, 128>}, {transform_indices = @transform_3, window_bounds = array<i64: 1024, 128>}]} {
    %get3A = arith.constant 0 : index
    %get3A_0 = arith.constant 0 : index
    %get3A_1 = vector.load %arg2[%get3A, %get3A_0] : memref<1024x2xf32, #tpu.memory_space<vmem>>, vector<1024x1xf32>
    %get3A_2 = arith.constant 0 : index
    %get3A_3 = arith.constant 1 : index
    %get3A_4 = vector.load %arg2[%get3A_2, %get3A_3] : memref<1024x2xf32, #tpu.memory_space<vmem>>, vector<1024x1xf32>
    %add3A = arith.addf %get3A_1, %get3A_4 : vector<1024x1xf32>
    %gt3A = arith.constant 0.000000e+00 : f32
    %gt3A_5 = vector.broadcast %gt3A : f32 to vector<1024x1xf32>
    %gt3A_6 = arith.cmpf ogt, %add3A, %gt3A_5 : vector<1024x1xf32>
    %rsqrt3A = math.rsqrt %add3A : vector<1024x1xf32>
    %jit3A = arith.constant 0.000000e+00 : f32
    %broadcast_in_dim3A = vector.broadcast %jit3A : f32 to vector<1024x1xf32>
    %select_n3A = arith.select %gt3A_6, %rsqrt3A, %broadcast_in_dim3A : vector<1024x1xi1>, vector<1024x1xf32>
    %get3A_7 = arith.constant 0 : index
    %get3A_8 = arith.constant 0 : index
    %get3A_9 = arith.constant 0 : index
    %get3A_10 = vector.load %arg1[%get3A_7, %get3A_8, %get3A_9] : memref<2x1024x128xf32, #tpu.memory_space<vmem>>, vector<1x1024x128xf32>
    %get3A_11 = vector.shape_cast %get3A_10 : vector<1x1024x128xf32> to vector<1024x128xf32>
    %get3A_12 = arith.constant 1 : index
    %get3A_13 = arith.constant 0 : index
    %get3A_14 = arith.constant 0 : index
    %get3A_15 = vector.load %arg1[%get3A_12, %get3A_13, %get3A_14] : memref<2x1024x128xf32, #tpu.memory_space<vmem>>, vector<1x1024x128xf32>
    %get3A_16 = vector.shape_cast %get3A_15 : vector<1x1024x128xf32> to vector<1024x128xf32>
    %add3A_17 = arith.addf %get3A_11, %get3A_16 : vector<1024x128xf32>
    %mul3A = vector.broadcast %select_n3A : vector<1024x1xf32> to vector<1024x128xf32>
    %mul3A_18 = arith.mulf %add3A_17, %mul3A : vector<1024x128xf32>
    %get3A_19 = arith.constant 0 : index
    %get3A_20 = arith.constant 0 : index
    %get3A_21 = vector.load %arg3[%get3A_19, %get3A_20] : memref<1x128xf32, #tpu.memory_space<vmem>>, vector<1x128xf32>
    %add3A_22 = vector.broadcast %get3A_21 : vector<1x128xf32> to vector<1024x128xf32>
    %add3A_23 = arith.addf %mul3A_18, %add3A_22 : vector<1024x128xf32>
    %swap3A = arith.constant 0 : index
    %swap3A_24 = arith.constant 0 : index
    %swap3A_25 = vector.load %arg4[%swap3A, %swap3A_24] : memref<1024x128xf32, #tpu.memory_space<vmem>>, vector<1024x128xf32>
    tpu.vector_store %arg4[%swap3A, %swap3A_24], %add3A_23 {strides = array<i32>} : memref<1024x128xf32, #tpu.memory_space<vmem>>, vector<1024x128xf32>,
    return
  }
  func.func @transform_0(%arg0: i32) -> (i32, i32, i32) {
    %c0_i32 = arith.constant 0 : i32
    %c0_i32_0 = arith.constant 0 : i32
    %c0_i32_1 = arith.constant 0 : i32
    return %c0_i32, %arg0, %c0_i32_0 : i32, i32, i32
  }
  func.func @transform_1(%arg0: i32) -> (i32, i32) {
    %c0_i32 = arith.constant 0 : i32
    %c0_i32_0 = arith.constant 0 : i32
    return %arg0, %c0_i32 : i32, i32
  }
  func.func @transform_2(%arg0: i32) -> (i32, i32) {
    %c0_i32 = arith.constant 0 : i32
    %c0_i32_0 = arith.constant 0 : i32
    %c0_i32_1 = arith.constant 0 : i32
    return %c0_i32, %c0_i32_0 : i32, i32
  }
  func.func @transform_3(%arg0: i32) -> (i32, i32) {
    %c0_i32 = arith.constant 0 : i32
    %c0_i32_0 = arith.constant 0 : i32
    return %arg0, %c0_i32 : i32, i32
  }
}

</mosaic_0001>

<sc_bundles>
// kernel: kernel.11.cloned.1.call-start
scs
__scs_entry_jumppad:
0x0: {  	(pc) =	sbr.rel $0x88, $3  }
0x1: {  	(tag) =	ssettag $0x0;
	lr =	simm.s32 $0x1  }
0x2: {  	[smem:$0x3F9B] =	sst lr;
	_ =	strace $0xD0000000  }
0x3: {  	_ = 	snop  }
0x4: {  	_ = 	snop  }
0x5: {  	_ = 	snop  }
0x6: {  	_ = 	snop  }
0x7: {  	_ = 	snop  }
__scs_overlays_trampoline_lowered:
0x8: {  	[smem:$0x3FAA] =	sst s0  }
0x9: {  	[smem:$0x3FAB] =	sst s1  }
0xa: {  	[smem:$0x3FAC] =	sst s2  }
0xb: {  	[smem:$0x3FAD] =	sst s3  }
0xc: {  	[smem:$0x3FAE] =	sst s4  }
0xd: {  	[smem:$0x3FAF] =	sst s5  }
0xe: {  	[smem:$0x3FB0] =	sst s6  }
0xf: {  	[smem:$0x3FB1] =	sst s7  }
0x10: {  	[smem:$0x3FB2] =	sst s8  }
0x11: {  	[smem:$0x3FB3] =	sst s9;
	s0 =	simm.s32 @!p0 $0x0  }
0x12: {  	s1 =	sld [smem:$0x3F99];
	s0 =	simm.s32 @p0 $0x1  }
0x13: {  	[smem:$0x3FB4] =	sst s0;
	s0 =	simm.s32 @!p1 $0x0  }
0x14: {  	s2 =	sld [smem:$0x3F98];
	s0 =	simm.s32 @p1 $0x1  }
0x15: {  	[smem:$0x3FB5] =	sst s0;
	s0 =	simm.s32 @!p2 $0x0  }
0x16: {  	s3 =	sld [smem:$0x3FDB];
	s0 =	simm.s32 @p2 $0x1  }
0x17: {  	s4 =	simm.s32 $0x1BF5;
	[smem:$0x3FB7] =	sst s0  }
0x18: {  	s0 =	sld [smem:$0x3F9A];
	_ =	swait.ge [sflag:s4], $0x0  }
0x19: {  	s7 =	sld [smem:$0x3F9B]  }
0x1a: {  	s8 =	sadd.s32 $0xFFFFE003, lr  }
0x1b: {  	s9 =	sadd.s32 $0xFFFFFEF7, lr;
	s5 =	simm.s32 $0xFFFFFFFF;
	p2 =	slt.u32 s8, $0xFFFFF086  }
0x1c: {  	p1 =	slt.u32 s9, $0xF7A;
	s5 =	simm.s32 @!p2 $0x0  }
0x1d: {  	s5 =	simm.s32 @p1 $0x1;
	p0 =	seq.s32 s7, s2  }
0x1e: {  	s7 =	smul.u32 @!p0 $0xF7A, s2;
	p2 =	seq.s32 @!p0 s5, $0x0  }
0x1f: {  	s9 =	smul.u32 $0xF7A, s1;
	s8 =	simm.s32 @!p0 $0x1BF5;
	p2 =	por !p2, p0  }
0x20: {  	[sflag:s8] =	ssyncset.s32 @!p0 $0xFFFFF086;
	s6 =	sadd.s32 @!p0 s3, s7;
	s7 =	simm.s32 @!p0 $0x108  }
0x21: {  	s3 =	sadd.s32 s3, s9;
	s6 =	sadd.s32 @!p0 $0x88, s6;
	s7 =	simm.s32 @p2 $0x1082  }
0x22: {  	[simem:s7], [sflag:s8] =	dma.local @!p0 [hbm:s6], $0xF7A  }
0x23: {  	s9 =	sor.u32 $0xD0000000, s2;
	s6 =	simm.s32 $0x108;
	_ =	swait.ge @!p0 [sflag:s8], $0x0  }
0x24: {  	s3 =	sadd.s32 $0x88, s3;
	s6 =	simm.s32 @!p1 $0x1082;
	[sflag:s4] =	ssyncset.s32 $0xFFFFF086  }
0x25: {  	[simem:s6], [sflag:s4] =	dma.local [hbm:s3], $0xF7A  }
0x26: {  	[smem:$0x3F9B] =	sst s1;
	(tag) =	ssettag s2;
	_ =	strace s9  }
0x27: {  	s1 =	sld [smem:$0x3FAB]  }
0x28: {  	s2 =	sld [smem:$0x3FAC]  }
0x29: {  	s4 =	sld [smem:$0x3FAE]  }
0x2a: {  	p0 =	seq.s32 s5, $0x0;
	s5 =	sld [smem:$0x3FAF]  }
0x2b: {  	s6 =	sld [smem:$0x3FB0]  }
0x2c: {  	s7 =	sld [smem:$0x3FB1]  }
0x2d: {  	s3 =	simm.s32 $0x108;
	s8 =	sld [smem:$0x3FB2]  }
0x2e: {  	s3 =	simm.s32 @!p0 $0x1082;
	s9 =	sld [smem:$0x3FB3]  }
0x2f: {  	lr =	sadd.s32 s0, s3;
	s0 =	sld [smem:$0x3FAA]  }
0x30: {  	s3 =	sld [smem:$0x3FAD]  }
0x31: {  	[smem:$0x3FB6] =	sst s10  }
0x32: {  	s10 =	sld [smem:$0x3FB4];
	_ =	sdelay $0x3  }
0x33: {  	p0 =	seq.s32 s10, $0x1;
	s10 =	sld [smem:$0x3FB6];
	_ =	sdelay $0x3  }
0x34: {  	[smem:$0x3FB6] =	sst s10  }
0x35: {  	s10 =	sld [smem:$0x3FB5];
	_ =	sdelay $0x3  }
0x36: {  	p1 =	seq.s32 s10, $0x1;
	s10 =	sld [smem:$0x3FB6];
	_ =	sdelay $0x3  }
0x37: {  	[smem:$0x3FB6] =	sst s10  }
0x38: {  	s10 =	sld [smem:$0x3FB7]  }
0x39: {  	_ = 	snop;
	(pc) =	sbr.ind lr, $3  }
0x3a: {  	_ = 	snop  }
0x3b: {  	_ = 	snop  }
0x3c: {  	p2 =	seq.s32 s10, $0x1;
	s10 =	sld [smem:$0x3FB6]  }
0x3d: {  	_ =	shalt  }
0x3e: {  	_ =	shalt  }
0x3f: {  	_ =	shalt  }
0x40: {  	_ =	shalt  }
0x41: {  	_ =	shalt  }
0x42: {  	_ =	shalt  }
0x43: {  	_ =	shalt  }
0x44: {  	_ =	shalt  }
0x45: {  	_ =	shalt  }
0x46: {  	_ =	shalt  }
0x47: {  	_ =	shalt  }
0x48: {  	_ =	shalt  }
0x49: {  	_ =	shalt  }
0x4a: {  	_ =	shalt  }
0x4b: {  	_ =	shalt  }
0x4c: {  	_ =	shalt  }
0x4d: {  	_ =	shalt  }
0x4e: {  	_ =	shalt  }
0x4f: {  	_ =	shalt  }
0x50: {  	_ =	shalt  }
0x51: {  	_ =	shalt  }
0x52: {  	_ =	shalt  }
0x53: {  	_ =	shalt  }
0x54: {  	_ =	shalt  }
0x55: {  	_ =	shalt  }
0x56: {  	_ =	shalt  }
0x57: {  	_ =	shalt  }
0x58: {  	_ =	shalt  }
0x59: {  	_ =	shalt  }
0x5a: {  	_ =	shalt  }
0x5b: {  	_ =	shalt  }
0x5c: {  	_ =	shalt  }
0x5d: {  	_ =	shalt  }
0x5e: {  	_ =	shalt  }
0x5f: {  	_ =	shalt  }
0x60: {  	_ =	shalt  }
0x61: {  	_ =	shalt  }
0x62: {  	_ =	shalt  }
0x63: {  	_ =	shalt  }
0x64: {  	_ =	shalt  }
0x65: {  	_ =	shalt  }
0x66: {  	_ =	shalt  }
0x67: {  	_ =	shalt  }
0x68: {  	_ =	shalt  }
0x69: {  	_ =	shalt  }
0x6a: {  	_ =	shalt  }
0x6b: {  	_ =	shalt  }
0x6c: {  	_ =	shalt  }
0x6d: {  	_ =	shalt  }
0x6e: {  	_ =	shalt  }
0x6f: {  	_ =	shalt  }
0x70: {  	_ =	shalt  }
0x71: {  	_ =	shalt  }
0x72: {  	_ =	shalt  }
0x73: {  	_ =	shalt  }
0x74: {  	_ =	shalt  }
0x75: {  	_ =	shalt  }
0x76: {  	_ =	shalt  }
0x77: {  	_ =	shalt  }
0x78: {  	_ =	shalt  }
0x79: {  	_ =	shalt  }
0x7a: {  	_ =	shalt  }
0x7b: {  	_ =	shalt  }
0x7c: {  	_ =	shalt  }
0x7d: {  	_ =	shalt  }
0x7e: {  	_ =	shalt  }
0x7f: {  	_ =	shalt  }
0x80: {  	_ =	shalt  }
0x81: {  	_ =	shalt  }
0x82: {  	_ =	shalt  }
0x83: {  	_ =	shalt  }
0x84: {  	_ =	shalt  }
0x85: {  	_ =	shalt  }
0x86: {  	_ =	shalt  }
0x87: {  	_ =	shalt  }
.Lfunc_end0:
.L_simem_size_0:
called_computation.1_lowered:
.L_overlay_start_0:
0x88: {  	s2 =	sld [smem:$0x3FD9]  }
0x89: {  	s3 =	sld [smem:$0x3FFE];
	_ =	sdelay $0x1  }
0x8a: {  	s1 =	srdreg.scid  }
0x8b: {  	s0 =	sand.u32 $0x1, s1  }
0x8c: {  	s17 =	sshll.u32 s0, $0xA;
	s2 =	sadd.s32 s3, s2  }
0x8d: {  	s2 =	sadd.s32 s2, s17  }
0x8e: {  	[smem:$0x3FC2] =	sst s2  }
0x8f: {  	_ = 	snop  }
0x90: {  	s2 =	sld [smem:$0x3FD0];
	(tm) =	ssettm $0x1  }
0x91: {  	s18 =	sld [smem:$0x3FFB];
	_ =	sdelay $0x3  }
0x92: {  	_ =	strace s18  }
0x93: {  	s3 =	sld [smem:$0x3FFC];
	_ =	sdelay $0x3  }
0x94: {  	_ =	strace s3  }
0x95: {  	s3 =	sld [smem:$0x3FFD];
	_ =	sdelay $0x3  }
0x96: {  	_ =	strace s3  }
0x97: {  	_ =	strace $0x8FFFFFFF  }
0x98: {  	s19 =	sld [smem:$0x3FDB];
	_ =	sdelay $0x1  }
0x99: {  	s4 =	simm.s32 $_scs_section_size  }
0x9a: {  	s5 =	simm.s32 $_size__tile_overlayer_lowered;
	s6 =	simm.s32 $_tile_overlayer_lowered  }
0x9b: {  	s22 =	simm.s32 $0x1BFF;
	s21 =	sshll.u32 s6, $0x1;
	s3 =	sadd.s32 s4, s19  }
0x9c: {  	s7 =	simm.s32 $0x0;
	s20 =	sshll.u32 s5, $0x1;
	s5 =	sadd.s32 s21, s3  }
0x9d: {  	[timem:s7], [sflag:s22] =	dma.local [hbm:s5], s20  }
0x9e: {  	_ =	swait.ge [sflag:s22], s20  }
0x9f: {  	s4 =	ssub.s32 $0x0, s20;
	[sflag:s22] =	ssyncset.done $0x0  }
0xa0: {  	[sflag:s22] =	ssyncadd.s32 s4;
	_ =	sdelay $0x1  }
0xa1: {  	s23 =	simm.s32 $0x1B8B  }
0xa2: {  	_ =	swait.ge [sflag:s23], $0x1  }
0xa3: {  	[sflag:s23] =	ssyncset.done $0x0  }
0xa4: {  	s25 =	simm.s32 $0x1B8E;
	s24 =	sld [smem:$0x3FFE];
	[sflag:s23] =	ssyncadd.s32 $0xFFFFFFFF  }
0xa5: {  	s26 =	simm.s32 $execute0_lowered;
	[smem:$0x3FD2] =	sst s25  }
0xa6: {  	s5 =	sshll.u32 s26, $0x1;
	_ =	strace $0x80000049;
	[dreg:$0x1] =	wrdreg $0xFFFFFFFF  }
0xa7: {  	s28 =	simm.s32 $_size_execute0_lowered;
	s3 =	sadd.s32 s3, s5;
	[dreg:$0x0] =	wrdreg $0x0  }
0xa8: {  	s5 =	sshll.u32 s28, $0x1;
	[dreg:$0x2] =	wrdreg s3  }
0xa9: {  	[dreg:$0x3] =	wrdreg s5  }
0xaa: {  	[dreg:$0x4] =	wrdreg $0xC0  }
0xab: {  	_ =	task [dreg:s7], $0x5FFFF  }
0xac: {  	[dreg:$0x1] =	wrdreg $0xFFFFFFFF  }
0xad: {  	[dreg:$0x0] =	wrdreg $0x60  }
0xae: {  	[dreg:$0x2] =	wrdreg s2  }
0xaf: {  	[dreg:$0x3] =	wrdreg s24  }
0xb0: {  	[dreg:$0x4] =	wrdreg $0x50000  }
0xb1: {  	[dreg:$0x5] =	wrdreg $0x9  }
0xb2: {  	_ =	task.clear_ibuf [dreg:s7], $0x6FFFF;
	_ =	strace $0x90000049  }
0xb3: {  	s29 =	simm.s32 $0x9;
	_ =	strace $0x8000004B  }
0xb4: {  	_ =	swait.ge [sflag:s29], $0x1  }
0xb5: {  	[sflag:s29] =	ssyncadd.s32 $0xFFFFFFFF  }
0xb6: {  	_ =	strace $0x9000004B  }
0xb7: {  	_ =	sfence  }
0xb8: {  	s30 =	sld [smem:$0x0];
	_ =	sdelay $0x2  }
0xb9: {  	s31 =	sshll.u32 s1, $0xD;
	s1 =	sshrl.u32 s1, $0x2  }
0xba: {  	s3 =	sand.u32 $0x4000, s31;
	s1 =	sadd.s32 s1, s30  }
0xbb: {  	s0 =	sor.u32 s3, s0;
	s1 =	sshll.u32 s1, $0x11  }
0xbc: {  	s0 =	sor.u32 s1, s0  }
0xbd: {  	s0 =	sadd.s32 $0x8F2B, s0  }
0xbe: {  	[sflag:s0] =	ssyncadd.remote.s32 $0x1  }
0xbf: {  	_ =	sfence.sel $0xFFFF  }
0xc0: {  	[dreg:$0x0] =	wrdreg $0xFFFFFFFF;
	(pc) =	sbr.abs _section_cstart, $3  }
0xc1: {  	[dreg:$0x1] =	wrdreg $0xFFFFFFFF  }
0xc2: {  	_ =	task.clear_ibuf [dreg:s7], $0x2FFFF;
	_ =	strace $0x9FFFFFFF  }
0xc3: {  	(tm) =	ssettm $0x7FFFFFFF  }
tec
execute0_lowered:
.L_overlay_start_1:
0x0: {  	(tag) =	ssettag $0x1  }
0x1: {  	s12 =	rddreg [dreg:$0x0]  }
0x2: {  	s0 =	rddreg [dreg:$0x1]  }
0x3: {  	s11 =	stileid.u32;
	s1 =	srdreg.scid  }
0x4: {  	s3 =	rddreg [dreg:$0x2];
	s15 =	simm.s32 $0x0;
	s19 =	simm.s32 $0x6  }
0x5: {  	s18 =	simm.s32 $0x800;
	s28 =	simm.s32 $0x1;
	s16 =	simm.s32 $0x3  }
0x6: {  	s17 =	simm.s32 $0x5;
	s30 =	simm.s32 $0x500;
	s31 =	simm.s32 $0xD00  }
0x7: {  	s20 =	simm.s32 $0x700;
	s21 =	simm.s32 $0xF00;
	s29 =	simm.s32 $0xF80  }
0x8: {  	s2 =	smul.u32 $0x14000, s11;
	s1 =	sand.u32 $0x1, s1;
	[smem:$0x7FF] =	sst s15  }
0x9: {  	s13 =	sadd.s32 $0xBE00, s0;
	s6 =	sadd.s32 $0x15E00, s0;
	s7 =	smul.u32 $0x50000, s11  }
0xa: {  	s8 =	sshll.u32 s11, $0x4;
	s4 =	smul.u32 $0x140000, s1;
	_ =	strace $0x8000004A  }
0xb: {  	s5 =	ssub.s32 $0x2, s1;
	p0 =	seq.s32 s1, $0x0;
	s10 =	sor.u32 $0x900, s8  }
0xc: {  	[dreg:$0x4] =	wrdreg s13;
	s9 =	sshrl.u32 s5, $0x1;
	s7 =	sshrl.u32 s7, $0x2  }
0xd: {  	s4 =	sadd.s32 s2, s4;
	s2 =	sshrl.u32 s2, $0x3;
	s5 =	ssub.s32 s5, s9  }
0xe: {  	s22 =	sadd.s32 s7, s3;
	s4 =	sshrl.u32 s4, $0x3;
	s2 =	sadd.s32 s2, s0  }
0xf: {  	s25 =	smax.u32 s5, $0x1;
	s5 =	simm.s32 $0xE00;
	s0 =	sadd.s32 s4, s0  }
0x10: {  	s4 =	smul.u32 $0x90, s11;
	s2 =	sadd.s32 $0x3DE00, s2;
	[dreg:$0xc] =	wrdreg s25  }
0x11: {  	s11 =	sshll.u32 s11, $0x6;
	[dreg:$0x5] =	wrdreg s2;
	s0 =	sadd.s32 $0x65E00, s0  }
0x12: {  	s25 =	simm.s32 $0x80;
	s11 =	sor.u32 $0x1C06, s11;
	[dreg:$0xb] =	wrdreg s0  }
0x13: {  	s10 =	smov.u32 @p0 s4;
	s0 =	simm.s32 $0x0;
	[dreg:$0x6] =	wrdreg s11  }
0x14: {  	s7 =	sshll.u32 s10, $0x4;
	s26 =	sadd.s32 $0x18, s10;
	s10 =	sshrl.u32 s22, $0x3  }
0x15: {  	s22 =	simm.s32 $0x780;
	s23 =	sor.u32 $0x80, s7;
	[dreg:$0xd] =	wrdreg s26  }
0x16: {  	s14 =	sadd.s32 s12, s7;
	s24 =	sadd.s32 s13, s7;
	[dreg:$0xe] =	wrdreg s10  }
0x17: {  	s26 =	simm.s32 $0x1000;
	[dreg:$0x7] =	wrdreg s14;
	s12 =	sadd.s32 s12, s23  }
0x18: {  	[dreg:$0x9] =	wrdreg s24;
	s2 =	sadd.s32 s13, s23;
	s14 =	sadd.s32 $0x910, s8  }
0x19: {  	s23 =	simm.s32 $0x2;
	s24 =	simm.s32 $0x4;
	[dreg:$0x8] =	wrdreg s12  }
0x1a: {  	s8 =	simm.s32 $0x680;
	[dreg:$0xa] =	wrdreg s2;
	s2 =	sadd.s32 $0x90, s4  }
0x1b: {  	s4 =	simm.s32 $0x400;
	s12 =	simm.s32 $0xC00;
	s14 =	smov.u32 @p0 s2  }
0x1c: {  	p0 =	sne.s32 s1, $0x0;
	s2 =	simm.s32 $0x580;
	s1 =	simm.s32 $0x600  }
.LBB2_1:
0x1d: {  	[dreg:$0xf] =	wrdreg s0  }
0x1e: {  	s9 =	rddreg [dreg:$0x5]  }
0x1f: {  	[spmem:s10], [sflag:s11] =	dma.local [hbm:s9], $0x2800  }
0x20: {  	_ =	swait.ge [sflag:s19], $0x2800  }
0x21: {  	[sflag:s19] =	ssyncset.done $0x0  }
0x22: {  	s0 =	rddreg [dreg:$0x7];
	[sflag:s19] =	ssyncadd.s32 $0xFFFFD800  }
0x23: {  	[tilespmem:s15], [sflag:$0x2] =	stream.linear.gather [hbm4b:s0+s15], $0x400, $0x38;
	[tilespmem:$0x19000] =	vst v63  }
0x24: {  	s10 =	rddreg [dreg:$0x8]  }
0x25: {  	[tilespmem:s4], [sflag:$0x3] =	stream.linear.gather [hbm4b:s10+s15], $0x400, $0x38;
	[tilespmem:$0x19000] =	vst v63  }
0x26: {  	s11 =	rddreg [dreg:$0x9]  }
0x27: {  	[tilespmem:s18], [sflag:$0x4] =	stream.linear.gather [hbm4b:s11+s15], $0x400, $0x38;
	[tilespmem:$0x19000] =	vst v63  }
0x28: {  	s13 =	rddreg [dreg:$0xa]  }
0x29: {  	[tilespmem:s12], [sflag:$0x5] =	stream.linear.gather [hbm4b:s13+s15], $0x400, $0x38;
	[tilespmem:$0x19000] =	vst v63  }
0x2a: {  	[bflag:$0x0] =	sbarrier.arrive $0xFFFF  }
0x2b: {  	s10 =	rddreg [dreg:$0xd]  }
0x2c: {  	s0 =	simm.s32 $0xD80;
	s11 =	rddreg [dreg:$0x4]  }
0x2d: {  	s4 =	simm.s32 $0xE80;
	s13 =	simm.s32 $0x0;
	s12 =	rddreg [dreg:$0x0]  }
.LBB2_2:
0x2e: {  	_ =	swait.ge [sflag:s23], $0x400  }
0x2f: {  	[sflag:s23] =	ssyncset.done $0x0  }
0x30: {  	[sflag:s23] =	ssyncadd.s32 $0xFFFFFC00  }
0x31: {  	_ =	swait.ge [sflag:s24], $0x400  }
0x32: {  	[sflag:s24] =	ssyncset.done $0x0  }
0x33: {  	[sflag:s24] =	ssyncadd.s32 $0xFFFFFC00  }
0x34: {  	[tilespmem:s26], [sflag:$0x1] =	stream.indirect.gather [hbm4b:s6+s25], $0x80, s15, s25, $0xb8;
	[tilespmem:$0x19000] =	vst v63  }
0x35: {  	_ =	swait.ge [sflag:s28], $0x4000  }
0x36: {  	[sflag:s28] =	ssyncset.done $0x0  }
0x37: {  	[sflag:s28] =	ssyncadd.s32 $0xFFFFC000  }
0x38: {  	[spmem:s3] =	stream.indirect.scatter.add.f32 [tilespmem:s26], [sflag:$0x6], $0x80, s18, s25, $0xb8;
	[tilespmem:$0x19000] =	vst v63  }
0x39: {  	_ =	swait.ge [sflag:s19], $0x4000  }
0x3a: {  	[sflag:s19] =	ssyncset.done $0x0  }
0x3b: {  	[sflag:s19] =	ssyncadd.s32 $0xFFFFC000  }
0x3c: {  	[tilespmem:s26], [sflag:$0x1] =	stream.indirect.gather [hbm4b:s6+s25], $0x80, s25, s25, $0xb8;
	[tilespmem:$0x19000] =	vst v63  }
0x3d: {  	_ =	swait.ge [sflag:s28], $0x4000  }
0x3e: {  	[sflag:s28] =	ssyncset.done $0x0  }
0x3f: {  	s9 =	simm.s32 $0x880;
	[sflag:s28] =	ssyncadd.s32 $0xFFFFC000  }
0x40: {  	[spmem:s3] =	stream.indirect.scatter.add.f32 [tilespmem:s26], [sflag:$0x6], $0x80, s9, s25, $0xb8;
	[tilespmem:$0x19000] =	vst v63  }
0x41: {  	_ =	swait.ge [sflag:s19], $0x4000  }
0x42: {  	[sflag:s19] =	ssyncset.done $0x0  }
0x43: {  	s15 =	simm.s32 $0x100;
	[sflag:s19] =	ssyncadd.s32 $0xFFFFC000  }
0x44: {  	[tilespmem:s26], [sflag:$0x1] =	stream.indirect.gather [hbm4b:s6+s25], $0x80, s15, s25, $0xb8;
	[tilespmem:$0x19000] =	vst v63  }
0x45: {  	_ =	swait.ge [sflag:s28], $0x4000  }
0x46: {  	[sflag:s28] =	ssyncset.done $0x0  }
0x47: {  	s18 =	simm.s32 $0x900;
	[sflag:s28] =	ssyncadd.s32 $0xFFFFC000  }
0x48: {  	[spmem:s3] =	stream.indirect.scatter.add.f32 [tilespmem:s26], [sflag:$0x6], $0x80, s18, s25, $0xb8;
	[tilespmem:$0x19000] =	vst v63  }
0x49: {  	_ =	swait.ge [sflag:s19], $0x4000  }
0x4a: {  	[sflag:s19] =	ssyncset.done $0x0  }
0x4b: {  	s15 =	simm.s32 $0x180;
	[sflag:s19] =	ssyncadd.s32 $0xFFFFC000  }
0x4c: {  	[tilespmem:s26], [sflag:$0x1] =	stream.indirect.gather [hbm4b:s6+s25], $0x80, s15, s25, $0xb8;
	[tilespmem:$0x19000] =	vst v63  }
0x4d: {  	_ =	swait.ge [sflag:s28], $0x4000  }
0x4e: {  	[sflag:s28] =	ssyncset.done $0x0  }
0x4f: {  	s18 =	simm.s32 $0x980;
	[sflag:s28] =	ssyncadd.s32 $0xFFFFC000  }
0x50: {  	[spmem:s3] =	stream.indirect.scatter.add.f32 [tilespmem:s26], [sflag:$0x6], $0x80, s18, s25, $0xb8;
	[tilespmem:$0x19000] =	vst v63  }
0x51: {  	_ =	swait.ge [sflag:s19], $0x4000  }
0x52: {  	[sflag:s19] =	ssyncset.done $0x0  }
0x53: {  	s15 =	simm.s32 $0x200;
	[sflag:s19] =	ssyncadd.s32 $0xFFFFC000  }
0x54: {  	[tilespmem:s26], [sflag:$0x1] =	stream.indirect.gather [hbm4b:s6+s25], $0x80, s15, s25, $0xb8;
	[tilespmem:$0x19000] =	vst v63  }
0x55: {  	_ =	swait.ge [sflag:s28], $0x4000  }
0x56: {  	[sflag:s28] =	ssyncset.done $0x0  }
0x57: {  	s18 =	simm.s32 $0xA00;
	[sflag:s28] =	ssyncadd.s32 $0xFFFFC000  }
0x58: {  	[spmem:s3] =	stream.indirect.scatter.add.f32 [tilespmem:s26], [sflag:$0x6], $0x80, s18, s25, $0xb8;
	[tilespmem:$0x19000] =	vst v63  }
0x59: {  	_ =	swait.ge [sflag:s19], $0x4000  }
0x5a: {  	[sflag:s19] =	ssyncset.done $0x0  }
0x5b: {  	s15 =	simm.s32 $0x280;
	[sflag:s19] =	ssyncadd.s32 $0xFFFFC000  }
0x5c: {  	[tilespmem:s26], [sflag:$0x1] =	stream.indirect.gather [hbm4b:s6+s25], $0x80, s15, s25, $0xb8;
	[tilespmem:$0x19000] =	vst v63  }
0x5d: {  	_ =	swait.ge [sflag:s28], $0x4000  }
0x5e: {  	[sflag:s28] =	ssyncset.done $0x0  }
0x5f: {  	s18 =	simm.s32 $0xA80;
	[sflag:s28] =	ssyncadd.s32 $0xFFFFC000  }
0x60: {  	[spmem:s3] =	stream.indirect.scatter.add.f32 [tilespmem:s26], [sflag:$0x6], $0x80, s18, s25, $0xb8;
	[tilespmem:$0x19000] =	vst v63  }
0x61: {  	_ =	swait.ge [sflag:s19], $0x4000  }
0x62: {  	[sflag:s19] =	ssyncset.done $0x0  }
0x63: {  	s15 =	simm.s32 $0x300;
	[sflag:s19] =	ssyncadd.s32 $0xFFFFC000  }
0x64: {  	[tilespmem:s26], [sflag:$0x1] =	stream.indirect.gather [hbm4b:s6+s25], $0x80, s15, s25, $0xb8;
	[tilespmem:$0x19000] =	vst v63  }
0x65: {  	_ =	swait.ge [sflag:s28], $0x4000  }
0x66: {  	[sflag:s28] =	ssyncset.done $0x0  }
0x67: {  	s18 =	simm.s32 $0xB00;
	[sflag:s28] =	ssyncadd.s32 $0xFFFFC000  }
0x68: {  	[spmem:s3] =	stream.indirect.scatter.add.f32 [tilespmem:s26], [sflag:$0x6], $0x80, s18, s25, $0xb8;
	[tilespmem:$0x19000] =	vst v63  }
0x69: {  	_ =	swait.ge [sflag:s19], $0x4000  }
0x6a: {  	[sflag:s19] =	ssyncset.done $0x0  }
0x6b: {  	s15 =	simm.s32 $0x380;
	[sflag:s19] =	ssyncadd.s32 $0xFFFFC000  }
0x6c: {  	[tilespmem:s26], [sflag:$0x1] =	stream.indirect.gather [hbm4b:s6+s25], $0x80, s15, s25, $0xb8;
	[tilespmem:$0x19000] =	vst v63  }
0x6d: {  	_ =	swait.ge [sflag:s28], $0x4000  }
0x6e: {  	[sflag:s28] =	ssyncset.done $0x0  }
0x6f: {  	s18 =	simm.s32 $0xB80;
	s15 =	sadd.s32 $0xFFFFFFF8, s10;
	[sflag:s28] =	ssyncadd.s32 $0xFFFFC000  }
0x70: {  	[spmem:s3] =	stream.indirect.scatter.add.f32 [tilespmem:s26], [sflag:$0x6], $0x80, s18, s25, $0xb8;
	[tilespmem:$0x19000] =	vst v63  }
0x71: {  	p1 =	sge.u32 s15, s14;
	_ =	swait.ge [sflag:s19], $0x4000  }
0x72: {  	s15 =	sadd.s32 @!p1 s12, s7;
	[sflag:s19] =	ssyncset.done $0x0  }
0x73: {  	s9 =	simm.s32 @!p1 $0x0;
	s15 =	sadd.s32 @!p1 $0x100, s15;
	[sflag:s19] =	ssyncadd.s32 $0xFFFFC000  }
0x74: {  	[tilespmem:s9], [sflag:$0x2] =	stream.linear.gather @!p1 [hbm4b:s15+s9], $0x400, $0x38;
	[tilespmem:$0x19000] =	vst v63  }
0x75: {  	s15 =	sadd.s32 @!p1 s11, s7  }
0x76: {  	s18 =	simm.s32 @!p1 $0x800;
	s15 =	sadd.s32 @!p1 $0x100, s15  }
0x77: {  	[tilespmem:s18], [sflag:$0x4] =	stream.linear.gather @!p1 [hbm4b:s15+s9], $0x400, $0x38;
	[tilespmem:$0x19000] =	vst v63  }
0x78: {  	_ =	swait.ge [sflag:s16], $0x400  }
0x79: {  	[sflag:s16] =	ssyncset.done $0x0  }
0x7a: {  	[sflag:s16] =	ssyncadd.s32 $0xFFFFFC00  }
0x7b: {  	_ =	swait.ge [sflag:s17], $0x400  }
0x7c: {  	[sflag:s17] =	ssyncset.done $0x0  }
0x7d: {  	s15 =	simm.s32 $0x400;
	[sflag:s17] =	ssyncadd.s32 $0xFFFFFC00  }
0x7e: {  	[tilespmem:s26], [sflag:$0x1] =	stream.indirect.gather [hbm4b:s6+s25], $0x80, s15, s25, $0xb8;
	[tilespmem:$0x19000] =	vst v63  }
0x7f: {  	_ =	swait.ge [sflag:s28], $0x4000  }
0x80: {  	[sflag:s28] =	ssyncset.done $0x0  }
0x81: {  	s18 =	simm.s32 $0xC00;
	[sflag:s28] =	ssyncadd.s32 $0xFFFFC000  }
0x82: {  	[spmem:s3] =	stream.indirect.scatter.add.f32 [tilespmem:s26], [sflag:$0x6], $0x80, s18, s25, $0xb8;
	[tilespmem:$0x19000] =	vst v63  }
0x83: {  	_ =	swait.ge [sflag:s19], $0x4000  }
0x84: {  	[sflag:s19] =	ssyncset.done $0x0  }
0x85: {  	s15 =	simm.s32 $0x480;
	[sflag:s19] =	ssyncadd.s32 $0xFFFFC000  }
0x86: {  	[tilespmem:s26], [sflag:$0x1] =	stream.indirect.gather [hbm4b:s6+s25], $0x80, s15, s25, $0xb8;
	[tilespmem:$0x19000] =	vst v63  }
0x87: {  	_ =	swait.ge [sflag:s28], $0x4000  }
0x88: {  	[sflag:s28] =	ssyncset.done $0x0  }
0x89: {  	s18 =	simm.s32 $0xC80;
	[sflag:s28] =	ssyncadd.s32 $0xFFFFC000  }
0x8a: {  	[spmem:s3] =	stream.indirect.scatter.add.f32 [tilespmem:s26], [sflag:$0x6], $0x80, s18, s25, $0xb8;
	[tilespmem:$0x19000] =	vst v63  }
0x8b: {  	_ =	swait.ge [sflag:s19], $0x4000  }
0x8c: {  	[sflag:s19] =	ssyncset.done $0x0  }
0x8d: {  	[sflag:s19] =	ssyncadd.s32 $0xFFFFC000  }
0x8e: {  	[tilespmem:s26], [sflag:$0x1] =	stream.indirect.gather [hbm4b:s6+s25], $0x80, s30, s25, $0xb8;
	[tilespmem:$0x19000] =	vst v63  }
0x8f: {  	_ =	swait.ge [sflag:s28], $0x4000  }
0x90: {  	[sflag:s28] =	ssyncset.done $0x0  }
0x91: {  	[sflag:s28] =	ssyncadd.s32 $0xFFFFC000  }
0x92: {  	[spmem:s3] =	stream.indirect.scatter.add.f32 [tilespmem:s26], [sflag:$0x6], $0x80, s31, s25, $0xb8;
	[tilespmem:$0x19000] =	vst v63  }
0x93: {  	_ =	swait.ge [sflag:s19], $0x4000  }
0x94: {  	[sflag:s19] =	ssyncset.done $0x0  }
0x95: {  	[sflag:s19] =	ssyncadd.s32 $0xFFFFC000  }
0x96: {  	[tilespmem:s26], [sflag:$0x1] =	stream.indirect.gather [hbm4b:s6+s25], $0x80, s2, s25, $0xb8;
	[tilespmem:$0x19000] =	vst v63  }
0x97: {  	_ =	swait.ge [sflag:s28], $0x4000  }
0x98: {  	[sflag:s28] =	ssyncset.done $0x0  }
0x99: {  	[sflag:s28] =	ssyncadd.s32 $0xFFFFC000  }
0x9a: {  	[spmem:s3] =	stream.indirect.scatter.add.f32 [tilespmem:s26], [sflag:$0x6], $0x80, s0, s25, $0xb8;
	[tilespmem:$0x19000] =	vst v63  }
0x9b: {  	_ =	swait.ge [sflag:s19], $0x4000  }
0x9c: {  	[sflag:s19] =	ssyncset.done $0x0  }
0x9d: {  	[sflag:s19] =	ssyncadd.s32 $0xFFFFC000  }
0x9e: {  	[tilespmem:s26], [sflag:$0x1] =	stream.indirect.gather [hbm4b:s6+s25], $0x80, s1, s25, $0xb8;
	[tilespmem:$0x19000] =	vst v63  }
0x9f: {  	_ =	swait.ge [sflag:s28], $0x4000  }
0xa0: {  	[sflag:s28] =	ssyncset.done $0x0  }
0xa1: {  	[sflag:s28] =	ssyncadd.s32 $0xFFFFC000  }
0xa2: {  	[spmem:s3] =	stream.indirect.scatter.add.f32 [tilespmem:s26], [sflag:$0x6], $0x80, s5, s25, $0xb8;
	[tilespmem:$0x19000] =	vst v63  }
0xa3: {  	_ =	swait.ge [sflag:s19], $0x4000  }
0xa4: {  	[sflag:s19] =	ssyncset.done $0x0  }
0xa5: {  	[sflag:s19] =	ssyncadd.s32 $0xFFFFC000  }
0xa6: {  	[tilespmem:s26], [sflag:$0x1] =	stream.indirect.gather [hbm4b:s6+s25], $0x80, s8, s25, $0xb8;
	[tilespmem:$0x19000] =	vst v63  }
0xa7: {  	_ =	swait.ge [sflag:s28], $0x4000  }
0xa8: {  	[sflag:s28] =	ssyncset.done $0x0  }
0xa9: {  	[sflag:s28] =	ssyncadd.s32 $0xFFFFC000  }
0xaa: {  	[spmem:s3] =	stream.indirect.scatter.add.f32 [tilespmem:s26], [sflag:$0x6], $0x80, s4, s25, $0xb8;
	[tilespmem:$0x19000] =	vst v63  }
0xab: {  	_ =	swait.ge [sflag:s19], $0x4000  }
0xac: {  	[sflag:s19] =	ssyncset.done $0x0  }
0xad: {  	[sflag:s19] =	ssyncadd.s32 $0xFFFFC000  }
0xae: {  	[tilespmem:s26], [sflag:$0x1] =	stream.indirect.gather [hbm4b:s6+s25], $0x80, s20, s25, $0xb8;
	[tilespmem:$0x19000] =	vst v63  }
0xaf: {  	_ =	swait.ge [sflag:s28], $0x4000  }
0xb0: {  	[sflag:s28] =	ssyncset.done $0x0  }
0xb1: {  	[sflag:s28] =	ssyncadd.s32 $0xFFFFC000  }
0xb2: {  	[spmem:s3] =	stream.indirect.scatter.add.f32 [tilespmem:s26], [sflag:$0x6], $0x80, s21, s25, $0xb8;
	[tilespmem:$0x19000] =	vst v63  }
0xb3: {  	_ =	swait.ge [sflag:s19], $0x4000  }
0xb4: {  	[sflag:s19] =	ssyncset.done $0x0  }
0xb5: {  	[sflag:s19] =	ssyncadd.s32 $0xFFFFC000  }
0xb6: {  	[tilespmem:s26], [sflag:$0x1] =	stream.indirect.gather [hbm4b:s6+s25], $0x80, s22, s25, $0xb8;
	[tilespmem:$0x19000] =	vst v63  }
0xb7: {  	_ =	swait.ge [sflag:s28], $0x4000  }
0xb8: {  	[sflag:s28] =	ssyncset.done $0x0  }
0xb9: {  	p1 =	sge.u32 s10, s14;
	[sflag:s28] =	ssyncadd.s32 $0xFFFFC000  }
0xba: {  	[spmem:s3] =	stream.indirect.scatter.add.f32 [tilespmem:s26], [sflag:$0x6], $0x80, s29, s25, $0xb8;
	[tilespmem:$0x19000] =	vst v63  }
0xbb: {  	s9 =	sadd.s32 @!p1 s12, s7;
	_ =	swait.ge [sflag:s19], $0x4000  }
0xbc: {  	s9 =	sadd.s32 @!p1 $0x180, s9;
	[sflag:s19] =	ssyncset.done $0x0  }
0xbd: {  	s15 =	simm.s32 @!p1 $0x0;
	s18 =	simm.s32 @!p1 $0x400;
	[sflag:s19] =	ssyncadd.s32 $0xFFFFC000  }
0xbe: {  	[tilespmem:s18], [sflag:$0x3] =	stream.linear.gather @!p1 [hbm4b:s9+s15], $0x400, $0x38;
	[tilespmem:$0x19000] =	vst v63  }
0xbf: {  	s9 =	sadd.s32 @!p1 s11, s7  }
0xc0: {  	s18 =	simm.s32 @!p1 $0xC00;
	s9 =	sadd.s32 @!p1 $0x180, s9  }
0xc1: {  	[tilespmem:s18], [sflag:$0x5] =	stream.linear.gather @!p1 [hbm4b:s9+s15], $0x400, $0x38;
	[tilespmem:$0x19000] =	vst v63  }
0xc2: {  	p1 =	slt.u32 @!p0 s13, $0x8  }
0xc3: {  	p1 =	por p0, !p1  }
.Ltmp0:
0xc4: {  	_ = 	snop;
	(pc) =	sbr.rel @!p1 .LBB2_2-.Ltmp0, $3  }
0xc5: {  	_ =	sdelay $0x1  }
0xc6: {  	s10 =	sadd.s32 $0x10, s10;
	s12 =	sadd.s32 $0x100, s12;
	s11 =	sadd.s32 $0x100, s11  }
0xc7: {  	s18 =	simm.s32 $0x800;
	s15 =	simm.s32 $0x0;
	s13 =	sadd.s32 $0x1, s13  }
0xc8: {  	[bflag:$0x0] =	sbarrier.arrive $0xFFFF  }
0xc9: {  	s11 =	rddreg [dreg:$0x6]  }
0xca: {  	s9 =	rddreg [dreg:$0xb]  }
0xcb: {  	s10 =	rddreg [dreg:$0xe]  }
0xcc: {  	[hbm:s9], [sflag:s11] =	dma.local [spmem:s10], $0x2800  }
0xcd: {  	_ =	swait.ge [sflag:s19], $0x2800  }
0xce: {  	s0 =	rddreg [dreg:$0xf]  }
0xcf: {  	s13 =	rddreg [dreg:$0xc];
	s0 =	sadd.s32 $0x1, s0  }
0xd0: {  	p1 =	sne.s32 s0, s13  }
.Ltmp1:
0xd1: {  	_ = 	snop;
	(pc) =	sbr.rel @p1 .LBB2_1-.Ltmp1, $3  }
0xd2: {  	_ =	sdelay $0x1  }
0xd3: {  	[sflag:s19] =	ssyncset.done $0x0  }
0xd4: {  	s4 =	simm.s32 $0x400;
	s12 =	simm.s32 $0xC00;
	[sflag:s19] =	ssyncadd.s32 $0xFFFFD800  }
0xd5: {  	_ =	sfence.sel $0x180000  }
0xd6: {  	[bflag:$0x0] =	sbarrier.arrive $0xFFFF  }
0xd7: {  	_ =	strace $0x9000004A  }
0xd8: {  	s0 =	stileid.u32;
	[bflag:$0x2] =	sbarrier.arrive $0xFFFF  }
0xd9: {  	p0 =	sne.s32 s0, $0x0;
	s0 =	rddreg [dreg:$0x3]  }
0xda: {  	s0 =	sadd.s32 @!p0 $0x100000, s0  }
0xdb: {  	[sflag:s0] =	ssyncadd.tile.s32 @!p0 $0x1;
	_ =	shalt  }
.Lfunc_end2:
_tile_overlayer_lowered:
.L_overlay_start_2:
0xdc: {  	(tag) =	ssettag $0x2  }
0xdd: {  	s0 =	rddreg [dreg:$0x0];
	s2 =	stileid.u32  }
0xde: {  	s1 =	rddreg [dreg:$0x1];
	p0 =	sne.s32 s2, $0x0  }
0xdf: {  	s3 =	rddreg [dreg:$0x2];
	[bflag:$0x3] =	sbarrier.arrive $0xFFFF;
	s2 =	simm.s32 @!p0 $0x1C06  }
0xe0: {  	[timem:s3], [sflag:s2] =	dma.local @!p0 [hbm:s0], s1  }
0xe1: {  	s0 =	simm.s32 @!p0 $0x6  }
0xe2: {  	_ =	swait.ge @!p0 [sflag:s0], s1  }
0xe3: {  	s1 =	ssub.s32 @!p0 $0x0, s1;
	[sflag:s0] =	ssyncset.done @!p0 $0x0  }
0xe4: {  	[sflag:s0] =	ssyncadd.s32 @!p0 s1  }
0xe5: {  	[bflag:$0x3] =	sbarrier.arrive $0xFFFF  }
0xe6: {  	_ =	shalt  }

// kernel: kernel.14.cloned.1.call-start
scs
__scs_entry_jumppad:
0x0: {  	(pc) =	sbr.rel $0x88, $3  }
0x1: {  	(tag) =	ssettag $0x0;
	lr =	simm.s32 $0x1  }
0x2: {  	[smem:$0x3F9B] =	sst lr;
	_ =	strace $0xD0000000  }
0x3: {  	_ = 	snop  }
0x4: {  	_ = 	snop  }
0x5: {  	_ = 	snop  }
0x6: {  	_ = 	snop  }
0x7: {  	_ = 	snop  }
__scs_overlays_trampoline_lowered:
0x8: {  	[smem:$0x3FAA] =	sst s0  }
0x9: {  	[smem:$0x3FAB] =	sst s1  }
0xa: {  	[smem:$0x3FAC] =	sst s2  }
0xb: {  	[smem:$0x3FAD] =	sst s3  }
0xc: {  	[smem:$0x3FAE] =	sst s4  }
0xd: {  	[smem:$0x3FAF] =	sst s5  }
0xe: {  	[smem:$0x3FB0] =	sst s6  }
0xf: {  	[smem:$0x3FB1] =	sst s7  }
0x10: {  	[smem:$0x3FB2] =	sst s8  }
0x11: {  	[smem:$0x3FB3] =	sst s9;
	s0 =	simm.s32 @!p0 $0x0  }
0x12: {  	s1 =	sld [smem:$0x3F99];
	s0 =	simm.s32 @p0 $0x1  }
0x13: {  	[smem:$0x3FB4] =	sst s0;
	s0 =	simm.s32 @!p1 $0x0  }
0x14: {  	s2 =	sld [smem:$0x3F98];
	s0 =	simm.s32 @p1 $0x1  }
0x15: {  	[smem:$0x3FB5] =	sst s0;
	s0 =	simm.s32 @!p2 $0x0  }
0x16: {  	s3 =	sld [smem:$0x3FDB];
	s0 =	simm.s32 @p2 $0x1  }
0x17: {  	s4 =	simm.s32 $0x1BF5;
	[smem:$0x3FB7] =	sst s0  }
0x18: {  	s0 =	sld [smem:$0x3F9A];
	_ =	swait.ge [sflag:s4], $0x0  }
0x19: {  	s7 =	sld [smem:$0x3F9B]  }
0x1a: {  	s8 =	sadd.s32 $0xFFFFE003, lr  }
0x1b: {  	s9 =	sadd.s32 $0xFFFFFEF7, lr;
	s5 =	simm.s32 $0xFFFFFFFF;
	p2 =	slt.u32 s8, $0xFFFFF086  }
0x1c: {  	p1 =	slt.u32 s9, $0xF7A;
	s5 =	simm.s32 @!p2 $0x0  }
0x1d: {  	s5 =	simm.s32 @p1 $0x1;
	p0 =	seq.s32 s7, s2  }
0x1e: {  	s7 =	smul.u32 @!p0 $0xF7A, s2;
	p2 =	seq.s32 @!p0 s5, $0x0  }
0x1f: {  	s9 =	smul.u32 $0xF7A, s1;
	s8 =	simm.s32 @!p0 $0x1BF5;
	p2 =	por !p2, p0  }
0x20: {  	[sflag:s8] =	ssyncset.s32 @!p0 $0xFFFFF086;
	s6 =	sadd.s32 @!p0 s3, s7;
	s7 =	simm.s32 @!p0 $0x108  }
0x21: {  	s3 =	sadd.s32 s3, s9;
	s6 =	sadd.s32 @!p0 $0x88, s6;
	s7 =	simm.s32 @p2 $0x1082  }
0x22: {  	[simem:s7], [sflag:s8] =	dma.local @!p0 [hbm:s6], $0xF7A  }
0x23: {  	s9 =	sor.u32 $0xD0000000, s2;
	s6 =	simm.s32 $0x108;
	_ =	swait.ge @!p0 [sflag:s8], $0x0  }
0x24: {  	s3 =	sadd.s32 $0x88, s3;
	s6 =	simm.s32 @!p1 $0x1082;
	[sflag:s4] =	ssyncset.s32 $0xFFFFF086  }
0x25: {  	[simem:s6], [sflag:s4] =	dma.local [hbm:s3], $0xF7A  }
0x26: {  	[smem:$0x3F9B] =	sst s1;
	(tag) =	ssettag s2;
	_ =	strace s9  }
0x27: {  	s1 =	sld [smem:$0x3FAB]  }
0x28: {  	s2 =	sld [smem:$0x3FAC]  }
0x29: {  	s4 =	sld [smem:$0x3FAE]  }
0x2a: {  	p0 =	seq.s32 s5, $0x0;
	s5 =	sld [smem:$0x3FAF]  }
0x2b: {  	s6 =	sld [smem:$0x3FB0]  }
0x2c: {  	s7 =	sld [smem:$0x3FB1]  }
0x2d: {  	s3 =	simm.s32 $0x108;
	s8 =	sld [smem:$0x3FB2]  }
0x2e: {  	s3 =	simm.s32 @!p0 $0x1082;
	s9 =	sld [smem:$0x3FB3]  }
0x2f: {  	lr =	sadd.s32 s0, s3;
	s0 =	sld [smem:$0x3FAA]  }
0x30: {  	s3 =	sld [smem:$0x3FAD]  }
0x31: {  	[smem:$0x3FB6] =	sst s10  }
0x32: {  	s10 =	sld [smem:$0x3FB4];
	_ =	sdelay $0x3  }
0x33: {  	p0 =	seq.s32 s10, $0x1;
	s10 =	sld [smem:$0x3FB6];
	_ =	sdelay $0x3  }
0x34: {  	[smem:$0x3FB6] =	sst s10  }
0x35: {  	s10 =	sld [smem:$0x3FB5];
	_ =	sdelay $0x3  }
0x36: {  	p1 =	seq.s32 s10, $0x1;
	s10 =	sld [smem:$0x3FB6];
	_ =	sdelay $0x3  }
0x37: {  	[smem:$0x3FB6] =	sst s10  }
0x38: {  	s10 =	sld [smem:$0x3FB7]  }
0x39: {  	_ = 	snop;
	(pc) =	sbr.ind lr, $3  }
0x3a: {  	_ = 	snop  }
0x3b: {  	_ = 	snop  }
0x3c: {  	p2 =	seq.s32 s10, $0x1;
	s10 =	sld [smem:$0x3FB6]  }
0x3d: {  	_ =	shalt  }
0x3e: {  	_ =	shalt  }
0x3f: {  	_ =	shalt  }
0x40: {  	_ =	shalt  }
0x41: {  	_ =	shalt  }
0x42: {  	_ =	shalt  }
0x43: {  	_ =	shalt  }
0x44: {  	_ =	shalt  }
0x45: {  	_ =	shalt  }
0x46: {  	_ =	shalt  }
0x47: {  	_ =	shalt  }
0x48: {  	_ =	shalt  }
0x49: {  	_ =	shalt  }
0x4a: {  	_ =	shalt  }
0x4b: {  	_ =	shalt  }
0x4c: {  	_ =	shalt  }
0x4d: {  	_ =	shalt  }
0x4e: {  	_ =	shalt  }
0x4f: {  	_ =	shalt  }
0x50: {  	_ =	shalt  }
0x51: {  	_ =	shalt  }
0x52: {  	_ =	shalt  }
0x53: {  	_ =	shalt  }
0x54: {  	_ =	shalt  }
0x55: {  	_ =	shalt  }
0x56: {  	_ =	shalt  }
0x57: {  	_ =	shalt  }
0x58: {  	_ =	shalt  }
0x59: {  	_ =	shalt  }
0x5a: {  	_ =	shalt  }
0x5b: {  	_ =	shalt  }
0x5c: {  	_ =	shalt  }
0x5d: {  	_ =	shalt  }
0x5e: {  	_ =	shalt  }
0x5f: {  	_ =	shalt  }
0x60: {  	_ =	shalt  }
0x61: {  	_ =	shalt  }
0x62: {  	_ =	shalt  }
0x63: {  	_ =	shalt  }
0x64: {  	_ =	shalt  }
0x65: {  	_ =	shalt  }
0x66: {  	_ =	shalt  }
0x67: {  	_ =	shalt  }
0x68: {  	_ =	shalt  }
0x69: {  	_ =	shalt  }
0x6a: {  	_ =	shalt  }
0x6b: {  	_ =	shalt  }
0x6c: {  	_ =	shalt  }
0x6d: {  	_ =	shalt  }
0x6e: {  	_ =	shalt  }
0x6f: {  	_ =	shalt  }
0x70: {  	_ =	shalt  }
0x71: {  	_ =	shalt  }
0x72: {  	_ =	shalt  }
0x73: {  	_ =	shalt  }
0x74: {  	_ =	shalt  }
0x75: {  	_ =	shalt  }
0x76: {  	_ =	shalt  }
0x77: {  	_ =	shalt  }
0x78: {  	_ =	shalt  }
0x79: {  	_ =	shalt  }
0x7a: {  	_ =	shalt  }
0x7b: {  	_ =	shalt  }
0x7c: {  	_ =	shalt  }
0x7d: {  	_ =	shalt  }
0x7e: {  	_ =	shalt  }
0x7f: {  	_ =	shalt  }
0x80: {  	_ =	shalt  }
0x81: {  	_ =	shalt  }
0x82: {  	_ =	shalt  }
0x83: {  	_ =	shalt  }
0x84: {  	_ =	shalt  }
0x85: {  	_ =	shalt  }
0x86: {  	_ =	shalt  }
0x87: {  	_ =	shalt  }
.Lfunc_end0:
.L_simem_size_0:
called_computation.2_lowered:
.L_overlay_start_0:
0x88: {  	s2 =	sld [smem:$0x3FD9]  }
0x89: {  	s3 =	sld [smem:$0x3FFE];
	_ =	sdelay $0x1  }
0x8a: {  	s1 =	srdreg.scid  }
0x8b: {  	s0 =	sand.u32 $0x1, s1  }
0x8c: {  	s17 =	sshll.u32 s0, $0xA;
	s2 =	sadd.s32 s3, s2  }
0x8d: {  	s2 =	sadd.s32 s2, s17  }
0x8e: {  	[smem:$0x3FC2] =	sst s2  }
0x8f: {  	_ = 	snop  }
0x90: {  	s2 =	sld [smem:$0x3FD0];
	(tm) =	ssettm $0x1  }
0x91: {  	s18 =	sld [smem:$0x3FFB];
	_ =	sdelay $0x3  }
0x92: {  	_ =	strace s18  }
0x93: {  	s3 =	sld [smem:$0x3FFC];
	_ =	sdelay $0x3  }
0x94: {  	_ =	strace s3  }
0x95: {  	s3 =	sld [smem:$0x3FFD];
	_ =	sdelay $0x3  }
0x96: {  	_ =	strace s3  }
0x97: {  	_ =	strace $0x8FFFFFFF  }
0x98: {  	s19 =	sld [smem:$0x3FDB];
	_ =	sdelay $0x1  }
0x99: {  	s4 =	simm.s32 $_scs_section_size  }
0x9a: {  	s5 =	simm.s32 $_size__tile_overlayer_lowered;
	s6 =	simm.s32 $_tile_overlayer_lowered  }
0x9b: {  	s22 =	simm.s32 $0x1BFF;
	s21 =	sshll.u32 s6, $0x1;
	s3 =	sadd.s32 s4, s19  }
0x9c: {  	s7 =	simm.s32 $0x0;
	s20 =	sshll.u32 s5, $0x1;
	s5 =	sadd.s32 s21, s3  }
0x9d: {  	[timem:s7], [sflag:s22] =	dma.local [hbm:s5], s20  }
0x9e: {  	_ =	swait.ge [sflag:s22], s20  }
0x9f: {  	s4 =	ssub.s32 $0x0, s20;
	[sflag:s22] =	ssyncset.done $0x0  }
0xa0: {  	[sflag:s22] =	ssyncadd.s32 s4;
	_ =	sdelay $0x1  }
0xa1: {  	s23 =	simm.s32 $0x1B8B  }
0xa2: {  	_ =	swait.ge [sflag:s23], $0x1  }
0xa3: {  	[sflag:s23] =	ssyncset.done $0x0  }
0xa4: {  	s25 =	simm.s32 $0x1B8E;
	s24 =	sld [smem:$0x3FFE];
	[sflag:s23] =	ssyncadd.s32 $0xFFFFFFFF  }
0xa5: {  	s26 =	simm.s32 $execute0_lowered;
	[smem:$0x3FD2] =	sst s25  }
0xa6: {  	s5 =	sshll.u32 s26, $0x1;
	_ =	strace $0x8000004C;
	[dreg:$0x1] =	wrdreg $0xFFFFFFFF  }
0xa7: {  	s28 =	simm.s32 $_size_execute0_lowered;
	s3 =	sadd.s32 s3, s5;
	[dreg:$0x0] =	wrdreg $0x0  }
0xa8: {  	s5 =	sshll.u32 s28, $0x1;
	[dreg:$0x2] =	wrdreg s3  }
0xa9: {  	[dreg:$0x3] =	wrdreg s5  }
0xaa: {  	[dreg:$0x4] =	wrdreg $0xC0  }
0xab: {  	_ =	task [dreg:s7], $0x5FFFF  }
0xac: {  	[dreg:$0x1] =	wrdreg $0xFFFFFFFF  }
0xad: {  	[dreg:$0x0] =	wrdreg $0x60  }
0xae: {  	[dreg:$0x2] =	wrdreg s2  }
0xaf: {  	[dreg:$0x3] =	wrdreg s24  }
0xb0: {  	[dreg:$0x4] =	wrdreg $0x50000  }
0xb1: {  	[dreg:$0x5] =	wrdreg $0x9  }
0xb2: {  	_ =	task.clear_ibuf [dreg:s7], $0x6FFFF;
	_ =	strace $0x9000004C  }
0xb3: {  	s29 =	simm.s32 $0x9;
	_ =	strace $0x8000004E  }
0xb4: {  	_ =	swait.ge [sflag:s29], $0x1  }
0xb5: {  	[sflag:s29] =	ssyncadd.s32 $0xFFFFFFFF  }
0xb6: {  	_ =	strace $0x9000004E  }
0xb7: {  	_ =	sfence  }
0xb8: {  	s30 =	sld [smem:$0x0];
	_ =	sdelay $0x2  }
0xb9: {  	s31 =	sshll.u32 s1, $0xD;
	s1 =	sshrl.u32 s1, $0x2  }
0xba: {  	s3 =	sand.u32 $0x4000, s31;
	s1 =	sadd.s32 s1, s30  }
0xbb: {  	s0 =	sor.u32 s3, s0;
	s1 =	sshll.u32 s1, $0x11  }
0xbc: {  	s0 =	sor.u32 s1, s0  }
0xbd: {  	s0 =	sadd.s32 $0x8F2B, s0  }
0xbe: {  	[sflag:s0] =	ssyncadd.remote.s32 $0x1  }
0xbf: {  	_ =	sfence.sel $0xFFFF  }
0xc0: {  	[dreg:$0x0] =	wrdreg $0xFFFFFFFF;
	(pc) =	sbr.abs _section_cstart, $3  }
0xc1: {  	[dreg:$0x1] =	wrdreg $0xFFFFFFFF  }
0xc2: {  	_ =	task.clear_ibuf [dreg:s7], $0x2FFFF;
	_ =	strace $0x9FFFFFFF  }
0xc3: {  	(tm) =	ssettm $0x7FFFFFFF  }
tec
execute0_lowered:
.L_overlay_start_1:
0x0: {  	(tag) =	ssettag $0x1  }
0x1: {  	s12 =	rddreg [dreg:$0x0]  }
0x2: {  	s0 =	rddreg [dreg:$0x1]  }
0x3: {  	s11 =	stileid.u32;
	s1 =	srdreg.scid  }
0x4: {  	s3 =	rddreg [dreg:$0x2];
	s15 =	simm.s32 $0x0;
	s19 =	simm.s32 $0x6  }
0x5: {  	s18 =	simm.s32 $0x800;
	s28 =	simm.s32 $0x1;
	s16 =	simm.s32 $0x3  }
0x6: {  	s17 =	simm.s32 $0x5;
	s30 =	simm.s32 $0x500;
	s31 =	simm.s32 $0xD00  }
0x7: {  	s20 =	simm.s32 $0x700;
	s21 =	simm.s32 $0xF00;
	s29 =	simm.s32 $0xF80  }
0x8: {  	s2 =	smul.u32 $0x14000, s11;
	s1 =	sand.u32 $0x1, s1;
	[smem:$0x7FF] =	sst s15  }
0x9: {  	s13 =	sadd.s32 $0xBE00, s0;
	s6 =	sadd.s32 $0x15E00, s0;
	s7 =	smul.u32 $0x50000, s11  }
0xa: {  	s8 =	sshll.u32 s11, $0x4;
	s4 =	smul.u32 $0x140000, s1;
	_ =	strace $0x8000004D  }
0xb: {  	s5 =	ssub.s32 $0x2, s1;
	p0 =	seq.s32 s1, $0x0;
	s10 =	sor.u32 $0x900, s8  }
0xc: {  	[dreg:$0x4] =	wrdreg s13;
	s9 =	sshrl.u32 s5, $0x1;
	s7 =	sshrl.u32 s7, $0x2  }
0xd: {  	s4 =	sadd.s32 s2, s4;
	s2 =	sshrl.u32 s2, $0x3;
	s5 =	ssub.s32 s5, s9  }
0xe: {  	s22 =	sadd.s32 s7, s3;
	s4 =	sshrl.u32 s4, $0x3;
	s2 =	sadd.s32 s2, s0  }
0xf: {  	s25 =	smax.u32 s5, $0x1;
	s5 =	simm.s32 $0xE00;
	s0 =	sadd.s32 s4, s0  }
0x10: {  	s4 =	smul.u32 $0x90, s11;
	s2 =	sadd.s32 $0x3DE00, s2;
	[dreg:$0xc] =	wrdreg s25  }
0x11: {  	s11 =	sshll.u32 s11, $0x6;
	[dreg:$0x5] =	wrdreg s2;
	s0 =	sadd.s32 $0x65E00, s0  }
0x12: {  	s25 =	simm.s32 $0x80;
	s11 =	sor.u32 $0x1C06, s11;
	[dreg:$0xb] =	wrdreg s0  }
0x13: {  	s10 =	smov.u32 @p0 s4;
	s0 =	simm.s32 $0x0;
	[dreg:$0x6] =	wrdreg s11  }
0x14: {  	s7 =	sshll.u32 s10, $0x4;
	s26 =	sadd.s32 $0x18, s10;
	s10 =	sshrl.u32 s22, $0x3  }
0x15: {  	s22 =	simm.s32 $0x780;
	s23 =	sor.u32 $0x80, s7;
	[dreg:$0xd] =	wrdreg s26  }
0x16: {  	s14 =	sadd.s32 s12, s7;
	s24 =	sadd.s32 s13, s7;
	[dreg:$0xe] =	wrdreg s10  }
0x17: {  	s26 =	simm.s32 $0x1000;
	[dreg:$0x7] =	wrdreg s14;
	s12 =	sadd.s32 s12, s23  }
0x18: {  	[dreg:$0x9] =	wrdreg s24;
	s2 =	sadd.s32 s13, s23;
	s14 =	sadd.s32 $0x910, s8  }
0x19: {  	s23 =	simm.s32 $0x2;
	s24 =	simm.s32 $0x4;
	[dreg:$0x8] =	wrdreg s12  }
0x1a: {  	s8 =	simm.s32 $0x680;
	[dreg:$0xa] =	wrdreg s2;
	s2 =	sadd.s32 $0x90, s4  }
0x1b: {  	s4 =	simm.s32 $0x400;
	s12 =	simm.s32 $0xC00;
	s14 =	smov.u32 @p0 s2  }
0x1c: {  	p0 =	sne.s32 s1, $0x0;
	s2 =	simm.s32 $0x580;
	s1 =	simm.s32 $0x600  }
.LBB2_1:
0x1d: {  	[dreg:$0xf] =	wrdreg s0  }
0x1e: {  	s9 =	rddreg [dreg:$0x5]  }
0x1f: {  	[spmem:s10], [sflag:s11] =	dma.local [hbm:s9], $0x2800  }
0x20: {  	_ =	swait.ge [sflag:s19], $0x2800  }
0x21: {  	[sflag:s19] =	ssyncset.done $0x0  }
0x22: {  	s0 =	rddreg [dreg:$0x7];
	[sflag:s19] =	ssyncadd.s32 $0xFFFFD800  }
0x23: {  	[tilespmem:s15], [sflag:$0x2] =	stream.linear.gather [hbm4b:s0+s15], $0x400, $0x38;
	[tilespmem:$0x19000] =	vst v63  }
0x24: {  	s10 =	rddreg [dreg:$0x8]  }
0x25: {  	[tilespmem:s4], [sflag:$0x3] =	stream.linear.gather [hbm4b:s10+s15], $0x400, $0x38;
	[tilespmem:$0x19000] =	vst v63  }
0x26: {  	s11 =	rddreg [dreg:$0x9]  }
0x27: {  	[tilespmem:s18], [sflag:$0x4] =	stream.linear.gather [hbm4b:s11+s15], $0x400, $0x38;
	[tilespmem:$0x19000] =	vst v63  }
0x28: {  	s13 =	rddreg [dreg:$0xa]  }
0x29: {  	[tilespmem:s12], [sflag:$0x5] =	stream.linear.gather [hbm4b:s13+s15], $0x400, $0x38;
	[tilespmem:$0x19000] =	vst v63  }
0x2a: {  	[bflag:$0x0] =	sbarrier.arrive $0xFFFF  }
0x2b: {  	s10 =	rddreg [dreg:$0xd]  }
0x2c: {  	s0 =	simm.s32 $0xD80;
	s11 =	rddreg [dreg:$0x4]  }
0x2d: {  	s4 =	simm.s32 $0xE80;
	s13 =	simm.s32 $0x0;
	s12 =	rddreg [dreg:$0x0]  }
.LBB2_2:
0x2e: {  	_ =	swait.ge [sflag:s23], $0x400  }
0x2f: {  	[sflag:s23] =	ssyncset.done $0x0  }
0x30: {  	[sflag:s23] =	ssyncadd.s32 $0xFFFFFC00  }
0x31: {  	_ =	swait.ge [sflag:s24], $0x400  }
0x32: {  	[sflag:s24] =	ssyncset.done $0x0  }
0x33: {  	[sflag:s24] =	ssyncadd.s32 $0xFFFFFC00  }
0x34: {  	[tilespmem:s26], [sflag:$0x1] =	stream.indirect.gather [hbm4b:s6+s25], $0x80, s15, s25, $0xb8;
	[tilespmem:$0x19000] =	vst v63  }
0x35: {  	_ =	swait.ge [sflag:s28], $0x4000  }
0x36: {  	[sflag:s28] =	ssyncset.done $0x0  }
0x37: {  	[sflag:s28] =	ssyncadd.s32 $0xFFFFC000  }
0x38: {  	[spmem:s3] =	stream.indirect.scatter.add.f32 [tilespmem:s26], [sflag:$0x6], $0x80, s18, s25, $0xb8;
	[tilespmem:$0x19000] =	vst v63  }
0x39: {  	_ =	swait.ge [sflag:s19], $0x4000  }
0x3a: {  	[sflag:s19] =	ssyncset.done $0x0  }
0x3b: {  	[sflag:s19] =	ssyncadd.s32 $0xFFFFC000  }
0x3c: {  	[tilespmem:s26], [sflag:$0x1] =	stream.indirect.gather [hbm4b:s6+s25], $0x80, s25, s25, $0xb8;
	[tilespmem:$0x19000] =	vst v63  }
0x3d: {  	_ =	swait.ge [sflag:s28], $0x4000  }
0x3e: {  	[sflag:s28] =	ssyncset.done $0x0  }
0x3f: {  	s9 =	simm.s32 $0x880;
	[sflag:s28] =	ssyncadd.s32 $0xFFFFC000  }
0x40: {  	[spmem:s3] =	stream.indirect.scatter.add.f32 [tilespmem:s26], [sflag:$0x6], $0x80, s9, s25, $0xb8;
	[tilespmem:$0x19000] =	vst v63  }
0x41: {  	_ =	swait.ge [sflag:s19], $0x4000  }
0x42: {  	[sflag:s19] =	ssyncset.done $0x0  }
0x43: {  	s15 =	simm.s32 $0x100;
	[sflag:s19] =	ssyncadd.s32 $0xFFFFC000  }
0x44: {  	[tilespmem:s26], [sflag:$0x1] =	stream.indirect.gather [hbm4b:s6+s25], $0x80, s15, s25, $0xb8;
	[tilespmem:$0x19000] =	vst v63  }
0x45: {  	_ =	swait.ge [sflag:s28], $0x4000  }
0x46: {  	[sflag:s28] =	ssyncset.done $0x0  }
0x47: {  	s18 =	simm.s32 $0x900;
	[sflag:s28] =	ssyncadd.s32 $0xFFFFC000  }
0x48: {  	[spmem:s3] =	stream.indirect.scatter.add.f32 [tilespmem:s26], [sflag:$0x6], $0x80, s18, s25, $0xb8;
	[tilespmem:$0x19000] =	vst v63  }
0x49: {  	_ =	swait.ge [sflag:s19], $0x4000  }
0x4a: {  	[sflag:s19] =	ssyncset.done $0x0  }
0x4b: {  	s15 =	simm.s32 $0x180;
	[sflag:s19] =	ssyncadd.s32 $0xFFFFC000  }
0x4c: {  	[tilespmem:s26], [sflag:$0x1] =	stream.indirect.gather [hbm4b:s6+s25], $0x80, s15, s25, $0xb8;
	[tilespmem:$0x19000] =	vst v63  }
0x4d: {  	_ =	swait.ge [sflag:s28], $0x4000  }
0x4e: {  	[sflag:s28] =	ssyncset.done $0x0  }
0x4f: {  	s18 =	simm.s32 $0x980;
	[sflag:s28] =	ssyncadd.s32 $0xFFFFC000  }
0x50: {  	[spmem:s3] =	stream.indirect.scatter.add.f32 [tilespmem:s26], [sflag:$0x6], $0x80, s18, s25, $0xb8;
	[tilespmem:$0x19000] =	vst v63  }
0x51: {  	_ =	swait.ge [sflag:s19], $0x4000  }
0x52: {  	[sflag:s19] =	ssyncset.done $0x0  }
0x53: {  	s15 =	simm.s32 $0x200;
	[sflag:s19] =	ssyncadd.s32 $0xFFFFC000  }
0x54: {  	[tilespmem:s26], [sflag:$0x1] =	stream.indirect.gather [hbm4b:s6+s25], $0x80, s15, s25, $0xb8;
	[tilespmem:$0x19000] =	vst v63  }
0x55: {  	_ =	swait.ge [sflag:s28], $0x4000  }
0x56: {  	[sflag:s28] =	ssyncset.done $0x0  }
0x57: {  	s18 =	simm.s32 $0xA00;
	[sflag:s28] =	ssyncadd.s32 $0xFFFFC000  }
0x58: {  	[spmem:s3] =	stream.indirect.scatter.add.f32 [tilespmem:s26], [sflag:$0x6], $0x80, s18, s25, $0xb8;
	[tilespmem:$0x19000] =	vst v63  }
0x59: {  	_ =	swait.ge [sflag:s19], $0x4000  }
0x5a: {  	[sflag:s19] =	ssyncset.done $0x0  }
0x5b: {  	s15 =	simm.s32 $0x280;
	[sflag:s19] =	ssyncadd.s32 $0xFFFFC000  }
0x5c: {  	[tilespmem:s26], [sflag:$0x1] =	stream.indirect.gather [hbm4b:s6+s25], $0x80, s15, s25, $0xb8;
	[tilespmem:$0x19000] =	vst v63  }
0x5d: {  	_ =	swait.ge [sflag:s28], $0x4000  }
0x5e: {  	[sflag:s28] =	ssyncset.done $0x0  }
0x5f: {  	s18 =	simm.s32 $0xA80;
	[sflag:s28] =	ssyncadd.s32 $0xFFFFC000  }
0x60: {  	[spmem:s3] =	stream.indirect.scatter.add.f32 [tilespmem:s26], [sflag:$0x6], $0x80, s18, s25, $0xb8;
	[tilespmem:$0x19000] =	vst v63  }
0x61: {  	_ =	swait.ge [sflag:s19], $0x4000  }
0x62: {  	[sflag:s19] =	ssyncset.done $0x0  }
0x63: {  	s15 =	simm.s32 $0x300;
	[sflag:s19] =	ssyncadd.s32 $0xFFFFC000  }
0x64: {  	[tilespmem:s26], [sflag:$0x1] =	stream.indirect.gather [hbm4b:s6+s25], $0x80, s15, s25, $0xb8;
	[tilespmem:$0x19000] =	vst v63  }
0x65: {  	_ =	swait.ge [sflag:s28], $0x4000  }
0x66: {  	[sflag:s28] =	ssyncset.done $0x0  }
0x67: {  	s18 =	simm.s32 $0xB00;
	[sflag:s28] =	ssyncadd.s32 $0xFFFFC000  }
0x68: {  	[spmem:s3] =	stream.indirect.scatter.add.f32 [tilespmem:s26], [sflag:$0x6], $0x80, s18, s25, $0xb8;
	[tilespmem:$0x19000] =	vst v63  }
0x69: {  	_ =	swait.ge [sflag:s19], $0x4000  }
0x6a: {  	[sflag:s19] =	ssyncset.done $0x0  }
0x6b: {  	s15 =	simm.s32 $0x380;
	[sflag:s19] =	ssyncadd.s32 $0xFFFFC000  }
0x6c: {  	[tilespmem:s26], [sflag:$0x1] =	stream.indirect.gather [hbm4b:s6+s25], $0x80, s15, s25, $0xb8;
	[tilespmem:$0x19000] =	vst v63  }
0x6d: {  	_ =	swait.ge [sflag:s28], $0x4000  }
0x6e: {  	[sflag:s28] =	ssyncset.done $0x0  }
0x6f: {  	s18 =	simm.s32 $0xB80;
	s15 =	sadd.s32 $0xFFFFFFF8, s10;
	[sflag:s28] =	ssyncadd.s32 $0xFFFFC000  }
0x70: {  	[spmem:s3] =	stream.indirect.scatter.add.f32 [tilespmem:s26], [sflag:$0x6], $0x80, s18, s25, $0xb8;
	[tilespmem:$0x19000] =	vst v63  }
0x71: {  	p1 =	sge.u32 s15, s14;
	_ =	swait.ge [sflag:s19], $0x4000  }
0x72: {  	s15 =	sadd.s32 @!p1 s12, s7;
	[sflag:s19] =	ssyncset.done $0x0  }
0x73: {  	s9 =	simm.s32 @!p1 $0x0;
	s15 =	sadd.s32 @!p1 $0x100, s15;
	[sflag:s19] =	ssyncadd.s32 $0xFFFFC000  }
0x74: {  	[tilespmem:s9], [sflag:$0x2] =	stream.linear.gather @!p1 [hbm4b:s15+s9], $0x400, $0x38;
	[tilespmem:$0x19000] =	vst v63  }
0x75: {  	s15 =	sadd.s32 @!p1 s11, s7  }
0x76: {  	s18 =	simm.s32 @!p1 $0x800;
	s15 =	sadd.s32 @!p1 $0x100, s15  }
0x77: {  	[tilespmem:s18], [sflag:$0x4] =	stream.linear.gather @!p1 [hbm4b:s15+s9], $0x400, $0x38;
	[tilespmem:$0x19000] =	vst v63  }
0x78: {  	_ =	swait.ge [sflag:s16], $0x400  }
0x79: {  	[sflag:s16] =	ssyncset.done $0x0  }
0x7a: {  	[sflag:s16] =	ssyncadd.s32 $0xFFFFFC00  }
0x7b: {  	_ =	swait.ge [sflag:s17], $0x400  }
0x7c: {  	[sflag:s17] =	ssyncset.done $0x0  }
0x7d: {  	s15 =	simm.s32 $0x400;
	[sflag:s17] =	ssyncadd.s32 $0xFFFFFC00  }
0x7e: {  	[tilespmem:s26], [sflag:$0x1] =	stream.indirect.gather [hbm4b:s6+s25], $0x80, s15, s25, $0xb8;
	[tilespmem:$0x19000] =	vst v63  }
0x7f: {  	_ =	swait.ge [sflag:s28], $0x4000  }
0x80: {  	[sflag:s28] =	ssyncset.done $0x0  }
0x81: {  	s18 =	simm.s32 $0xC00;
	[sflag:s28] =	ssyncadd.s32 $0xFFFFC000  }
0x82: {  	[spmem:s3] =	stream.indirect.scatter.add.f32 [tilespmem:s26], [sflag:$0x6], $0x80, s18, s25, $0xb8;
	[tilespmem:$0x19000] =	vst v63  }
0x83: {  	_ =	swait.ge [sflag:s19], $0x4000  }
0x84: {  	[sflag:s19] =	ssyncset.done $0x0  }
0x85: {  	s15 =	simm.s32 $0x480;
	[sflag:s19] =	ssyncadd.s32 $0xFFFFC000  }
0x86: {  	[tilespmem:s26], [sflag:$0x1] =	stream.indirect.gather [hbm4b:s6+s25], $0x80, s15, s25, $0xb8;
	[tilespmem:$0x19000] =	vst v63  }
0x87: {  	_ =	swait.ge [sflag:s28], $0x4000  }
0x88: {  	[sflag:s28] =	ssyncset.done $0x0  }
0x89: {  	s18 =	simm.s32 $0xC80;
	[sflag:s28] =	ssyncadd.s32 $0xFFFFC000  }
0x8a: {  	[spmem:s3] =	stream.indirect.scatter.add.f32 [tilespmem:s26], [sflag:$0x6], $0x80, s18, s25, $0xb8;
	[tilespmem:$0x19000] =	vst v63  }
0x8b: {  	_ =	swait.ge [sflag:s19], $0x4000  }
0x8c: {  	[sflag:s19] =	ssyncset.done $0x0  }
0x8d: {  	[sflag:s19] =	ssyncadd.s32 $0xFFFFC000  }
0x8e: {  	[tilespmem:s26], [sflag:$0x1] =	stream.indirect.gather [hbm4b:s6+s25], $0x80, s30, s25, $0xb8;
	[tilespmem:$0x19000] =	vst v63  }
0x8f: {  	_ =	swait.ge [sflag:s28], $0x4000  }
0x90: {  	[sflag:s28] =	ssyncset.done $0x0  }
0x91: {  	[sflag:s28] =	ssyncadd.s32 $0xFFFFC000  }
0x92: {  	[spmem:s3] =	stream.indirect.scatter.add.f32 [tilespmem:s26], [sflag:$0x6], $0x80, s31, s25, $0xb8;
	[tilespmem:$0x19000] =	vst v63  }
0x93: {  	_ =	swait.ge [sflag:s19], $0x4000  }
0x94: {  	[sflag:s19] =	ssyncset.done $0x0  }
0x95: {  	[sflag:s19] =	ssyncadd.s32 $0xFFFFC000  }
0x96: {  	[tilespmem:s26], [sflag:$0x1] =	stream.indirect.gather [hbm4b:s6+s25], $0x80, s2, s25, $0xb8;
	[tilespmem:$0x19000] =	vst v63  }
0x97: {  	_ =	swait.ge [sflag:s28], $0x4000  }
0x98: {  	[sflag:s28] =	ssyncset.done $0x0  }
0x99: {  	[sflag:s28] =	ssyncadd.s32 $0xFFFFC000  }
0x9a: {  	[spmem:s3] =	stream.indirect.scatter.add.f32 [tilespmem:s26], [sflag:$0x6], $0x80, s0, s25, $0xb8;
	[tilespmem:$0x19000] =	vst v63  }
0x9b: {  	_ =	swait.ge [sflag:s19], $0x4000  }
0x9c: {  	[sflag:s19] =	ssyncset.done $0x0  }
0x9d: {  	[sflag:s19] =	ssyncadd.s32 $0xFFFFC000  }
0x9e: {  	[tilespmem:s26], [sflag:$0x1] =	stream.indirect.gather [hbm4b:s6+s25], $0x80, s1, s25, $0xb8;
	[tilespmem:$0x19000] =	vst v63  }
0x9f: {  	_ =	swait.ge [sflag:s28], $0x4000  }
0xa0: {  	[sflag:s28] =	ssyncset.done $0x0  }
0xa1: {  	[sflag:s28] =	ssyncadd.s32 $0xFFFFC000  }
0xa2: {  	[spmem:s3] =	stream.indirect.scatter.add.f32 [tilespmem:s26], [sflag:$0x6], $0x80, s5, s25, $0xb8;
	[tilespmem:$0x19000] =	vst v63  }
0xa3: {  	_ =	swait.ge [sflag:s19], $0x4000  }
0xa4: {  	[sflag:s19] =	ssyncset.done $0x0  }
0xa5: {  	[sflag:s19] =	ssyncadd.s32 $0xFFFFC000  }
0xa6: {  	[tilespmem:s26], [sflag:$0x1] =	stream.indirect.gather [hbm4b:s6+s25], $0x80, s8, s25, $0xb8;
	[tilespmem:$0x19000] =	vst v63  }
0xa7: {  	_ =	swait.ge [sflag:s28], $0x4000  }
0xa8: {  	[sflag:s28] =	ssyncset.done $0x0  }
0xa9: {  	[sflag:s28] =	ssyncadd.s32 $0xFFFFC000  }
0xaa: {  	[spmem:s3] =	stream.indirect.scatter.add.f32 [tilespmem:s26], [sflag:$0x6], $0x80, s4, s25, $0xb8;
	[tilespmem:$0x19000] =	vst v63  }
0xab: {  	_ =	swait.ge [sflag:s19], $0x4000  }
0xac: {  	[sflag:s19] =	ssyncset.done $0x0  }
0xad: {  	[sflag:s19] =	ssyncadd.s32 $0xFFFFC000  }
0xae: {  	[tilespmem:s26], [sflag:$0x1] =	stream.indirect.gather [hbm4b:s6+s25], $0x80, s20, s25, $0xb8;
	[tilespmem:$0x19000] =	vst v63  }
0xaf: {  	_ =	swait.ge [sflag:s28], $0x4000  }
0xb0: {  	[sflag:s28] =	ssyncset.done $0x0  }
0xb1: {  	[sflag:s28] =	ssyncadd.s32 $0xFFFFC000  }
0xb2: {  	[spmem:s3] =	stream.indirect.scatter.add.f32 [tilespmem:s26], [sflag:$0x6], $0x80, s21, s25, $0xb8;
	[tilespmem:$0x19000] =	vst v63  }
0xb3: {  	_ =	swait.ge [sflag:s19], $0x4000  }
0xb4: {  	[sflag:s19] =	ssyncset.done $0x0  }
0xb5: {  	[sflag:s19] =	ssyncadd.s32 $0xFFFFC000  }
0xb6: {  	[tilespmem:s26], [sflag:$0x1] =	stream.indirect.gather [hbm4b:s6+s25], $0x80, s22, s25, $0xb8;
	[tilespmem:$0x19000] =	vst v63  }
0xb7: {  	_ =	swait.ge [sflag:s28], $0x4000  }
0xb8: {  	[sflag:s28] =	ssyncset.done $0x0  }
0xb9: {  	p1 =	sge.u32 s10, s14;
	[sflag:s28] =	ssyncadd.s32 $0xFFFFC000  }
0xba: {  	[spmem:s3] =	stream.indirect.scatter.add.f32 [tilespmem:s26], [sflag:$0x6], $0x80, s29, s25, $0xb8;
	[tilespmem:$0x19000] =	vst v63  }
0xbb: {  	s9 =	sadd.s32 @!p1 s12, s7;
	_ =	swait.ge [sflag:s19], $0x4000  }
0xbc: {  	s9 =	sadd.s32 @!p1 $0x180, s9;
	[sflag:s19] =	ssyncset.done $0x0  }
0xbd: {  	s15 =	simm.s32 @!p1 $0x0;
	s18 =	simm.s32 @!p1 $0x400;
	[sflag:s19] =	ssyncadd.s32 $0xFFFFC000  }
0xbe: {  	[tilespmem:s18], [sflag:$0x3] =	stream.linear.gather @!p1 [hbm4b:s9+s15], $0x400, $0x38;
	[tilespmem:$0x19000] =	vst v63  }
0xbf: {  	s9 =	sadd.s32 @!p1 s11, s7  }
0xc0: {  	s18 =	simm.s32 @!p1 $0xC00;
	s9 =	sadd.s32 @!p1 $0x180, s9  }
0xc1: {  	[tilespmem:s18], [sflag:$0x5] =	stream.linear.gather @!p1 [hbm4b:s9+s15], $0x400, $0x38;
	[tilespmem:$0x19000] =	vst v63  }
0xc2: {  	p1 =	slt.u32 @!p0 s13, $0x8  }
0xc3: {  	p1 =	por p0, !p1  }
.Ltmp0:
0xc4: {  	_ = 	snop;
	(pc) =	sbr.rel @!p1 .LBB2_2-.Ltmp0, $3  }
0xc5: {  	_ =	sdelay $0x1  }
0xc6: {  	s10 =	sadd.s32 $0x10, s10;
	s12 =	sadd.s32 $0x100, s12;
	s11 =	sadd.s32 $0x100, s11  }
0xc7: {  	s18 =	simm.s32 $0x800;
	s15 =	simm.s32 $0x0;
	s13 =	sadd.s32 $0x1, s13  }
0xc8: {  	[bflag:$0x0] =	sbarrier.arrive $0xFFFF  }
0xc9: {  	s11 =	rddreg [dreg:$0x6]  }
0xca: {  	s9 =	rddreg [dreg:$0xb]  }
0xcb: {  	s10 =	rddreg [dreg:$0xe]  }
0xcc: {  	[hbm:s9], [sflag:s11] =	dma.local [spmem:s10], $0x2800  }
0xcd: {  	_ =	swait.ge [sflag:s19], $0x2800  }
0xce: {  	s0 =	rddreg [dreg:$0xf]  }
0xcf: {  	s13 =	rddreg [dreg:$0xc];
	s0 =	sadd.s32 $0x1, s0  }
0xd0: {  	p1 =	sne.s32 s0, s13  }
.Ltmp1:
0xd1: {  	_ = 	snop;
	(pc) =	sbr.rel @p1 .LBB2_1-.Ltmp1, $3  }
0xd2: {  	_ =	sdelay $0x1  }
0xd3: {  	[sflag:s19] =	ssyncset.done $0x0  }
0xd4: {  	s4 =	simm.s32 $0x400;
	s12 =	simm.s32 $0xC00;
	[sflag:s19] =	ssyncadd.s32 $0xFFFFD800  }
0xd5: {  	_ =	sfence.sel $0x180000  }
0xd6: {  	[bflag:$0x0] =	sbarrier.arrive $0xFFFF  }
0xd7: {  	_ =	strace $0x9000004D  }
0xd8: {  	s0 =	stileid.u32;
	[bflag:$0x2] =	sbarrier.arrive $0xFFFF  }
0xd9: {  	p0 =	sne.s32 s0, $0x0;
	s0 =	rddreg [dreg:$0x3]  }
0xda: {  	s0 =	sadd.s32 @!p0 $0x100000, s0  }
0xdb: {  	[sflag:s0] =	ssyncadd.tile.s32 @!p0 $0x1;
	_ =	shalt  }
.Lfunc_end2:
_tile_overlayer_lowered:
.L_overlay_start_2:
0xdc: {  	(tag) =	ssettag $0x2  }
0xdd: {  	s0 =	rddreg [dreg:$0x0];
	s2 =	stileid.u32  }
0xde: {  	s1 =	rddreg [dreg:$0x1];
	p0 =	sne.s32 s2, $0x0  }
0xdf: {  	s3 =	rddreg [dreg:$0x2];
	[bflag:$0x3] =	sbarrier.arrive $0xFFFF;
	s2 =	simm.s32 @!p0 $0x1C06  }
0xe0: {  	[timem:s3], [sflag:s2] =	dma.local @!p0 [hbm:s0], s1  }
0xe1: {  	s0 =	simm.s32 @!p0 $0x6  }
0xe2: {  	_ =	swait.ge @!p0 [sflag:s0], s1  }
0xe3: {  	s1 =	ssub.s32 @!p0 $0x0, s1;
	[sflag:s0] =	ssyncset.done @!p0 $0x0  }
0xe4: {  	[sflag:s0] =	ssyncadd.s32 @!p0 s1  }
0xe5: {  	[bflag:$0x3] =	sbarrier.arrive $0xFFFF  }
0xe6: {  	_ =	shalt  }

// kernel: kernel.8.cloned.1.call-start
scs
__scs_entry_jumppad:
0x0: {  	(pc) =	sbr.rel $0x88, $3  }
0x1: {  	(tag) =	ssettag $0x0;
	lr =	simm.s32 $0x1  }
0x2: {  	[smem:$0x3F9B] =	sst lr;
	_ =	strace $0xD0000000  }
0x3: {  	_ = 	snop  }
0x4: {  	_ = 	snop  }
0x5: {  	_ = 	snop  }
0x6: {  	_ = 	snop  }
0x7: {  	_ = 	snop  }
__scs_overlays_trampoline_lowered:
0x8: {  	[smem:$0x3FAA] =	sst s0  }
0x9: {  	[smem:$0x3FAB] =	sst s1  }
0xa: {  	[smem:$0x3FAC] =	sst s2  }
0xb: {  	[smem:$0x3FAD] =	sst s3  }
0xc: {  	[smem:$0x3FAE] =	sst s4  }
0xd: {  	[smem:$0x3FAF] =	sst s5  }
0xe: {  	[smem:$0x3FB0] =	sst s6  }
0xf: {  	[smem:$0x3FB1] =	sst s7  }
0x10: {  	[smem:$0x3FB2] =	sst s8  }
0x11: {  	[smem:$0x3FB3] =	sst s9;
	s0 =	simm.s32 @!p0 $0x0  }
0x12: {  	s1 =	sld [smem:$0x3F99];
	s0 =	simm.s32 @p0 $0x1  }
0x13: {  	[smem:$0x3FB4] =	sst s0;
	s0 =	simm.s32 @!p1 $0x0  }
0x14: {  	s2 =	sld [smem:$0x3F98];
	s0 =	simm.s32 @p1 $0x1  }
0x15: {  	[smem:$0x3FB5] =	sst s0;
	s0 =	simm.s32 @!p2 $0x0  }
0x16: {  	s3 =	sld [smem:$0x3FDB];
	s0 =	simm.s32 @p2 $0x1  }
0x17: {  	s4 =	simm.s32 $0x1BF5;
	[smem:$0x3FB7] =	sst s0  }
0x18: {  	s0 =	sld [smem:$0x3F9A];
	_ =	swait.ge [sflag:s4], $0x0  }
0x19: {  	s7 =	sld [smem:$0x3F9B]  }
0x1a: {  	s8 =	sadd.s32 $0xFFFFE003, lr  }
0x1b: {  	s9 =	sadd.s32 $0xFFFFFEF7, lr;
	s5 =	simm.s32 $0xFFFFFFFF;
	p2 =	slt.u32 s8, $0xFFFFF086  }
0x1c: {  	p1 =	slt.u32 s9, $0xF7A;
	s5 =	simm.s32 @!p2 $0x0  }
0x1d: {  	s5 =	simm.s32 @p1 $0x1;
	p0 =	seq.s32 s7, s2  }
0x1e: {  	s7 =	smul.u32 @!p0 $0xF7A, s2;
	p2 =	seq.s32 @!p0 s5, $0x0  }
0x1f: {  	s9 =	smul.u32 $0xF7A, s1;
	s8 =	simm.s32 @!p0 $0x1BF5;
	p2 =	por !p2, p0  }
0x20: {  	[sflag:s8] =	ssyncset.s32 @!p0 $0xFFFFF086;
	s6 =	sadd.s32 @!p0 s3, s7;
	s7 =	simm.s32 @!p0 $0x108  }
0x21: {  	s3 =	sadd.s32 s3, s9;
	s6 =	sadd.s32 @!p0 $0x88, s6;
	s7 =	simm.s32 @p2 $0x1082  }
0x22: {  	[simem:s7], [sflag:s8] =	dma.local @!p0 [hbm:s6], $0xF7A  }
0x23: {  	s9 =	sor.u32 $0xD0000000, s2;
	s6 =	simm.s32 $0x108;
	_ =	swait.ge @!p0 [sflag:s8], $0x0  }
0x24: {  	s3 =	sadd.s32 $0x88, s3;
	s6 =	simm.s32 @!p1 $0x1082;
	[sflag:s4] =	ssyncset.s32 $0xFFFFF086  }
0x25: {  	[simem:s6], [sflag:s4] =	dma.local [hbm:s3], $0xF7A  }
0x26: {  	[smem:$0x3F9B] =	sst s1;
	(tag) =	ssettag s2;
	_ =	strace s9  }
0x27: {  	s1 =	sld [smem:$0x3FAB]  }
0x28: {  	s2 =	sld [smem:$0x3FAC]  }
0x29: {  	s4 =	sld [smem:$0x3FAE]  }
0x2a: {  	p0 =	seq.s32 s5, $0x0;
	s5 =	sld [smem:$0x3FAF]  }
0x2b: {  	s6 =	sld [smem:$0x3FB0]  }
0x2c: {  	s7 =	sld [smem:$0x3FB1]  }
0x2d: {  	s3 =	simm.s32 $0x108;
	s8 =	sld [smem:$0x3FB2]  }
0x2e: {  	s3 =	simm.s32 @!p0 $0x1082;
	s9 =	sld [smem:$0x3FB3]  }
0x2f: {  	lr =	sadd.s32 s0, s3;
	s0 =	sld [smem:$0x3FAA]  }
0x30: {  	s3 =	sld [smem:$0x3FAD]  }
0x31: {  	[smem:$0x3FB6] =	sst s10  }
0x32: {  	s10 =	sld [smem:$0x3FB4];
	_ =	sdelay $0x3  }
0x33: {  	p0 =	seq.s32 s10, $0x1;
	s10 =	sld [smem:$0x3FB6];
	_ =	sdelay $0x3  }
0x34: {  	[smem:$0x3FB6] =	sst s10  }
0x35: {  	s10 =	sld [smem:$0x3FB5];
	_ =	sdelay $0x3  }
0x36: {  	p1 =	seq.s32 s10, $0x1;
	s10 =	sld [smem:$0x3FB6];
	_ =	sdelay $0x3  }
0x37: {  	[smem:$0x3FB6] =	sst s10  }
0x38: {  	s10 =	sld [smem:$0x3FB7]  }
0x39: {  	_ = 	snop;
	(pc) =	sbr.ind lr, $3  }
0x3a: {  	_ = 	snop  }
0x3b: {  	_ = 	snop  }
0x3c: {  	p2 =	seq.s32 s10, $0x1;
	s10 =	sld [smem:$0x3FB6]  }
0x3d: {  	_ =	shalt  }
0x3e: {  	_ =	shalt  }
0x3f: {  	_ =	shalt  }
0x40: {  	_ =	shalt  }
0x41: {  	_ =	shalt  }
0x42: {  	_ =	shalt  }
0x43: {  	_ =	shalt  }
0x44: {  	_ =	shalt  }
0x45: {  	_ =	shalt  }
0x46: {  	_ =	shalt  }
0x47: {  	_ =	shalt  }
0x48: {  	_ =	shalt  }
0x49: {  	_ =	shalt  }
0x4a: {  	_ =	shalt  }
0x4b: {  	_ =	shalt  }
0x4c: {  	_ =	shalt  }
0x4d: {  	_ =	shalt  }
0x4e: {  	_ =	shalt  }
0x4f: {  	_ =	shalt  }
0x50: {  	_ =	shalt  }
0x51: {  	_ =	shalt  }
0x52: {  	_ =	shalt  }
0x53: {  	_ =	shalt  }
0x54: {  	_ =	shalt  }
0x55: {  	_ =	shalt  }
0x56: {  	_ =	shalt  }
0x57: {  	_ =	shalt  }
0x58: {  	_ =	shalt  }
0x59: {  	_ =	shalt  }
0x5a: {  	_ =	shalt  }
0x5b: {  	_ =	shalt  }
0x5c: {  	_ =	shalt  }
0x5d: {  	_ =	shalt  }
0x5e: {  	_ =	shalt  }
0x5f: {  	_ =	shalt  }
0x60: {  	_ =	shalt  }
0x61: {  	_ =	shalt  }
0x62: {  	_ =	shalt  }
0x63: {  	_ =	shalt  }
0x64: {  	_ =	shalt  }
0x65: {  	_ =	shalt  }
0x66: {  	_ =	shalt  }
0x67: {  	_ =	shalt  }
0x68: {  	_ =	shalt  }
0x69: {  	_ =	shalt  }
0x6a: {  	_ =	shalt  }
0x6b: {  	_ =	shalt  }
0x6c: {  	_ =	shalt  }
0x6d: {  	_ =	shalt  }
0x6e: {  	_ =	shalt  }
0x6f: {  	_ =	shalt  }
0x70: {  	_ =	shalt  }
0x71: {  	_ =	shalt  }
0x72: {  	_ =	shalt  }
0x73: {  	_ =	shalt  }
0x74: {  	_ =	shalt  }
0x75: {  	_ =	shalt  }
0x76: {  	_ =	shalt  }
0x77: {  	_ =	shalt  }
0x78: {  	_ =	shalt  }
0x79: {  	_ =	shalt  }
0x7a: {  	_ =	shalt  }
0x7b: {  	_ =	shalt  }
0x7c: {  	_ =	shalt  }
0x7d: {  	_ =	shalt  }
0x7e: {  	_ =	shalt  }
0x7f: {  	_ =	shalt  }
0x80: {  	_ =	shalt  }
0x81: {  	_ =	shalt  }
0x82: {  	_ =	shalt  }
0x83: {  	_ =	shalt  }
0x84: {  	_ =	shalt  }
0x85: {  	_ =	shalt  }
0x86: {  	_ =	shalt  }
0x87: {  	_ =	shalt  }
.Lfunc_end0:
.L_simem_size_0:
called_computation_lowered:
.L_overlay_start_0:
0x88: {  	s2 =	sld [smem:$0x3FD9]  }
0x89: {  	s3 =	sld [smem:$0x3FFE];
	_ =	sdelay $0x1  }
0x8a: {  	s1 =	srdreg.scid  }
0x8b: {  	s0 =	sand.u32 $0x1, s1  }
0x8c: {  	s16 =	sshll.u32 s0, $0xA;
	s2 =	sadd.s32 s3, s2  }
0x8d: {  	s2 =	sadd.s32 s2, s16  }
0x8e: {  	[smem:$0x3FC2] =	sst s2  }
0x8f: {  	_ = 	snop  }
0x90: {  	(tm) =	ssettm $0x1  }
0x91: {  	s17 =	sld [smem:$0x3FFB];
	_ =	sdelay $0x3  }
0x92: {  	_ =	strace s17  }
0x93: {  	s2 =	sld [smem:$0x3FFC];
	_ =	sdelay $0x3  }
0x94: {  	_ =	strace s2  }
0x95: {  	s2 =	sld [smem:$0x3FFD];
	_ =	sdelay $0x3  }
0x96: {  	_ =	strace s2  }
0x97: {  	_ =	strace $0x8FFFFFFF  }
0x98: {  	s18 =	sld [smem:$0x3FDB];
	_ =	sdelay $0x1  }
0x99: {  	s19 =	simm.s32 $_scs_section_size  }
0x9a: {  	s4 =	simm.s32 $_size__tile_overlayer_lowered;
	s5 =	simm.s32 $_tile_overlayer_lowered  }
0x9b: {  	s22 =	simm.s32 $0x1BFF;
	s21 =	sshll.u32 s5, $0x1;
	s2 =	sadd.s32 s19, s18  }
0x9c: {  	s6 =	simm.s32 $0x0;
	s20 =	sshll.u32 s4, $0x1;
	s4 =	sadd.s32 s21, s2  }
0x9d: {  	[timem:s6], [sflag:s22] =	dma.local [hbm:s4], s20  }
0x9e: {  	_ =	swait.ge [sflag:s22], s20  }
0x9f: {  	s3 =	ssub.s32 $0x0, s20;
	[sflag:s22] =	ssyncset.done $0x0  }
0xa0: {  	[sflag:s22] =	ssyncadd.s32 s3;
	_ =	sdelay $0x1  }
0xa1: {  	s23 =	simm.s32 $0x1B8B  }
0xa2: {  	_ =	swait.ge [sflag:s23], $0x1  }
0xa3: {  	[sflag:s23] =	ssyncset.done $0x0  }
0xa4: {  	s25 =	simm.s32 $0x1B8E;
	s24 =	sld [smem:$0x3FFE];
	[sflag:s23] =	ssyncadd.s32 $0xFFFFFFFF  }
0xa5: {  	s26 =	simm.s32 $execute0_lowered;
	[smem:$0x3FD2] =	sst s25  }
0xa6: {  	s4 =	sshll.u32 s26, $0x1;
	_ =	strace $0x80000046;
	[dreg:$0x1] =	wrdreg $0xFFFFFFFF  }
0xa7: {  	s28 =	simm.s32 $_size_execute0_lowered;
	s2 =	sadd.s32 s2, s4;
	[dreg:$0x0] =	wrdreg $0x0  }
0xa8: {  	s4 =	sshll.u32 s28, $0x1;
	[dreg:$0x2] =	wrdreg s2  }
0xa9: {  	[dreg:$0x3] =	wrdreg s4  }
0xaa: {  	[dreg:$0x4] =	wrdreg $0xC0  }
0xab: {  	_ =	task [dreg:s6], $0x5FFFF  }
0xac: {  	[dreg:$0x1] =	wrdreg $0xFFFFFFFF  }
0xad: {  	[dreg:$0x0] =	wrdreg $0x60  }
0xae: {  	[dreg:$0x2] =	wrdreg s24  }
0xaf: {  	[dreg:$0x3] =	wrdreg $0x28800  }
0xb0: {  	[dreg:$0x4] =	wrdreg $0x9  }
0xb1: {  	_ =	task.clear_ibuf [dreg:s6], $0x5FFFF;
	_ =	strace $0x90000046  }
0xb2: {  	s29 =	simm.s32 $0x9;
	_ =	strace $0x80000048  }
0xb3: {  	_ =	swait.ge [sflag:s29], $0x1  }
0xb4: {  	[sflag:s29] =	ssyncadd.s32 $0xFFFFFFFF  }
0xb5: {  	_ =	strace $0x90000048  }
0xb6: {  	_ =	sfence  }
0xb7: {  	s30 =	sld [smem:$0x0];
	_ =	sdelay $0x2  }
0xb8: {  	s31 =	sshll.u32 s1, $0xD;
	s1 =	sshrl.u32 s1, $0x2  }
0xb9: {  	s3 =	sand.u32 $0x4000, s31;
	s1 =	sadd.s32 s1, s30  }
0xba: {  	s0 =	sor.u32 s3, s0;
	s1 =	sshll.u32 s1, $0x11  }
0xbb: {  	s0 =	sor.u32 s1, s0  }
0xbc: {  	s0 =	sadd.s32 $0x8F2B, s0  }
0xbd: {  	[sflag:s0] =	ssyncadd.remote.s32 $0x1  }
0xbe: {  	_ =	sfence.sel $0xFFFF  }
0xbf: {  	[dreg:$0x0] =	wrdreg $0xFFFFFFFF;
	(pc) =	sbr.abs _section_cstart, $3  }
0xc0: {  	[dreg:$0x1] =	wrdreg $0xFFFFFFFF  }
0xc1: {  	_ =	task.clear_ibuf [dreg:s6], $0x2FFFF;
	_ =	strace $0x9FFFFFFF  }
0xc2: {  	(tm) =	ssettm $0x7FFFFFFF  }
0xc3: {  	_ =	shalt  }
tec
execute0_lowered:
.L_overlay_start_1:
0x0: {  	(tag) =	ssettag $0x1  }
0x1: {  	s1 =	srdreg.scid;
	s5 =	rddreg [dreg:$0x0]  }
0x2: {  	s0 =	stileid.u32;
	s2 =	rddreg [dreg:$0x1];
	s3 =	simm.s32 $0x0  }
0x3: {  	s12 =	simm.s32 $0x1;
	s13 =	simm.s32 $0x20;
	s14 =	simm.s32 $0x10  }
0x4: {  	s15 =	simm.s32 $0x0;
	s4 =	sand.u32 $0x1, s1;
	s7 =	smul.u32 $0x500, s0  }
0x5: {  	s28 =	sshll.u32 s0, $0x1;
	[smem:$0x7FF] =	sst s3;
	s8 =	smul.u32 $0x280, s0  }
0x6: {  	s31 =	sshll.u32 s0, $0x6;
	s1 =	sor.u32 s4, s28;
	s9 =	sshll.u32 s4, $0x7  }
0x7: {  	s4 =	ssub.s32 $0x2, s4;
	s6 =	smul.u32 $0x500, s1;
	s1 =	rddreg [dreg:$0x2]  }
0x8: {  	_ =	strace $0x80000047;
	s7 =	sor.u32 s9, s7;
	s29 =	sshrl.u32 s8, $0x3  }
0x9: {  	s30 =	sshrl.u32 s4, $0x1;
	s11 =	sadd.s32 s8, s2;
	s8 =	simm.s32 $0x80  }
0xa: {  	s7 =	sshrl.u32 s7, $0x3;
	s9 =	sadd.s32 s29, s5;
	s10 =	ssub.s32 s4, s30  }
0xb: {  	s11 =	sshrl.u32 s11, $0x3;
	s6 =	sadd.s32 s6, s5;
	s7 =	sadd.s32 s7, s5  }
0xc: {  	s5 =	sadd.s32 $0x15E00, s9;
	s9 =	simm.s32 $0x2;
	s4 =	sadd.s32 $0x1E00, s6  }
0xd: {  	v0 =	vimm.f32 $1.000000000e+00;
	s6 =	sadd.s32 $0x16400, s7;
	s7 =	smax.u32 s10, $0x1;
	s10 =	sor.u32 $0x1C02, s31  }
.LBB2_1:
0xe: {  	[tilespmem:$0x0] =	vst v0  }
0xf: {  	[tilespmem:$0x10] =	vst v0  }
0x10: {  	[tilespmem:$0x20] =	vst v0  }
0x11: {  	[tilespmem:$0x30] =	vst v0  }
0x12: {  	[tilespmem:$0x40] =	vst v0  }
0x13: {  	[tilespmem:$0x50] =	vst v0  }
0x14: {  	[tilespmem:$0x60] =	vst v0  }
0x15: {  	[tilespmem:$0x70] =	vst v0  }
0x16: {  	[tilespmem:s8], [sflag:$0x2] =	stream.linear.gather [hbm4b:s4+s3], $0x2800, $0x38;
	[tilespmem:$0x2B00] =	vst v63  }
0x17: {  	_ =	swait.ge [sflag:s9], $0x2800  }
0x18: {  	[sflag:s9] =	ssyncset.done $0x0  }
0x19: {  	[sflag:s9] =	ssyncadd.s32 $0xFFFFD800  }
0x1a: {  	[spmem:s11], [sflag:s10] =	dma.local [hbm:s5], $0x50  }
0x1b: {  	_ =	swait.ge [sflag:s9], $0x50  }
0x1c: {  	[sflag:s9] =	ssyncset.done $0x0  }
0x1d: {  	[sflag:s9] =	ssyncadd.s32 $0xFFFFFFB0  }
0x1e: {  	s16 =	simm.s32 $0x200;
	s17 =	simm.s32 $0x80;
	[bflag:$0x0] =	sbarrier.arrive $0xFFFF  }
.LBB2_2:
0x1f: {  	[spmem:s2] =	stream.indirect.scatter.add.f32 [tilespmem:s3], [sflag:$0x1], $0x1, s17, s8, $0xb8;
	[tilespmem:$0x2B00] =	vst v63  }
0x20: {  	s17 =	smov.u32 s16;
	p0 =	sne.s32 s16, $0x9E00  }
.Ltmp0:
0x21: {  	s16 =	sadd.s32 $0x200, s16;
	(pc) =	sbr.rel @p0 .LBB2_2-.Ltmp0, $3  }
0x22: {  	_ =	sdelay $0x1  }
0x23: {  	s17 =	sshra.s32 s17, $0x2  }
0x24: {  	s17 =	sadd.s32 $0x80, s17  }
0x25: {  	[spmem:s2] =	stream.indirect.scatter.add.f32 [tilespmem:s3], [sflag:$0x1], $0x1, s17, s8, $0xb8;
	[tilespmem:$0x2B00] =	vst v63  }
0x26: {  	_ =	swait.ge [sflag:s12], $0x2800  }
0x27: {  	s15 =	sadd.s32 $0x1, s15;
	[sflag:s12] =	ssyncset.done $0x0  }
0x28: {  	p0 =	sne.s32 s15, s7;
	[sflag:s12] =	ssyncadd.s32 $0xFFFFD800  }
.Ltmp1:
0x29: {  	[bflag:$0x0] =	sbarrier.arrive $0xFFFF;
	(pc) =	sbr.rel @p0 .LBB2_1-.Ltmp1, $4  }
0x2a: {  	[hbm:s6@s13], [sflag:s10] =	dma.strided [spmem:s11@s14], $0x50, s12, $0x10   }
0x2b: {  	_ =	swait.ge [sflag:s9], $0x50  }
0x2c: {  	[sflag:s9] =	ssyncset.done $0x0  }
0x2d: {  	[sflag:s9] =	ssyncadd.s32 $0xFFFFFFB0  }
0x2e: {  	_ =	sfence.sel $0x180000  }
0x2f: {  	[bflag:$0x0] =	sbarrier.arrive $0xFFFF  }
0x30: {  	p0 =	sne.s32 s0, $0x0;
	_ =	strace $0x90000047  }
0x31: {  	s0 =	sadd.s32 @!p0 $0x100000, s1;
	[bflag:$0x2] =	sbarrier.arrive $0xFFFF  }
0x32: {  	[sflag:s0] =	ssyncadd.tile.s32 @!p0 $0x1;
	_ =	shalt  }
.Lfunc_end2:
_tile_overlayer_lowered:
.L_overlay_start_2:
0x33: {  	(tag) =	ssettag $0x2  }
0x34: {  	s0 =	rddreg [dreg:$0x0];
	s2 =	stileid.u32  }
0x35: {  	s1 =	rddreg [dreg:$0x1];
	p0 =	sne.s32 s2, $0x0  }
0x36: {  	s3 =	rddreg [dreg:$0x2];
	[bflag:$0x3] =	sbarrier.arrive $0xFFFF;
	s2 =	simm.s32 @!p0 $0x1C02  }
0x37: {  	[timem:s3], [sflag:s2] =	dma.local @!p0 [hbm:s0], s1  }
0x38: {  	s0 =	simm.s32 @!p0 $0x2  }
0x39: {  	_ =	swait.ge @!p0 [sflag:s0], s1  }
0x3a: {  	s1 =	ssub.s32 @!p0 $0x0, s1;
	[sflag:s0] =	ssyncset.done @!p0 $0x0  }
0x3b: {  	[sflag:s0] =	ssyncadd.s32 @!p0 s1  }
0x3c: {  	[bflag:$0x3] =	sbarrier.arrive $0xFFFF  }
0x3d: {  	_ =	shalt  }

</sc_bundles>
